<compile_context>
chip_gen: v7x
topology: tpu7x:2x2x1
jax: 0.10.2.dev20260603
libtpu: 0.0.44.dev20260713+nightly
codegen_flags: <defaults>
</compile_context>

<pallas_src>
import functools

import jax
import jax.numpy as jnp
from jax import lax
from jax.experimental import pallas as pl
from jax.experimental.pallas import tpu as pltpu
from jax.experimental.pallas import tpu_sc as plsc

D = 64
SCALE = 8.0
NC, NS = 2, 16
NW = NC * NS
BLK = 128
LANES = 16
DT, DS = D // 8, 8


@functools.partial(jax.jit, static_argnums=(2, 3))
def _gather_scale(x_r, lut, n_s, n_b):
    n_steps = n_s
    assert n_steps >= 6 and n_steps % 2 == 0

    mesh = plsc.VectorSubcoreMesh(core_axis_name="c", subcore_axis_name="s")

    @functools.partial(
        pl.kernel,
        mesh=mesh,
        compiler_params=pltpu.CompilerParams(
            use_tc_tiling_on_sc=False, needs_layout_passes=False
        ),
        out_type=jax.ShapeDtypeStruct((n_s, DT, NW, DS * BLK), jnp.float32),
        scratch_types=[
            pltpu.VMEM((n_s, BLK), jnp.int32),
            pltpu.VMEM((BLK, D), jnp.float32),
            pltpu.VMEM((BLK, D), jnp.float32),
            pltpu.VMEM((DT * DS * BLK,), jnp.float32),
            pltpu.VMEM((DT * DS * BLK,), jnp.float32),
            pltpu.SemaphoreType.DMA,
            pltpu.SemaphoreType.DMA,
            pltpu.SemaphoreType.DMA,
            pltpu.SemaphoreType.DMA,
        ],
    )
    def k(x_hbm, lut_hbm, out_hbm, idx_v, ga, gb, ta, tb, gsa, gsb, ssa, ssb):
        wid = lax.axis_index("s") * NC + lax.axis_index("c")
        gbuf, tbuf = (ga, gb), (ta, tb)
        gsem, ssem = (gsa, gsb), (ssa, ssb)

        pltpu.sync_copy(x_hbm.at[wid], idx_v)

        def fire_gather(s, b):
            pltpu.async_copy(lut_hbm.at[idx_v.at[s]], gbuf[b], gsem[b])

        def drain_gather(b):
            pltpu.make_async_copy(
                lut_hbm.at[pl.ds(0, BLK)], gbuf[b], gsem[b]
            ).wait()

        def fire_store(s, b):
            for dt in range(DT):
                pltpu.async_copy(
                    tbuf[b].at[pl.ds(dt * DS * BLK, DS * BLK)],
                    out_hbm.at[s, dt, wid], ssem[b],
                )

        def drain_store(b):
            for dt in range(DT):
                pltpu.make_async_copy(
                    tbuf[b].at[pl.ds(dt * DS * BLK, DS * BLK)],
                    out_hbm.at[0, dt, wid], ssem[b],
                ).wait()

        iota = lax.iota(jnp.int32, LANES)

        def scale_transpose(b):
            src, dst = gbuf[b], tbuf[b]

            @plsc.parallel_loop(0, BLK, unroll=4)
            def _(t):
                rowv = (t // LANES) * LANES + iota
                base = (t % LANES + iota) % LANES
                for g in range(D // LANES):
                    colv = base + g * LANES
                    v = plsc.load_gather(src, [rowv, colv])
                    plsc.store_scatter(dst, [colv * BLK + rowv], v * SCALE)

        fire_gather(0, 0)
        fire_gather(1, 1)
        for b in range(2):
            drain_gather(b)
            scale_transpose(b)
            fire_store(b, b)
            fire_gather(b + 2, b)

        def step(it, carry):
            s0 = 2 + 2 * it
            for b in range(2):
                s = s0 + b
                drain_gather(b)
                drain_store(b)
                scale_transpose(b)
                fire_store(s, b)
                fire_gather(s + 2, b)
            return carry

        lax.fori_loop(0, (n_steps - 4) // 2, step, 0)

        for b in range(2):
            drain_gather(b)
            drain_store(b)
            scale_transpose(b)
            fire_store(n_steps - 2 + b, b)
        for b in range(2):
            drain_store(b)

    return k(x_r, lut)


def kernel(x, lut):
    n_b, n_s = x.shape
    x_r = jnp.transpose(x.T.reshape(n_s, NW, BLK), (1, 0, 2))
    out5 = _gather_scale(x_r, lut, n_s, n_b)
    out = (out5.reshape(n_s, DT, NW, DS, BLK)
           .transpose(2, 4, 0, 1, 3).reshape(n_b, n_s, D))
    return out

# --- scband reference (transcript-rebuilt; emitter-appended) ---
"""Pipeline reference for scband-embeddings-87076166960249 (READ-ONLY COPY).

The authoritative reference and input builder live on the scoring server;
editing this copy changes nothing except your own understanding.
"""

import jax, jax.numpy as jnp
import numpy as np

VOCAB = 1000000
D_MODEL = 64
TOKEN_LEN = 1
SCALE = float(np.sqrt(D_MODEL // TOKEN_LEN))


def setup_inputs(seed: int = 0) -> dict:
    key = jax.random.key(seed)
    k_idx, k_tab = jax.random.split(key)
    x = jax.random.randint(k_idx, (4096, 200), 0, VOCAB, dtype=jnp.int32)
    lut = jax.random.normal(k_tab, (VOCAB, D_MODEL // TOKEN_LEN), dtype=jnp.float32) * 0.02
    return {"x": x, "lut": lut}


def reference(x, lut):
    # Embeddings.forward with token_len == 1: emb = lut(x) * sqrt(d_model / token_len)
    emb = jnp.take(lut, x, axis=0) * SCALE
    return emb

if __name__ == "__main__":
    import jax
    _d = setup_inputs()
    print(jax.jit(kernel)(*tuple(_d.values())))

</pallas_src>

<mosaic_0001>
#map = affine_map<(d0, d1) -> (0, 0, 0)>
#map1 = affine_map<(d0, d1) -> (0, 0)>
#map2 = affine_map<(d0, d1) -> (0, 0, 0, 0)>
module attributes {stable_mosaic.version = 14 : i64} {
  func.func @k(%arg0: i32, %arg1: i32, %arg2: memref<32x200x128xi32, #tpu.memory_space<hbm>>, %arg3: memref<1000000x64xf32, #tpu.memory_space<hbm>>, %arg4: memref<200x8x32x1024xf32, #tpu.memory_space<hbm>>, %arg5: memref<200x128xi32, #tpu.memory_space<vmem>>, %arg6: memref<128x64xf32, #tpu.memory_space<vmem>>, %arg7: memref<128x64xf32, #tpu.memory_space<vmem>>, %arg8: memref<8192xf32, #tpu.memory_space<vmem>>, %arg9: memref<8192xf32, #tpu.memory_space<vmem>>, %arg10: memref<!tpu.dma_semaphore, #tpu.memory_space<semaphore_mem>>, %arg11: memref<!tpu.dma_semaphore, #tpu.memory_space<semaphore_mem>>, %arg12: memref<!tpu.dma_semaphore, #tpu.memory_space<semaphore_mem>>, %arg13: memref<!tpu.dma_semaphore, #tpu.memory_space<semaphore_mem>>) attributes {dimension_semantics = [#tpu.dimension_semantics<core_parallel>, #tpu.dimension_semantics<subcore_parallel>], iteration_bounds = array<i64: 2, 16>, scalar_prefetch = 0 : i64, scratch_operands = 9 : i64, tpu.core_type = #tpu.core_type<sc_vector_subcore>, window_params = [{transform_indices = #map}, {transform_indices = #map1}, {transform_indices = #map2}]} {
    %mul3A = arith.constant 2 : i32
    %mul3A_0 = arith.muli %arg1, %mul3A : i32
    %add3A = arith.addi %mul3A_0, %arg0 : i32
    "tpu.region"() ({
      %run_scoped3A = tpu.sem_alloc : memref<!tpu.dma_semaphore, #tpu.memory_space<semaphore_mem>>
      %dma_start3A_835 = arith.constant 0 : i32
      %dma_start3A_836 = arith.constant 0 : i32
      %dma_start3A_837 = tpu.memref_slice %arg2[%add3A, %dma_start3A_835, %dma_start3A_836] : memref<32x200x128xi32, #tpu.memory_space<hbm>> -> memref<1x200x128xi32, #tpu.memory_space<hbm>>
      %dma_start3A_838 = tpu.memref_squeeze %dma_start3A_837 : memref<1x200x128xi32, #tpu.memory_space<hbm>> -> memref<200x128xi32, #tpu.memory_space<hbm>>
      %dma_start3A_839 = arith.constant 0 : i32
      %dma_start3A_840 = arith.constant 0 : i32
      %dma_start3A_841 = tpu.memref_slice %arg2[%add3A, %dma_start3A_839, %dma_start3A_840] : memref<32x200x128xi32, #tpu.memory_space<hbm>> -> memref<1x200x128xi32, #tpu.memory_space<hbm>>
      %dma_start3A_842 = tpu.memref_squeeze %dma_start3A_841 : memref<1x200x128xi32, #tpu.memory_space<hbm>> -> memref<200x128xi32, #tpu.memory_space<hbm>>
      tpu.enqueue_dma source(%dma_start3A_842 : memref<200x128xi32, #tpu.memory_space<hbm>>) target(%arg5 : memref<200x128xi32, #tpu.memory_space<vmem>>) target_semaphore(%run_scoped3A : memref<!tpu.dma_semaphore, #tpu.memory_space<semaphore_mem>>)
      %dma_wait3A_843 = arith.constant 0 : i32
      %dma_wait3A_844 = arith.constant 0 : i32
      %dma_wait3A_845 = tpu.memref_slice %arg2[%add3A, %dma_wait3A_843, %dma_wait3A_844] : memref<32x200x128xi32, #tpu.memory_space<hbm>> -> memref<1x200x128xi32, #tpu.memory_space<hbm>>
      %dma_wait3A_846 = tpu.memref_squeeze %dma_wait3A_845 : memref<1x200x128xi32, #tpu.memory_space<hbm>> -> memref<200x128xi32, #tpu.memory_space<hbm>>
      %dma_wait3A_847 = arith.constant 0 : i32
      %dma_wait3A_848 = arith.constant 0 : i32
      %dma_wait3A_849 = tpu.memref_slice %arg2[%add3A, %dma_wait3A_847, %dma_wait3A_848] : memref<32x200x128xi32, #tpu.memory_space<hbm>> -> memref<1x200x128xi32, #tpu.memory_space<hbm>>
      %dma_wait3A_850 = tpu.memref_squeeze %dma_wait3A_849 : memref<1x200x128xi32, #tpu.memory_space<hbm>> -> memref<200x128xi32, #tpu.memory_space<hbm>>
      tpu.wait_dma2 semaphore(%run_scoped3A : memref<!tpu.dma_semaphore, #tpu.memory_space<semaphore_mem>>) src(%dma_wait3A_850 : memref<200x128xi32, #tpu.memory_space<hbm>>) dst(%arg5 : memref<200x128xi32, #tpu.memory_space<vmem>>)
      tpu.yield
    }) : () -> ()
    %iota3A = tpu.iota {dimensions = array<i32: 0>} : vector<16xi32>
    %dma_start3A = arith.constant 0 : i32
    %dma_start3A_1 = arith.constant 0 : i32
    %dma_start3A_2 = tpu.memref_slice %arg5[%dma_start3A, %dma_start3A_1] : memref<200x128xi32, #tpu.memory_space<vmem>> -> memref<1x128xi32, #tpu.memory_space<vmem>>
    %dma_start3A_3 = tpu.memref_squeeze %dma_start3A_2 : memref<1x128xi32, #tpu.memory_space<vmem>> -> memref<128xi32, #tpu.memory_space<vmem>>
    %dma_start3A_4 = arith.constant 0 : i32
    %dma_start3A_5 = arith.constant 0 : i32
    %dma_start3A_6 = tpu.memref_slice %arg3[%dma_start3A_4, %dma_start3A_5] : memref<1000000x64xf32, #tpu.memory_space<hbm>> -> memref<1000000x64xf32, #tpu.memory_space<hbm>>
    tpu.enqueue_indirect_dma source(%dma_start3A_6 : memref<1000000x64xf32, #tpu.memory_space<hbm>>) target(%arg6 : memref<128x64xf32, #tpu.memory_space<vmem>>) offsets(%dma_start3A_3 : memref<128xi32, #tpu.memory_space<vmem>>) semaphore(%arg10 : memref<!tpu.dma_semaphore, #tpu.memory_space<semaphore_mem>>)
    %dma_start3A_7 = arith.constant 1 : i32
    %dma_start3A_8 = arith.constant 0 : i32
    %dma_start3A_9 = tpu.memref_slice %arg5[%dma_start3A_7, %dma_start3A_8] : memref<200x128xi32, #tpu.memory_space<vmem>> -> memref<1x128xi32, #tpu.memory_space<vmem>>
    %dma_start3A_10 = tpu.memref_squeeze %dma_start3A_9 : memref<1x128xi32, #tpu.memory_space<vmem>> -> memref<128xi32, #tpu.memory_space<vmem>>
    %dma_start3A_11 = arith.constant 0 : i32
    %dma_start3A_12 = arith.constant 0 : i32
    %dma_start3A_13 = tpu.memref_slice %arg3[%dma_start3A_11, %dma_start3A_12] : memref<1000000x64xf32, #tpu.memory_space<hbm>> -> memref<1000000x64xf32, #tpu.memory_space<hbm>>
    tpu.enqueue_indirect_dma source(%dma_start3A_13 : memref<1000000x64xf32, #tpu.memory_space<hbm>>) target(%arg7 : memref<128x64xf32, #tpu.memory_space<vmem>>) offsets(%dma_start3A_10 : memref<128xi32, #tpu.memory_space<vmem>>) semaphore(%arg11 : memref<!tpu.dma_semaphore, #tpu.memory_space<semaphore_mem>>)
    %dma_wait3A = arith.constant 0 : i32
    %dma_wait3A_14 = arith.constant 0 : i32
    %dma_wait3A_15 = tpu.memref_slice %arg3[%dma_wait3A, %dma_wait3A_14] : memref<1000000x64xf32, #tpu.memory_space<hbm>> -> memref<128x64xf32, #tpu.memory_space<hbm>>
    %dma_wait3A_16 = arith.constant 0 : i32
    %dma_wait3A_17 = arith.constant 0 : i32
    %dma_wait3A_18 = tpu.memref_slice %arg3[%dma_wait3A_16, %dma_wait3A_17] : memref<1000000x64xf32, #tpu.memory_space<hbm>> -> memref<128x64xf32, #tpu.memory_space<hbm>>
    tpu.wait_dma2 semaphore(%arg10 : memref<!tpu.dma_semaphore, #tpu.memory_space<semaphore_mem>>) src(%dma_wait3A_18 : memref<128x64xf32, #tpu.memory_space<hbm>>) dst(%arg6 : memref<128x64xf32, #tpu.memory_space<vmem>>)
    %parallel_loop3A = arith.constant 0 : i32
    %parallel_loop3A_19 = arith.constant 128 : i32
    %parallel_loop3A_20 = arith.constant 1 : i32
    scf.for %parallel_loop3A_835 = %parallel_loop3A to %parallel_loop3A_19 step %parallel_loop3A_20  : i32 {
      %parallel_loop3A_836 = arith.constant 16 : i32
      %parallel_loop3A_837 = arith.divsi %parallel_loop3A_835, %parallel_loop3A_836 : i32
      %parallel_loop3A_838 = arith.constant 0 : i32
      %parallel_loop3A_839 = arith.cmpi sgt, %parallel_loop3A_835, %parallel_loop3A_838 : i32
      %parallel_loop3A_840 = arith.extui %parallel_loop3A_839 : i1 to i32
      %parallel_loop3A_841 = arith.constant 0 : i32
      %parallel_loop3A_842 = arith.cmpi slt, %parallel_loop3A_835, %parallel_loop3A_841 : i32
      %parallel_loop3A_843 = arith.extui %parallel_loop3A_842 : i1 to i32
      %parallel_loop3A_844 = arith.subi %parallel_loop3A_840, %parallel_loop3A_843 : i32
      %parallel_loop3A_845 = arith.constant 0 : i32
      %parallel_loop3A_846 = arith.cmpi sgt, %parallel_loop3A_836, %parallel_loop3A_845 : i32
      %parallel_loop3A_847 = arith.extui %parallel_loop3A_846 : i1 to i32
      %parallel_loop3A_848 = arith.constant 0 : i32
      %parallel_loop3A_849 = arith.cmpi slt, %parallel_loop3A_836, %parallel_loop3A_848 : i32
      %parallel_loop3A_850 = arith.extui %parallel_loop3A_849 : i1 to i32
      %parallel_loop3A_851 = arith.subi %parallel_loop3A_847, %parallel_loop3A_850 : i32
      %parallel_loop3A_852 = arith.cmpi ne, %parallel_loop3A_844, %parallel_loop3A_851 : i32
      %parallel_loop3A_853 = arith.remsi %parallel_loop3A_835, %parallel_loop3A_836 : i32
      %parallel_loop3A_854 = arith.constant 0 : i32
      %parallel_loop3A_855 = arith.cmpi ne, %parallel_loop3A_853, %parallel_loop3A_854 : i32
      %parallel_loop3A_856 = arith.andi %parallel_loop3A_852, %parallel_loop3A_855 : i1
      %parallel_loop3A_857 = arith.constant 1 : i32
      %parallel_loop3A_858 = arith.subi %parallel_loop3A_837, %parallel_loop3A_857 : i32
      %parallel_loop3A_859 = arith.select %parallel_loop3A_856, %parallel_loop3A_858, %parallel_loop3A_837 : i32
      %parallel_loop3A_860 = arith.constant 16 : i32
      %parallel_loop3A_861 = arith.muli %parallel_loop3A_859, %parallel_loop3A_860 : i32
      %parallel_loop3A_862 = vector.broadcast %parallel_loop3A_861 : i32 to vector<16xi32>
      %parallel_loop3A_863 = arith.addi %parallel_loop3A_862, %iota3A : vector<16xi32>
      %parallel_loop3A_864 = arith.constant 16 : i32
      %parallel_loop3A_865 = arith.constant 0 : i32
      %parallel_loop3A_866 = arith.cmpi eq, %parallel_loop3A_864, %parallel_loop3A_865 : i32
      %parallel_loop3A_867 = arith.constant 1 : i32
      %parallel_loop3A_868 = arith.select %parallel_loop3A_866, %parallel_loop3A_867, %parallel_loop3A_864 : i32
      %parallel_loop3A_869 = arith.remsi %parallel_loop3A_835, %parallel_loop3A_868 : i32
      %parallel_loop3A_870 = arith.constant 0 : i32
      %parallel_loop3A_871 = arith.cmpi ne, %parallel_loop3A_869, %parallel_loop3A_870 : i32
      %parallel_loop3A_872 = arith.constant 0 : i32
      %parallel_loop3A_873 = arith.cmpi slt, %parallel_loop3A_869, %parallel_loop3A_872 : i32
      %parallel_loop3A_874 = arith.constant 0 : i32
      %parallel_loop3A_875 = arith.cmpi slt, %parallel_loop3A_868, %parallel_loop3A_874 : i32
      %parallel_loop3A_876 = arith.xori %parallel_loop3A_873, %parallel_loop3A_875 : i1
      %parallel_loop3A_877 = arith.andi %parallel_loop3A_876, %parallel_loop3A_871 : i1
      %parallel_loop3A_878 = arith.addi %parallel_loop3A_869, %parallel_loop3A_868 : i32
      %parallel_loop3A_879 = arith.select %parallel_loop3A_877, %parallel_loop3A_878, %parallel_loop3A_869 : i32
      %parallel_loop3A_880 = vector.broadcast %parallel_loop3A_879 : i32 to vector<16xi32>
      %parallel_loop3A_881 = arith.addi %parallel_loop3A_880, %iota3A : vector<16xi32>
      %parallel_loop3A_882 = arith.constant 16 : i32
      %parallel_loop3A_883 = arith.constant 0 : i32
      %parallel_loop3A_884 = arith.cmpi eq, %parallel_loop3A_882, %parallel_loop3A_883 : i32
      %parallel_loop3A_885 = arith.constant 1 : i32
      %parallel_loop3A_886 = arith.select %parallel_loop3A_884, %parallel_loop3A_885, %parallel_loop3A_882 : i32
      %parallel_loop3A_887 = vector.broadcast %parallel_loop3A_886 : i32 to vector<16xi32>
      %parallel_loop3A_888 = arith.remsi %parallel_loop3A_881, %parallel_loop3A_887 : vector<16xi32>
      %parallel_loop3A_889 = arith.constant 0 : i32
      %parallel_loop3A_890 = vector.broadcast %parallel_loop3A_889 : i32 to vector<16xi32>
      %parallel_loop3A_891 = arith.cmpi ne, %parallel_loop3A_888, %parallel_loop3A_890 : vector<16xi32>
      %parallel_loop3A_892 = arith.constant 0 : i32
      %parallel_loop3A_893 = vector.broadcast %parallel_loop3A_892 : i32 to vector<16xi32>
      %parallel_loop3A_894 = arith.cmpi slt, %parallel_loop3A_888, %parallel_loop3A_893 : vector<16xi32>
      %parallel_loop3A_895 = arith.constant 0 : i32
      %parallel_loop3A_896 = arith.cmpi slt, %parallel_loop3A_886, %parallel_loop3A_895 : i32
      %parallel_loop3A_897 = vector.broadcast %parallel_loop3A_896 : i1 to vector<16xi1>
      %parallel_loop3A_898 = vector.broadcast %parallel_loop3A_897 : vector<16xi1> to vector<16xi1>
      %parallel_loop3A_899 = arith.xori %parallel_loop3A_894, %parallel_loop3A_898 : vector<16xi1>
      %parallel_loop3A_900 = arith.andi %parallel_loop3A_899, %parallel_loop3A_891 : vector<16xi1>
      %parallel_loop3A_901 = vector.broadcast %parallel_loop3A_886 : i32 to vector<16xi32>
      %parallel_loop3A_902 = arith.addi %parallel_loop3A_888, %parallel_loop3A_901 : vector<16xi32>
      %parallel_loop3A_903 = arith.select %parallel_loop3A_900, %parallel_loop3A_902, %parallel_loop3A_888 : vector<16xi1>, vector<16xi32>
      %parallel_loop3A_904 = arith.constant 0 : i32
      %parallel_loop3A_905 = vector.broadcast %parallel_loop3A_904 : i32 to vector<16xi32>
      %parallel_loop3A_906 = arith.addi %parallel_loop3A_903, %parallel_loop3A_905 : vector<16xi32>
      %parallel_loop3A_907 = tpu.vector_load_idx %arg6[%parallel_loop3A_863, %parallel_loop3A_906] : memref<128x64xf32, #tpu.memory_space<vmem>>[vector<16xi32>, vector<16xi32>], vector<16xf32>,
      %parallel_loop3A_908 = arith.constant 128 : i32
      %parallel_loop3A_909 = vector.broadcast %parallel_loop3A_908 : i32 to vector<16xi32>
      %parallel_loop3A_910 = arith.muli %parallel_loop3A_906, %parallel_loop3A_909 : vector<16xi32>
      %parallel_loop3A_911 = arith.addi %parallel_loop3A_910, %parallel_loop3A_863 : vector<16xi32>
      %parallel_loop3A_912 = arith.constant 8.000000e+00 : f32
      %parallel_loop3A_913 = vector.broadcast %parallel_loop3A_912 : f32 to vector<16xf32>
      %parallel_loop3A_914 = arith.mulf %parallel_loop3A_907, %parallel_loop3A_913 : vector<16xf32>
      tpu.vector_store_idx %arg8[%parallel_loop3A_911], %parallel_loop3A_914 : memref<8192xf32, #tpu.memory_space<vmem>>[vector<16xi32>], vector<16xf32>,
      %parallel_loop3A_915 = arith.constant 16 : i32
      %parallel_loop3A_916 = vector.broadcast %parallel_loop3A_915 : i32 to vector<16xi32>
      %parallel_loop3A_917 = arith.addi %parallel_loop3A_903, %parallel_loop3A_916 : vector<16xi32>
      %parallel_loop3A_918 = tpu.vector_load_idx %arg6[%parallel_loop3A_863, %parallel_loop3A_917] : memref<128x64xf32, #tpu.memory_space<vmem>>[vector<16xi32>, vector<16xi32>], vector<16xf32>,
      %parallel_loop3A_919 = arith.constant 128 : i32
      %parallel_loop3A_920 = vector.broadcast %parallel_loop3A_919 : i32 to vector<16xi32>
      %parallel_loop3A_921 = arith.muli %parallel_loop3A_917, %parallel_loop3A_920 : vector<16xi32>
      %parallel_loop3A_922 = arith.addi %parallel_loop3A_921, %parallel_loop3A_863 : vector<16xi32>
      %parallel_loop3A_923 = arith.constant 8.000000e+00 : f32
      %parallel_loop3A_924 = vector.broadcast %parallel_loop3A_923 : f32 to vector<16xf32>
      %parallel_loop3A_925 = arith.mulf %parallel_loop3A_918, %parallel_loop3A_924 : vector<16xf32>
      tpu.vector_store_idx %arg8[%parallel_loop3A_922], %parallel_loop3A_925 : memref<8192xf32, #tpu.memory_space<vmem>>[vector<16xi32>], vector<16xf32>,
      %parallel_loop3A_926 = arith.constant 32 : i32
      %parallel_loop3A_927 = vector.broadcast %parallel_loop3A_926 : i32 to vector<16xi32>
      %parallel_loop3A_928 = arith.addi %parallel_loop3A_903, %parallel_loop3A_927 : vector<16xi32>
      %parallel_loop3A_929 = tpu.vector_load_idx %arg6[%parallel_loop3A_863, %parallel_loop3A_928] : memref<128x64xf32, #tpu.memory_space<vmem>>[vector<16xi32>, vector<16xi32>], vector<16xf32>,
      %parallel_loop3A_930 = arith.constant 128 : i32
      %parallel_loop3A_931 = vector.broadcast %parallel_loop3A_930 : i32 to vector<16xi32>
      %parallel_loop3A_932 = arith.muli %parallel_loop3A_928, %parallel_loop3A_931 : vector<16xi32>
      %parallel_loop3A_933 = arith.addi %parallel_loop3A_932, %parallel_loop3A_863 : vector<16xi32>
      %parallel_loop3A_934 = arith.constant 8.000000e+00 : f32
      %parallel_loop3A_935 = vector.broadcast %parallel_loop3A_934 : f32 to vector<16xf32>
      %parallel_loop3A_936 = arith.mulf %parallel_loop3A_929, %parallel_loop3A_935 : vector<16xf32>
      tpu.vector_store_idx %arg8[%parallel_loop3A_933], %parallel_loop3A_936 : memref<8192xf32, #tpu.memory_space<vmem>>[vector<16xi32>], vector<16xf32>,
      %parallel_loop3A_937 = arith.constant 48 : i32
      %parallel_loop3A_938 = vector.broadcast %parallel_loop3A_937 : i32 to vector<16xi32>
      %parallel_loop3A_939 = arith.addi %parallel_loop3A_903, %parallel_loop3A_938 : vector<16xi32>
      %parallel_loop3A_940 = tpu.vector_load_idx %arg6[%parallel_loop3A_863, %parallel_loop3A_939] : memref<128x64xf32, #tpu.memory_space<vmem>>[vector<16xi32>, vector<16xi32>], vector<16xf32>,
      %parallel_loop3A_941 = arith.constant 128 : i32
      %parallel_loop3A_942 = vector.broadcast %parallel_loop3A_941 : i32 to vector<16xi32>
      %parallel_loop3A_943 = arith.muli %parallel_loop3A_939, %parallel_loop3A_942 : vector<16xi32>
      %parallel_loop3A_944 = arith.addi %parallel_loop3A_943, %parallel_loop3A_863 : vector<16xi32>
      %parallel_loop3A_945 = arith.constant 8.000000e+00 : f32
      %parallel_loop3A_946 = vector.broadcast %parallel_loop3A_945 : f32 to vector<16xf32>
      %parallel_loop3A_947 = arith.mulf %parallel_loop3A_940, %parallel_loop3A_946 : vector<16xf32>
      tpu.vector_store_idx %arg8[%parallel_loop3A_944], %parallel_loop3A_947 : memref<8192xf32, #tpu.memory_space<vmem>>[vector<16xi32>], vector<16xf32>,
    } {sc.loop_unroll_factor = 4 : i64, sc.parallel_access}
    %dma_start3A_21 = arith.constant 0 : i32
    %dma_start3A_22 = arith.constant 0 : i32
    %dma_start3A_23 = arith.constant 0 : i32
    %dma_start3A_24 = tpu.memref_slice %arg8[%dma_start3A_23] : memref<8192xf32, #tpu.memory_space<vmem>> -> memref<1024xf32, #tpu.memory_space<vmem>>
    %dma_start3A_25 = arith.constant 0 : i32
    %dma_start3A_26 = tpu.memref_slice %arg4[%dma_start3A_21, %dma_start3A_22, %add3A, %dma_start3A_25] : memref<200x8x32x1024xf32, #tpu.memory_space<hbm>> -> memref<1x1x1x1024xf32, #tpu.memory_space<hbm>>
    %dma_start3A_27 = tpu.memref_squeeze %dma_start3A_26 : memref<1x1x1x1024xf32, #tpu.memory_space<hbm>> -> memref<1024xf32, #tpu.memory_space<hbm>>
    %dma_start3A_28 = arith.constant 0 : i32
    %dma_start3A_29 = tpu.memref_slice %arg4[%dma_start3A_21, %dma_start3A_22, %add3A, %dma_start3A_28] : memref<200x8x32x1024xf32, #tpu.memory_space<hbm>> -> memref<1x1x1x1024xf32, #tpu.memory_space<hbm>>
    %dma_start3A_30 = tpu.memref_squeeze %dma_start3A_29 : memref<1x1x1x1024xf32, #tpu.memory_space<hbm>> -> memref<1024xf32, #tpu.memory_space<hbm>>
    %dma_start3A_31 = arith.constant 0 : i32
    %dma_start3A_32 = tpu.memref_slice %arg8[%dma_start3A_31] : memref<8192xf32, #tpu.memory_space<vmem>> -> memref<1024xf32, #tpu.memory_space<vmem>>
    tpu.enqueue_dma source(%dma_start3A_32 : memref<1024xf32, #tpu.memory_space<vmem>>) target(%dma_start3A_30 : memref<1024xf32, #tpu.memory_space<hbm>>) target_semaphore(%arg12 : memref<!tpu.dma_semaphore, #tpu.memory_space<semaphore_mem>>)
    %dma_start3A_33 = arith.constant 0 : i32
    %dma_start3A_34 = arith.constant 1 : i32
    %dma_start3A_35 = arith.constant 1024 : i32
    %dma_start3A_36 = tpu.memref_slice %arg8[%dma_start3A_35] : memref<8192xf32, #tpu.memory_space<vmem>> -> memref<1024xf32, #tpu.memory_space<vmem>>
    %dma_start3A_37 = arith.constant 0 : i32
    %dma_start3A_38 = tpu.memref_slice %arg4[%dma_start3A_33, %dma_start3A_34, %add3A, %dma_start3A_37] : memref<200x8x32x1024xf32, #tpu.memory_space<hbm>> -> memref<1x1x1x1024xf32, #tpu.memory_space<hbm>>
    %dma_start3A_39 = tpu.memref_squeeze %dma_start3A_38 : memref<1x1x1x1024xf32, #tpu.memory_space<hbm>> -> memref<1024xf32, #tpu.memory_space<hbm>>
    %dma_start3A_40 = arith.constant 0 : i32
    %dma_start3A_41 = tpu.memref_slice %arg4[%dma_start3A_33, %dma_start3A_34, %add3A, %dma_start3A_40] : memref<200x8x32x1024xf32, #tpu.memory_space<hbm>> -> memref<1x1x1x1024xf32, #tpu.memory_space<hbm>>
    %dma_start3A_42 = tpu.memref_squeeze %dma_start3A_41 : memref<1x1x1x1024xf32, #tpu.memory_space<hbm>> -> memref<1024xf32, #tpu.memory_space<hbm>>
    %dma_start3A_43 = arith.constant 1024 : i32
    %dma_start3A_44 = tpu.memref_slice %arg8[%dma_start3A_43] : memref<8192xf32, #tpu.memory_space<vmem>> -> memref<1024xf32, #tpu.memory_space<vmem>>
    tpu.enqueue_dma source(%dma_start3A_44 : memref<1024xf32, #tpu.memory_space<vmem>>) target(%dma_start3A_42 : memref<1024xf32, #tpu.memory_space<hbm>>) target_semaphore(%arg12 : memref<!tpu.dma_semaphore, #tpu.memory_space<semaphore_mem>>)
    %dma_start3A_45 = arith.constant 0 : i32
    %dma_start3A_46 = arith.constant 2 : i32
    %dma_start3A_47 = arith.constant 2048 : i32
    %dma_start3A_48 = tpu.memref_slice %arg8[%dma_start3A_47] : memref<8192xf32, #tpu.memory_space<vmem>> -> memref<1024xf32, #tpu.memory_space<vmem>>
    %dma_start3A_49 = arith.constant 0 : i32
    %dma_start3A_50 = tpu.memref_slice %arg4[%dma_start3A_45, %dma_start3A_46, %add3A, %dma_start3A_49] : memref<200x8x32x1024xf32, #tpu.memory_space<hbm>> -> memref<1x1x1x1024xf32, #tpu.memory_space<hbm>>
    %dma_start3A_51 = tpu.memref_squeeze %dma_start3A_50 : memref<1x1x1x1024xf32, #tpu.memory_space<hbm>> -> memref<1024xf32, #tpu.memory_space<hbm>>
    %dma_start3A_52 = arith.constant 0 : i32
    %dma_start3A_53 = tpu.memref_slice %arg4[%dma_start3A_45, %dma_start3A_46, %add3A, %dma_start3A_52] : memref<200x8x32x1024xf32, #tpu.memory_space<hbm>> -> memref<1x1x1x1024xf32, #tpu.memory_space<hbm>>
    %dma_start3A_54 = tpu.memref_squeeze %dma_start3A_53 : memref<1x1x1x1024xf32, #tpu.memory_space<hbm>> -> memref<1024xf32, #tpu.memory_space<hbm>>
    %dma_start3A_55 = arith.constant 2048 : i32
    %dma_start3A_56 = tpu.memref_slice %arg8[%dma_start3A_55] : memref<8192xf32, #tpu.memory_space<vmem>> -> memref<1024xf32, #tpu.memory_space<vmem>>
    tpu.enqueue_dma source(%dma_start3A_56 : memref<1024xf32, #tpu.memory_space<vmem>>) target(%dma_start3A_54 : memref<1024xf32, #tpu.memory_space<hbm>>) target_semaphore(%arg12 : memref<!tpu.dma_semaphore, #tpu.memory_space<semaphore_mem>>)
    %dma_start3A_57 = arith.constant 0 : i32
    %dma_start3A_58 = arith.constant 3 : i32
    %dma_start3A_59 = arith.constant 3072 : i32
    %dma_start3A_60 = tpu.memref_slice %arg8[%dma_start3A_59] : memref<8192xf32, #tpu.memory_space<vmem>> -> memref<1024xf32, #tpu.memory_space<vmem>>
    %dma_start3A_61 = arith.constant 0 : i32
    %dma_start3A_62 = tpu.memref_slice %arg4[%dma_start3A_57, %dma_start3A_58, %add3A, %dma_start3A_61] : memref<200x8x32x1024xf32, #tpu.memory_space<hbm>> -> memref<1x1x1x1024xf32, #tpu.memory_space<hbm>>
    %dma_start3A_63 = tpu.memref_squeeze %dma_start3A_62 : memref<1x1x1x1024xf32, #tpu.memory_space<hbm>> -> memref<1024xf32, #tpu.memory_space<hbm>>
    %dma_start3A_64 = arith.constant 0 : i32
    %dma_start3A_65 = tpu.memref_slice %arg4[%dma_start3A_57, %dma_start3A_58, %add3A, %dma_start3A_64] : memref<200x8x32x1024xf32, #tpu.memory_space<hbm>> -> memref<1x1x1x1024xf32, #tpu.memory_space<hbm>>
    %dma_start3A_66 = tpu.memref_squeeze %dma_start3A_65 : memref<1x1x1x1024xf32, #tpu.memory_space<hbm>> -> memref<1024xf32, #tpu.memory_space<hbm>>
    %dma_start3A_67 = arith.constant 3072 : i32
    %dma_start3A_68 = tpu.memref_slice %arg8[%dma_start3A_67] : memref<8192xf32, #tpu.memory_space<vmem>> -> memref<1024xf32, #tpu.memory_space<vmem>>
    tpu.enqueue_dma source(%dma_start3A_68 : memref<1024xf32, #tpu.memory_space<vmem>>) target(%dma_start3A_66 : memref<1024xf32, #tpu.memory_space<hbm>>) target_semaphore(%arg12 : memref<!tpu.dma_semaphore, #tpu.memory_space<semaphore_mem>>)
    %dma_start3A_69 = arith.constant 0 : i32
    %dma_start3A_70 = arith.constant 4 : i32
    %dma_start3A_71 = arith.constant 4096 : i32
    %dma_start3A_72 = tpu.memref_slice %arg8[%dma_start3A_71] : memref<8192xf32, #tpu.memory_space<vmem>> -> memref<1024xf32, #tpu.memory_space<vmem>>
    %dma_start3A_73 = arith.constant 0 : i32
    %dma_start3A_74 = tpu.memref_slice %arg4[%dma_start3A_69, %dma_start3A_70, %add3A, %dma_start3A_73] : memref<200x8x32x1024xf32, #tpu.memory_space<hbm>> -> memref<1x1x1x1024xf32, #tpu.memory_space<hbm>>
    %dma_start3A_75 = tpu.memref_squeeze %dma_start3A_74 : memref<1x1x1x1024xf32, #tpu.memory_space<hbm>> -> memref<1024xf32, #tpu.memory_space<hbm>>
    %dma_start3A_76 = arith.constant 0 : i32
    %dma_start3A_77 = tpu.memref_slice %arg4[%dma_start3A_69, %dma_start3A_70, %add3A, %dma_start3A_76] : memref<200x8x32x1024xf32, #tpu.memory_space<hbm>> -> memref<1x1x1x1024xf32, #tpu.memory_space<hbm>>
    %dma_start3A_78 = tpu.memref_squeeze %dma_start3A_77 : memref<1x1x1x1024xf32, #tpu.memory_space<hbm>> -> memref<1024xf32, #tpu.memory_space<hbm>>
    %dma_start3A_79 = arith.constant 4096 : i32
    %dma_start3A_80 = tpu.memref_slice %arg8[%dma_start3A_79] : memref<8192xf32, #tpu.memory_space<vmem>> -> memref<1024xf32, #tpu.memory_space<vmem>>
    tpu.enqueue_dma source(%dma_start3A_80 : memref<1024xf32, #tpu.memory_space<vmem>>) target(%dma_start3A_78 : memref<1024xf32, #tpu.memory_space<hbm>>) target_semaphore(%arg12 : memref<!tpu.dma_semaphore, #tpu.memory_space<semaphore_mem>>)
    %dma_start3A_81 = arith.constant 0 : i32
    %dma_start3A_82 = arith.constant 5 : i32
    %dma_start3A_83 = arith.constant 5120 : i32
    %dma_start3A_84 = tpu.memref_slice %arg8[%dma_start3A_83] : memref<8192xf32, #tpu.memory_space<vmem>> -> memref<1024xf32, #tpu.memory_space<vmem>>
    %dma_start3A_85 = arith.constant 0 : i32
    %dma_start3A_86 = tpu.memref_slice %arg4[%dma_start3A_81, %dma_start3A_82, %add3A, %dma_start3A_85] : memref<200x8x32x1024xf32, #tpu.memory_space<hbm>> -> memref<1x1x1x1024xf32, #tpu.memory_space<hbm>>
    %dma_start3A_87 = tpu.memref_squeeze %dma_start3A_86 : memref<1x1x1x1024xf32, #tpu.memory_space<hbm>> -> memref<1024xf32, #tpu.memory_space<hbm>>
    %dma_start3A_88 = arith.constant 0 : i32
    %dma_start3A_89 = tpu.memref_slice %arg4[%dma_start3A_81, %dma_start3A_82, %add3A, %dma_start3A_88] : memref<200x8x32x1024xf32, #tpu.memory_space<hbm>> -> memref<1x1x1x1024xf32, #tpu.memory_space<hbm>>
    %dma_start3A_90 = tpu.memref_squeeze %dma_start3A_89 : memref<1x1x1x1024xf32, #tpu.memory_space<hbm>> -> memref<1024xf32, #tpu.memory_space<hbm>>
    %dma_start3A_91 = arith.constant 5120 : i32
    %dma_start3A_92 = tpu.memref_slice %arg8[%dma_start3A_91] : memref<8192xf32, #tpu.memory_space<vmem>> -> memref<1024xf32, #tpu.memory_space<vmem>>
    tpu.enqueue_dma source(%dma_start3A_92 : memref<1024xf32, #tpu.memory_space<vmem>>) target(%dma_start3A_90 : memref<1024xf32, #tpu.memory_space<hbm>>) target_semaphore(%arg12 : memref<!tpu.dma_semaphore, #tpu.memory_space<semaphore_mem>>)
    %dma_start3A_93 = arith.constant 0 : i32
    %dma_start3A_94 = arith.constant 6 : i32
    %dma_start3A_95 = arith.constant 6144 : i32
    %dma_start3A_96 = tpu.memref_slice %arg8[%dma_start3A_95] : memref<8192xf32, #tpu.memory_space<vmem>> -> memref<1024xf32, #tpu.memory_space<vmem>>
    %dma_start3A_97 = arith.constant 0 : i32
    %dma_start3A_98 = tpu.memref_slice %arg4[%dma_start3A_93, %dma_start3A_94, %add3A, %dma_start3A_97] : memref<200x8x32x1024xf32, #tpu.memory_space<hbm>> -> memref<1x1x1x1024xf32, #tpu.memory_space<hbm>>
    %dma_start3A_99 = tpu.memref_squeeze %dma_start3A_98 : memref<1x1x1x1024xf32, #tpu.memory_space<hbm>> -> memref<1024xf32, #tpu.memory_space<hbm>>
    %dma_start3A_100 = arith.constant 0 : i32
    %dma_start3A_101 = tpu.memref_slice %arg4[%dma_start3A_93, %dma_start3A_94, %add3A, %dma_start3A_100] : memref<200x8x32x1024xf32, #tpu.memory_space<hbm>> -> memref<1x1x1x1024xf32, #tpu.memory_space<hbm>>
    %dma_start3A_102 = tpu.memref_squeeze %dma_start3A_101 : memref<1x1x1x1024xf32, #tpu.memory_space<hbm>> -> memref<1024xf32, #tpu.memory_space<hbm>>
    %dma_start3A_103 = arith.constant 6144 : i32
    %dma_start3A_104 = tpu.memref_slice %arg8[%dma_start3A_103] : memref<8192xf32, #tpu.memory_space<vmem>> -> memref<1024xf32, #tpu.memory_space<vmem>>
    tpu.enqueue_dma source(%dma_start3A_104 : memref<1024xf32, #tpu.memory_space<vmem>>) target(%dma_start3A_102 : memref<1024xf32, #tpu.memory_space<hbm>>) target_semaphore(%arg12 : memref<!tpu.dma_semaphore, #tpu.memory_space<semaphore_mem>>)
    %dma_start3A_105 = arith.constant 0 : i32
    %dma_start3A_106 = arith.constant 7 : i32
    %dma_start3A_107 = arith.constant 7168 : i32
    %dma_start3A_108 = tpu.memref_slice %arg8[%dma_start3A_107] : memref<8192xf32, #tpu.memory_space<vmem>> -> memref<1024xf32, #tpu.memory_space<vmem>>
    %dma_start3A_109 = arith.constant 0 : i32
    %dma_start3A_110 = tpu.memref_slice %arg4[%dma_start3A_105, %dma_start3A_106, %add3A, %dma_start3A_109] : memref<200x8x32x1024xf32, #tpu.memory_space<hbm>> -> memref<1x1x1x1024xf32, #tpu.memory_space<hbm>>
    %dma_start3A_111 = tpu.memref_squeeze %dma_start3A_110 : memref<1x1x1x1024xf32, #tpu.memory_space<hbm>> -> memref<1024xf32, #tpu.memory_space<hbm>>
    %dma_start3A_112 = arith.constant 0 : i32
    %dma_start3A_113 = tpu.memref_slice %arg4[%dma_start3A_105, %dma_start3A_106, %add3A, %dma_start3A_112] : memref<200x8x32x1024xf32, #tpu.memory_space<hbm>> -> memref<1x1x1x1024xf32, #tpu.memory_space<hbm>>
    %dma_start3A_114 = tpu.memref_squeeze %dma_start3A_113 : memref<1x1x1x1024xf32, #tpu.memory_space<hbm>> -> memref<1024xf32, #tpu.memory_space<hbm>>
    %dma_start3A_115 = arith.constant 7168 : i32
    %dma_start3A_116 = tpu.memref_slice %arg8[%dma_start3A_115] : memref<8192xf32, #tpu.memory_space<vmem>> -> memref<1024xf32, #tpu.memory_space<vmem>>
    tpu.enqueue_dma source(%dma_start3A_116 : memref<1024xf32, #tpu.memory_space<vmem>>) target(%dma_start3A_114 : memref<1024xf32, #tpu.memory_space<hbm>>) target_semaphore(%arg12 : memref<!tpu.dma_semaphore, #tpu.memory_space<semaphore_mem>>)
    %dma_start3A_117 = arith.constant 2 : i32
    %dma_start3A_118 = arith.constant 0 : i32
    %dma_start3A_119 = tpu.memref_slice %arg5[%dma_start3A_117, %dma_start3A_118] : memref<200x128xi32, #tpu.memory_space<vmem>> -> memref<1x128xi32, #tpu.memory_space<vmem>>
    %dma_start3A_120 = tpu.memref_squeeze %dma_start3A_119 : memref<1x128xi32, #tpu.memory_space<vmem>> -> memref<128xi32, #tpu.memory_space<vmem>>
    %dma_start3A_121 = arith.constant 0 : i32
    %dma_start3A_122 = arith.constant 0 : i32
    %dma_start3A_123 = tpu.memref_slice %arg3[%dma_start3A_121, %dma_start3A_122] : memref<1000000x64xf32, #tpu.memory_space<hbm>> -> memref<1000000x64xf32, #tpu.memory_space<hbm>>
    tpu.enqueue_indirect_dma source(%dma_start3A_123 : memref<1000000x64xf32, #tpu.memory_space<hbm>>) target(%arg6 : memref<128x64xf32, #tpu.memory_space<vmem>>) offsets(%dma_start3A_120 : memref<128xi32, #tpu.memory_space<vmem>>) semaphore(%arg10 : memref<!tpu.dma_semaphore, #tpu.memory_space<semaphore_mem>>)
    %dma_wait3A_124 = arith.constant 0 : i32
    %dma_wait3A_125 = arith.constant 0 : i32
    %dma_wait3A_126 = tpu.memref_slice %arg3[%dma_wait3A_124, %dma_wait3A_125] : memref<1000000x64xf32, #tpu.memory_space<hbm>> -> memref<128x64xf32, #tpu.memory_space<hbm>>
    %dma_wait3A_127 = arith.constant 0 : i32
    %dma_wait3A_128 = arith.constant 0 : i32
    %dma_wait3A_129 = tpu.memref_slice %arg3[%dma_wait3A_127, %dma_wait3A_128] : memref<1000000x64xf32, #tpu.memory_space<hbm>> -> memref<128x64xf32, #tpu.memory_space<hbm>>
    tpu.wait_dma2 semaphore(%arg11 : memref<!tpu.dma_semaphore, #tpu.memory_space<semaphore_mem>>) src(%dma_wait3A_129 : memref<128x64xf32, #tpu.memory_space<hbm>>) dst(%arg7 : memref<128x64xf32, #tpu.memory_space<vmem>>)
    %parallel_loop3A_130 = arith.constant 0 : i32
    %parallel_loop3A_131 = arith.constant 128 : i32
    %parallel_loop3A_132 = arith.constant 1 : i32
    scf.for %parallel_loop3A_835 = %parallel_loop3A_130 to %parallel_loop3A_131 step %parallel_loop3A_132  : i32 {
      %parallel_loop3A_836 = arith.constant 16 : i32
      %parallel_loop3A_837 = arith.divsi %parallel_loop3A_835, %parallel_loop3A_836 : i32
      %parallel_loop3A_838 = arith.constant 0 : i32
      %parallel_loop3A_839 = arith.cmpi sgt, %parallel_loop3A_835, %parallel_loop3A_838 : i32
      %parallel_loop3A_840 = arith.extui %parallel_loop3A_839 : i1 to i32
      %parallel_loop3A_841 = arith.constant 0 : i32
      %parallel_loop3A_842 = arith.cmpi slt, %parallel_loop3A_835, %parallel_loop3A_841 : i32
      %parallel_loop3A_843 = arith.extui %parallel_loop3A_842 : i1 to i32
      %parallel_loop3A_844 = arith.subi %parallel_loop3A_840, %parallel_loop3A_843 : i32
      %parallel_loop3A_845 = arith.constant 0 : i32
      %parallel_loop3A_846 = arith.cmpi sgt, %parallel_loop3A_836, %parallel_loop3A_845 : i32
      %parallel_loop3A_847 = arith.extui %parallel_loop3A_846 : i1 to i32
      %parallel_loop3A_848 = arith.constant 0 : i32
      %parallel_loop3A_849 = arith.cmpi slt, %parallel_loop3A_836, %parallel_loop3A_848 : i32
      %parallel_loop3A_850 = arith.extui %parallel_loop3A_849 : i1 to i32
      %parallel_loop3A_851 = arith.subi %parallel_loop3A_847, %parallel_loop3A_850 : i32
      %parallel_loop3A_852 = arith.cmpi ne, %parallel_loop3A_844, %parallel_loop3A_851 : i32
      %parallel_loop3A_853 = arith.remsi %parallel_loop3A_835, %parallel_loop3A_836 : i32
      %parallel_loop3A_854 = arith.constant 0 : i32
      %parallel_loop3A_855 = arith.cmpi ne, %parallel_loop3A_853, %parallel_loop3A_854 : i32
      %parallel_loop3A_856 = arith.andi %parallel_loop3A_852, %parallel_loop3A_855 : i1
      %parallel_loop3A_857 = arith.constant 1 : i32
      %parallel_loop3A_858 = arith.subi %parallel_loop3A_837, %parallel_loop3A_857 : i32
      %parallel_loop3A_859 = arith.select %parallel_loop3A_856, %parallel_loop3A_858, %parallel_loop3A_837 : i32
      %parallel_loop3A_860 = arith.constant 16 : i32
      %parallel_loop3A_861 = arith.muli %parallel_loop3A_859, %parallel_loop3A_860 : i32
      %parallel_loop3A_862 = vector.broadcast %parallel_loop3A_861 : i32 to vector<16xi32>
      %parallel_loop3A_863 = arith.addi %parallel_loop3A_862, %iota3A : vector<16xi32>
      %parallel_loop3A_864 = arith.constant 16 : i32
      %parallel_loop3A_865 = arith.constant 0 : i32
      %parallel_loop3A_866 = arith.cmpi eq, %parallel_loop3A_864, %parallel_loop3A_865 : i32
      %parallel_loop3A_867 = arith.constant 1 : i32
      %parallel_loop3A_868 = arith.select %parallel_loop3A_866, %parallel_loop3A_867, %parallel_loop3A_864 : i32
      %parallel_loop3A_869 = arith.remsi %parallel_loop3A_835, %parallel_loop3A_868 : i32
      %parallel_loop3A_870 = arith.constant 0 : i32
      %parallel_loop3A_871 = arith.cmpi ne, %parallel_loop3A_869, %parallel_loop3A_870 : i32
      %parallel_loop3A_872 = arith.constant 0 : i32
      %parallel_loop3A_873 = arith.cmpi slt, %parallel_loop3A_869, %parallel_loop3A_872 : i32
      %parallel_loop3A_874 = arith.constant 0 : i32
      %parallel_loop3A_875 = arith.cmpi slt, %parallel_loop3A_868, %parallel_loop3A_874 : i32
      %parallel_loop3A_876 = arith.xori %parallel_loop3A_873, %parallel_loop3A_875 : i1
      %parallel_loop3A_877 = arith.andi %parallel_loop3A_876, %parallel_loop3A_871 : i1
      %parallel_loop3A_878 = arith.addi %parallel_loop3A_869, %parallel_loop3A_868 : i32
      %parallel_loop3A_879 = arith.select %parallel_loop3A_877, %parallel_loop3A_878, %parallel_loop3A_869 : i32
      %parallel_loop3A_880 = vector.broadcast %parallel_loop3A_879 : i32 to vector<16xi32>
      %parallel_loop3A_881 = arith.addi %parallel_loop3A_880, %iota3A : vector<16xi32>
      %parallel_loop3A_882 = arith.constant 16 : i32
      %parallel_loop3A_883 = arith.constant 0 : i32
      %parallel_loop3A_884 = arith.cmpi eq, %parallel_loop3A_882, %parallel_loop3A_883 : i32
      %parallel_loop3A_885 = arith.constant 1 : i32
      %parallel_loop3A_886 = arith.select %parallel_loop3A_884, %parallel_loop3A_885, %parallel_loop3A_882 : i32
      %parallel_loop3A_887 = vector.broadcast %parallel_loop3A_886 : i32 to vector<16xi32>
      %parallel_loop3A_888 = arith.remsi %parallel_loop3A_881, %parallel_loop3A_887 : vector<16xi32>
      %parallel_loop3A_889 = arith.constant 0 : i32
      %parallel_loop3A_890 = vector.broadcast %parallel_loop3A_889 : i32 to vector<16xi32>
      %parallel_loop3A_891 = arith.cmpi ne, %parallel_loop3A_888, %parallel_loop3A_890 : vector<16xi32>
      %parallel_loop3A_892 = arith.constant 0 : i32
      %parallel_loop3A_893 = vector.broadcast %parallel_loop3A_892 : i32 to vector<16xi32>
      %parallel_loop3A_894 = arith.cmpi slt, %parallel_loop3A_888, %parallel_loop3A_893 : vector<16xi32>
      %parallel_loop3A_895 = arith.constant 0 : i32
      %parallel_loop3A_896 = arith.cmpi slt, %parallel_loop3A_886, %parallel_loop3A_895 : i32
      %parallel_loop3A_897 = vector.broadcast %parallel_loop3A_896 : i1 to vector<16xi1>
      %parallel_loop3A_898 = vector.broadcast %parallel_loop3A_897 : vector<16xi1> to vector<16xi1>
      %parallel_loop3A_899 = arith.xori %parallel_loop3A_894, %parallel_loop3A_898 : vector<16xi1>
      %parallel_loop3A_900 = arith.andi %parallel_loop3A_899, %parallel_loop3A_891 : vector<16xi1>
      %parallel_loop3A_901 = vector.broadcast %parallel_loop3A_886 : i32 to vector<16xi32>
      %parallel_loop3A_902 = arith.addi %parallel_loop3A_888, %parallel_loop3A_901 : vector<16xi32>
      %parallel_loop3A_903 = arith.select %parallel_loop3A_900, %parallel_loop3A_902, %parallel_loop3A_888 : vector<16xi1>, vector<16xi32>
      %parallel_loop3A_904 = arith.constant 0 : i32
      %parallel_loop3A_905 = vector.broadcast %parallel_loop3A_904 : i32 to vector<16xi32>
      %parallel_loop3A_906 = arith.addi %parallel_loop3A_903, %parallel_loop3A_905 : vector<16xi32>
      %parallel_loop3A_907 = tpu.vector_load_idx %arg7[%parallel_loop3A_863, %parallel_loop3A_906] : memref<128x64xf32, #tpu.memory_space<vmem>>[vector<16xi32>, vector<16xi32>], vector<16xf32>,
      %parallel_loop3A_908 = arith.constant 128 : i32
      %parallel_loop3A_909 = vector.broadcast %parallel_loop3A_908 : i32 to vector<16xi32>
      %parallel_loop3A_910 = arith.muli %parallel_loop3A_906, %parallel_loop3A_909 : vector<16xi32>
      %parallel_loop3A_911 = arith.addi %parallel_loop3A_910, %parallel_loop3A_863 : vector<16xi32>
      %parallel_loop3A_912 = arith.constant 8.000000e+00 : f32
      %parallel_loop3A_913 = vector.broadcast %parallel_loop3A_912 : f32 to vector<16xf32>
      %parallel_loop3A_914 = arith.mulf %parallel_loop3A_907, %parallel_loop3A_913 : vector<16xf32>
      tpu.vector_store_idx %arg9[%parallel_loop3A_911], %parallel_loop3A_914 : memref<8192xf32, #tpu.memory_space<vmem>>[vector<16xi32>], vector<16xf32>,
      %parallel_loop3A_915 = arith.constant 16 : i32
      %parallel_loop3A_916 = vector.broadcast %parallel_loop3A_915 : i32 to vector<16xi32>
      %parallel_loop3A_917 = arith.addi %parallel_loop3A_903, %parallel_loop3A_916 : vector<16xi32>
      %parallel_loop3A_918 = tpu.vector_load_idx %arg7[%parallel_loop3A_863, %parallel_loop3A_917] : memref<128x64xf32, #tpu.memory_space<vmem>>[vector<16xi32>, vector<16xi32>], vector<16xf32>,
      %parallel_loop3A_919 = arith.constant 128 : i32
      %parallel_loop3A_920 = vector.broadcast %parallel_loop3A_919 : i32 to vector<16xi32>
      %parallel_loop3A_921 = arith.muli %parallel_loop3A_917, %parallel_loop3A_920 : vector<16xi32>
      %parallel_loop3A_922 = arith.addi %parallel_loop3A_921, %parallel_loop3A_863 : vector<16xi32>
      %parallel_loop3A_923 = arith.constant 8.000000e+00 : f32
      %parallel_loop3A_924 = vector.broadcast %parallel_loop3A_923 : f32 to vector<16xf32>
      %parallel_loop3A_925 = arith.mulf %parallel_loop3A_918, %parallel_loop3A_924 : vector<16xf32>
      tpu.vector_store_idx %arg9[%parallel_loop3A_922], %parallel_loop3A_925 : memref<8192xf32, #tpu.memory_space<vmem>>[vector<16xi32>], vector<16xf32>,
      %parallel_loop3A_926 = arith.constant 32 : i32
      %parallel_loop3A_927 = vector.broadcast %parallel_loop3A_926 : i32 to vector<16xi32>
      %parallel_loop3A_928 = arith.addi %parallel_loop3A_903, %parallel_loop3A_927 : vector<16xi32>
      %parallel_loop3A_929 = tpu.vector_load_idx %arg7[%parallel_loop3A_863, %parallel_loop3A_928] : memref<128x64xf32, #tpu.memory_space<vmem>>[vector<16xi32>, vector<16xi32>], vector<16xf32>,
      %parallel_loop3A_930 = arith.constant 128 : i32
      %parallel_loop3A_931 = vector.broadcast %parallel_loop3A_930 : i32 to vector<16xi32>
      %parallel_loop3A_932 = arith.muli %parallel_loop3A_928, %parallel_loop3A_931 : vector<16xi32>
      %parallel_loop3A_933 = arith.addi %parallel_loop3A_932, %parallel_loop3A_863 : vector<16xi32>
      %parallel_loop3A_934 = arith.constant 8.000000e+00 : f32
      %parallel_loop3A_935 = vector.broadcast %parallel_loop3A_934 : f32 to vector<16xf32>
      %parallel_loop3A_936 = arith.mulf %parallel_loop3A_929, %parallel_loop3A_935 : vector<16xf32>
      tpu.vector_store_idx %arg9[%parallel_loop3A_933], %parallel_loop3A_936 : memref<8192xf32, #tpu.memory_space<vmem>>[vector<16xi32>], vector<16xf32>,
      %parallel_loop3A_937 = arith.constant 48 : i32
      %parallel_loop3A_938 = vector.broadcast %parallel_loop3A_937 : i32 to vector<16xi32>
      %parallel_loop3A_939 = arith.addi %parallel_loop3A_903, %parallel_loop3A_938 : vector<16xi32>
      %parallel_loop3A_940 = tpu.vector_load_idx %arg7[%parallel_loop3A_863, %parallel_loop3A_939] : memref<128x64xf32, #tpu.memory_space<vmem>>[vector<16xi32>, vector<16xi32>], vector<16xf32>,
      %parallel_loop3A_941 = arith.constant 128 : i32
      %parallel_loop3A_942 = vector.broadcast %parallel_loop3A_941 : i32 to vector<16xi32>
      %parallel_loop3A_943 = arith.muli %parallel_loop3A_939, %parallel_loop3A_942 : vector<16xi32>
      %parallel_loop3A_944 = arith.addi %parallel_loop3A_943, %parallel_loop3A_863 : vector<16xi32>
      %parallel_loop3A_945 = arith.constant 8.000000e+00 : f32
      %parallel_loop3A_946 = vector.broadcast %parallel_loop3A_945 : f32 to vector<16xf32>
      %parallel_loop3A_947 = arith.mulf %parallel_loop3A_940, %parallel_loop3A_946 : vector<16xf32>
      tpu.vector_store_idx %arg9[%parallel_loop3A_944], %parallel_loop3A_947 : memref<8192xf32, #tpu.memory_space<vmem>>[vector<16xi32>], vector<16xf32>,
    } {sc.loop_unroll_factor = 4 : i64, sc.parallel_access}
    %dma_start3A_133 = arith.constant 1 : i32
    %dma_start3A_134 = arith.constant 0 : i32
    %dma_start3A_135 = arith.constant 0 : i32
    %dma_start3A_136 = tpu.memref_slice %arg9[%dma_start3A_135] : memref<8192xf32, #tpu.memory_space<vmem>> -> memref<1024xf32, #tpu.memory_space<vmem>>
    %dma_start3A_137 = arith.constant 0 : i32
    %dma_start3A_138 = tpu.memref_slice %arg4[%dma_start3A_133, %dma_start3A_134, %add3A, %dma_start3A_137] : memref<200x8x32x1024xf32, #tpu.memory_space<hbm>> -> memref<1x1x1x1024xf32, #tpu.memory_space<hbm>>
    %dma_start3A_139 = tpu.memref_squeeze %dma_start3A_138 : memref<1x1x1x1024xf32, #tpu.memory_space<hbm>> -> memref<1024xf32, #tpu.memory_space<hbm>>
    %dma_start3A_140 = arith.constant 0 : i32
    %dma_start3A_141 = tpu.memref_slice %arg4[%dma_start3A_133, %dma_start3A_134, %add3A, %dma_start3A_140] : memref<200x8x32x1024xf32, #tpu.memory_space<hbm>> -> memref<1x1x1x1024xf32, #tpu.memory_space<hbm>>
    %dma_start3A_142 = tpu.memref_squeeze %dma_start3A_141 : memref<1x1x1x1024xf32, #tpu.memory_space<hbm>> -> memref<1024xf32, #tpu.memory_space<hbm>>
    %dma_start3A_143 = arith.constant 0 : i32
    %dma_start3A_144 = tpu.memref_slice %arg9[%dma_start3A_143] : memref<8192xf32, #tpu.memory_space<vmem>> -> memref<1024xf32, #tpu.memory_space<vmem>>
    tpu.enqueue_dma source(%dma_start3A_144 : memref<1024xf32, #tpu.memory_space<vmem>>) target(%dma_start3A_142 : memref<1024xf32, #tpu.memory_space<hbm>>) target_semaphore(%arg13 : memref<!tpu.dma_semaphore, #tpu.memory_space<semaphore_mem>>)
    %dma_start3A_145 = arith.constant 1 : i32
    %dma_start3A_146 = arith.constant 1 : i32
    %dma_start3A_147 = arith.constant 1024 : i32
    %dma_start3A_148 = tpu.memref_slice %arg9[%dma_start3A_147] : memref<8192xf32, #tpu.memory_space<vmem>> -> memref<1024xf32, #tpu.memory_space<vmem>>
    %dma_start3A_149 = arith.constant 0 : i32
    %dma_start3A_150 = tpu.memref_slice %arg4[%dma_start3A_145, %dma_start3A_146, %add3A, %dma_start3A_149] : memref<200x8x32x1024xf32, #tpu.memory_space<hbm>> -> memref<1x1x1x1024xf32, #tpu.memory_space<hbm>>
    %dma_start3A_151 = tpu.memref_squeeze %dma_start3A_150 : memref<1x1x1x1024xf32, #tpu.memory_space<hbm>> -> memref<1024xf32, #tpu.memory_space<hbm>>
    %dma_start3A_152 = arith.constant 0 : i32
    %dma_start3A_153 = tpu.memref_slice %arg4[%dma_start3A_145, %dma_start3A_146, %add3A, %dma_start3A_152] : memref<200x8x32x1024xf32, #tpu.memory_space<hbm>> -> memref<1x1x1x1024xf32, #tpu.memory_space<hbm>>
    %dma_start3A_154 = tpu.memref_squeeze %dma_start3A_153 : memref<1x1x1x1024xf32, #tpu.memory_space<hbm>> -> memref<1024xf32, #tpu.memory_space<hbm>>
    %dma_start3A_155 = arith.constant 1024 : i32
    %dma_start3A_156 = tpu.memref_slice %arg9[%dma_start3A_155] : memref<8192xf32, #tpu.memory_space<vmem>> -> memref<1024xf32, #tpu.memory_space<vmem>>
    tpu.enqueue_dma source(%dma_start3A_156 : memref<1024xf32, #tpu.memory_space<vmem>>) target(%dma_start3A_154 : memref<1024xf32, #tpu.memory_space<hbm>>) target_semaphore(%arg13 : memref<!tpu.dma_semaphore, #tpu.memory_space<semaphore_mem>>)
    %dma_start3A_157 = arith.constant 1 : i32
    %dma_start3A_158 = arith.constant 2 : i32
    %dma_start3A_159 = arith.constant 2048 : i32
    %dma_start3A_160 = tpu.memref_slice %arg9[%dma_start3A_159] : memref<8192xf32, #tpu.memory_space<vmem>> -> memref<1024xf32, #tpu.memory_space<vmem>>
    %dma_start3A_161 = arith.constant 0 : i32
    %dma_start3A_162 = tpu.memref_slice %arg4[%dma_start3A_157, %dma_start3A_158, %add3A, %dma_start3A_161] : memref<200x8x32x1024xf32, #tpu.memory_space<hbm>> -> memref<1x1x1x1024xf32, #tpu.memory_space<hbm>>
    %dma_start3A_163 = tpu.memref_squeeze %dma_start3A_162 : memref<1x1x1x1024xf32, #tpu.memory_space<hbm>> -> memref<1024xf32, #tpu.memory_space<hbm>>
    %dma_start3A_164 = arith.constant 0 : i32
    %dma_start3A_165 = tpu.memref_slice %arg4[%dma_start3A_157, %dma_start3A_158, %add3A, %dma_start3A_164] : memref<200x8x32x1024xf32, #tpu.memory_space<hbm>> -> memref<1x1x1x1024xf32, #tpu.memory_space<hbm>>
    %dma_start3A_166 = tpu.memref_squeeze %dma_start3A_165 : memref<1x1x1x1024xf32, #tpu.memory_space<hbm>> -> memref<1024xf32, #tpu.memory_space<hbm>>
    %dma_start3A_167 = arith.constant 2048 : i32
    %dma_start3A_168 = tpu.memref_slice %arg9[%dma_start3A_167] : memref<8192xf32, #tpu.memory_space<vmem>> -> memref<1024xf32, #tpu.memory_space<vmem>>
    tpu.enqueue_dma source(%dma_start3A_168 : memref<1024xf32, #tpu.memory_space<vmem>>) target(%dma_start3A_166 : memref<1024xf32, #tpu.memory_space<hbm>>) target_semaphore(%arg13 : memref<!tpu.dma_semaphore, #tpu.memory_space<semaphore_mem>>)
    %dma_start3A_169 = arith.constant 1 : i32
    %dma_start3A_170 = arith.constant 3 : i32
    %dma_start3A_171 = arith.constant 3072 : i32
    %dma_start3A_172 = tpu.memref_slice %arg9[%dma_start3A_171] : memref<8192xf32, #tpu.memory_space<vmem>> -> memref<1024xf32, #tpu.memory_space<vmem>>
    %dma_start3A_173 = arith.constant 0 : i32
    %dma_start3A_174 = tpu.memref_slice %arg4[%dma_start3A_169, %dma_start3A_170, %add3A, %dma_start3A_173] : memref<200x8x32x1024xf32, #tpu.memory_space<hbm>> -> memref<1x1x1x1024xf32, #tpu.memory_space<hbm>>
    %dma_start3A_175 = tpu.memref_squeeze %dma_start3A_174 : memref<1x1x1x1024xf32, #tpu.memory_space<hbm>> -> memref<1024xf32, #tpu.memory_space<hbm>>
    %dma_start3A_176 = arith.constant 0 : i32
    %dma_start3A_177 = tpu.memref_slice %arg4[%dma_start3A_169, %dma_start3A_170, %add3A, %dma_start3A_176] : memref<200x8x32x1024xf32, #tpu.memory_space<hbm>> -> memref<1x1x1x1024xf32, #tpu.memory_space<hbm>>
    %dma_start3A_178 = tpu.memref_squeeze %dma_start3A_177 : memref<1x1x1x1024xf32, #tpu.memory_space<hbm>> -> memref<1024xf32, #tpu.memory_space<hbm>>
    %dma_start3A_179 = arith.constant 3072 : i32
    %dma_start3A_180 = tpu.memref_slice %arg9[%dma_start3A_179] : memref<8192xf32, #tpu.memory_space<vmem>> -> memref<1024xf32, #tpu.memory_space<vmem>>
    tpu.enqueue_dma source(%dma_start3A_180 : memref<1024xf32, #tpu.memory_space<vmem>>) target(%dma_start3A_178 : memref<1024xf32, #tpu.memory_space<hbm>>) target_semaphore(%arg13 : memref<!tpu.dma_semaphore, #tpu.memory_space<semaphore_mem>>)
    %dma_start3A_181 = arith.constant 1 : i32
    %dma_start3A_182 = arith.constant 4 : i32
    %dma_start3A_183 = arith.constant 4096 : i32
    %dma_start3A_184 = tpu.memref_slice %arg9[%dma_start3A_183] : memref<8192xf32, #tpu.memory_space<vmem>> -> memref<1024xf32, #tpu.memory_space<vmem>>
    %dma_start3A_185 = arith.constant 0 : i32
    %dma_start3A_186 = tpu.memref_slice %arg4[%dma_start3A_181, %dma_start3A_182, %add3A, %dma_start3A_185] : memref<200x8x32x1024xf32, #tpu.memory_space<hbm>> -> memref<1x1x1x1024xf32, #tpu.memory_space<hbm>>
    %dma_start3A_187 = tpu.memref_squeeze %dma_start3A_186 : memref<1x1x1x1024xf32, #tpu.memory_space<hbm>> -> memref<1024xf32, #tpu.memory_space<hbm>>
    %dma_start3A_188 = arith.constant 0 : i32
    %dma_start3A_189 = tpu.memref_slice %arg4[%dma_start3A_181, %dma_start3A_182, %add3A, %dma_start3A_188] : memref<200x8x32x1024xf32, #tpu.memory_space<hbm>> -> memref<1x1x1x1024xf32, #tpu.memory_space<hbm>>
    %dma_start3A_190 = tpu.memref_squeeze %dma_start3A_189 : memref<1x1x1x1024xf32, #tpu.memory_space<hbm>> -> memref<1024xf32, #tpu.memory_space<hbm>>
    %dma_start3A_191 = arith.constant 4096 : i32
    %dma_start3A_192 = tpu.memref_slice %arg9[%dma_start3A_191] : memref<8192xf32, #tpu.memory_space<vmem>> -> memref<1024xf32, #tpu.memory_space<vmem>>
    tpu.enqueue_dma source(%dma_start3A_192 : memref<1024xf32, #tpu.memory_space<vmem>>) target(%dma_start3A_190 : memref<1024xf32, #tpu.memory_space<hbm>>) target_semaphore(%arg13 : memref<!tpu.dma_semaphore, #tpu.memory_space<semaphore_mem>>)
    %dma_start3A_193 = arith.constant 1 : i32
    %dma_start3A_194 = arith.constant 5 : i32
    %dma_start3A_195 = arith.constant 5120 : i32
    %dma_start3A_196 = tpu.memref_slice %arg9[%dma_start3A_195] : memref<8192xf32, #tpu.memory_space<vmem>> -> memref<1024xf32, #tpu.memory_space<vmem>>
    %dma_start3A_197 = arith.constant 0 : i32
    %dma_start3A_198 = tpu.memref_slice %arg4[%dma_start3A_193, %dma_start3A_194, %add3A, %dma_start3A_197] : memref<200x8x32x1024xf32, #tpu.memory_space<hbm>> -> memref<1x1x1x1024xf32, #tpu.memory_space<hbm>>
    %dma_start3A_199 = tpu.memref_squeeze %dma_start3A_198 : memref<1x1x1x1024xf32, #tpu.memory_space<hbm>> -> memref<1024xf32, #tpu.memory_space<hbm>>
    %dma_start3A_200 = arith.constant 0 : i32
    %dma_start3A_201 = tpu.memref_slice %arg4[%dma_start3A_193, %dma_start3A_194, %add3A, %dma_start3A_200] : memref<200x8x32x1024xf32, #tpu.memory_space<hbm>> -> memref<1x1x1x1024xf32, #tpu.memory_space<hbm>>
    %dma_start3A_202 = tpu.memref_squeeze %dma_start3A_201 : memref<1x1x1x1024xf32, #tpu.memory_space<hbm>> -> memref<1024xf32, #tpu.memory_space<hbm>>
    %dma_start3A_203 = arith.constant 5120 : i32
    %dma_start3A_204 = tpu.memref_slice %arg9[%dma_start3A_203] : memref<8192xf32, #tpu.memory_space<vmem>> -> memref<1024xf32, #tpu.memory_space<vmem>>
    tpu.enqueue_dma source(%dma_start3A_204 : memref<1024xf32, #tpu.memory_space<vmem>>) target(%dma_start3A_202 : memref<1024xf32, #tpu.memory_space<hbm>>) target_semaphore(%arg13 : memref<!tpu.dma_semaphore, #tpu.memory_space<semaphore_mem>>)
    %dma_start3A_205 = arith.constant 1 : i32
    %dma_start3A_206 = arith.constant 6 : i32
    %dma_start3A_207 = arith.constant 6144 : i32
    %dma_start3A_208 = tpu.memref_slice %arg9[%dma_start3A_207] : memref<8192xf32, #tpu.memory_space<vmem>> -> memref<1024xf32, #tpu.memory_space<vmem>>
    %dma_start3A_209 = arith.constant 0 : i32
    %dma_start3A_210 = tpu.memref_slice %arg4[%dma_start3A_205, %dma_start3A_206, %add3A, %dma_start3A_209] : memref<200x8x32x1024xf32, #tpu.memory_space<hbm>> -> memref<1x1x1x1024xf32, #tpu.memory_space<hbm>>
    %dma_start3A_211 = tpu.memref_squeeze %dma_start3A_210 : memref<1x1x1x1024xf32, #tpu.memory_space<hbm>> -> memref<1024xf32, #tpu.memory_space<hbm>>
    %dma_start3A_212 = arith.constant 0 : i32
    %dma_start3A_213 = tpu.memref_slice %arg4[%dma_start3A_205, %dma_start3A_206, %add3A, %dma_start3A_212] : memref<200x8x32x1024xf32, #tpu.memory_space<hbm>> -> memref<1x1x1x1024xf32, #tpu.memory_space<hbm>>
    %dma_start3A_214 = tpu.memref_squeeze %dma_start3A_213 : memref<1x1x1x1024xf32, #tpu.memory_space<hbm>> -> memref<1024xf32, #tpu.memory_space<hbm>>
    %dma_start3A_215 = arith.constant 6144 : i32
    %dma_start3A_216 = tpu.memref_slice %arg9[%dma_start3A_215] : memref<8192xf32, #tpu.memory_space<vmem>> -> memref<1024xf32, #tpu.memory_space<vmem>>
    tpu.enqueue_dma source(%dma_start3A_216 : memref<1024xf32, #tpu.memory_space<vmem>>) target(%dma_start3A_214 : memref<1024xf32, #tpu.memory_space<hbm>>) target_semaphore(%arg13 : memref<!tpu.dma_semaphore, #tpu.memory_space<semaphore_mem>>)
    %dma_start3A_217 = arith.constant 1 : i32
    %dma_start3A_218 = arith.constant 7 : i32
    %dma_start3A_219 = arith.constant 7168 : i32
    %dma_start3A_220 = tpu.memref_slice %arg9[%dma_start3A_219] : memref<8192xf32, #tpu.memory_space<vmem>> -> memref<1024xf32, #tpu.memory_space<vmem>>
    %dma_start3A_221 = arith.constant 0 : i32
    %dma_start3A_222 = tpu.memref_slice %arg4[%dma_start3A_217, %dma_start3A_218, %add3A, %dma_start3A_221] : memref<200x8x32x1024xf32, #tpu.memory_space<hbm>> -> memref<1x1x1x1024xf32, #tpu.memory_space<hbm>>
    %dma_start3A_223 = tpu.memref_squeeze %dma_start3A_222 : memref<1x1x1x1024xf32, #tpu.memory_space<hbm>> -> memref<1024xf32, #tpu.memory_space<hbm>>
    %dma_start3A_224 = arith.constant 0 : i32
    %dma_start3A_225 = tpu.memref_slice %arg4[%dma_start3A_217, %dma_start3A_218, %add3A, %dma_start3A_224] : memref<200x8x32x1024xf32, #tpu.memory_space<hbm>> -> memref<1x1x1x1024xf32, #tpu.memory_space<hbm>>
    %dma_start3A_226 = tpu.memref_squeeze %dma_start3A_225 : memref<1x1x1x1024xf32, #tpu.memory_space<hbm>> -> memref<1024xf32, #tpu.memory_space<hbm>>
    %dma_start3A_227 = arith.constant 7168 : i32
    %dma_start3A_228 = tpu.memref_slice %arg9[%dma_start3A_227] : memref<8192xf32, #tpu.memory_space<vmem>> -> memref<1024xf32, #tpu.memory_space<vmem>>
    tpu.enqueue_dma source(%dma_start3A_228 : memref<1024xf32, #tpu.memory_space<vmem>>) target(%dma_start3A_226 : memref<1024xf32, #tpu.memory_space<hbm>>) target_semaphore(%arg13 : memref<!tpu.dma_semaphore, #tpu.memory_space<semaphore_mem>>)
    %dma_start3A_229 = arith.constant 3 : i32
    %dma_start3A_230 = arith.constant 0 : i32
    %dma_start3A_231 = tpu.memref_slice %arg5[%dma_start3A_229, %dma_start3A_230] : memref<200x128xi32, #tpu.memory_space<vmem>> -> memref<1x128xi32, #tpu.memory_space<vmem>>
    %dma_start3A_232 = tpu.memref_squeeze %dma_start3A_231 : memref<1x128xi32, #tpu.memory_space<vmem>> -> memref<128xi32, #tpu.memory_space<vmem>>
    %dma_start3A_233 = arith.constant 0 : i32
    %dma_start3A_234 = arith.constant 0 : i32
    %dma_start3A_235 = tpu.memref_slice %arg3[%dma_start3A_233, %dma_start3A_234] : memref<1000000x64xf32, #tpu.memory_space<hbm>> -> memref<1000000x64xf32, #tpu.memory_space<hbm>>
    tpu.enqueue_indirect_dma source(%dma_start3A_235 : memref<1000000x64xf32, #tpu.memory_space<hbm>>) target(%arg7 : memref<128x64xf32, #tpu.memory_space<vmem>>) offsets(%dma_start3A_232 : memref<128xi32, #tpu.memory_space<vmem>>) semaphore(%arg11 : memref<!tpu.dma_semaphore, #tpu.memory_space<semaphore_mem>>)
    %scan3A = arith.constant 0 : i32
    %scan3A_236 = arith.constant 0 : i32
    %scan3A_237 = arith.constant 98 : i32
    %scan3A_238 = arith.addi %scan3A_236, %scan3A_237 : i32
    %scan3A_239 = arith.constant 1 : i32
    scf.for %scan3A_835 = %scan3A_236 to %scan3A_238 step %scan3A_239  : i32 {
      %mul3A_836 = arith.constant 2 : i32
      %mul3A_837 = arith.muli %mul3A_836, %scan3A_835 : i32
      %add3A_838 = arith.constant 2 : i32
      %add3A_839 = arith.addi %add3A_838, %mul3A_837 : i32
      %add3A_840 = arith.constant 0 : i32
      %add3A_841 = arith.addi %add3A_839, %add3A_840 : i32
      %dma_wait3A_842 = arith.constant 0 : i32
      %dma_wait3A_843 = arith.constant 0 : i32
      %dma_wait3A_844 = tpu.memref_slice %arg3[%dma_wait3A_842, %dma_wait3A_843] : memref<1000000x64xf32, #tpu.memory_space<hbm>> -> memref<128x64xf32, #tpu.memory_space<hbm>>
      %dma_wait3A_845 = arith.constant 0 : i32
      %dma_wait3A_846 = arith.constant 0 : i32
      %dma_wait3A_847 = tpu.memref_slice %arg3[%dma_wait3A_845, %dma_wait3A_846] : memref<1000000x64xf32, #tpu.memory_space<hbm>> -> memref<128x64xf32, #tpu.memory_space<hbm>>
      tpu.wait_dma2 semaphore(%arg10 : memref<!tpu.dma_semaphore, #tpu.memory_space<semaphore_mem>>) src(%dma_wait3A_847 : memref<128x64xf32, #tpu.memory_space<hbm>>) dst(%arg6 : memref<128x64xf32, #tpu.memory_space<vmem>>)
      %dma_wait3A_848 = arith.constant 0 : i32
      %dma_wait3A_849 = arith.constant 0 : i32
      %dma_wait3A_850 = arith.constant 0 : i32
      %dma_wait3A_851 = tpu.memref_slice %arg8[%dma_wait3A_850] : memref<8192xf32, #tpu.memory_space<vmem>> -> memref<1024xf32, #tpu.memory_space<vmem>>
      %dma_wait3A_852 = arith.constant 0 : i32
      %dma_wait3A_853 = tpu.memref_slice %arg4[%dma_wait3A_848, %dma_wait3A_849, %add3A, %dma_wait3A_852] : memref<200x8x32x1024xf32, #tpu.memory_space<hbm>> -> memref<1x1x1x1024xf32, #tpu.memory_space<hbm>>
      %dma_wait3A_854 = tpu.memref_squeeze %dma_wait3A_853 : memref<1x1x1x1024xf32, #tpu.memory_space<hbm>> -> memref<1024xf32, #tpu.memory_space<hbm>>
      %dma_wait3A_855 = arith.constant 0 : i32
      %dma_wait3A_856 = tpu.memref_slice %arg4[%dma_wait3A_848, %dma_wait3A_849, %add3A, %dma_wait3A_855] : memref<200x8x32x1024xf32, #tpu.memory_space<hbm>> -> memref<1x1x1x1024xf32, #tpu.memory_space<hbm>>
      %dma_wait3A_857 = tpu.memref_squeeze %dma_wait3A_856 : memref<1x1x1x1024xf32, #tpu.memory_space<hbm>> -> memref<1024xf32, #tpu.memory_space<hbm>>
      %dma_wait3A_858 = arith.constant 0 : i32
      %dma_wait3A_859 = tpu.memref_slice %arg8[%dma_wait3A_858] : memref<8192xf32, #tpu.memory_space<vmem>> -> memref<1024xf32, #tpu.memory_space<vmem>>
      tpu.wait_dma2 semaphore(%arg12 : memref<!tpu.dma_semaphore, #tpu.memory_space<semaphore_mem>>) src(%dma_wait3A_859 : memref<1024xf32, #tpu.memory_space<vmem>>) dst(%dma_wait3A_857 : memref<1024xf32, #tpu.memory_space<hbm>>)
      %dma_wait3A_860 = arith.constant 0 : i32
      %dma_wait3A_861 = arith.constant 1 : i32
      %dma_wait3A_862 = arith.constant 1024 : i32
      %dma_wait3A_863 = tpu.memref_slice %arg8[%dma_wait3A_862] : memref<8192xf32, #tpu.memory_space<vmem>> -> memref<1024xf32, #tpu.memory_space<vmem>>
      %dma_wait3A_864 = arith.constant 0 : i32
      %dma_wait3A_865 = tpu.memref_slice %arg4[%dma_wait3A_860, %dma_wait3A_861, %add3A, %dma_wait3A_864] : memref<200x8x32x1024xf32, #tpu.memory_space<hbm>> -> memref<1x1x1x1024xf32, #tpu.memory_space<hbm>>
      %dma_wait3A_866 = tpu.memref_squeeze %dma_wait3A_865 : memref<1x1x1x1024xf32, #tpu.memory_space<hbm>> -> memref<1024xf32, #tpu.memory_space<hbm>>
      %dma_wait3A_867 = arith.constant 0 : i32
      %dma_wait3A_868 = tpu.memref_slice %arg4[%dma_wait3A_860, %dma_wait3A_861, %add3A, %dma_wait3A_867] : memref<200x8x32x1024xf32, #tpu.memory_space<hbm>> -> memref<1x1x1x1024xf32, #tpu.memory_space<hbm>>
      %dma_wait3A_869 = tpu.memref_squeeze %dma_wait3A_868 : memref<1x1x1x1024xf32, #tpu.memory_space<hbm>> -> memref<1024xf32, #tpu.memory_space<hbm>>
      %dma_wait3A_870 = arith.constant 1024 : i32
      %dma_wait3A_871 = tpu.memref_slice %arg8[%dma_wait3A_870] : memref<8192xf32, #tpu.memory_space<vmem>> -> memref<1024xf32, #tpu.memory_space<vmem>>
      tpu.wait_dma2 semaphore(%arg12 : memref<!tpu.dma_semaphore, #tpu.memory_space<semaphore_mem>>) src(%dma_wait3A_871 : memref<1024xf32, #tpu.memory_space<vmem>>) dst(%dma_wait3A_869 : memref<1024xf32, #tpu.memory_space<hbm>>)
      %dma_wait3A_872 = arith.constant 0 : i32
      %dma_wait3A_873 = arith.constant 2 : i32
      %dma_wait3A_874 = arith.constant 2048 : i32
      %dma_wait3A_875 = tpu.memref_slice %arg8[%dma_wait3A_874] : memref<8192xf32, #tpu.memory_space<vmem>> -> memref<1024xf32, #tpu.memory_space<vmem>>
      %dma_wait3A_876 = arith.constant 0 : i32
      %dma_wait3A_877 = tpu.memref_slice %arg4[%dma_wait3A_872, %dma_wait3A_873, %add3A, %dma_wait3A_876] : memref<200x8x32x1024xf32, #tpu.memory_space<hbm>> -> memref<1x1x1x1024xf32, #tpu.memory_space<hbm>>
      %dma_wait3A_878 = tpu.memref_squeeze %dma_wait3A_877 : memref<1x1x1x1024xf32, #tpu.memory_space<hbm>> -> memref<1024xf32, #tpu.memory_space<hbm>>
      %dma_wait3A_879 = arith.constant 0 : i32
      %dma_wait3A_880 = tpu.memref_slice %arg4[%dma_wait3A_872, %dma_wait3A_873, %add3A, %dma_wait3A_879] : memref<200x8x32x1024xf32, #tpu.memory_space<hbm>> -> memref<1x1x1x1024xf32, #tpu.memory_space<hbm>>
      %dma_wait3A_881 = tpu.memref_squeeze %dma_wait3A_880 : memref<1x1x1x1024xf32, #tpu.memory_space<hbm>> -> memref<1024xf32, #tpu.memory_space<hbm>>
      %dma_wait3A_882 = arith.constant 2048 : i32
      %dma_wait3A_883 = tpu.memref_slice %arg8[%dma_wait3A_882] : memref<8192xf32, #tpu.memory_space<vmem>> -> memref<1024xf32, #tpu.memory_space<vmem>>
      tpu.wait_dma2 semaphore(%arg12 : memref<!tpu.dma_semaphore, #tpu.memory_space<semaphore_mem>>) src(%dma_wait3A_883 : memref<1024xf32, #tpu.memory_space<vmem>>) dst(%dma_wait3A_881 : memref<1024xf32, #tpu.memory_space<hbm>>)
      %dma_wait3A_884 = arith.constant 0 : i32
      %dma_wait3A_885 = arith.constant 3 : i32
      %dma_wait3A_886 = arith.constant 3072 : i32
      %dma_wait3A_887 = tpu.memref_slice %arg8[%dma_wait3A_886] : memref<8192xf32, #tpu.memory_space<vmem>> -> memref<1024xf32, #tpu.memory_space<vmem>>
      %dma_wait3A_888 = arith.constant 0 : i32
      %dma_wait3A_889 = tpu.memref_slice %arg4[%dma_wait3A_884, %dma_wait3A_885, %add3A, %dma_wait3A_888] : memref<200x8x32x1024xf32, #tpu.memory_space<hbm>> -> memref<1x1x1x1024xf32, #tpu.memory_space<hbm>>
      %dma_wait3A_890 = tpu.memref_squeeze %dma_wait3A_889 : memref<1x1x1x1024xf32, #tpu.memory_space<hbm>> -> memref<1024xf32, #tpu.memory_space<hbm>>
      %dma_wait3A_891 = arith.constant 0 : i32
      %dma_wait3A_892 = tpu.memref_slice %arg4[%dma_wait3A_884, %dma_wait3A_885, %add3A, %dma_wait3A_891] : memref<200x8x32x1024xf32, #tpu.memory_space<hbm>> -> memref<1x1x1x1024xf32, #tpu.memory_space<hbm>>
      %dma_wait3A_893 = tpu.memref_squeeze %dma_wait3A_892 : memref<1x1x1x1024xf32, #tpu.memory_space<hbm>> -> memref<1024xf32, #tpu.memory_space<hbm>>
      %dma_wait3A_894 = arith.constant 3072 : i32
      %dma_wait3A_895 = tpu.memref_slice %arg8[%dma_wait3A_894] : memref<8192xf32, #tpu.memory_space<vmem>> -> memref<1024xf32, #tpu.memory_space<vmem>>
      tpu.wait_dma2 semaphore(%arg12 : memref<!tpu.dma_semaphore, #tpu.memory_space<semaphore_mem>>) src(%dma_wait3A_895 : memref<1024xf32, #tpu.memory_space<vmem>>) dst(%dma_wait3A_893 : memref<1024xf32, #tpu.memory_space<hbm>>)
      %dma_wait3A_896 = arith.constant 0 : i32
      %dma_wait3A_897 = arith.constant 4 : i32
      %dma_wait3A_898 = arith.constant 4096 : i32
      %dma_wait3A_899 = tpu.memref_slice %arg8[%dma_wait3A_898] : memref<8192xf32, #tpu.memory_space<vmem>> -> memref<1024xf32, #tpu.memory_space<vmem>>
      %dma_wait3A_900 = arith.constant 0 : i32
      %dma_wait3A_901 = tpu.memref_slice %arg4[%dma_wait3A_896, %dma_wait3A_897, %add3A, %dma_wait3A_900] : memref<200x8x32x1024xf32, #tpu.memory_space<hbm>> -> memref<1x1x1x1024xf32, #tpu.memory_space<hbm>>
      %dma_wait3A_902 = tpu.memref_squeeze %dma_wait3A_901 : memref<1x1x1x1024xf32, #tpu.memory_space<hbm>> -> memref<1024xf32, #tpu.memory_space<hbm>>
      %dma_wait3A_903 = arith.constant 0 : i32
      %dma_wait3A_904 = tpu.memref_slice %arg4[%dma_wait3A_896, %dma_wait3A_897, %add3A, %dma_wait3A_903] : memref<200x8x32x1024xf32, #tpu.memory_space<hbm>> -> memref<1x1x1x1024xf32, #tpu.memory_space<hbm>>
      %dma_wait3A_905 = tpu.memref_squeeze %dma_wait3A_904 : memref<1x1x1x1024xf32, #tpu.memory_space<hbm>> -> memref<1024xf32, #tpu.memory_space<hbm>>
      %dma_wait3A_906 = arith.constant 4096 : i32
      %dma_wait3A_907 = tpu.memref_slice %arg8[%dma_wait3A_906] : memref<8192xf32, #tpu.memory_space<vmem>> -> memref<1024xf32, #tpu.memory_space<vmem>>
      tpu.wait_dma2 semaphore(%arg12 : memref<!tpu.dma_semaphore, #tpu.memory_space<semaphore_mem>>) src(%dma_wait3A_907 : memref<1024xf32, #tpu.memory_space<vmem>>) dst(%dma_wait3A_905 : memref<1024xf32, #tpu.memory_space<hbm>>)
      %dma_wait3A_908 = arith.constant 0 : i32
      %dma_wait3A_909 = arith.constant 5 : i32
      %dma_wait3A_910 = arith.constant 5120 : i32
      %dma_wait3A_911 = tpu.memref_slice %arg8[%dma_wait3A_910] : memref<8192xf32, #tpu.memory_space<vmem>> -> memref<1024xf32, #tpu.memory_space<vmem>>
      %dma_wait3A_912 = arith.constant 0 : i32
      %dma_wait3A_913 = tpu.memref_slice %arg4[%dma_wait3A_908, %dma_wait3A_909, %add3A, %dma_wait3A_912] : memref<200x8x32x1024xf32, #tpu.memory_space<hbm>> -> memref<1x1x1x1024xf32, #tpu.memory_space<hbm>>
      %dma_wait3A_914 = tpu.memref_squeeze %dma_wait3A_913 : memref<1x1x1x1024xf32, #tpu.memory_space<hbm>> -> memref<1024xf32, #tpu.memory_space<hbm>>
      %dma_wait3A_915 = arith.constant 0 : i32
      %dma_wait3A_916 = tpu.memref_slice %arg4[%dma_wait3A_908, %dma_wait3A_909, %add3A, %dma_wait3A_915] : memref<200x8x32x1024xf32, #tpu.memory_space<hbm>> -> memref<1x1x1x1024xf32, #tpu.memory_space<hbm>>
      %dma_wait3A_917 = tpu.memref_squeeze %dma_wait3A_916 : memref<1x1x1x1024xf32, #tpu.memory_space<hbm>> -> memref<1024xf32, #tpu.memory_space<hbm>>
      %dma_wait3A_918 = arith.constant 5120 : i32
      %dma_wait3A_919 = tpu.memref_slice %arg8[%dma_wait3A_918] : memref<8192xf32, #tpu.memory_space<vmem>> -> memref<1024xf32, #tpu.memory_space<vmem>>
      tpu.wait_dma2 semaphore(%arg12 : memref<!tpu.dma_semaphore, #tpu.memory_space<semaphore_mem>>) src(%dma_wait3A_919 : memref<1024xf32, #tpu.memory_space<vmem>>) dst(%dma_wait3A_917 : memref<1024xf32, #tpu.memory_space<hbm>>)
      %dma_wait3A_920 = arith.constant 0 : i32
      %dma_wait3A_921 = arith.constant 6 : i32
      %dma_wait3A_922 = arith.constant 6144 : i32
      %dma_wait3A_923 = tpu.memref_slice %arg8[%dma_wait3A_922] : memref<8192xf32, #tpu.memory_space<vmem>> -> memref<1024xf32, #tpu.memory_space<vmem>>
      %dma_wait3A_924 = arith.constant 0 : i32
      %dma_wait3A_925 = tpu.memref_slice %arg4[%dma_wait3A_920, %dma_wait3A_921, %add3A, %dma_wait3A_924] : memref<200x8x32x1024xf32, #tpu.memory_space<hbm>> -> memref<1x1x1x1024xf32, #tpu.memory_space<hbm>>
      %dma_wait3A_926 = tpu.memref_squeeze %dma_wait3A_925 : memref<1x1x1x1024xf32, #tpu.memory_space<hbm>> -> memref<1024xf32, #tpu.memory_space<hbm>>
      %dma_wait3A_927 = arith.constant 0 : i32
      %dma_wait3A_928 = tpu.memref_slice %arg4[%dma_wait3A_920, %dma_wait3A_921, %add3A, %dma_wait3A_927] : memref<200x8x32x1024xf32, #tpu.memory_space<hbm>> -> memref<1x1x1x1024xf32, #tpu.memory_space<hbm>>
      %dma_wait3A_929 = tpu.memref_squeeze %dma_wait3A_928 : memref<1x1x1x1024xf32, #tpu.memory_space<hbm>> -> memref<1024xf32, #tpu.memory_space<hbm>>
      %dma_wait3A_930 = arith.constant 6144 : i32
      %dma_wait3A_931 = tpu.memref_slice %arg8[%dma_wait3A_930] : memref<8192xf32, #tpu.memory_space<vmem>> -> memref<1024xf32, #tpu.memory_space<vmem>>
      tpu.wait_dma2 semaphore(%arg12 : memref<!tpu.dma_semaphore, #tpu.memory_space<semaphore_mem>>) src(%dma_wait3A_931 : memref<1024xf32, #tpu.memory_space<vmem>>) dst(%dma_wait3A_929 : memref<1024xf32, #tpu.memory_space<hbm>>)
      %dma_wait3A_932 = arith.constant 0 : i32
      %dma_wait3A_933 = arith.constant 7 : i32
      %dma_wait3A_934 = arith.constant 7168 : i32
      %dma_wait3A_935 = tpu.memref_slice %arg8[%dma_wait3A_934] : memref<8192xf32, #tpu.memory_space<vmem>> -> memref<1024xf32, #tpu.memory_space<vmem>>
      %dma_wait3A_936 = arith.constant 0 : i32
      %dma_wait3A_937 = tpu.memref_slice %arg4[%dma_wait3A_932, %dma_wait3A_933, %add3A, %dma_wait3A_936] : memref<200x8x32x1024xf32, #tpu.memory_space<hbm>> -> memref<1x1x1x1024xf32, #tpu.memory_space<hbm>>
      %dma_wait3A_938 = tpu.memref_squeeze %dma_wait3A_937 : memref<1x1x1x1024xf32, #tpu.memory_space<hbm>> -> memref<1024xf32, #tpu.memory_space<hbm>>
      %dma_wait3A_939 = arith.constant 0 : i32
      %dma_wait3A_940 = tpu.memref_slice %arg4[%dma_wait3A_932, %dma_wait3A_933, %add3A, %dma_wait3A_939] : memref<200x8x32x1024xf32, #tpu.memory_space<hbm>> -> memref<1x1x1x1024xf32, #tpu.memory_space<hbm>>
      %dma_wait3A_941 = tpu.memref_squeeze %dma_wait3A_940 : memref<1x1x1x1024xf32, #tpu.memory_space<hbm>> -> memref<1024xf32, #tpu.memory_space<hbm>>
      %dma_wait3A_942 = arith.constant 7168 : i32
      %dma_wait3A_943 = tpu.memref_slice %arg8[%dma_wait3A_942] : memref<8192xf32, #tpu.memory_space<vmem>> -> memref<1024xf32, #tpu.memory_space<vmem>>
      tpu.wait_dma2 semaphore(%arg12 : memref<!tpu.dma_semaphore, #tpu.memory_space<semaphore_mem>>) src(%dma_wait3A_943 : memref<1024xf32, #tpu.memory_space<vmem>>) dst(%dma_wait3A_941 : memref<1024xf32, #tpu.memory_space<hbm>>)
      %parallel_loop3A_944 = arith.constant 0 : i32
      %parallel_loop3A_945 = arith.constant 128 : i32
      %parallel_loop3A_946 = arith.constant 1 : i32
      scf.for %parallel_loop3A_1246 = %parallel_loop3A_944 to %parallel_loop3A_945 step %parallel_loop3A_946  : i32 {
        %parallel_loop3A_1247 = arith.constant 16 : i32
        %parallel_loop3A_1248 = arith.divsi %parallel_loop3A_1246, %parallel_loop3A_1247 : i32
        %parallel_loop3A_1249 = arith.constant 0 : i32
        %parallel_loop3A_1250 = arith.cmpi sgt, %parallel_loop3A_1246, %parallel_loop3A_1249 : i32
        %parallel_loop3A_1251 = arith.extui %parallel_loop3A_1250 : i1 to i32
        %parallel_loop3A_1252 = arith.constant 0 : i32
        %parallel_loop3A_1253 = arith.cmpi slt, %parallel_loop3A_1246, %parallel_loop3A_1252 : i32
        %parallel_loop3A_1254 = arith.extui %parallel_loop3A_1253 : i1 to i32
        %parallel_loop3A_1255 = arith.subi %parallel_loop3A_1251, %parallel_loop3A_1254 : i32
        %parallel_loop3A_1256 = arith.constant 0 : i32
        %parallel_loop3A_1257 = arith.cmpi sgt, %parallel_loop3A_1247, %parallel_loop3A_1256 : i32
        %parallel_loop3A_1258 = arith.extui %parallel_loop3A_1257 : i1 to i32
        %parallel_loop3A_1259 = arith.constant 0 : i32
        %parallel_loop3A_1260 = arith.cmpi slt, %parallel_loop3A_1247, %parallel_loop3A_1259 : i32
        %parallel_loop3A_1261 = arith.extui %parallel_loop3A_1260 : i1 to i32
        %parallel_loop3A_1262 = arith.subi %parallel_loop3A_1258, %parallel_loop3A_1261 : i32
        %parallel_loop3A_1263 = arith.cmpi ne, %parallel_loop3A_1255, %parallel_loop3A_1262 : i32
        %parallel_loop3A_1264 = arith.remsi %parallel_loop3A_1246, %parallel_loop3A_1247 : i32
        %parallel_loop3A_1265 = arith.constant 0 : i32
        %parallel_loop3A_1266 = arith.cmpi ne, %parallel_loop3A_1264, %parallel_loop3A_1265 : i32
        %parallel_loop3A_1267 = arith.andi %parallel_loop3A_1263, %parallel_loop3A_1266 : i1
        %parallel_loop3A_1268 = arith.constant 1 : i32
        %parallel_loop3A_1269 = arith.subi %parallel_loop3A_1248, %parallel_loop3A_1268 : i32
        %parallel_loop3A_1270 = arith.select %parallel_loop3A_1267, %parallel_loop3A_1269, %parallel_loop3A_1248 : i32
        %parallel_loop3A_1271 = arith.constant 16 : i32
        %parallel_loop3A_1272 = arith.muli %parallel_loop3A_1270, %parallel_loop3A_1271 : i32
        %parallel_loop3A_1273 = vector.broadcast %parallel_loop3A_1272 : i32 to vector<16xi32>
        %parallel_loop3A_1274 = arith.addi %parallel_loop3A_1273, %iota3A : vector<16xi32>
        %parallel_loop3A_1275 = arith.constant 16 : i32
        %parallel_loop3A_1276 = arith.constant 0 : i32
        %parallel_loop3A_1277 = arith.cmpi eq, %parallel_loop3A_1275, %parallel_loop3A_1276 : i32
        %parallel_loop3A_1278 = arith.constant 1 : i32
        %parallel_loop3A_1279 = arith.select %parallel_loop3A_1277, %parallel_loop3A_1278, %parallel_loop3A_1275 : i32
        %parallel_loop3A_1280 = arith.remsi %parallel_loop3A_1246, %parallel_loop3A_1279 : i32
        %parallel_loop3A_1281 = arith.constant 0 : i32
        %parallel_loop3A_1282 = arith.cmpi ne, %parallel_loop3A_1280, %parallel_loop3A_1281 : i32
        %parallel_loop3A_1283 = arith.constant 0 : i32
        %parallel_loop3A_1284 = arith.cmpi slt, %parallel_loop3A_1280, %parallel_loop3A_1283 : i32
        %parallel_loop3A_1285 = arith.constant 0 : i32
        %parallel_loop3A_1286 = arith.cmpi slt, %parallel_loop3A_1279, %parallel_loop3A_1285 : i32
        %parallel_loop3A_1287 = arith.xori %parallel_loop3A_1284, %parallel_loop3A_1286 : i1
        %parallel_loop3A_1288 = arith.andi %parallel_loop3A_1287, %parallel_loop3A_1282 : i1
        %parallel_loop3A_1289 = arith.addi %parallel_loop3A_1280, %parallel_loop3A_1279 : i32
        %parallel_loop3A_1290 = arith.select %parallel_loop3A_1288, %parallel_loop3A_1289, %parallel_loop3A_1280 : i32
        %parallel_loop3A_1291 = vector.broadcast %parallel_loop3A_1290 : i32 to vector<16xi32>
        %parallel_loop3A_1292 = arith.addi %parallel_loop3A_1291, %iota3A : vector<16xi32>
        %parallel_loop3A_1293 = arith.constant 16 : i32
        %parallel_loop3A_1294 = arith.constant 0 : i32
        %parallel_loop3A_1295 = arith.cmpi eq, %parallel_loop3A_1293, %parallel_loop3A_1294 : i32
        %parallel_loop3A_1296 = arith.constant 1 : i32
        %parallel_loop3A_1297 = arith.select %parallel_loop3A_1295, %parallel_loop3A_1296, %parallel_loop3A_1293 : i32
        %parallel_loop3A_1298 = vector.broadcast %parallel_loop3A_1297 : i32 to vector<16xi32>
        %parallel_loop3A_1299 = arith.remsi %parallel_loop3A_1292, %parallel_loop3A_1298 : vector<16xi32>
        %parallel_loop3A_1300 = arith.constant 0 : i32
        %parallel_loop3A_1301 = vector.broadcast %parallel_loop3A_1300 : i32 to vector<16xi32>
        %parallel_loop3A_1302 = arith.cmpi ne, %parallel_loop3A_1299, %parallel_loop3A_1301 : vector<16xi32>
        %parallel_loop3A_1303 = arith.constant 0 : i32
        %parallel_loop3A_1304 = vector.broadcast %parallel_loop3A_1303 : i32 to vector<16xi32>
        %parallel_loop3A_1305 = arith.cmpi slt, %parallel_loop3A_1299, %parallel_loop3A_1304 : vector<16xi32>
        %parallel_loop3A_1306 = arith.constant 0 : i32
        %parallel_loop3A_1307 = arith.cmpi slt, %parallel_loop3A_1297, %parallel_loop3A_1306 : i32
        %parallel_loop3A_1308 = vector.broadcast %parallel_loop3A_1307 : i1 to vector<16xi1>
        %parallel_loop3A_1309 = vector.broadcast %parallel_loop3A_1308 : vector<16xi1> to vector<16xi1>
        %parallel_loop3A_1310 = arith.xori %parallel_loop3A_1305, %parallel_loop3A_1309 : vector<16xi1>
        %parallel_loop3A_1311 = arith.andi %parallel_loop3A_1310, %parallel_loop3A_1302 : vector<16xi1>
        %parallel_loop3A_1312 = vector.broadcast %parallel_loop3A_1297 : i32 to vector<16xi32>
        %parallel_loop3A_1313 = arith.addi %parallel_loop3A_1299, %parallel_loop3A_1312 : vector<16xi32>
        %parallel_loop3A_1314 = arith.select %parallel_loop3A_1311, %parallel_loop3A_1313, %parallel_loop3A_1299 : vector<16xi1>, vector<16xi32>
        %parallel_loop3A_1315 = arith.constant 0 : i32
        %parallel_loop3A_1316 = vector.broadcast %parallel_loop3A_1315 : i32 to vector<16xi32>
        %parallel_loop3A_1317 = arith.addi %parallel_loop3A_1314, %parallel_loop3A_1316 : vector<16xi32>
        %parallel_loop3A_1318 = tpu.vector_load_idx %arg6[%parallel_loop3A_1274, %parallel_loop3A_1317] : memref<128x64xf32, #tpu.memory_space<vmem>>[vector<16xi32>, vector<16xi32>], vector<16xf32>,
        %parallel_loop3A_1319 = arith.constant 128 : i32
        %parallel_loop3A_1320 = vector.broadcast %parallel_loop3A_1319 : i32 to vector<16xi32>
        %parallel_loop3A_1321 = arith.muli %parallel_loop3A_1317, %parallel_loop3A_1320 : vector<16xi32>
        %parallel_loop3A_1322 = arith.addi %parallel_loop3A_1321, %parallel_loop3A_1274 : vector<16xi32>
        %parallel_loop3A_1323 = arith.constant 8.000000e+00 : f32
        %parallel_loop3A_1324 = vector.broadcast %parallel_loop3A_1323 : f32 to vector<16xf32>
        %parallel_loop3A_1325 = arith.mulf %parallel_loop3A_1318, %parallel_loop3A_1324 : vector<16xf32>
        tpu.vector_store_idx %arg8[%parallel_loop3A_1322], %parallel_loop3A_1325 : memref<8192xf32, #tpu.memory_space<vmem>>[vector<16xi32>], vector<16xf32>,
        %parallel_loop3A_1326 = arith.constant 16 : i32
        %parallel_loop3A_1327 = vector.broadcast %parallel_loop3A_1326 : i32 to vector<16xi32>
        %parallel_loop3A_1328 = arith.addi %parallel_loop3A_1314, %parallel_loop3A_1327 : vector<16xi32>
        %parallel_loop3A_1329 = tpu.vector_load_idx %arg6[%parallel_loop3A_1274, %parallel_loop3A_1328] : memref<128x64xf32, #tpu.memory_space<vmem>>[vector<16xi32>, vector<16xi32>], vector<16xf32>,
        %parallel_loop3A_1330 = arith.constant 128 : i32
        %parallel_loop3A_1331 = vector.broadcast %parallel_loop3A_1330 : i32 to vector<16xi32>
        %parallel_loop3A_1332 = arith.muli %parallel_loop3A_1328, %parallel_loop3A_1331 : vector<16xi32>
        %parallel_loop3A_1333 = arith.addi %parallel_loop3A_1332, %parallel_loop3A_1274 : vector<16xi32>
        %parallel_loop3A_1334 = arith.constant 8.000000e+00 : f32
        %parallel_loop3A_1335 = vector.broadcast %parallel_loop3A_1334 : f32 to vector<16xf32>
        %parallel_loop3A_1336 = arith.mulf %parallel_loop3A_1329, %parallel_loop3A_1335 : vector<16xf32>
        tpu.vector_store_idx %arg8[%parallel_loop3A_1333], %parallel_loop3A_1336 : memref<8192xf32, #tpu.memory_space<vmem>>[vector<16xi32>], vector<16xf32>,
        %parallel_loop3A_1337 = arith.constant 32 : i32
        %parallel_loop3A_1338 = vector.broadcast %parallel_loop3A_1337 : i32 to vector<16xi32>
        %parallel_loop3A_1339 = arith.addi %parallel_loop3A_1314, %parallel_loop3A_1338 : vector<16xi32>
        %parallel_loop3A_1340 = tpu.vector_load_idx %arg6[%parallel_loop3A_1274, %parallel_loop3A_1339] : memref<128x64xf32, #tpu.memory_space<vmem>>[vector<16xi32>, vector<16xi32>], vector<16xf32>,
        %parallel_loop3A_1341 = arith.constant 128 : i32
        %parallel_loop3A_1342 = vector.broadcast %parallel_loop3A_1341 : i32 to vector<16xi32>
        %parallel_loop3A_1343 = arith.muli %parallel_loop3A_1339, %parallel_loop3A_1342 : vector<16xi32>
        %parallel_loop3A_1344 = arith.addi %parallel_loop3A_1343, %parallel_loop3A_1274 : vector<16xi32>
        %parallel_loop3A_1345 = arith.constant 8.000000e+00 : f32
        %parallel_loop3A_1346 = vector.broadcast %parallel_loop3A_1345 : f32 to vector<16xf32>
        %parallel_loop3A_1347 = arith.mulf %parallel_loop3A_1340, %parallel_loop3A_1346 : vector<16xf32>
        tpu.vector_store_idx %arg8[%parallel_loop3A_1344], %parallel_loop3A_1347 : memref<8192xf32, #tpu.memory_space<vmem>>[vector<16xi32>], vector<16xf32>,
        %parallel_loop3A_1348 = arith.constant 48 : i32
        %parallel_loop3A_1349 = vector.broadcast %parallel_loop3A_1348 : i32 to vector<16xi32>
        %parallel_loop3A_1350 = arith.addi %parallel_loop3A_1314, %parallel_loop3A_1349 : vector<16xi32>
        %parallel_loop3A_1351 = tpu.vector_load_idx %arg6[%parallel_loop3A_1274, %parallel_loop3A_1350] : memref<128x64xf32, #tpu.memory_space<vmem>>[vector<16xi32>, vector<16xi32>], vector<16xf32>,
        %parallel_loop3A_1352 = arith.constant 128 : i32
        %parallel_loop3A_1353 = vector.broadcast %parallel_loop3A_1352 : i32 to vector<16xi32>
        %parallel_loop3A_1354 = arith.muli %parallel_loop3A_1350, %parallel_loop3A_1353 : vector<16xi32>
        %parallel_loop3A_1355 = arith.addi %parallel_loop3A_1354, %parallel_loop3A_1274 : vector<16xi32>
        %parallel_loop3A_1356 = arith.constant 8.000000e+00 : f32
        %parallel_loop3A_1357 = vector.broadcast %parallel_loop3A_1356 : f32 to vector<16xf32>
        %parallel_loop3A_1358 = arith.mulf %parallel_loop3A_1351, %parallel_loop3A_1357 : vector<16xf32>
        tpu.vector_store_idx %arg8[%parallel_loop3A_1355], %parallel_loop3A_1358 : memref<8192xf32, #tpu.memory_space<vmem>>[vector<16xi32>], vector<16xf32>,
      } {sc.loop_unroll_factor = 4 : i64, sc.parallel_access}
      %dma_start3A_947 = arith.constant 0 : i32
      %dma_start3A_948 = arith.constant 0 : i32
      %dma_start3A_949 = tpu.memref_slice %arg8[%dma_start3A_948] : memref<8192xf32, #tpu.memory_space<vmem>> -> memref<1024xf32, #tpu.memory_space<vmem>>
      %dma_start3A_950 = arith.constant 0 : i32
      %dma_start3A_951 = tpu.memref_slice %arg4[%add3A_841, %dma_start3A_947, %add3A, %dma_start3A_950] : memref<200x8x32x1024xf32, #tpu.memory_space<hbm>> -> memref<1x1x1x1024xf32, #tpu.memory_space<hbm>>
      %dma_start3A_952 = tpu.memref_squeeze %dma_start3A_951 : memref<1x1x1x1024xf32, #tpu.memory_space<hbm>> -> memref<1024xf32, #tpu.memory_space<hbm>>
      %dma_start3A_953 = arith.constant 0 : i32
      %dma_start3A_954 = tpu.memref_slice %arg4[%add3A_841, %dma_start3A_947, %add3A, %dma_start3A_953] : memref<200x8x32x1024xf32, #tpu.memory_space<hbm>> -> memref<1x1x1x1024xf32, #tpu.memory_space<hbm>>
      %dma_start3A_955 = tpu.memref_squeeze %dma_start3A_954 : memref<1x1x1x1024xf32, #tpu.memory_space<hbm>> -> memref<1024xf32, #tpu.memory_space<hbm>>
      %dma_start3A_956 = arith.constant 0 : i32
      %dma_start3A_957 = tpu.memref_slice %arg8[%dma_start3A_956] : memref<8192xf32, #tpu.memory_space<vmem>> -> memref<1024xf32, #tpu.memory_space<vmem>>
      tpu.enqueue_dma source(%dma_start3A_957 : memref<1024xf32, #tpu.memory_space<vmem>>) target(%dma_start3A_955 : memref<1024xf32, #tpu.memory_space<hbm>>) target_semaphore(%arg12 : memref<!tpu.dma_semaphore, #tpu.memory_space<semaphore_mem>>)
      %dma_start3A_958 = arith.constant 1 : i32
      %dma_start3A_959 = arith.constant 1024 : i32
      %dma_start3A_960 = tpu.memref_slice %arg8[%dma_start3A_959] : memref<8192xf32, #tpu.memory_space<vmem>> -> memref<1024xf32, #tpu.memory_space<vmem>>
      %dma_start3A_961 = arith.constant 0 : i32
      %dma_start3A_962 = tpu.memref_slice %arg4[%add3A_841, %dma_start3A_958, %add3A, %dma_start3A_961] : memref<200x8x32x1024xf32, #tpu.memory_space<hbm>> -> memref<1x1x1x1024xf32, #tpu.memory_space<hbm>>
      %dma_start3A_963 = tpu.memref_squeeze %dma_start3A_962 : memref<1x1x1x1024xf32, #tpu.memory_space<hbm>> -> memref<1024xf32, #tpu.memory_space<hbm>>
      %dma_start3A_964 = arith.constant 0 : i32
      %dma_start3A_965 = tpu.memref_slice %arg4[%add3A_841, %dma_start3A_958, %add3A, %dma_start3A_964] : memref<200x8x32x1024xf32, #tpu.memory_space<hbm>> -> memref<1x1x1x1024xf32, #tpu.memory_space<hbm>>
      %dma_start3A_966 = tpu.memref_squeeze %dma_start3A_965 : memref<1x1x1x1024xf32, #tpu.memory_space<hbm>> -> memref<1024xf32, #tpu.memory_space<hbm>>
      %dma_start3A_967 = arith.constant 1024 : i32
      %dma_start3A_968 = tpu.memref_slice %arg8[%dma_start3A_967] : memref<8192xf32, #tpu.memory_space<vmem>> -> memref<1024xf32, #tpu.memory_space<vmem>>
      tpu.enqueue_dma source(%dma_start3A_968 : memref<1024xf32, #tpu.memory_space<vmem>>) target(%dma_start3A_966 : memref<1024xf32, #tpu.memory_space<hbm>>) target_semaphore(%arg12 : memref<!tpu.dma_semaphore, #tpu.memory_space<semaphore_mem>>)
      %dma_start3A_969 = arith.constant 2 : i32
      %dma_start3A_970 = arith.constant 2048 : i32
      %dma_start3A_971 = tpu.memref_slice %arg8[%dma_start3A_970] : memref<8192xf32, #tpu.memory_space<vmem>> -> memref<1024xf32, #tpu.memory_space<vmem>>
      %dma_start3A_972 = arith.constant 0 : i32
      %dma_start3A_973 = tpu.memref_slice %arg4[%add3A_841, %dma_start3A_969, %add3A, %dma_start3A_972] : memref<200x8x32x1024xf32, #tpu.memory_space<hbm>> -> memref<1x1x1x1024xf32, #tpu.memory_space<hbm>>
      %dma_start3A_974 = tpu.memref_squeeze %dma_start3A_973 : memref<1x1x1x1024xf32, #tpu.memory_space<hbm>> -> memref<1024xf32, #tpu.memory_space<hbm>>
      %dma_start3A_975 = arith.constant 0 : i32
      %dma_start3A_976 = tpu.memref_slice %arg4[%add3A_841, %dma_start3A_969, %add3A, %dma_start3A_975] : memref<200x8x32x1024xf32, #tpu.memory_space<hbm>> -> memref<1x1x1x1024xf32, #tpu.memory_space<hbm>>
      %dma_start3A_977 = tpu.memref_squeeze %dma_start3A_976 : memref<1x1x1x1024xf32, #tpu.memory_space<hbm>> -> memref<1024xf32, #tpu.memory_space<hbm>>
      %dma_start3A_978 = arith.constant 2048 : i32
      %dma_start3A_979 = tpu.memref_slice %arg8[%dma_start3A_978] : memref<8192xf32, #tpu.memory_space<vmem>> -> memref<1024xf32, #tpu.memory_space<vmem>>
      tpu.enqueue_dma source(%dma_start3A_979 : memref<1024xf32, #tpu.memory_space<vmem>>) target(%dma_start3A_977 : memref<1024xf32, #tpu.memory_space<hbm>>) target_semaphore(%arg12 : memref<!tpu.dma_semaphore, #tpu.memory_space<semaphore_mem>>)
      %dma_start3A_980 = arith.constant 3 : i32
      %dma_start3A_981 = arith.constant 3072 : i32
      %dma_start3A_982 = tpu.memref_slice %arg8[%dma_start3A_981] : memref<8192xf32, #tpu.memory_space<vmem>> -> memref<1024xf32, #tpu.memory_space<vmem>>
      %dma_start3A_983 = arith.constant 0 : i32
      %dma_start3A_984 = tpu.memref_slice %arg4[%add3A_841, %dma_start3A_980, %add3A, %dma_start3A_983] : memref<200x8x32x1024xf32, #tpu.memory_space<hbm>> -> memref<1x1x1x1024xf32, #tpu.memory_space<hbm>>
      %dma_start3A_985 = tpu.memref_squeeze %dma_start3A_984 : memref<1x1x1x1024xf32, #tpu.memory_space<hbm>> -> memref<1024xf32, #tpu.memory_space<hbm>>
      %dma_start3A_986 = arith.constant 0 : i32
      %dma_start3A_987 = tpu.memref_slice %arg4[%add3A_841, %dma_start3A_980, %add3A, %dma_start3A_986] : memref<200x8x32x1024xf32, #tpu.memory_space<hbm>> -> memref<1x1x1x1024xf32, #tpu.memory_space<hbm>>
      %dma_start3A_988 = tpu.memref_squeeze %dma_start3A_987 : memref<1x1x1x1024xf32, #tpu.memory_space<hbm>> -> memref<1024xf32, #tpu.memory_space<hbm>>
      %dma_start3A_989 = arith.constant 3072 : i32
      %dma_start3A_990 = tpu.memref_slice %arg8[%dma_start3A_989] : memref<8192xf32, #tpu.memory_space<vmem>> -> memref<1024xf32, #tpu.memory_space<vmem>>
      tpu.enqueue_dma source(%dma_start3A_990 : memref<1024xf32, #tpu.memory_space<vmem>>) target(%dma_start3A_988 : memref<1024xf32, #tpu.memory_space<hbm>>) target_semaphore(%arg12 : memref<!tpu.dma_semaphore, #tpu.memory_space<semaphore_mem>>)
      %dma_start3A_991 = arith.constant 4 : i32
      %dma_start3A_992 = arith.constant 4096 : i32
      %dma_start3A_993 = tpu.memref_slice %arg8[%dma_start3A_992] : memref<8192xf32, #tpu.memory_space<vmem>> -> memref<1024xf32, #tpu.memory_space<vmem>>
      %dma_start3A_994 = arith.constant 0 : i32
      %dma_start3A_995 = tpu.memref_slice %arg4[%add3A_841, %dma_start3A_991, %add3A, %dma_start3A_994] : memref<200x8x32x1024xf32, #tpu.memory_space<hbm>> -> memref<1x1x1x1024xf32, #tpu.memory_space<hbm>>
      %dma_start3A_996 = tpu.memref_squeeze %dma_start3A_995 : memref<1x1x1x1024xf32, #tpu.memory_space<hbm>> -> memref<1024xf32, #tpu.memory_space<hbm>>
      %dma_start3A_997 = arith.constant 0 : i32
      %dma_start3A_998 = tpu.memref_slice %arg4[%add3A_841, %dma_start3A_991, %add3A, %dma_start3A_997] : memref<200x8x32x1024xf32, #tpu.memory_space<hbm>> -> memref<1x1x1x1024xf32, #tpu.memory_space<hbm>>
      %dma_start3A_999 = tpu.memref_squeeze %dma_start3A_998 : memref<1x1x1x1024xf32, #tpu.memory_space<hbm>> -> memref<1024xf32, #tpu.memory_space<hbm>>
      %dma_start3A_1000 = arith.constant 4096 : i32
      %dma_start3A_1001 = tpu.memref_slice %arg8[%dma_start3A_1000] : memref<8192xf32, #tpu.memory_space<vmem>> -> memref<1024xf32, #tpu.memory_space<vmem>>
      tpu.enqueue_dma source(%dma_start3A_1001 : memref<1024xf32, #tpu.memory_space<vmem>>) target(%dma_start3A_999 : memref<1024xf32, #tpu.memory_space<hbm>>) target_semaphore(%arg12 : memref<!tpu.dma_semaphore, #tpu.memory_space<semaphore_mem>>)
      %dma_start3A_1002 = arith.constant 5 : i32
      %dma_start3A_1003 = arith.constant 5120 : i32
      %dma_start3A_1004 = tpu.memref_slice %arg8[%dma_start3A_1003] : memref<8192xf32, #tpu.memory_space<vmem>> -> memref<1024xf32, #tpu.memory_space<vmem>>
      %dma_start3A_1005 = arith.constant 0 : i32
      %dma_start3A_1006 = tpu.memref_slice %arg4[%add3A_841, %dma_start3A_1002, %add3A, %dma_start3A_1005] : memref<200x8x32x1024xf32, #tpu.memory_space<hbm>> -> memref<1x1x1x1024xf32, #tpu.memory_space<hbm>>
      %dma_start3A_1007 = tpu.memref_squeeze %dma_start3A_1006 : memref<1x1x1x1024xf32, #tpu.memory_space<hbm>> -> memref<1024xf32, #tpu.memory_space<hbm>>
      %dma_start3A_1008 = arith.constant 0 : i32
      %dma_start3A_1009 = tpu.memref_slice %arg4[%add3A_841, %dma_start3A_1002, %add3A, %dma_start3A_1008] : memref<200x8x32x1024xf32, #tpu.memory_space<hbm>> -> memref<1x1x1x1024xf32, #tpu.memory_space<hbm>>
      %dma_start3A_1010 = tpu.memref_squeeze %dma_start3A_1009 : memref<1x1x1x1024xf32, #tpu.memory_space<hbm>> -> memref<1024xf32, #tpu.memory_space<hbm>>
      %dma_start3A_1011 = arith.constant 5120 : i32
      %dma_start3A_1012 = tpu.memref_slice %arg8[%dma_start3A_1011] : memref<8192xf32, #tpu.memory_space<vmem>> -> memref<1024xf32, #tpu.memory_space<vmem>>
      tpu.enqueue_dma source(%dma_start3A_1012 : memref<1024xf32, #tpu.memory_space<vmem>>) target(%dma_start3A_1010 : memref<1024xf32, #tpu.memory_space<hbm>>) target_semaphore(%arg12 : memref<!tpu.dma_semaphore, #tpu.memory_space<semaphore_mem>>)
      %dma_start3A_1013 = arith.constant 6 : i32
      %dma_start3A_1014 = arith.constant 6144 : i32
      %dma_start3A_1015 = tpu.memref_slice %arg8[%dma_start3A_1014] : memref<8192xf32, #tpu.memory_space<vmem>> -> memref<1024xf32, #tpu.memory_space<vmem>>
      %dma_start3A_1016 = arith.constant 0 : i32
      %dma_start3A_1017 = tpu.memref_slice %arg4[%add3A_841, %dma_start3A_1013, %add3A, %dma_start3A_1016] : memref<200x8x32x1024xf32, #tpu.memory_space<hbm>> -> memref<1x1x1x1024xf32, #tpu.memory_space<hbm>>
      %dma_start3A_1018 = tpu.memref_squeeze %dma_start3A_1017 : memref<1x1x1x1024xf32, #tpu.memory_space<hbm>> -> memref<1024xf32, #tpu.memory_space<hbm>>
      %dma_start3A_1019 = arith.constant 0 : i32
      %dma_start3A_1020 = tpu.memref_slice %arg4[%add3A_841, %dma_start3A_1013, %add3A, %dma_start3A_1019] : memref<200x8x32x1024xf32, #tpu.memory_space<hbm>> -> memref<1x1x1x1024xf32, #tpu.memory_space<hbm>>
      %dma_start3A_1021 = tpu.memref_squeeze %dma_start3A_1020 : memref<1x1x1x1024xf32, #tpu.memory_space<hbm>> -> memref<1024xf32, #tpu.memory_space<hbm>>
      %dma_start3A_1022 = arith.constant 6144 : i32
      %dma_start3A_1023 = tpu.memref_slice %arg8[%dma_start3A_1022] : memref<8192xf32, #tpu.memory_space<vmem>> -> memref<1024xf32, #tpu.memory_space<vmem>>
      tpu.enqueue_dma source(%dma_start3A_1023 : memref<1024xf32, #tpu.memory_space<vmem>>) target(%dma_start3A_1021 : memref<1024xf32, #tpu.memory_space<hbm>>) target_semaphore(%arg12 : memref<!tpu.dma_semaphore, #tpu.memory_space<semaphore_mem>>)
      %dma_start3A_1024 = arith.constant 7 : i32
      %dma_start3A_1025 = arith.constant 7168 : i32
      %dma_start3A_1026 = tpu.memref_slice %arg8[%dma_start3A_1025] : memref<8192xf32, #tpu.memory_space<vmem>> -> memref<1024xf32, #tpu.memory_space<vmem>>
      %dma_start3A_1027 = arith.constant 0 : i32
      %dma_start3A_1028 = tpu.memref_slice %arg4[%add3A_841, %dma_start3A_1024, %add3A, %dma_start3A_1027] : memref<200x8x32x1024xf32, #tpu.memory_space<hbm>> -> memref<1x1x1x1024xf32, #tpu.memory_space<hbm>>
      %dma_start3A_1029 = tpu.memref_squeeze %dma_start3A_1028 : memref<1x1x1x1024xf32, #tpu.memory_space<hbm>> -> memref<1024xf32, #tpu.memory_space<hbm>>
      %dma_start3A_1030 = arith.constant 0 : i32
      %dma_start3A_1031 = tpu.memref_slice %arg4[%add3A_841, %dma_start3A_1024, %add3A, %dma_start3A_1030] : memref<200x8x32x1024xf32, #tpu.memory_space<hbm>> -> memref<1x1x1x1024xf32, #tpu.memory_space<hbm>>
      %dma_start3A_1032 = tpu.memref_squeeze %dma_start3A_1031 : memref<1x1x1x1024xf32, #tpu.memory_space<hbm>> -> memref<1024xf32, #tpu.memory_space<hbm>>
      %dma_start3A_1033 = arith.constant 7168 : i32
      %dma_start3A_1034 = tpu.memref_slice %arg8[%dma_start3A_1033] : memref<8192xf32, #tpu.memory_space<vmem>> -> memref<1024xf32, #tpu.memory_space<vmem>>
      tpu.enqueue_dma source(%dma_start3A_1034 : memref<1024xf32, #tpu.memory_space<vmem>>) target(%dma_start3A_1032 : memref<1024xf32, #tpu.memory_space<hbm>>) target_semaphore(%arg12 : memref<!tpu.dma_semaphore, #tpu.memory_space<semaphore_mem>>)
      %add3A_1035 = arith.constant 2 : i32
      %add3A_1036 = arith.addi %add3A_841, %add3A_1035 : i32
      %dma_start3A_1037 = arith.constant 0 : i32
      %dma_start3A_1038 = tpu.memref_slice %arg5[%add3A_1036, %dma_start3A_1037] : memref<200x128xi32, #tpu.memory_space<vmem>> -> memref<1x128xi32, #tpu.memory_space<vmem>>
      %dma_start3A_1039 = tpu.memref_squeeze %dma_start3A_1038 : memref<1x128xi32, #tpu.memory_space<vmem>> -> memref<128xi32, #tpu.memory_space<vmem>>
      %dma_start3A_1040 = arith.constant 0 : i32
      %dma_start3A_1041 = arith.constant 0 : i32
      %dma_start3A_1042 = tpu.memref_slice %arg3[%dma_start3A_1040, %dma_start3A_1041] : memref<1000000x64xf32, #tpu.memory_space<hbm>> -> memref<1000000x64xf32, #tpu.memory_space<hbm>>
      tpu.enqueue_indirect_dma source(%dma_start3A_1042 : memref<1000000x64xf32, #tpu.memory_space<hbm>>) target(%arg6 : memref<128x64xf32, #tpu.memory_space<vmem>>) offsets(%dma_start3A_1039 : memref<128xi32, #tpu.memory_space<vmem>>) semaphore(%arg10 : memref<!tpu.dma_semaphore, #tpu.memory_space<semaphore_mem>>)
      %add3A_1043 = arith.constant 1 : i32
      %add3A_1044 = arith.addi %add3A_839, %add3A_1043 : i32
      %dma_wait3A_1045 = arith.constant 0 : i32
      %dma_wait3A_1046 = arith.constant 0 : i32
      %dma_wait3A_1047 = tpu.memref_slice %arg3[%dma_wait3A_1045, %dma_wait3A_1046] : memref<1000000x64xf32, #tpu.memory_space<hbm>> -> memref<128x64xf32, #tpu.memory_space<hbm>>
      %dma_wait3A_1048 = arith.constant 0 : i32
      %dma_wait3A_1049 = arith.constant 0 : i32
      %dma_wait3A_1050 = tpu.memref_slice %arg3[%dma_wait3A_1048, %dma_wait3A_1049] : memref<1000000x64xf32, #tpu.memory_space<hbm>> -> memref<128x64xf32, #tpu.memory_space<hbm>>
      tpu.wait_dma2 semaphore(%arg11 : memref<!tpu.dma_semaphore, #tpu.memory_space<semaphore_mem>>) src(%dma_wait3A_1050 : memref<128x64xf32, #tpu.memory_space<hbm>>) dst(%arg7 : memref<128x64xf32, #tpu.memory_space<vmem>>)
      %dma_wait3A_1051 = arith.constant 0 : i32
      %dma_wait3A_1052 = arith.constant 0 : i32
      %dma_wait3A_1053 = arith.constant 0 : i32
      %dma_wait3A_1054 = tpu.memref_slice %arg9[%dma_wait3A_1053] : memref<8192xf32, #tpu.memory_space<vmem>> -> memref<1024xf32, #tpu.memory_space<vmem>>
      %dma_wait3A_1055 = arith.constant 0 : i32
      %dma_wait3A_1056 = tpu.memref_slice %arg4[%dma_wait3A_1051, %dma_wait3A_1052, %add3A, %dma_wait3A_1055] : memref<200x8x32x1024xf32, #tpu.memory_space<hbm>> -> memref<1x1x1x1024xf32, #tpu.memory_space<hbm>>
      %dma_wait3A_1057 = tpu.memref_squeeze %dma_wait3A_1056 : memref<1x1x1x1024xf32, #tpu.memory_space<hbm>> -> memref<1024xf32, #tpu.memory_space<hbm>>
      %dma_wait3A_1058 = arith.constant 0 : i32
      %dma_wait3A_1059 = tpu.memref_slice %arg4[%dma_wait3A_1051, %dma_wait3A_1052, %add3A, %dma_wait3A_1058] : memref<200x8x32x1024xf32, #tpu.memory_space<hbm>> -> memref<1x1x1x1024xf32, #tpu.memory_space<hbm>>
      %dma_wait3A_1060 = tpu.memref_squeeze %dma_wait3A_1059 : memref<1x1x1x1024xf32, #tpu.memory_space<hbm>> -> memref<1024xf32, #tpu.memory_space<hbm>>
      %dma_wait3A_1061 = arith.constant 0 : i32
      %dma_wait3A_1062 = tpu.memref_slice %arg9[%dma_wait3A_1061] : memref<8192xf32, #tpu.memory_space<vmem>> -> memref<1024xf32, #tpu.memory_space<vmem>>
      tpu.wait_dma2 semaphore(%arg13 : memref<!tpu.dma_semaphore, #tpu.memory_space<semaphore_mem>>) src(%dma_wait3A_1062 : memref<1024xf32, #tpu.memory_space<vmem>>) dst(%dma_wait3A_1060 : memref<1024xf32, #tpu.memory_space<hbm>>)
      %dma_wait3A_1063 = arith.constant 0 : i32
      %dma_wait3A_1064 = arith.constant 1 : i32
      %dma_wait3A_1065 = arith.constant 1024 : i32
      %dma_wait3A_1066 = tpu.memref_slice %arg9[%dma_wait3A_1065] : memref<8192xf32, #tpu.memory_space<vmem>> -> memref<1024xf32, #tpu.memory_space<vmem>>
      %dma_wait3A_1067 = arith.constant 0 : i32
      %dma_wait3A_1068 = tpu.memref_slice %arg4[%dma_wait3A_1063, %dma_wait3A_1064, %add3A, %dma_wait3A_1067] : memref<200x8x32x1024xf32, #tpu.memory_space<hbm>> -> memref<1x1x1x1024xf32, #tpu.memory_space<hbm>>
      %dma_wait3A_1069 = tpu.memref_squeeze %dma_wait3A_1068 : memref<1x1x1x1024xf32, #tpu.memory_space<hbm>> -> memref<1024xf32, #tpu.memory_space<hbm>>
      %dma_wait3A_1070 = arith.constant 0 : i32
      %dma_wait3A_1071 = tpu.memref_slice %arg4[%dma_wait3A_1063, %dma_wait3A_1064, %add3A, %dma_wait3A_1070] : memref<200x8x32x1024xf32, #tpu.memory_space<hbm>> -> memref<1x1x1x1024xf32, #tpu.memory_space<hbm>>
      %dma_wait3A_1072 = tpu.memref_squeeze %dma_wait3A_1071 : memref<1x1x1x1024xf32, #tpu.memory_space<hbm>> -> memref<1024xf32, #tpu.memory_space<hbm>>
      %dma_wait3A_1073 = arith.constant 1024 : i32
      %dma_wait3A_1074 = tpu.memref_slice %arg9[%dma_wait3A_1073] : memref<8192xf32, #tpu.memory_space<vmem>> -> memref<1024xf32, #tpu.memory_space<vmem>>
      tpu.wait_dma2 semaphore(%arg13 : memref<!tpu.dma_semaphore, #tpu.memory_space<semaphore_mem>>) src(%dma_wait3A_1074 : memref<1024xf32, #tpu.memory_space<vmem>>) dst(%dma_wait3A_1072 : memref<1024xf32, #tpu.memory_space<hbm>>)
      %dma_wait3A_1075 = arith.constant 0 : i32
      %dma_wait3A_1076 = arith.constant 2 : i32
      %dma_wait3A_1077 = arith.constant 2048 : i32
      %dma_wait3A_1078 = tpu.memref_slice %arg9[%dma_wait3A_1077] : memref<8192xf32, #tpu.memory_space<vmem>> -> memref<1024xf32, #tpu.memory_space<vmem>>
      %dma_wait3A_1079 = arith.constant 0 : i32
      %dma_wait3A_1080 = tpu.memref_slice %arg4[%dma_wait3A_1075, %dma_wait3A_1076, %add3A, %dma_wait3A_1079] : memref<200x8x32x1024xf32, #tpu.memory_space<hbm>> -> memref<1x1x1x1024xf32, #tpu.memory_space<hbm>>
      %dma_wait3A_1081 = tpu.memref_squeeze %dma_wait3A_1080 : memref<1x1x1x1024xf32, #tpu.memory_space<hbm>> -> memref<1024xf32, #tpu.memory_space<hbm>>
      %dma_wait3A_1082 = arith.constant 0 : i32
      %dma_wait3A_1083 = tpu.memref_slice %arg4[%dma_wait3A_1075, %dma_wait3A_1076, %add3A, %dma_wait3A_1082] : memref<200x8x32x1024xf32, #tpu.memory_space<hbm>> -> memref<1x1x1x1024xf32, #tpu.memory_space<hbm>>
      %dma_wait3A_1084 = tpu.memref_squeeze %dma_wait3A_1083 : memref<1x1x1x1024xf32, #tpu.memory_space<hbm>> -> memref<1024xf32, #tpu.memory_space<hbm>>
      %dma_wait3A_1085 = arith.constant 2048 : i32
      %dma_wait3A_1086 = tpu.memref_slice %arg9[%dma_wait3A_1085] : memref<8192xf32, #tpu.memory_space<vmem>> -> memref<1024xf32, #tpu.memory_space<vmem>>
      tpu.wait_dma2 semaphore(%arg13 : memref<!tpu.dma_semaphore, #tpu.memory_space<semaphore_mem>>) src(%dma_wait3A_1086 : memref<1024xf32, #tpu.memory_space<vmem>>) dst(%dma_wait3A_1084 : memref<1024xf32, #tpu.memory_space<hbm>>)
      %dma_wait3A_1087 = arith.constant 0 : i32
      %dma_wait3A_1088 = arith.constant 3 : i32
      %dma_wait3A_1089 = arith.constant 3072 : i32
      %dma_wait3A_1090 = tpu.memref_slice %arg9[%dma_wait3A_1089] : memref<8192xf32, #tpu.memory_space<vmem>> -> memref<1024xf32, #tpu.memory_space<vmem>>
      %dma_wait3A_1091 = arith.constant 0 : i32
      %dma_wait3A_1092 = tpu.memref_slice %arg4[%dma_wait3A_1087, %dma_wait3A_1088, %add3A, %dma_wait3A_1091] : memref<200x8x32x1024xf32, #tpu.memory_space<hbm>> -> memref<1x1x1x1024xf32, #tpu.memory_space<hbm>>
      %dma_wait3A_1093 = tpu.memref_squeeze %dma_wait3A_1092 : memref<1x1x1x1024xf32, #tpu.memory_space<hbm>> -> memref<1024xf32, #tpu.memory_space<hbm>>
      %dma_wait3A_1094 = arith.constant 0 : i32
      %dma_wait3A_1095 = tpu.memref_slice %arg4[%dma_wait3A_1087, %dma_wait3A_1088, %add3A, %dma_wait3A_1094] : memref<200x8x32x1024xf32, #tpu.memory_space<hbm>> -> memref<1x1x1x1024xf32, #tpu.memory_space<hbm>>
      %dma_wait3A_1096 = tpu.memref_squeeze %dma_wait3A_1095 : memref<1x1x1x1024xf32, #tpu.memory_space<hbm>> -> memref<1024xf32, #tpu.memory_space<hbm>>
      %dma_wait3A_1097 = arith.constant 3072 : i32
      %dma_wait3A_1098 = tpu.memref_slice %arg9[%dma_wait3A_1097] : memref<8192xf32, #tpu.memory_space<vmem>> -> memref<1024xf32, #tpu.memory_space<vmem>>
      tpu.wait_dma2 semaphore(%arg13 : memref<!tpu.dma_semaphore, #tpu.memory_space<semaphore_mem>>) src(%dma_wait3A_1098 : memref<1024xf32, #tpu.memory_space<vmem>>) dst(%dma_wait3A_1096 : memref<1024xf32, #tpu.memory_space<hbm>>)
      %dma_wait3A_1099 = arith.constant 0 : i32
      %dma_wait3A_1100 = arith.constant 4 : i32
      %dma_wait3A_1101 = arith.constant 4096 : i32
      %dma_wait3A_1102 = tpu.memref_slice %arg9[%dma_wait3A_1101] : memref<8192xf32, #tpu.memory_space<vmem>> -> memref<1024xf32, #tpu.memory_space<vmem>>
      %dma_wait3A_1103 = arith.constant 0 : i32
      %dma_wait3A_1104 = tpu.memref_slice %arg4[%dma_wait3A_1099, %dma_wait3A_1100, %add3A, %dma_wait3A_1103] : memref<200x8x32x1024xf32, #tpu.memory_space<hbm>> -> memref<1x1x1x1024xf32, #tpu.memory_space<hbm>>
      %dma_wait3A_1105 = tpu.memref_squeeze %dma_wait3A_1104 : memref<1x1x1x1024xf32, #tpu.memory_space<hbm>> -> memref<1024xf32, #tpu.memory_space<hbm>>
      %dma_wait3A_1106 = arith.constant 0 : i32
      %dma_wait3A_1107 = tpu.memref_slice %arg4[%dma_wait3A_1099, %dma_wait3A_1100, %add3A, %dma_wait3A_1106] : memref<200x8x32x1024xf32, #tpu.memory_space<hbm>> -> memref<1x1x1x1024xf32, #tpu.memory_space<hbm>>
      %dma_wait3A_1108 = tpu.memref_squeeze %dma_wait3A_1107 : memref<1x1x1x1024xf32, #tpu.memory_space<hbm>> -> memref<1024xf32, #tpu.memory_space<hbm>>
      %dma_wait3A_1109 = arith.constant 4096 : i32
      %dma_wait3A_1110 = tpu.memref_slice %arg9[%dma_wait3A_1109] : memref<8192xf32, #tpu.memory_space<vmem>> -> memref<1024xf32, #tpu.memory_space<vmem>>
      tpu.wait_dma2 semaphore(%arg13 : memref<!tpu.dma_semaphore, #tpu.memory_space<semaphore_mem>>) src(%dma_wait3A_1110 : memref<1024xf32, #tpu.memory_space<vmem>>) dst(%dma_wait3A_1108 : memref<1024xf32, #tpu.memory_space<hbm>>)
      %dma_wait3A_1111 = arith.constant 0 : i32
      %dma_wait3A_1112 = arith.constant 5 : i32
      %dma_wait3A_1113 = arith.constant 5120 : i32
      %dma_wait3A_1114 = tpu.memref_slice %arg9[%dma_wait3A_1113] : memref<8192xf32, #tpu.memory_space<vmem>> -> memref<1024xf32, #tpu.memory_space<vmem>>
      %dma_wait3A_1115 = arith.constant 0 : i32
      %dma_wait3A_1116 = tpu.memref_slice %arg4[%dma_wait3A_1111, %dma_wait3A_1112, %add3A, %dma_wait3A_1115] : memref<200x8x32x1024xf32, #tpu.memory_space<hbm>> -> memref<1x1x1x1024xf32, #tpu.memory_space<hbm>>
      %dma_wait3A_1117 = tpu.memref_squeeze %dma_wait3A_1116 : memref<1x1x1x1024xf32, #tpu.memory_space<hbm>> -> memref<1024xf32, #tpu.memory_space<hbm>>
      %dma_wait3A_1118 = arith.constant 0 : i32
      %dma_wait3A_1119 = tpu.memref_slice %arg4[%dma_wait3A_1111, %dma_wait3A_1112, %add3A, %dma_wait3A_1118] : memref<200x8x32x1024xf32, #tpu.memory_space<hbm>> -> memref<1x1x1x1024xf32, #tpu.memory_space<hbm>>
      %dma_wait3A_1120 = tpu.memref_squeeze %dma_wait3A_1119 : memref<1x1x1x1024xf32, #tpu.memory_space<hbm>> -> memref<1024xf32, #tpu.memory_space<hbm>>
      %dma_wait3A_1121 = arith.constant 5120 : i32
      %dma_wait3A_1122 = tpu.memref_slice %arg9[%dma_wait3A_1121] : memref<8192xf32, #tpu.memory_space<vmem>> -> memref<1024xf32, #tpu.memory_space<vmem>>
      tpu.wait_dma2 semaphore(%arg13 : memref<!tpu.dma_semaphore, #tpu.memory_space<semaphore_mem>>) src(%dma_wait3A_1122 : memref<1024xf32, #tpu.memory_space<vmem>>) dst(%dma_wait3A_1120 : memref<1024xf32, #tpu.memory_space<hbm>>)
      %dma_wait3A_1123 = arith.constant 0 : i32
      %dma_wait3A_1124 = arith.constant 6 : i32
      %dma_wait3A_1125 = arith.constant 6144 : i32
      %dma_wait3A_1126 = tpu.memref_slice %arg9[%dma_wait3A_1125] : memref<8192xf32, #tpu.memory_space<vmem>> -> memref<1024xf32, #tpu.memory_space<vmem>>
      %dma_wait3A_1127 = arith.constant 0 : i32
      %dma_wait3A_1128 = tpu.memref_slice %arg4[%dma_wait3A_1123, %dma_wait3A_1124, %add3A, %dma_wait3A_1127] : memref<200x8x32x1024xf32, #tpu.memory_space<hbm>> -> memref<1x1x1x1024xf32, #tpu.memory_space<hbm>>
      %dma_wait3A_1129 = tpu.memref_squeeze %dma_wait3A_1128 : memref<1x1x1x1024xf32, #tpu.memory_space<hbm>> -> memref<1024xf32, #tpu.memory_space<hbm>>
      %dma_wait3A_1130 = arith.constant 0 : i32
      %dma_wait3A_1131 = tpu.memref_slice %arg4[%dma_wait3A_1123, %dma_wait3A_1124, %add3A, %dma_wait3A_1130] : memref<200x8x32x1024xf32, #tpu.memory_space<hbm>> -> memref<1x1x1x1024xf32, #tpu.memory_space<hbm>>
      %dma_wait3A_1132 = tpu.memref_squeeze %dma_wait3A_1131 : memref<1x1x1x1024xf32, #tpu.memory_space<hbm>> -> memref<1024xf32, #tpu.memory_space<hbm>>
      %dma_wait3A_1133 = arith.constant 6144 : i32
      %dma_wait3A_1134 = tpu.memref_slice %arg9[%dma_wait3A_1133] : memref<8192xf32, #tpu.memory_space<vmem>> -> memref<1024xf32, #tpu.memory_space<vmem>>
      tpu.wait_dma2 semaphore(%arg13 : memref<!tpu.dma_semaphore, #tpu.memory_space<semaphore_mem>>) src(%dma_wait3A_1134 : memref<1024xf32, #tpu.memory_space<vmem>>) dst(%dma_wait3A_1132 : memref<1024xf32, #tpu.memory_space<hbm>>)
      %dma_wait3A_1135 = arith.constant 0 : i32
      %dma_wait3A_1136 = arith.constant 7 : i32
      %dma_wait3A_1137 = arith.constant 7168 : i32
      %dma_wait3A_1138 = tpu.memref_slice %arg9[%dma_wait3A_1137] : memref<8192xf32, #tpu.memory_space<vmem>> -> memref<1024xf32, #tpu.memory_space<vmem>>
      %dma_wait3A_1139 = arith.constant 0 : i32
      %dma_wait3A_1140 = tpu.memref_slice %arg4[%dma_wait3A_1135, %dma_wait3A_1136, %add3A, %dma_wait3A_1139] : memref<200x8x32x1024xf32, #tpu.memory_space<hbm>> -> memref<1x1x1x1024xf32, #tpu.memory_space<hbm>>
      %dma_wait3A_1141 = tpu.memref_squeeze %dma_wait3A_1140 : memref<1x1x1x1024xf32, #tpu.memory_space<hbm>> -> memref<1024xf32, #tpu.memory_space<hbm>>
      %dma_wait3A_1142 = arith.constant 0 : i32
      %dma_wait3A_1143 = tpu.memref_slice %arg4[%dma_wait3A_1135, %dma_wait3A_1136, %add3A, %dma_wait3A_1142] : memref<200x8x32x1024xf32, #tpu.memory_space<hbm>> -> memref<1x1x1x1024xf32, #tpu.memory_space<hbm>>
      %dma_wait3A_1144 = tpu.memref_squeeze %dma_wait3A_1143 : memref<1x1x1x1024xf32, #tpu.memory_space<hbm>> -> memref<1024xf32, #tpu.memory_space<hbm>>
      %dma_wait3A_1145 = arith.constant 7168 : i32
      %dma_wait3A_1146 = tpu.memref_slice %arg9[%dma_wait3A_1145] : memref<8192xf32, #tpu.memory_space<vmem>> -> memref<1024xf32, #tpu.memory_space<vmem>>
      tpu.wait_dma2 semaphore(%arg13 : memref<!tpu.dma_semaphore, #tpu.memory_space<semaphore_mem>>) src(%dma_wait3A_1146 : memref<1024xf32, #tpu.memory_space<vmem>>) dst(%dma_wait3A_1144 : memref<1024xf32, #tpu.memory_space<hbm>>)
      %parallel_loop3A_1147 = arith.constant 0 : i32
      %parallel_loop3A_1148 = arith.constant 128 : i32
      %parallel_loop3A_1149 = arith.constant 1 : i32
      scf.for %parallel_loop3A_1246 = %parallel_loop3A_1147 to %parallel_loop3A_1148 step %parallel_loop3A_1149  : i32 {
        %parallel_loop3A_1247 = arith.constant 16 : i32
        %parallel_loop3A_1248 = arith.divsi %parallel_loop3A_1246, %parallel_loop3A_1247 : i32
        %parallel_loop3A_1249 = arith.constant 0 : i32
        %parallel_loop3A_1250 = arith.cmpi sgt, %parallel_loop3A_1246, %parallel_loop3A_1249 : i32
        %parallel_loop3A_1251 = arith.extui %parallel_loop3A_1250 : i1 to i32
        %parallel_loop3A_1252 = arith.constant 0 : i32
        %parallel_loop3A_1253 = arith.cmpi slt, %parallel_loop3A_1246, %parallel_loop3A_1252 : i32
        %parallel_loop3A_1254 = arith.extui %parallel_loop3A_1253 : i1 to i32
        %parallel_loop3A_1255 = arith.subi %parallel_loop3A_1251, %parallel_loop3A_1254 : i32
        %parallel_loop3A_1256 = arith.constant 0 : i32
        %parallel_loop3A_1257 = arith.cmpi sgt, %parallel_loop3A_1247, %parallel_loop3A_1256 : i32
        %parallel_loop3A_1258 = arith.extui %parallel_loop3A_1257 : i1 to i32
        %parallel_loop3A_1259 = arith.constant 0 : i32
        %parallel_loop3A_1260 = arith.cmpi slt, %parallel_loop3A_1247, %parallel_loop3A_1259 : i32
        %parallel_loop3A_1261 = arith.extui %parallel_loop3A_1260 : i1 to i32
        %parallel_loop3A_1262 = arith.subi %parallel_loop3A_1258, %parallel_loop3A_1261 : i32
        %parallel_loop3A_1263 = arith.cmpi ne, %parallel_loop3A_1255, %parallel_loop3A_1262 : i32
        %parallel_loop3A_1264 = arith.remsi %parallel_loop3A_1246, %parallel_loop3A_1247 : i32
        %parallel_loop3A_1265 = arith.constant 0 : i32
        %parallel_loop3A_1266 = arith.cmpi ne, %parallel_loop3A_1264, %parallel_loop3A_1265 : i32
        %parallel_loop3A_1267 = arith.andi %parallel_loop3A_1263, %parallel_loop3A_1266 : i1
        %parallel_loop3A_1268 = arith.constant 1 : i32
        %parallel_loop3A_1269 = arith.subi %parallel_loop3A_1248, %parallel_loop3A_1268 : i32
        %parallel_loop3A_1270 = arith.select %parallel_loop3A_1267, %parallel_loop3A_1269, %parallel_loop3A_1248 : i32
        %parallel_loop3A_1271 = arith.constant 16 : i32
        %parallel_loop3A_1272 = arith.muli %parallel_loop3A_1270, %parallel_loop3A_1271 : i32
        %parallel_loop3A_1273 = vector.broadcast %parallel_loop3A_1272 : i32 to vector<16xi32>
        %parallel_loop3A_1274 = arith.addi %parallel_loop3A_1273, %iota3A : vector<16xi32>
        %parallel_loop3A_1275 = arith.constant 16 : i32
        %parallel_loop3A_1276 = arith.constant 0 : i32
        %parallel_loop3A_1277 = arith.cmpi eq, %parallel_loop3A_1275, %parallel_loop3A_1276 : i32
        %parallel_loop3A_1278 = arith.constant 1 : i32
        %parallel_loop3A_1279 = arith.select %parallel_loop3A_1277, %parallel_loop3A_1278, %parallel_loop3A_1275 : i32
        %parallel_loop3A_1280 = arith.remsi %parallel_loop3A_1246, %parallel_loop3A_1279 : i32
        %parallel_loop3A_1281 = arith.constant 0 : i32
        %parallel_loop3A_1282 = arith.cmpi ne, %parallel_loop3A_1280, %parallel_loop3A_1281 : i32
        %parallel_loop3A_1283 = arith.constant 0 : i32
        %parallel_loop3A_1284 = arith.cmpi slt, %parallel_loop3A_1280, %parallel_loop3A_1283 : i32
        %parallel_loop3A_1285 = arith.constant 0 : i32
        %parallel_loop3A_1286 = arith.cmpi slt, %parallel_loop3A_1279, %parallel_loop3A_1285 : i32
        %parallel_loop3A_1287 = arith.xori %parallel_loop3A_1284, %parallel_loop3A_1286 : i1
        %parallel_loop3A_1288 = arith.andi %parallel_loop3A_1287, %parallel_loop3A_1282 : i1
        %parallel_loop3A_1289 = arith.addi %parallel_loop3A_1280, %parallel_loop3A_1279 : i32
        %parallel_loop3A_1290 = arith.select %parallel_loop3A_1288, %parallel_loop3A_1289, %parallel_loop3A_1280 : i32
        %parallel_loop3A_1291 = vector.broadcast %parallel_loop3A_1290 : i32 to vector<16xi32>
        %parallel_loop3A_1292 = arith.addi %parallel_loop3A_1291, %iota3A : vector<16xi32>
        %parallel_loop3A_1293 = arith.constant 16 : i32
        %parallel_loop3A_1294 = arith.constant 0 : i32
        %parallel_loop3A_1295 = arith.cmpi eq, %parallel_loop3A_1293, %parallel_loop3A_1294 : i32
        %parallel_loop3A_1296 = arith.constant 1 : i32
        %parallel_loop3A_1297 = arith.select %parallel_loop3A_1295, %parallel_loop3A_1296, %parallel_loop3A_1293 : i32
        %parallel_loop3A_1298 = vector.broadcast %parallel_loop3A_1297 : i32 to vector<16xi32>
        %parallel_loop3A_1299 = arith.remsi %parallel_loop3A_1292, %parallel_loop3A_1298 : vector<16xi32>
        %parallel_loop3A_1300 = arith.constant 0 : i32
        %parallel_loop3A_1301 = vector.broadcast %parallel_loop3A_1300 : i32 to vector<16xi32>
        %parallel_loop3A_1302 = arith.cmpi ne, %parallel_loop3A_1299, %parallel_loop3A_1301 : vector<16xi32>
        %parallel_loop3A_1303 = arith.constant 0 : i32
        %parallel_loop3A_1304 = vector.broadcast %parallel_loop3A_1303 : i32 to vector<16xi32>
        %parallel_loop3A_1305 = arith.cmpi slt, %parallel_loop3A_1299, %parallel_loop3A_1304 : vector<16xi32>
        %parallel_loop3A_1306 = arith.constant 0 : i32
        %parallel_loop3A_1307 = arith.cmpi slt, %parallel_loop3A_1297, %parallel_loop3A_1306 : i32
        %parallel_loop3A_1308 = vector.broadcast %parallel_loop3A_1307 : i1 to vector<16xi1>
        %parallel_loop3A_1309 = vector.broadcast %parallel_loop3A_1308 : vector<16xi1> to vector<16xi1>
        %parallel_loop3A_1310 = arith.xori %parallel_loop3A_1305, %parallel_loop3A_1309 : vector<16xi1>
        %parallel_loop3A_1311 = arith.andi %parallel_loop3A_1310, %parallel_loop3A_1302 : vector<16xi1>
        %parallel_loop3A_1312 = vector.broadcast %parallel_loop3A_1297 : i32 to vector<16xi32>
        %parallel_loop3A_1313 = arith.addi %parallel_loop3A_1299, %parallel_loop3A_1312 : vector<16xi32>
        %parallel_loop3A_1314 = arith.select %parallel_loop3A_1311, %parallel_loop3A_1313, %parallel_loop3A_1299 : vector<16xi1>, vector<16xi32>
        %parallel_loop3A_1315 = arith.constant 0 : i32
        %parallel_loop3A_1316 = vector.broadcast %parallel_loop3A_1315 : i32 to vector<16xi32>
        %parallel_loop3A_1317 = arith.addi %parallel_loop3A_1314, %parallel_loop3A_1316 : vector<16xi32>
        %parallel_loop3A_1318 = tpu.vector_load_idx %arg7[%parallel_loop3A_1274, %parallel_loop3A_1317] : memref<128x64xf32, #tpu.memory_space<vmem>>[vector<16xi32>, vector<16xi32>], vector<16xf32>,
        %parallel_loop3A_1319 = arith.constant 128 : i32
        %parallel_loop3A_1320 = vector.broadcast %parallel_loop3A_1319 : i32 to vector<16xi32>
        %parallel_loop3A_1321 = arith.muli %parallel_loop3A_1317, %parallel_loop3A_1320 : vector<16xi32>
        %parallel_loop3A_1322 = arith.addi %parallel_loop3A_1321, %parallel_loop3A_1274 : vector<16xi32>
        %parallel_loop3A_1323 = arith.constant 8.000000e+00 : f32
        %parallel_loop3A_1324 = vector.broadcast %parallel_loop3A_1323 : f32 to vector<16xf32>
        %parallel_loop3A_1325 = arith.mulf %parallel_loop3A_1318, %parallel_loop3A_1324 : vector<16xf32>
        tpu.vector_store_idx %arg9[%parallel_loop3A_1322], %parallel_loop3A_1325 : memref<8192xf32, #tpu.memory_space<vmem>>[vector<16xi32>], vector<16xf32>,
        %parallel_loop3A_1326 = arith.constant 16 : i32
        %parallel_loop3A_1327 = vector.broadcast %parallel_loop3A_1326 : i32 to vector<16xi32>
        %parallel_loop3A_1328 = arith.addi %parallel_loop3A_1314, %parallel_loop3A_1327 : vector<16xi32>
        %parallel_loop3A_1329 = tpu.vector_load_idx %arg7[%parallel_loop3A_1274, %parallel_loop3A_1328] : memref<128x64xf32, #tpu.memory_space<vmem>>[vector<16xi32>, vector<16xi32>], vector<16xf32>,
        %parallel_loop3A_1330 = arith.constant 128 : i32
        %parallel_loop3A_1331 = vector.broadcast %parallel_loop3A_1330 : i32 to vector<16xi32>
        %parallel_loop3A_1332 = arith.muli %parallel_loop3A_1328, %parallel_loop3A_1331 : vector<16xi32>
        %parallel_loop3A_1333 = arith.addi %parallel_loop3A_1332, %parallel_loop3A_1274 : vector<16xi32>
        %parallel_loop3A_1334 = arith.constant 8.000000e+00 : f32
        %parallel_loop3A_1335 = vector.broadcast %parallel_loop3A_1334 : f32 to vector<16xf32>
        %parallel_loop3A_1336 = arith.mulf %parallel_loop3A_1329, %parallel_loop3A_1335 : vector<16xf32>
        tpu.vector_store_idx %arg9[%parallel_loop3A_1333], %parallel_loop3A_1336 : memref<8192xf32, #tpu.memory_space<vmem>>[vector<16xi32>], vector<16xf32>,
        %parallel_loop3A_1337 = arith.constant 32 : i32
        %parallel_loop3A_1338 = vector.broadcast %parallel_loop3A_1337 : i32 to vector<16xi32>
        %parallel_loop3A_1339 = arith.addi %parallel_loop3A_1314, %parallel_loop3A_1338 : vector<16xi32>
        %parallel_loop3A_1340 = tpu.vector_load_idx %arg7[%parallel_loop3A_1274, %parallel_loop3A_1339] : memref<128x64xf32, #tpu.memory_space<vmem>>[vector<16xi32>, vector<16xi32>], vector<16xf32>,
        %parallel_loop3A_1341 = arith.constant 128 : i32
        %parallel_loop3A_1342 = vector.broadcast %parallel_loop3A_1341 : i32 to vector<16xi32>
        %parallel_loop3A_1343 = arith.muli %parallel_loop3A_1339, %parallel_loop3A_1342 : vector<16xi32>
        %parallel_loop3A_1344 = arith.addi %parallel_loop3A_1343, %parallel_loop3A_1274 : vector<16xi32>
        %parallel_loop3A_1345 = arith.constant 8.000000e+00 : f32
        %parallel_loop3A_1346 = vector.broadcast %parallel_loop3A_1345 : f32 to vector<16xf32>
        %parallel_loop3A_1347 = arith.mulf %parallel_loop3A_1340, %parallel_loop3A_1346 : vector<16xf32>
        tpu.vector_store_idx %arg9[%parallel_loop3A_1344], %parallel_loop3A_1347 : memref<8192xf32, #tpu.memory_space<vmem>>[vector<16xi32>], vector<16xf32>,
        %parallel_loop3A_1348 = arith.constant 48 : i32
        %parallel_loop3A_1349 = vector.broadcast %parallel_loop3A_1348 : i32 to vector<16xi32>
        %parallel_loop3A_1350 = arith.addi %parallel_loop3A_1314, %parallel_loop3A_1349 : vector<16xi32>
        %parallel_loop3A_1351 = tpu.vector_load_idx %arg7[%parallel_loop3A_1274, %parallel_loop3A_1350] : memref<128x64xf32, #tpu.memory_space<vmem>>[vector<16xi32>, vector<16xi32>], vector<16xf32>,
        %parallel_loop3A_1352 = arith.constant 128 : i32
        %parallel_loop3A_1353 = vector.broadcast %parallel_loop3A_1352 : i32 to vector<16xi32>
        %parallel_loop3A_1354 = arith.muli %parallel_loop3A_1350, %parallel_loop3A_1353 : vector<16xi32>
        %parallel_loop3A_1355 = arith.addi %parallel_loop3A_1354, %parallel_loop3A_1274 : vector<16xi32>
        %parallel_loop3A_1356 = arith.constant 8.000000e+00 : f32
        %parallel_loop3A_1357 = vector.broadcast %parallel_loop3A_1356 : f32 to vector<16xf32>
        %parallel_loop3A_1358 = arith.mulf %parallel_loop3A_1351, %parallel_loop3A_1357 : vector<16xf32>
        tpu.vector_store_idx %arg9[%parallel_loop3A_1355], %parallel_loop3A_1358 : memref<8192xf32, #tpu.memory_space<vmem>>[vector<16xi32>], vector<16xf32>,
      } {sc.loop_unroll_factor = 4 : i64, sc.parallel_access}
      %dma_start3A_1150 = arith.constant 0 : i32
      %dma_start3A_1151 = arith.constant 0 : i32
      %dma_start3A_1152 = tpu.memref_slice %arg9[%dma_start3A_1151] : memref<8192xf32, #tpu.memory_space<vmem>> -> memref<1024xf32, #tpu.memory_space<vmem>>
      %dma_start3A_1153 = arith.constant 0 : i32
      %dma_start3A_1154 = tpu.memref_slice %arg4[%add3A_1044, %dma_start3A_1150, %add3A, %dma_start3A_1153] : memref<200x8x32x1024xf32, #tpu.memory_space<hbm>> -> memref<1x1x1x1024xf32, #tpu.memory_space<hbm>>
      %dma_start3A_1155 = tpu.memref_squeeze %dma_start3A_1154 : memref<1x1x1x1024xf32, #tpu.memory_space<hbm>> -> memref<1024xf32, #tpu.memory_space<hbm>>
      %dma_start3A_1156 = arith.constant 0 : i32
      %dma_start3A_1157 = tpu.memref_slice %arg4[%add3A_1044, %dma_start3A_1150, %add3A, %dma_start3A_1156] : memref<200x8x32x1024xf32, #tpu.memory_space<hbm>> -> memref<1x1x1x1024xf32, #tpu.memory_space<hbm>>
      %dma_start3A_1158 = tpu.memref_squeeze %dma_start3A_1157 : memref<1x1x1x1024xf32, #tpu.memory_space<hbm>> -> memref<1024xf32, #tpu.memory_space<hbm>>
      %dma_start3A_1159 = arith.constant 0 : i32
      %dma_start3A_1160 = tpu.memref_slice %arg9[%dma_start3A_1159] : memref<8192xf32, #tpu.memory_space<vmem>> -> memref<1024xf32, #tpu.memory_space<vmem>>
      tpu.enqueue_dma source(%dma_start3A_1160 : memref<1024xf32, #tpu.memory_space<vmem>>) target(%dma_start3A_1158 : memref<1024xf32, #tpu.memory_space<hbm>>) target_semaphore(%arg13 : memref<!tpu.dma_semaphore, #tpu.memory_space<semaphore_mem>>)
      %dma_start3A_1161 = arith.constant 1 : i32
      %dma_start3A_1162 = arith.constant 1024 : i32
      %dma_start3A_1163 = tpu.memref_slice %arg9[%dma_start3A_1162] : memref<8192xf32, #tpu.memory_space<vmem>> -> memref<1024xf32, #tpu.memory_space<vmem>>
      %dma_start3A_1164 = arith.constant 0 : i32
      %dma_start3A_1165 = tpu.memref_slice %arg4[%add3A_1044, %dma_start3A_1161, %add3A, %dma_start3A_1164] : memref<200x8x32x1024xf32, #tpu.memory_space<hbm>> -> memref<1x1x1x1024xf32, #tpu.memory_space<hbm>>
      %dma_start3A_1166 = tpu.memref_squeeze %dma_start3A_1165 : memref<1x1x1x1024xf32, #tpu.memory_space<hbm>> -> memref<1024xf32, #tpu.memory_space<hbm>>
      %dma_start3A_1167 = arith.constant 0 : i32
      %dma_start3A_1168 = tpu.memref_slice %arg4[%add3A_1044, %dma_start3A_1161, %add3A, %dma_start3A_1167] : memref<200x8x32x1024xf32, #tpu.memory_space<hbm>> -> memref<1x1x1x1024xf32, #tpu.memory_space<hbm>>
      %dma_start3A_1169 = tpu.memref_squeeze %dma_start3A_1168 : memref<1x1x1x1024xf32, #tpu.memory_space<hbm>> -> memref<1024xf32, #tpu.memory_space<hbm>>
      %dma_start3A_1170 = arith.constant 1024 : i32
      %dma_start3A_1171 = tpu.memref_slice %arg9[%dma_start3A_1170] : memref<8192xf32, #tpu.memory_space<vmem>> -> memref<1024xf32, #tpu.memory_space<vmem>>
      tpu.enqueue_dma source(%dma_start3A_1171 : memref<1024xf32, #tpu.memory_space<vmem>>) target(%dma_start3A_1169 : memref<1024xf32, #tpu.memory_space<hbm>>) target_semaphore(%arg13 : memref<!tpu.dma_semaphore, #tpu.memory_space<semaphore_mem>>)
      %dma_start3A_1172 = arith.constant 2 : i32
      %dma_start3A_1173 = arith.constant 2048 : i32
      %dma_start3A_1174 = tpu.memref_slice %arg9[%dma_start3A_1173] : memref<8192xf32, #tpu.memory_space<vmem>> -> memref<1024xf32, #tpu.memory_space<vmem>>
      %dma_start3A_1175 = arith.constant 0 : i32
      %dma_start3A_1176 = tpu.memref_slice %arg4[%add3A_1044, %dma_start3A_1172, %add3A, %dma_start3A_1175] : memref<200x8x32x1024xf32, #tpu.memory_space<hbm>> -> memref<1x1x1x1024xf32, #tpu.memory_space<hbm>>
      %dma_start3A_1177 = tpu.memref_squeeze %dma_start3A_1176 : memref<1x1x1x1024xf32, #tpu.memory_space<hbm>> -> memref<1024xf32, #tpu.memory_space<hbm>>
      %dma_start3A_1178 = arith.constant 0 : i32
      %dma_start3A_1179 = tpu.memref_slice %arg4[%add3A_1044, %dma_start3A_1172, %add3A, %dma_start3A_1178] : memref<200x8x32x1024xf32, #tpu.memory_space<hbm>> -> memref<1x1x1x1024xf32, #tpu.memory_space<hbm>>
      %dma_start3A_1180 = tpu.memref_squeeze %dma_start3A_1179 : memref<1x1x1x1024xf32, #tpu.memory_space<hbm>> -> memref<1024xf32, #tpu.memory_space<hbm>>
      %dma_start3A_1181 = arith.constant 2048 : i32
      %dma_start3A_1182 = tpu.memref_slice %arg9[%dma_start3A_1181] : memref<8192xf32, #tpu.memory_space<vmem>> -> memref<1024xf32, #tpu.memory_space<vmem>>
      tpu.enqueue_dma source(%dma_start3A_1182 : memref<1024xf32, #tpu.memory_space<vmem>>) target(%dma_start3A_1180 : memref<1024xf32, #tpu.memory_space<hbm>>) target_semaphore(%arg13 : memref<!tpu.dma_semaphore, #tpu.memory_space<semaphore_mem>>)
      %dma_start3A_1183 = arith.constant 3 : i32
      %dma_start3A_1184 = arith.constant 3072 : i32
      %dma_start3A_1185 = tpu.memref_slice %arg9[%dma_start3A_1184] : memref<8192xf32, #tpu.memory_space<vmem>> -> memref<1024xf32, #tpu.memory_space<vmem>>
      %dma_start3A_1186 = arith.constant 0 : i32
      %dma_start3A_1187 = tpu.memref_slice %arg4[%add3A_1044, %dma_start3A_1183, %add3A, %dma_start3A_1186] : memref<200x8x32x1024xf32, #tpu.memory_space<hbm>> -> memref<1x1x1x1024xf32, #tpu.memory_space<hbm>>
      %dma_start3A_1188 = tpu.memref_squeeze %dma_start3A_1187 : memref<1x1x1x1024xf32, #tpu.memory_space<hbm>> -> memref<1024xf32, #tpu.memory_space<hbm>>
      %dma_start3A_1189 = arith.constant 0 : i32
      %dma_start3A_1190 = tpu.memref_slice %arg4[%add3A_1044, %dma_start3A_1183, %add3A, %dma_start3A_1189] : memref<200x8x32x1024xf32, #tpu.memory_space<hbm>> -> memref<1x1x1x1024xf32, #tpu.memory_space<hbm>>
      %dma_start3A_1191 = tpu.memref_squeeze %dma_start3A_1190 : memref<1x1x1x1024xf32, #tpu.memory_space<hbm>> -> memref<1024xf32, #tpu.memory_space<hbm>>
      %dma_start3A_1192 = arith.constant 3072 : i32
      %dma_start3A_1193 = tpu.memref_slice %arg9[%dma_start3A_1192] : memref<8192xf32, #tpu.memory_space<vmem>> -> memref<1024xf32, #tpu.memory_space<vmem>>
      tpu.enqueue_dma source(%dma_start3A_1193 : memref<1024xf32, #tpu.memory_space<vmem>>) target(%dma_start3A_1191 : memref<1024xf32, #tpu.memory_space<hbm>>) target_semaphore(%arg13 : memref<!tpu.dma_semaphore, #tpu.memory_space<semaphore_mem>>)
      %dma_start3A_1194 = arith.constant 4 : i32
      %dma_start3A_1195 = arith.constant 4096 : i32
      %dma_start3A_1196 = tpu.memref_slice %arg9[%dma_start3A_1195] : memref<8192xf32, #tpu.memory_space<vmem>> -> memref<1024xf32, #tpu.memory_space<vmem>>
      %dma_start3A_1197 = arith.constant 0 : i32
      %dma_start3A_1198 = tpu.memref_slice %arg4[%add3A_1044, %dma_start3A_1194, %add3A, %dma_start3A_1197] : memref<200x8x32x1024xf32, #tpu.memory_space<hbm>> -> memref<1x1x1x1024xf32, #tpu.memory_space<hbm>>
      %dma_start3A_1199 = tpu.memref_squeeze %dma_start3A_1198 : memref<1x1x1x1024xf32, #tpu.memory_space<hbm>> -> memref<1024xf32, #tpu.memory_space<hbm>>
      %dma_start3A_1200 = arith.constant 0 : i32
      %dma_start3A_1201 = tpu.memref_slice %arg4[%add3A_1044, %dma_start3A_1194, %add3A, %dma_start3A_1200] : memref<200x8x32x1024xf32, #tpu.memory_space<hbm>> -> memref<1x1x1x1024xf32, #tpu.memory_space<hbm>>
      %dma_start3A_1202 = tpu.memref_squeeze %dma_start3A_1201 : memref<1x1x1x1024xf32, #tpu.memory_space<hbm>> -> memref<1024xf32, #tpu.memory_space<hbm>>
      %dma_start3A_1203 = arith.constant 4096 : i32
      %dma_start3A_1204 = tpu.memref_slice %arg9[%dma_start3A_1203] : memref<8192xf32, #tpu.memory_space<vmem>> -> memref<1024xf32, #tpu.memory_space<vmem>>
      tpu.enqueue_dma source(%dma_start3A_1204 : memref<1024xf32, #tpu.memory_space<vmem>>) target(%dma_start3A_1202 : memref<1024xf32, #tpu.memory_space<hbm>>) target_semaphore(%arg13 : memref<!tpu.dma_semaphore, #tpu.memory_space<semaphore_mem>>)
      %dma_start3A_1205 = arith.constant 5 : i32
      %dma_start3A_1206 = arith.constant 5120 : i32
      %dma_start3A_1207 = tpu.memref_slice %arg9[%dma_start3A_1206] : memref<8192xf32, #tpu.memory_space<vmem>> -> memref<1024xf32, #tpu.memory_space<vmem>>
      %dma_start3A_1208 = arith.constant 0 : i32
      %dma_start3A_1209 = tpu.memref_slice %arg4[%add3A_1044, %dma_start3A_1205, %add3A, %dma_start3A_1208] : memref<200x8x32x1024xf32, #tpu.memory_space<hbm>> -> memref<1x1x1x1024xf32, #tpu.memory_space<hbm>>
      %dma_start3A_1210 = tpu.memref_squeeze %dma_start3A_1209 : memref<1x1x1x1024xf32, #tpu.memory_space<hbm>> -> memref<1024xf32, #tpu.memory_space<hbm>>
      %dma_start3A_1211 = arith.constant 0 : i32
      %dma_start3A_1212 = tpu.memref_slice %arg4[%add3A_1044, %dma_start3A_1205, %add3A, %dma_start3A_1211] : memref<200x8x32x1024xf32, #tpu.memory_space<hbm>> -> memref<1x1x1x1024xf32, #tpu.memory_space<hbm>>
      %dma_start3A_1213 = tpu.memref_squeeze %dma_start3A_1212 : memref<1x1x1x1024xf32, #tpu.memory_space<hbm>> -> memref<1024xf32, #tpu.memory_space<hbm>>
      %dma_start3A_1214 = arith.constant 5120 : i32
      %dma_start3A_1215 = tpu.memref_slice %arg9[%dma_start3A_1214] : memref<8192xf32, #tpu.memory_space<vmem>> -> memref<1024xf32, #tpu.memory_space<vmem>>
      tpu.enqueue_dma source(%dma_start3A_1215 : memref<1024xf32, #tpu.memory_space<vmem>>) target(%dma_start3A_1213 : memref<1024xf32, #tpu.memory_space<hbm>>) target_semaphore(%arg13 : memref<!tpu.dma_semaphore, #tpu.memory_space<semaphore_mem>>)
      %dma_start3A_1216 = arith.constant 6 : i32
      %dma_start3A_1217 = arith.constant 6144 : i32
      %dma_start3A_1218 = tpu.memref_slice %arg9[%dma_start3A_1217] : memref<8192xf32, #tpu.memory_space<vmem>> -> memref<1024xf32, #tpu.memory_space<vmem>>
      %dma_start3A_1219 = arith.constant 0 : i32
      %dma_start3A_1220 = tpu.memref_slice %arg4[%add3A_1044, %dma_start3A_1216, %add3A, %dma_start3A_1219] : memref<200x8x32x1024xf32, #tpu.memory_space<hbm>> -> memref<1x1x1x1024xf32, #tpu.memory_space<hbm>>
      %dma_start3A_1221 = tpu.memref_squeeze %dma_start3A_1220 : memref<1x1x1x1024xf32, #tpu.memory_space<hbm>> -> memref<1024xf32, #tpu.memory_space<hbm>>
      %dma_start3A_1222 = arith.constant 0 : i32
      %dma_start3A_1223 = tpu.memref_slice %arg4[%add3A_1044, %dma_start3A_1216, %add3A, %dma_start3A_1222] : memref<200x8x32x1024xf32, #tpu.memory_space<hbm>> -> memref<1x1x1x1024xf32, #tpu.memory_space<hbm>>
      %dma_start3A_1224 = tpu.memref_squeeze %dma_start3A_1223 : memref<1x1x1x1024xf32, #tpu.memory_space<hbm>> -> memref<1024xf32, #tpu.memory_space<hbm>>
      %dma_start3A_1225 = arith.constant 6144 : i32
      %dma_start3A_1226 = tpu.memref_slice %arg9[%dma_start3A_1225] : memref<8192xf32, #tpu.memory_space<vmem>> -> memref<1024xf32, #tpu.memory_space<vmem>>
      tpu.enqueue_dma source(%dma_start3A_1226 : memref<1024xf32, #tpu.memory_space<vmem>>) target(%dma_start3A_1224 : memref<1024xf32, #tpu.memory_space<hbm>>) target_semaphore(%arg13 : memref<!tpu.dma_semaphore, #tpu.memory_space<semaphore_mem>>)
      %dma_start3A_1227 = arith.constant 7 : i32
      %dma_start3A_1228 = arith.constant 7168 : i32
      %dma_start3A_1229 = tpu.memref_slice %arg9[%dma_start3A_1228] : memref<8192xf32, #tpu.memory_space<vmem>> -> memref<1024xf32, #tpu.memory_space<vmem>>
      %dma_start3A_1230 = arith.constant 0 : i32
      %dma_start3A_1231 = tpu.memref_slice %arg4[%add3A_1044, %dma_start3A_1227, %add3A, %dma_start3A_1230] : memref<200x8x32x1024xf32, #tpu.memory_space<hbm>> -> memref<1x1x1x1024xf32, #tpu.memory_space<hbm>>
      %dma_start3A_1232 = tpu.memref_squeeze %dma_start3A_1231 : memref<1x1x1x1024xf32, #tpu.memory_space<hbm>> -> memref<1024xf32, #tpu.memory_space<hbm>>
      %dma_start3A_1233 = arith.constant 0 : i32
      %dma_start3A_1234 = tpu.memref_slice %arg4[%add3A_1044, %dma_start3A_1227, %add3A, %dma_start3A_1233] : memref<200x8x32x1024xf32, #tpu.memory_space<hbm>> -> memref<1x1x1x1024xf32, #tpu.memory_space<hbm>>
      %dma_start3A_1235 = tpu.memref_squeeze %dma_start3A_1234 : memref<1x1x1x1024xf32, #tpu.memory_space<hbm>> -> memref<1024xf32, #tpu.memory_space<hbm>>
      %dma_start3A_1236 = arith.constant 7168 : i32
      %dma_start3A_1237 = tpu.memref_slice %arg9[%dma_start3A_1236] : memref<8192xf32, #tpu.memory_space<vmem>> -> memref<1024xf32, #tpu.memory_space<vmem>>
      tpu.enqueue_dma source(%dma_start3A_1237 : memref<1024xf32, #tpu.memory_space<vmem>>) target(%dma_start3A_1235 : memref<1024xf32, #tpu.memory_space<hbm>>) target_semaphore(%arg13 : memref<!tpu.dma_semaphore, #tpu.memory_space<semaphore_mem>>)
      %add3A_1238 = arith.constant 2 : i32
      %add3A_1239 = arith.addi %add3A_1044, %add3A_1238 : i32
      %dma_start3A_1240 = arith.constant 0 : i32
      %dma_start3A_1241 = tpu.memref_slice %arg5[%add3A_1239, %dma_start3A_1240] : memref<200x128xi32, #tpu.memory_space<vmem>> -> memref<1x128xi32, #tpu.memory_space<vmem>>
      %dma_start3A_1242 = tpu.memref_squeeze %dma_start3A_1241 : memref<1x128xi32, #tpu.memory_space<vmem>> -> memref<128xi32, #tpu.memory_space<vmem>>
      %dma_start3A_1243 = arith.constant 0 : i32
      %dma_start3A_1244 = arith.constant 0 : i32
      %dma_start3A_1245 = tpu.memref_slice %arg3[%dma_start3A_1243, %dma_start3A_1244] : memref<1000000x64xf32, #tpu.memory_space<hbm>> -> memref<1000000x64xf32, #tpu.memory_space<hbm>>
      tpu.enqueue_indirect_dma source(%dma_start3A_1245 : memref<1000000x64xf32, #tpu.memory_space<hbm>>) target(%arg7 : memref<128x64xf32, #tpu.memory_space<vmem>>) offsets(%dma_start3A_1242 : memref<128xi32, #tpu.memory_space<vmem>>) semaphore(%arg11 : memref<!tpu.dma_semaphore, #tpu.memory_space<semaphore_mem>>)
    }
    %scan3A_240 = arith.constant 98 : i32
    %dma_wait3A_241 = arith.constant 0 : i32
    %dma_wait3A_242 = arith.constant 0 : i32
    %dma_wait3A_243 = tpu.memref_slice %arg3[%dma_wait3A_241, %dma_wait3A_242] : memref<1000000x64xf32, #tpu.memory_space<hbm>> -> memref<128x64xf32, #tpu.memory_space<hbm>>
    %dma_wait3A_244 = arith.constant 0 : i32
    %dma_wait3A_245 = arith.constant 0 : i32
    %dma_wait3A_246 = tpu.memref_slice %arg3[%dma_wait3A_244, %dma_wait3A_245] : memref<1000000x64xf32, #tpu.memory_space<hbm>> -> memref<128x64xf32, #tpu.memory_space<hbm>>
    tpu.wait_dma2 semaphore(%arg10 : memref<!tpu.dma_semaphore, #tpu.memory_space<semaphore_mem>>) src(%dma_wait3A_246 : memref<128x64xf32, #tpu.memory_space<hbm>>) dst(%arg6 : memref<128x64xf32, #tpu.memory_space<vmem>>)
    %dma_wait3A_247 = arith.constant 0 : i32
    %dma_wait3A_248 = arith.constant 0 : i32
    %dma_wait3A_249 = arith.constant 0 : i32
    %dma_wait3A_250 = tpu.memref_slice %arg8[%dma_wait3A_249] : memref<8192xf32, #tpu.memory_space<vmem>> -> memref<1024xf32, #tpu.memory_space<vmem>>
    %dma_wait3A_251 = arith.constant 0 : i32
    %dma_wait3A_252 = tpu.memref_slice %arg4[%dma_wait3A_247, %dma_wait3A_248, %add3A, %dma_wait3A_251] : memref<200x8x32x1024xf32, #tpu.memory_space<hbm>> -> memref<1x1x1x1024xf32, #tpu.memory_space<hbm>>
    %dma_wait3A_253 = tpu.memref_squeeze %dma_wait3A_252 : memref<1x1x1x1024xf32, #tpu.memory_space<hbm>> -> memref<1024xf32, #tpu.memory_space<hbm>>
    %dma_wait3A_254 = arith.constant 0 : i32
    %dma_wait3A_255 = tpu.memref_slice %arg4[%dma_wait3A_247, %dma_wait3A_248, %add3A, %dma_wait3A_254] : memref<200x8x32x1024xf32, #tpu.memory_space<hbm>> -> memref<1x1x1x1024xf32, #tpu.memory_space<hbm>>
    %dma_wait3A_256 = tpu.memref_squeeze %dma_wait3A_255 : memref<1x1x1x1024xf32, #tpu.memory_space<hbm>> -> memref<1024xf32, #tpu.memory_space<hbm>>
    %dma_wait3A_257 = arith.constant 0 : i32
    %dma_wait3A_258 = tpu.memref_slice %arg8[%dma_wait3A_257] : memref<8192xf32, #tpu.memory_space<vmem>> -> memref<1024xf32, #tpu.memory_space<vmem>>
    tpu.wait_dma2 semaphore(%arg12 : memref<!tpu.dma_semaphore, #tpu.memory_space<semaphore_mem>>) src(%dma_wait3A_258 : memref<1024xf32, #tpu.memory_space<vmem>>) dst(%dma_wait3A_256 : memref<1024xf32, #tpu.memory_space<hbm>>)
    %dma_wait3A_259 = arith.constant 0 : i32
    %dma_wait3A_260 = arith.constant 1 : i32
    %dma_wait3A_261 = arith.constant 1024 : i32
    %dma_wait3A_262 = tpu.memref_slice %arg8[%dma_wait3A_261] : memref<8192xf32, #tpu.memory_space<vmem>> -> memref<1024xf32, #tpu.memory_space<vmem>>
    %dma_wait3A_263 = arith.constant 0 : i32
    %dma_wait3A_264 = tpu.memref_slice %arg4[%dma_wait3A_259, %dma_wait3A_260, %add3A, %dma_wait3A_263] : memref<200x8x32x1024xf32, #tpu.memory_space<hbm>> -> memref<1x1x1x1024xf32, #tpu.memory_space<hbm>>
    %dma_wait3A_265 = tpu.memref_squeeze %dma_wait3A_264 : memref<1x1x1x1024xf32, #tpu.memory_space<hbm>> -> memref<1024xf32, #tpu.memory_space<hbm>>
    %dma_wait3A_266 = arith.constant 0 : i32
    %dma_wait3A_267 = tpu.memref_slice %arg4[%dma_wait3A_259, %dma_wait3A_260, %add3A, %dma_wait3A_266] : memref<200x8x32x1024xf32, #tpu.memory_space<hbm>> -> memref<1x1x1x1024xf32, #tpu.memory_space<hbm>>
    %dma_wait3A_268 = tpu.memref_squeeze %dma_wait3A_267 : memref<1x1x1x1024xf32, #tpu.memory_space<hbm>> -> memref<1024xf32, #tpu.memory_space<hbm>>
    %dma_wait3A_269 = arith.constant 1024 : i32
    %dma_wait3A_270 = tpu.memref_slice %arg8[%dma_wait3A_269] : memref<8192xf32, #tpu.memory_space<vmem>> -> memref<1024xf32, #tpu.memory_space<vmem>>
    tpu.wait_dma2 semaphore(%arg12 : memref<!tpu.dma_semaphore, #tpu.memory_space<semaphore_mem>>) src(%dma_wait3A_270 : memref<1024xf32, #tpu.memory_space<vmem>>) dst(%dma_wait3A_268 : memref<1024xf32, #tpu.memory_space<hbm>>)
    %dma_wait3A_271 = arith.constant 0 : i32
    %dma_wait3A_272 = arith.constant 2 : i32
    %dma_wait3A_273 = arith.constant 2048 : i32
    %dma_wait3A_274 = tpu.memref_slice %arg8[%dma_wait3A_273] : memref<8192xf32, #tpu.memory_space<vmem>> -> memref<1024xf32, #tpu.memory_space<vmem>>
    %dma_wait3A_275 = arith.constant 0 : i32
    %dma_wait3A_276 = tpu.memref_slice %arg4[%dma_wait3A_271, %dma_wait3A_272, %add3A, %dma_wait3A_275] : memref<200x8x32x1024xf32, #tpu.memory_space<hbm>> -> memref<1x1x1x1024xf32, #tpu.memory_space<hbm>>
    %dma_wait3A_277 = tpu.memref_squeeze %dma_wait3A_276 : memref<1x1x1x1024xf32, #tpu.memory_space<hbm>> -> memref<1024xf32, #tpu.memory_space<hbm>>
    %dma_wait3A_278 = arith.constant 0 : i32
    %dma_wait3A_279 = tpu.memref_slice %arg4[%dma_wait3A_271, %dma_wait3A_272, %add3A, %dma_wait3A_278] : memref<200x8x32x1024xf32, #tpu.memory_space<hbm>> -> memref<1x1x1x1024xf32, #tpu.memory_space<hbm>>
    %dma_wait3A_280 = tpu.memref_squeeze %dma_wait3A_279 : memref<1x1x1x1024xf32, #tpu.memory_space<hbm>> -> memref<1024xf32, #tpu.memory_space<hbm>>
    %dma_wait3A_281 = arith.constant 2048 : i32
    %dma_wait3A_282 = tpu.memref_slice %arg8[%dma_wait3A_281] : memref<8192xf32, #tpu.memory_space<vmem>> -> memref<1024xf32, #tpu.memory_space<vmem>>
    tpu.wait_dma2 semaphore(%arg12 : memref<!tpu.dma_semaphore, #tpu.memory_space<semaphore_mem>>) src(%dma_wait3A_282 : memref<1024xf32, #tpu.memory_space<vmem>>) dst(%dma_wait3A_280 : memref<1024xf32, #tpu.memory_space<hbm>>)
    %dma_wait3A_283 = arith.constant 0 : i32
    %dma_wait3A_284 = arith.constant 3 : i32
    %dma_wait3A_285 = arith.constant 3072 : i32
    %dma_wait3A_286 = tpu.memref_slice %arg8[%dma_wait3A_285] : memref<8192xf32, #tpu.memory_space<vmem>> -> memref<1024xf32, #tpu.memory_space<vmem>>
    %dma_wait3A_287 = arith.constant 0 : i32
    %dma_wait3A_288 = tpu.memref_slice %arg4[%dma_wait3A_283, %dma_wait3A_284, %add3A, %dma_wait3A_287] : memref<200x8x32x1024xf32, #tpu.memory_space<hbm>> -> memref<1x1x1x1024xf32, #tpu.memory_space<hbm>>
    %dma_wait3A_289 = tpu.memref_squeeze %dma_wait3A_288 : memref<1x1x1x1024xf32, #tpu.memory_space<hbm>> -> memref<1024xf32, #tpu.memory_space<hbm>>
    %dma_wait3A_290 = arith.constant 0 : i32
    %dma_wait3A_291 = tpu.memref_slice %arg4[%dma_wait3A_283, %dma_wait3A_284, %add3A, %dma_wait3A_290] : memref<200x8x32x1024xf32, #tpu.memory_space<hbm>> -> memref<1x1x1x1024xf32, #tpu.memory_space<hbm>>
    %dma_wait3A_292 = tpu.memref_squeeze %dma_wait3A_291 : memref<1x1x1x1024xf32, #tpu.memory_space<hbm>> -> memref<1024xf32, #tpu.memory_space<hbm>>
    %dma_wait3A_293 = arith.constant 3072 : i32
    %dma_wait3A_294 = tpu.memref_slice %arg8[%dma_wait3A_293] : memref<8192xf32, #tpu.memory_space<vmem>> -> memref<1024xf32, #tpu.memory_space<vmem>>
    tpu.wait_dma2 semaphore(%arg12 : memref<!tpu.dma_semaphore, #tpu.memory_space<semaphore_mem>>) src(%dma_wait3A_294 : memref<1024xf32, #tpu.memory_space<vmem>>) dst(%dma_wait3A_292 : memref<1024xf32, #tpu.memory_space<hbm>>)
    %dma_wait3A_295 = arith.constant 0 : i32
    %dma_wait3A_296 = arith.constant 4 : i32
    %dma_wait3A_297 = arith.constant 4096 : i32
    %dma_wait3A_298 = tpu.memref_slice %arg8[%dma_wait3A_297] : memref<8192xf32, #tpu.memory_space<vmem>> -> memref<1024xf32, #tpu.memory_space<vmem>>
    %dma_wait3A_299 = arith.constant 0 : i32
    %dma_wait3A_300 = tpu.memref_slice %arg4[%dma_wait3A_295, %dma_wait3A_296, %add3A, %dma_wait3A_299] : memref<200x8x32x1024xf32, #tpu.memory_space<hbm>> -> memref<1x1x1x1024xf32, #tpu.memory_space<hbm>>
    %dma_wait3A_301 = tpu.memref_squeeze %dma_wait3A_300 : memref<1x1x1x1024xf32, #tpu.memory_space<hbm>> -> memref<1024xf32, #tpu.memory_space<hbm>>
    %dma_wait3A_302 = arith.constant 0 : i32
    %dma_wait3A_303 = tpu.memref_slice %arg4[%dma_wait3A_295, %dma_wait3A_296, %add3A, %dma_wait3A_302] : memref<200x8x32x1024xf32, #tpu.memory_space<hbm>> -> memref<1x1x1x1024xf32, #tpu.memory_space<hbm>>
    %dma_wait3A_304 = tpu.memref_squeeze %dma_wait3A_303 : memref<1x1x1x1024xf32, #tpu.memory_space<hbm>> -> memref<1024xf32, #tpu.memory_space<hbm>>
    %dma_wait3A_305 = arith.constant 4096 : i32
    %dma_wait3A_306 = tpu.memref_slice %arg8[%dma_wait3A_305] : memref<8192xf32, #tpu.memory_space<vmem>> -> memref<1024xf32, #tpu.memory_space<vmem>>
    tpu.wait_dma2 semaphore(%arg12 : memref<!tpu.dma_semaphore, #tpu.memory_space<semaphore_mem>>) src(%dma_wait3A_306 : memref<1024xf32, #tpu.memory_space<vmem>>) dst(%dma_wait3A_304 : memref<1024xf32, #tpu.memory_space<hbm>>)
    %dma_wait3A_307 = arith.constant 0 : i32
    %dma_wait3A_308 = arith.constant 5 : i32
    %dma_wait3A_309 = arith.constant 5120 : i32
    %dma_wait3A_310 = tpu.memref_slice %arg8[%dma_wait3A_309] : memref<8192xf32, #tpu.memory_space<vmem>> -> memref<1024xf32, #tpu.memory_space<vmem>>
    %dma_wait3A_311 = arith.constant 0 : i32
    %dma_wait3A_312 = tpu.memref_slice %arg4[%dma_wait3A_307, %dma_wait3A_308, %add3A, %dma_wait3A_311] : memref<200x8x32x1024xf32, #tpu.memory_space<hbm>> -> memref<1x1x1x1024xf32, #tpu.memory_space<hbm>>
    %dma_wait3A_313 = tpu.memref_squeeze %dma_wait3A_312 : memref<1x1x1x1024xf32, #tpu.memory_space<hbm>> -> memref<1024xf32, #tpu.memory_space<hbm>>
    %dma_wait3A_314 = arith.constant 0 : i32
    %dma_wait3A_315 = tpu.memref_slice %arg4[%dma_wait3A_307, %dma_wait3A_308, %add3A, %dma_wait3A_314] : memref<200x8x32x1024xf32, #tpu.memory_space<hbm>> -> memref<1x1x1x1024xf32, #tpu.memory_space<hbm>>
    %dma_wait3A_316 = tpu.memref_squeeze %dma_wait3A_315 : memref<1x1x1x1024xf32, #tpu.memory_space<hbm>> -> memref<1024xf32, #tpu.memory_space<hbm>>
    %dma_wait3A_317 = arith.constant 5120 : i32
    %dma_wait3A_318 = tpu.memref_slice %arg8[%dma_wait3A_317] : memref<8192xf32, #tpu.memory_space<vmem>> -> memref<1024xf32, #tpu.memory_space<vmem>>
    tpu.wait_dma2 semaphore(%arg12 : memref<!tpu.dma_semaphore, #tpu.memory_space<semaphore_mem>>) src(%dma_wait3A_318 : memref<1024xf32, #tpu.memory_space<vmem>>) dst(%dma_wait3A_316 : memref<1024xf32, #tpu.memory_space<hbm>>)
    %dma_wait3A_319 = arith.constant 0 : i32
    %dma_wait3A_320 = arith.constant 6 : i32
    %dma_wait3A_321 = arith.constant 6144 : i32
    %dma_wait3A_322 = tpu.memref_slice %arg8[%dma_wait3A_321] : memref<8192xf32, #tpu.memory_space<vmem>> -> memref<1024xf32, #tpu.memory_space<vmem>>
    %dma_wait3A_323 = arith.constant 0 : i32
    %dma_wait3A_324 = tpu.memref_slice %arg4[%dma_wait3A_319, %dma_wait3A_320, %add3A, %dma_wait3A_323] : memref<200x8x32x1024xf32, #tpu.memory_space<hbm>> -> memref<1x1x1x1024xf32, #tpu.memory_space<hbm>>
    %dma_wait3A_325 = tpu.memref_squeeze %dma_wait3A_324 : memref<1x1x1x1024xf32, #tpu.memory_space<hbm>> -> memref<1024xf32, #tpu.memory_space<hbm>>
    %dma_wait3A_326 = arith.constant 0 : i32
    %dma_wait3A_327 = tpu.memref_slice %arg4[%dma_wait3A_319, %dma_wait3A_320, %add3A, %dma_wait3A_326] : memref<200x8x32x1024xf32, #tpu.memory_space<hbm>> -> memref<1x1x1x1024xf32, #tpu.memory_space<hbm>>
    %dma_wait3A_328 = tpu.memref_squeeze %dma_wait3A_327 : memref<1x1x1x1024xf32, #tpu.memory_space<hbm>> -> memref<1024xf32, #tpu.memory_space<hbm>>
    %dma_wait3A_329 = arith.constant 6144 : i32
    %dma_wait3A_330 = tpu.memref_slice %arg8[%dma_wait3A_329] : memref<8192xf32, #tpu.memory_space<vmem>> -> memref<1024xf32, #tpu.memory_space<vmem>>
    tpu.wait_dma2 semaphore(%arg12 : memref<!tpu.dma_semaphore, #tpu.memory_space<semaphore_mem>>) src(%dma_wait3A_330 : memref<1024xf32, #tpu.memory_space<vmem>>) dst(%dma_wait3A_328 : memref<1024xf32, #tpu.memory_space<hbm>>)
    %dma_wait3A_331 = arith.constant 0 : i32
    %dma_wait3A_332 = arith.constant 7 : i32
    %dma_wait3A_333 = arith.constant 7168 : i32
    %dma_wait3A_334 = tpu.memref_slice %arg8[%dma_wait3A_333] : memref<8192xf32, #tpu.memory_space<vmem>> -> memref<1024xf32, #tpu.memory_space<vmem>>
    %dma_wait3A_335 = arith.constant 0 : i32
    %dma_wait3A_336 = tpu.memref_slice %arg4[%dma_wait3A_331, %dma_wait3A_332, %add3A, %dma_wait3A_335] : memref<200x8x32x1024xf32, #tpu.memory_space<hbm>> -> memref<1x1x1x1024xf32, #tpu.memory_space<hbm>>
    %dma_wait3A_337 = tpu.memref_squeeze %dma_wait3A_336 : memref<1x1x1x1024xf32, #tpu.memory_space<hbm>> -> memref<1024xf32, #tpu.memory_space<hbm>>
    %dma_wait3A_338 = arith.constant 0 : i32
    %dma_wait3A_339 = tpu.memref_slice %arg4[%dma_wait3A_331, %dma_wait3A_332, %add3A, %dma_wait3A_338] : memref<200x8x32x1024xf32, #tpu.memory_space<hbm>> -> memref<1x1x1x1024xf32, #tpu.memory_space<hbm>>
    %dma_wait3A_340 = tpu.memref_squeeze %dma_wait3A_339 : memref<1x1x1x1024xf32, #tpu.memory_space<hbm>> -> memref<1024xf32, #tpu.memory_space<hbm>>
    %dma_wait3A_341 = arith.constant 7168 : i32
    %dma_wait3A_342 = tpu.memref_slice %arg8[%dma_wait3A_341] : memref<8192xf32, #tpu.memory_space<vmem>> -> memref<1024xf32, #tpu.memory_space<vmem>>
    tpu.wait_dma2 semaphore(%arg12 : memref<!tpu.dma_semaphore, #tpu.memory_space<semaphore_mem>>) src(%dma_wait3A_342 : memref<1024xf32, #tpu.memory_space<vmem>>) dst(%dma_wait3A_340 : memref<1024xf32, #tpu.memory_space<hbm>>)
    %parallel_loop3A_343 = arith.constant 0 : i32
    %parallel_loop3A_344 = arith.constant 128 : i32
    %parallel_loop3A_345 = arith.constant 1 : i32
    scf.for %parallel_loop3A_835 = %parallel_loop3A_343 to %parallel_loop3A_344 step %parallel_loop3A_345  : i32 {
      %parallel_loop3A_836 = arith.constant 16 : i32
      %parallel_loop3A_837 = arith.divsi %parallel_loop3A_835, %parallel_loop3A_836 : i32
      %parallel_loop3A_838 = arith.constant 0 : i32
      %parallel_loop3A_839 = arith.cmpi sgt, %parallel_loop3A_835, %parallel_loop3A_838 : i32
      %parallel_loop3A_840 = arith.extui %parallel_loop3A_839 : i1 to i32
      %parallel_loop3A_841 = arith.constant 0 : i32
      %parallel_loop3A_842 = arith.cmpi slt, %parallel_loop3A_835, %parallel_loop3A_841 : i32
      %parallel_loop3A_843 = arith.extui %parallel_loop3A_842 : i1 to i32
      %parallel_loop3A_844 = arith.subi %parallel_loop3A_840, %parallel_loop3A_843 : i32
      %parallel_loop3A_845 = arith.constant 0 : i32
      %parallel_loop3A_846 = arith.cmpi sgt, %parallel_loop3A_836, %parallel_loop3A_845 : i32
      %parallel_loop3A_847 = arith.extui %parallel_loop3A_846 : i1 to i32
      %parallel_loop3A_848 = arith.constant 0 : i32
      %parallel_loop3A_849 = arith.cmpi slt, %parallel_loop3A_836, %parallel_loop3A_848 : i32
      %parallel_loop3A_850 = arith.extui %parallel_loop3A_849 : i1 to i32
      %parallel_loop3A_851 = arith.subi %parallel_loop3A_847, %parallel_loop3A_850 : i32
      %parallel_loop3A_852 = arith.cmpi ne, %parallel_loop3A_844, %parallel_loop3A_851 : i32
      %parallel_loop3A_853 = arith.remsi %parallel_loop3A_835, %parallel_loop3A_836 : i32
      %parallel_loop3A_854 = arith.constant 0 : i32
      %parallel_loop3A_855 = arith.cmpi ne, %parallel_loop3A_853, %parallel_loop3A_854 : i32
      %parallel_loop3A_856 = arith.andi %parallel_loop3A_852, %parallel_loop3A_855 : i1
      %parallel_loop3A_857 = arith.constant 1 : i32
      %parallel_loop3A_858 = arith.subi %parallel_loop3A_837, %parallel_loop3A_857 : i32
      %parallel_loop3A_859 = arith.select %parallel_loop3A_856, %parallel_loop3A_858, %parallel_loop3A_837 : i32
      %parallel_loop3A_860 = arith.constant 16 : i32
      %parallel_loop3A_861 = arith.muli %parallel_loop3A_859, %parallel_loop3A_860 : i32
      %parallel_loop3A_862 = vector.broadcast %parallel_loop3A_861 : i32 to vector<16xi32>
      %parallel_loop3A_863 = arith.addi %parallel_loop3A_862, %iota3A : vector<16xi32>
      %parallel_loop3A_864 = arith.constant 16 : i32
      %parallel_loop3A_865 = arith.constant 0 : i32
      %parallel_loop3A_866 = arith.cmpi eq, %parallel_loop3A_864, %parallel_loop3A_865 : i32
      %parallel_loop3A_867 = arith.constant 1 : i32
      %parallel_loop3A_868 = arith.select %parallel_loop3A_866, %parallel_loop3A_867, %parallel_loop3A_864 : i32
      %parallel_loop3A_869 = arith.remsi %parallel_loop3A_835, %parallel_loop3A_868 : i32
      %parallel_loop3A_870 = arith.constant 0 : i32
      %parallel_loop3A_871 = arith.cmpi ne, %parallel_loop3A_869, %parallel_loop3A_870 : i32
      %parallel_loop3A_872 = arith.constant 0 : i32
      %parallel_loop3A_873 = arith.cmpi slt, %parallel_loop3A_869, %parallel_loop3A_872 : i32
      %parallel_loop3A_874 = arith.constant 0 : i32
      %parallel_loop3A_875 = arith.cmpi slt, %parallel_loop3A_868, %parallel_loop3A_874 : i32
      %parallel_loop3A_876 = arith.xori %parallel_loop3A_873, %parallel_loop3A_875 : i1
      %parallel_loop3A_877 = arith.andi %parallel_loop3A_876, %parallel_loop3A_871 : i1
      %parallel_loop3A_878 = arith.addi %parallel_loop3A_869, %parallel_loop3A_868 : i32
      %parallel_loop3A_879 = arith.select %parallel_loop3A_877, %parallel_loop3A_878, %parallel_loop3A_869 : i32
      %parallel_loop3A_880 = vector.broadcast %parallel_loop3A_879 : i32 to vector<16xi32>
      %parallel_loop3A_881 = arith.addi %parallel_loop3A_880, %iota3A : vector<16xi32>
      %parallel_loop3A_882 = arith.constant 16 : i32
      %parallel_loop3A_883 = arith.constant 0 : i32
      %parallel_loop3A_884 = arith.cmpi eq, %parallel_loop3A_882, %parallel_loop3A_883 : i32
      %parallel_loop3A_885 = arith.constant 1 : i32
      %parallel_loop3A_886 = arith.select %parallel_loop3A_884, %parallel_loop3A_885, %parallel_loop3A_882 : i32
      %parallel_loop3A_887 = vector.broadcast %parallel_loop3A_886 : i32 to vector<16xi32>
      %parallel_loop3A_888 = arith.remsi %parallel_loop3A_881, %parallel_loop3A_887 : vector<16xi32>
      %parallel_loop3A_889 = arith.constant 0 : i32
      %parallel_loop3A_890 = vector.broadcast %parallel_loop3A_889 : i32 to vector<16xi32>
      %parallel_loop3A_891 = arith.cmpi ne, %parallel_loop3A_888, %parallel_loop3A_890 : vector<16xi32>
      %parallel_loop3A_892 = arith.constant 0 : i32
      %parallel_loop3A_893 = vector.broadcast %parallel_loop3A_892 : i32 to vector<16xi32>
      %parallel_loop3A_894 = arith.cmpi slt, %parallel_loop3A_888, %parallel_loop3A_893 : vector<16xi32>
      %parallel_loop3A_895 = arith.constant 0 : i32
      %parallel_loop3A_896 = arith.cmpi slt, %parallel_loop3A_886, %parallel_loop3A_895 : i32
      %parallel_loop3A_897 = vector.broadcast %parallel_loop3A_896 : i1 to vector<16xi1>
      %parallel_loop3A_898 = vector.broadcast %parallel_loop3A_897 : vector<16xi1> to vector<16xi1>
      %parallel_loop3A_899 = arith.xori %parallel_loop3A_894, %parallel_loop3A_898 : vector<16xi1>
      %parallel_loop3A_900 = arith.andi %parallel_loop3A_899, %parallel_loop3A_891 : vector<16xi1>
      %parallel_loop3A_901 = vector.broadcast %parallel_loop3A_886 : i32 to vector<16xi32>
      %parallel_loop3A_902 = arith.addi %parallel_loop3A_888, %parallel_loop3A_901 : vector<16xi32>
      %parallel_loop3A_903 = arith.select %parallel_loop3A_900, %parallel_loop3A_902, %parallel_loop3A_888 : vector<16xi1>, vector<16xi32>
      %parallel_loop3A_904 = arith.constant 0 : i32
      %parallel_loop3A_905 = vector.broadcast %parallel_loop3A_904 : i32 to vector<16xi32>
      %parallel_loop3A_906 = arith.addi %parallel_loop3A_903, %parallel_loop3A_905 : vector<16xi32>
      %parallel_loop3A_907 = tpu.vector_load_idx %arg6[%parallel_loop3A_863, %parallel_loop3A_906] : memref<128x64xf32, #tpu.memory_space<vmem>>[vector<16xi32>, vector<16xi32>], vector<16xf32>,
      %parallel_loop3A_908 = arith.constant 128 : i32
      %parallel_loop3A_909 = vector.broadcast %parallel_loop3A_908 : i32 to vector<16xi32>
      %parallel_loop3A_910 = arith.muli %parallel_loop3A_906, %parallel_loop3A_909 : vector<16xi32>
      %parallel_loop3A_911 = arith.addi %parallel_loop3A_910, %parallel_loop3A_863 : vector<16xi32>
      %parallel_loop3A_912 = arith.constant 8.000000e+00 : f32
      %parallel_loop3A_913 = vector.broadcast %parallel_loop3A_912 : f32 to vector<16xf32>
      %parallel_loop3A_914 = arith.mulf %parallel_loop3A_907, %parallel_loop3A_913 : vector<16xf32>
      tpu.vector_store_idx %arg8[%parallel_loop3A_911], %parallel_loop3A_914 : memref<8192xf32, #tpu.memory_space<vmem>>[vector<16xi32>], vector<16xf32>,
      %parallel_loop3A_915 = arith.constant 16 : i32
      %parallel_loop3A_916 = vector.broadcast %parallel_loop3A_915 : i32 to vector<16xi32>
      %parallel_loop3A_917 = arith.addi %parallel_loop3A_903, %parallel_loop3A_916 : vector<16xi32>
      %parallel_loop3A_918 = tpu.vector_load_idx %arg6[%parallel_loop3A_863, %parallel_loop3A_917] : memref<128x64xf32, #tpu.memory_space<vmem>>[vector<16xi32>, vector<16xi32>], vector<16xf32>,
      %parallel_loop3A_919 = arith.constant 128 : i32
      %parallel_loop3A_920 = vector.broadcast %parallel_loop3A_919 : i32 to vector<16xi32>
      %parallel_loop3A_921 = arith.muli %parallel_loop3A_917, %parallel_loop3A_920 : vector<16xi32>
      %parallel_loop3A_922 = arith.addi %parallel_loop3A_921, %parallel_loop3A_863 : vector<16xi32>
      %parallel_loop3A_923 = arith.constant 8.000000e+00 : f32
      %parallel_loop3A_924 = vector.broadcast %parallel_loop3A_923 : f32 to vector<16xf32>
      %parallel_loop3A_925 = arith.mulf %parallel_loop3A_918, %parallel_loop3A_924 : vector<16xf32>
      tpu.vector_store_idx %arg8[%parallel_loop3A_922], %parallel_loop3A_925 : memref<8192xf32, #tpu.memory_space<vmem>>[vector<16xi32>], vector<16xf32>,
      %parallel_loop3A_926 = arith.constant 32 : i32
      %parallel_loop3A_927 = vector.broadcast %parallel_loop3A_926 : i32 to vector<16xi32>
      %parallel_loop3A_928 = arith.addi %parallel_loop3A_903, %parallel_loop3A_927 : vector<16xi32>
      %parallel_loop3A_929 = tpu.vector_load_idx %arg6[%parallel_loop3A_863, %parallel_loop3A_928] : memref<128x64xf32, #tpu.memory_space<vmem>>[vector<16xi32>, vector<16xi32>], vector<16xf32>,
      %parallel_loop3A_930 = arith.constant 128 : i32
      %parallel_loop3A_931 = vector.broadcast %parallel_loop3A_930 : i32 to vector<16xi32>
      %parallel_loop3A_932 = arith.muli %parallel_loop3A_928, %parallel_loop3A_931 : vector<16xi32>
      %parallel_loop3A_933 = arith.addi %parallel_loop3A_932, %parallel_loop3A_863 : vector<16xi32>
      %parallel_loop3A_934 = arith.constant 8.000000e+00 : f32
      %parallel_loop3A_935 = vector.broadcast %parallel_loop3A_934 : f32 to vector<16xf32>
      %parallel_loop3A_936 = arith.mulf %parallel_loop3A_929, %parallel_loop3A_935 : vector<16xf32>
      tpu.vector_store_idx %arg8[%parallel_loop3A_933], %parallel_loop3A_936 : memref<8192xf32, #tpu.memory_space<vmem>>[vector<16xi32>], vector<16xf32>,
      %parallel_loop3A_937 = arith.constant 48 : i32
      %parallel_loop3A_938 = vector.broadcast %parallel_loop3A_937 : i32 to vector<16xi32>
      %parallel_loop3A_939 = arith.addi %parallel_loop3A_903, %parallel_loop3A_938 : vector<16xi32>
      %parallel_loop3A_940 = tpu.vector_load_idx %arg6[%parallel_loop3A_863, %parallel_loop3A_939] : memref<128x64xf32, #tpu.memory_space<vmem>>[vector<16xi32>, vector<16xi32>], vector<16xf32>,
      %parallel_loop3A_941 = arith.constant 128 : i32
      %parallel_loop3A_942 = vector.broadcast %parallel_loop3A_941 : i32 to vector<16xi32>
      %parallel_loop3A_943 = arith.muli %parallel_loop3A_939, %parallel_loop3A_942 : vector<16xi32>
      %parallel_loop3A_944 = arith.addi %parallel_loop3A_943, %parallel_loop3A_863 : vector<16xi32>
      %parallel_loop3A_945 = arith.constant 8.000000e+00 : f32
      %parallel_loop3A_946 = vector.broadcast %parallel_loop3A_945 : f32 to vector<16xf32>
      %parallel_loop3A_947 = arith.mulf %parallel_loop3A_940, %parallel_loop3A_946 : vector<16xf32>
      tpu.vector_store_idx %arg8[%parallel_loop3A_944], %parallel_loop3A_947 : memref<8192xf32, #tpu.memory_space<vmem>>[vector<16xi32>], vector<16xf32>,
    } {sc.loop_unroll_factor = 4 : i64, sc.parallel_access}
    %dma_start3A_346 = arith.constant 198 : i32
    %dma_start3A_347 = arith.constant 0 : i32
    %dma_start3A_348 = arith.constant 0 : i32
    %dma_start3A_349 = tpu.memref_slice %arg8[%dma_start3A_348] : memref<8192xf32, #tpu.memory_space<vmem>> -> memref<1024xf32, #tpu.memory_space<vmem>>
    %dma_start3A_350 = arith.constant 0 : i32
    %dma_start3A_351 = tpu.memref_slice %arg4[%dma_start3A_346, %dma_start3A_347, %add3A, %dma_start3A_350] : memref<200x8x32x1024xf32, #tpu.memory_space<hbm>> -> memref<1x1x1x1024xf32, #tpu.memory_space<hbm>>
    %dma_start3A_352 = tpu.memref_squeeze %dma_start3A_351 : memref<1x1x1x1024xf32, #tpu.memory_space<hbm>> -> memref<1024xf32, #tpu.memory_space<hbm>>
    %dma_start3A_353 = arith.constant 0 : i32
    %dma_start3A_354 = tpu.memref_slice %arg4[%dma_start3A_346, %dma_start3A_347, %add3A, %dma_start3A_353] : memref<200x8x32x1024xf32, #tpu.memory_space<hbm>> -> memref<1x1x1x1024xf32, #tpu.memory_space<hbm>>
    %dma_start3A_355 = tpu.memref_squeeze %dma_start3A_354 : memref<1x1x1x1024xf32, #tpu.memory_space<hbm>> -> memref<1024xf32, #tpu.memory_space<hbm>>
    %dma_start3A_356 = arith.constant 0 : i32
    %dma_start3A_357 = tpu.memref_slice %arg8[%dma_start3A_356] : memref<8192xf32, #tpu.memory_space<vmem>> -> memref<1024xf32, #tpu.memory_space<vmem>>
    tpu.enqueue_dma source(%dma_start3A_357 : memref<1024xf32, #tpu.memory_space<vmem>>) target(%dma_start3A_355 : memref<1024xf32, #tpu.memory_space<hbm>>) target_semaphore(%arg12 : memref<!tpu.dma_semaphore, #tpu.memory_space<semaphore_mem>>)
    %dma_start3A_358 = arith.constant 198 : i32
    %dma_start3A_359 = arith.constant 1 : i32
    %dma_start3A_360 = arith.constant 1024 : i32
    %dma_start3A_361 = tpu.memref_slice %arg8[%dma_start3A_360] : memref<8192xf32, #tpu.memory_space<vmem>> -> memref<1024xf32, #tpu.memory_space<vmem>>
    %dma_start3A_362 = arith.constant 0 : i32
    %dma_start3A_363 = tpu.memref_slice %arg4[%dma_start3A_358, %dma_start3A_359, %add3A, %dma_start3A_362] : memref<200x8x32x1024xf32, #tpu.memory_space<hbm>> -> memref<1x1x1x1024xf32, #tpu.memory_space<hbm>>
    %dma_start3A_364 = tpu.memref_squeeze %dma_start3A_363 : memref<1x1x1x1024xf32, #tpu.memory_space<hbm>> -> memref<1024xf32, #tpu.memory_space<hbm>>
    %dma_start3A_365 = arith.constant 0 : i32
    %dma_start3A_366 = tpu.memref_slice %arg4[%dma_start3A_358, %dma_start3A_359, %add3A, %dma_start3A_365] : memref<200x8x32x1024xf32, #tpu.memory_space<hbm>> -> memref<1x1x1x1024xf32, #tpu.memory_space<hbm>>
    %dma_start3A_367 = tpu.memref_squeeze %dma_start3A_366 : memref<1x1x1x1024xf32, #tpu.memory_space<hbm>> -> memref<1024xf32, #tpu.memory_space<hbm>>
    %dma_start3A_368 = arith.constant 1024 : i32
    %dma_start3A_369 = tpu.memref_slice %arg8[%dma_start3A_368] : memref<8192xf32, #tpu.memory_space<vmem>> -> memref<1024xf32, #tpu.memory_space<vmem>>
    tpu.enqueue_dma source(%dma_start3A_369 : memref<1024xf32, #tpu.memory_space<vmem>>) target(%dma_start3A_367 : memref<1024xf32, #tpu.memory_space<hbm>>) target_semaphore(%arg12 : memref<!tpu.dma_semaphore, #tpu.memory_space<semaphore_mem>>)
    %dma_start3A_370 = arith.constant 198 : i32
    %dma_start3A_371 = arith.constant 2 : i32
    %dma_start3A_372 = arith.constant 2048 : i32
    %dma_start3A_373 = tpu.memref_slice %arg8[%dma_start3A_372] : memref<8192xf32, #tpu.memory_space<vmem>> -> memref<1024xf32, #tpu.memory_space<vmem>>
    %dma_start3A_374 = arith.constant 0 : i32
    %dma_start3A_375 = tpu.memref_slice %arg4[%dma_start3A_370, %dma_start3A_371, %add3A, %dma_start3A_374] : memref<200x8x32x1024xf32, #tpu.memory_space<hbm>> -> memref<1x1x1x1024xf32, #tpu.memory_space<hbm>>
    %dma_start3A_376 = tpu.memref_squeeze %dma_start3A_375 : memref<1x1x1x1024xf32, #tpu.memory_space<hbm>> -> memref<1024xf32, #tpu.memory_space<hbm>>
    %dma_start3A_377 = arith.constant 0 : i32
    %dma_start3A_378 = tpu.memref_slice %arg4[%dma_start3A_370, %dma_start3A_371, %add3A, %dma_start3A_377] : memref<200x8x32x1024xf32, #tpu.memory_space<hbm>> -> memref<1x1x1x1024xf32, #tpu.memory_space<hbm>>
    %dma_start3A_379 = tpu.memref_squeeze %dma_start3A_378 : memref<1x1x1x1024xf32, #tpu.memory_space<hbm>> -> memref<1024xf32, #tpu.memory_space<hbm>>
    %dma_start3A_380 = arith.constant 2048 : i32
    %dma_start3A_381 = tpu.memref_slice %arg8[%dma_start3A_380] : memref<8192xf32, #tpu.memory_space<vmem>> -> memref<1024xf32, #tpu.memory_space<vmem>>
    tpu.enqueue_dma source(%dma_start3A_381 : memref<1024xf32, #tpu.memory_space<vmem>>) target(%dma_start3A_379 : memref<1024xf32, #tpu.memory_space<hbm>>) target_semaphore(%arg12 : memref<!tpu.dma_semaphore, #tpu.memory_space<semaphore_mem>>)
    %dma_start3A_382 = arith.constant 198 : i32
    %dma_start3A_383 = arith.constant 3 : i32
    %dma_start3A_384 = arith.constant 3072 : i32
    %dma_start3A_385 = tpu.memref_slice %arg8[%dma_start3A_384] : memref<8192xf32, #tpu.memory_space<vmem>> -> memref<1024xf32, #tpu.memory_space<vmem>>
    %dma_start3A_386 = arith.constant 0 : i32
    %dma_start3A_387 = tpu.memref_slice %arg4[%dma_start3A_382, %dma_start3A_383, %add3A, %dma_start3A_386] : memref<200x8x32x1024xf32, #tpu.memory_space<hbm>> -> memref<1x1x1x1024xf32, #tpu.memory_space<hbm>>
    %dma_start3A_388 = tpu.memref_squeeze %dma_start3A_387 : memref<1x1x1x1024xf32, #tpu.memory_space<hbm>> -> memref<1024xf32, #tpu.memory_space<hbm>>
    %dma_start3A_389 = arith.constant 0 : i32
    %dma_start3A_390 = tpu.memref_slice %arg4[%dma_start3A_382, %dma_start3A_383, %add3A, %dma_start3A_389] : memref<200x8x32x1024xf32, #tpu.memory_space<hbm>> -> memref<1x1x1x1024xf32, #tpu.memory_space<hbm>>
    %dma_start3A_391 = tpu.memref_squeeze %dma_start3A_390 : memref<1x1x1x1024xf32, #tpu.memory_space<hbm>> -> memref<1024xf32, #tpu.memory_space<hbm>>
    %dma_start3A_392 = arith.constant 3072 : i32
    %dma_start3A_393 = tpu.memref_slice %arg8[%dma_start3A_392] : memref<8192xf32, #tpu.memory_space<vmem>> -> memref<1024xf32, #tpu.memory_space<vmem>>
    tpu.enqueue_dma source(%dma_start3A_393 : memref<1024xf32, #tpu.memory_space<vmem>>) target(%dma_start3A_391 : memref<1024xf32, #tpu.memory_space<hbm>>) target_semaphore(%arg12 : memref<!tpu.dma_semaphore, #tpu.memory_space<semaphore_mem>>)
    %dma_start3A_394 = arith.constant 198 : i32
    %dma_start3A_395 = arith.constant 4 : i32
    %dma_start3A_396 = arith.constant 4096 : i32
    %dma_start3A_397 = tpu.memref_slice %arg8[%dma_start3A_396] : memref<8192xf32, #tpu.memory_space<vmem>> -> memref<1024xf32, #tpu.memory_space<vmem>>
    %dma_start3A_398 = arith.constant 0 : i32
    %dma_start3A_399 = tpu.memref_slice %arg4[%dma_start3A_394, %dma_start3A_395, %add3A, %dma_start3A_398] : memref<200x8x32x1024xf32, #tpu.memory_space<hbm>> -> memref<1x1x1x1024xf32, #tpu.memory_space<hbm>>
    %dma_start3A_400 = tpu.memref_squeeze %dma_start3A_399 : memref<1x1x1x1024xf32, #tpu.memory_space<hbm>> -> memref<1024xf32, #tpu.memory_space<hbm>>
    %dma_start3A_401 = arith.constant 0 : i32
    %dma_start3A_402 = tpu.memref_slice %arg4[%dma_start3A_394, %dma_start3A_395, %add3A, %dma_start3A_401] : memref<200x8x32x1024xf32, #tpu.memory_space<hbm>> -> memref<1x1x1x1024xf32, #tpu.memory_space<hbm>>
    %dma_start3A_403 = tpu.memref_squeeze %dma_start3A_402 : memref<1x1x1x1024xf32, #tpu.memory_space<hbm>> -> memref<1024xf32, #tpu.memory_space<hbm>>
    %dma_start3A_404 = arith.constant 4096 : i32
    %dma_start3A_405 = tpu.memref_slice %arg8[%dma_start3A_404] : memref<8192xf32, #tpu.memory_space<vmem>> -> memref<1024xf32, #tpu.memory_space<vmem>>
    tpu.enqueue_dma source(%dma_start3A_405 : memref<1024xf32, #tpu.memory_space<vmem>>) target(%dma_start3A_403 : memref<1024xf32, #tpu.memory_space<hbm>>) target_semaphore(%arg12 : memref<!tpu.dma_semaphore, #tpu.memory_space<semaphore_mem>>)
    %dma_start3A_406 = arith.constant 198 : i32
    %dma_start3A_407 = arith.constant 5 : i32
    %dma_start3A_408 = arith.constant 5120 : i32
    %dma_start3A_409 = tpu.memref_slice %arg8[%dma_start3A_408] : memref<8192xf32, #tpu.memory_space<vmem>> -> memref<1024xf32, #tpu.memory_space<vmem>>
    %dma_start3A_410 = arith.constant 0 : i32
    %dma_start3A_411 = tpu.memref_slice %arg4[%dma_start3A_406, %dma_start3A_407, %add3A, %dma_start3A_410] : memref<200x8x32x1024xf32, #tpu.memory_space<hbm>> -> memref<1x1x1x1024xf32, #tpu.memory_space<hbm>>
    %dma_start3A_412 = tpu.memref_squeeze %dma_start3A_411 : memref<1x1x1x1024xf32, #tpu.memory_space<hbm>> -> memref<1024xf32, #tpu.memory_space<hbm>>
    %dma_start3A_413 = arith.constant 0 : i32
    %dma_start3A_414 = tpu.memref_slice %arg4[%dma_start3A_406, %dma_start3A_407, %add3A, %dma_start3A_413] : memref<200x8x32x1024xf32, #tpu.memory_space<hbm>> -> memref<1x1x1x1024xf32, #tpu.memory_space<hbm>>
    %dma_start3A_415 = tpu.memref_squeeze %dma_start3A_414 : memref<1x1x1x1024xf32, #tpu.memory_space<hbm>> -> memref<1024xf32, #tpu.memory_space<hbm>>
    %dma_start3A_416 = arith.constant 5120 : i32
    %dma_start3A_417 = tpu.memref_slice %arg8[%dma_start3A_416] : memref<8192xf32, #tpu.memory_space<vmem>> -> memref<1024xf32, #tpu.memory_space<vmem>>
    tpu.enqueue_dma source(%dma_start3A_417 : memref<1024xf32, #tpu.memory_space<vmem>>) target(%dma_start3A_415 : memref<1024xf32, #tpu.memory_space<hbm>>) target_semaphore(%arg12 : memref<!tpu.dma_semaphore, #tpu.memory_space<semaphore_mem>>)
    %dma_start3A_418 = arith.constant 198 : i32
    %dma_start3A_419 = arith.constant 6 : i32
    %dma_start3A_420 = arith.constant 6144 : i32
    %dma_start3A_421 = tpu.memref_slice %arg8[%dma_start3A_420] : memref<8192xf32, #tpu.memory_space<vmem>> -> memref<1024xf32, #tpu.memory_space<vmem>>
    %dma_start3A_422 = arith.constant 0 : i32
    %dma_start3A_423 = tpu.memref_slice %arg4[%dma_start3A_418, %dma_start3A_419, %add3A, %dma_start3A_422] : memref<200x8x32x1024xf32, #tpu.memory_space<hbm>> -> memref<1x1x1x1024xf32, #tpu.memory_space<hbm>>
    %dma_start3A_424 = tpu.memref_squeeze %dma_start3A_423 : memref<1x1x1x1024xf32, #tpu.memory_space<hbm>> -> memref<1024xf32, #tpu.memory_space<hbm>>
    %dma_start3A_425 = arith.constant 0 : i32
    %dma_start3A_426 = tpu.memref_slice %arg4[%dma_start3A_418, %dma_start3A_419, %add3A, %dma_start3A_425] : memref<200x8x32x1024xf32, #tpu.memory_space<hbm>> -> memref<1x1x1x1024xf32, #tpu.memory_space<hbm>>
    %dma_start3A_427 = tpu.memref_squeeze %dma_start3A_426 : memref<1x1x1x1024xf32, #tpu.memory_space<hbm>> -> memref<1024xf32, #tpu.memory_space<hbm>>
    %dma_start3A_428 = arith.constant 6144 : i32
    %dma_start3A_429 = tpu.memref_slice %arg8[%dma_start3A_428] : memref<8192xf32, #tpu.memory_space<vmem>> -> memref<1024xf32, #tpu.memory_space<vmem>>
    tpu.enqueue_dma source(%dma_start3A_429 : memref<1024xf32, #tpu.memory_space<vmem>>) target(%dma_start3A_427 : memref<1024xf32, #tpu.memory_space<hbm>>) target_semaphore(%arg12 : memref<!tpu.dma_semaphore, #tpu.memory_space<semaphore_mem>>)
    %dma_start3A_430 = arith.constant 198 : i32
    %dma_start3A_431 = arith.constant 7 : i32
    %dma_start3A_432 = arith.constant 7168 : i32
    %dma_start3A_433 = tpu.memref_slice %arg8[%dma_start3A_432] : memref<8192xf32, #tpu.memory_space<vmem>> -> memref<1024xf32, #tpu.memory_space<vmem>>
    %dma_start3A_434 = arith.constant 0 : i32
    %dma_start3A_435 = tpu.memref_slice %arg4[%dma_start3A_430, %dma_start3A_431, %add3A, %dma_start3A_434] : memref<200x8x32x1024xf32, #tpu.memory_space<hbm>> -> memref<1x1x1x1024xf32, #tpu.memory_space<hbm>>
    %dma_start3A_436 = tpu.memref_squeeze %dma_start3A_435 : memref<1x1x1x1024xf32, #tpu.memory_space<hbm>> -> memref<1024xf32, #tpu.memory_space<hbm>>
    %dma_start3A_437 = arith.constant 0 : i32
    %dma_start3A_438 = tpu.memref_slice %arg4[%dma_start3A_430, %dma_start3A_431, %add3A, %dma_start3A_437] : memref<200x8x32x1024xf32, #tpu.memory_space<hbm>> -> memref<1x1x1x1024xf32, #tpu.memory_space<hbm>>
    %dma_start3A_439 = tpu.memref_squeeze %dma_start3A_438 : memref<1x1x1x1024xf32, #tpu.memory_space<hbm>> -> memref<1024xf32, #tpu.memory_space<hbm>>
    %dma_start3A_440 = arith.constant 7168 : i32
    %dma_start3A_441 = tpu.memref_slice %arg8[%dma_start3A_440] : memref<8192xf32, #tpu.memory_space<vmem>> -> memref<1024xf32, #tpu.memory_space<vmem>>
    tpu.enqueue_dma source(%dma_start3A_441 : memref<1024xf32, #tpu.memory_space<vmem>>) target(%dma_start3A_439 : memref<1024xf32, #tpu.memory_space<hbm>>) target_semaphore(%arg12 : memref<!tpu.dma_semaphore, #tpu.memory_space<semaphore_mem>>)
    %dma_wait3A_442 = arith.constant 0 : i32
    %dma_wait3A_443 = arith.constant 0 : i32
    %dma_wait3A_444 = tpu.memref_slice %arg3[%dma_wait3A_442, %dma_wait3A_443] : memref<1000000x64xf32, #tpu.memory_space<hbm>> -> memref<128x64xf32, #tpu.memory_space<hbm>>
    %dma_wait3A_445 = arith.constant 0 : i32
    %dma_wait3A_446 = arith.constant 0 : i32
    %dma_wait3A_447 = tpu.memref_slice %arg3[%dma_wait3A_445, %dma_wait3A_446] : memref<1000000x64xf32, #tpu.memory_space<hbm>> -> memref<128x64xf32, #tpu.memory_space<hbm>>
    tpu.wait_dma2 semaphore(%arg11 : memref<!tpu.dma_semaphore, #tpu.memory_space<semaphore_mem>>) src(%dma_wait3A_447 : memref<128x64xf32, #tpu.memory_space<hbm>>) dst(%arg7 : memref<128x64xf32, #tpu.memory_space<vmem>>)
    %dma_wait3A_448 = arith.constant 0 : i32
    %dma_wait3A_449 = arith.constant 0 : i32
    %dma_wait3A_450 = arith.constant 0 : i32
    %dma_wait3A_451 = tpu.memref_slice %arg9[%dma_wait3A_450] : memref<8192xf32, #tpu.memory_space<vmem>> -> memref<1024xf32, #tpu.memory_space<vmem>>
    %dma_wait3A_452 = arith.constant 0 : i32
    %dma_wait3A_453 = tpu.memref_slice %arg4[%dma_wait3A_448, %dma_wait3A_449, %add3A, %dma_wait3A_452] : memref<200x8x32x1024xf32, #tpu.memory_space<hbm>> -> memref<1x1x1x1024xf32, #tpu.memory_space<hbm>>
    %dma_wait3A_454 = tpu.memref_squeeze %dma_wait3A_453 : memref<1x1x1x1024xf32, #tpu.memory_space<hbm>> -> memref<1024xf32, #tpu.memory_space<hbm>>
    %dma_wait3A_455 = arith.constant 0 : i32
    %dma_wait3A_456 = tpu.memref_slice %arg4[%dma_wait3A_448, %dma_wait3A_449, %add3A, %dma_wait3A_455] : memref<200x8x32x1024xf32, #tpu.memory_space<hbm>> -> memref<1x1x1x1024xf32, #tpu.memory_space<hbm>>
    %dma_wait3A_457 = tpu.memref_squeeze %dma_wait3A_456 : memref<1x1x1x1024xf32, #tpu.memory_space<hbm>> -> memref<1024xf32, #tpu.memory_space<hbm>>
    %dma_wait3A_458 = arith.constant 0 : i32
    %dma_wait3A_459 = tpu.memref_slice %arg9[%dma_wait3A_458] : memref<8192xf32, #tpu.memory_space<vmem>> -> memref<1024xf32, #tpu.memory_space<vmem>>
    tpu.wait_dma2 semaphore(%arg13 : memref<!tpu.dma_semaphore, #tpu.memory_space<semaphore_mem>>) src(%dma_wait3A_459 : memref<1024xf32, #tpu.memory_space<vmem>>) dst(%dma_wait3A_457 : memref<1024xf32, #tpu.memory_space<hbm>>)
    %dma_wait3A_460 = arith.constant 0 : i32
    %dma_wait3A_461 = arith.constant 1 : i32
    %dma_wait3A_462 = arith.constant 1024 : i32
    %dma_wait3A_463 = tpu.memref_slice %arg9[%dma_wait3A_462] : memref<8192xf32, #tpu.memory_space<vmem>> -> memref<1024xf32, #tpu.memory_space<vmem>>
    %dma_wait3A_464 = arith.constant 0 : i32
    %dma_wait3A_465 = tpu.memref_slice %arg4[%dma_wait3A_460, %dma_wait3A_461, %add3A, %dma_wait3A_464] : memref<200x8x32x1024xf32, #tpu.memory_space<hbm>> -> memref<1x1x1x1024xf32, #tpu.memory_space<hbm>>
    %dma_wait3A_466 = tpu.memref_squeeze %dma_wait3A_465 : memref<1x1x1x1024xf32, #tpu.memory_space<hbm>> -> memref<1024xf32, #tpu.memory_space<hbm>>
    %dma_wait3A_467 = arith.constant 0 : i32
    %dma_wait3A_468 = tpu.memref_slice %arg4[%dma_wait3A_460, %dma_wait3A_461, %add3A, %dma_wait3A_467] : memref<200x8x32x1024xf32, #tpu.memory_space<hbm>> -> memref<1x1x1x1024xf32, #tpu.memory_space<hbm>>
    %dma_wait3A_469 = tpu.memref_squeeze %dma_wait3A_468 : memref<1x1x1x1024xf32, #tpu.memory_space<hbm>> -> memref<1024xf32, #tpu.memory_space<hbm>>
    %dma_wait3A_470 = arith.constant 1024 : i32
    %dma_wait3A_471 = tpu.memref_slice %arg9[%dma_wait3A_470] : memref<8192xf32, #tpu.memory_space<vmem>> -> memref<1024xf32, #tpu.memory_space<vmem>>
    tpu.wait_dma2 semaphore(%arg13 : memref<!tpu.dma_semaphore, #tpu.memory_space<semaphore_mem>>) src(%dma_wait3A_471 : memref<1024xf32, #tpu.memory_space<vmem>>) dst(%dma_wait3A_469 : memref<1024xf32, #tpu.memory_space<hbm>>)
    %dma_wait3A_472 = arith.constant 0 : i32
    %dma_wait3A_473 = arith.constant 2 : i32
    %dma_wait3A_474 = arith.constant 2048 : i32
    %dma_wait3A_475 = tpu.memref_slice %arg9[%dma_wait3A_474] : memref<8192xf32, #tpu.memory_space<vmem>> -> memref<1024xf32, #tpu.memory_space<vmem>>
    %dma_wait3A_476 = arith.constant 0 : i32
    %dma_wait3A_477 = tpu.memref_slice %arg4[%dma_wait3A_472, %dma_wait3A_473, %add3A, %dma_wait3A_476] : memref<200x8x32x1024xf32, #tpu.memory_space<hbm>> -> memref<1x1x1x1024xf32, #tpu.memory_space<hbm>>
    %dma_wait3A_478 = tpu.memref_squeeze %dma_wait3A_477 : memref<1x1x1x1024xf32, #tpu.memory_space<hbm>> -> memref<1024xf32, #tpu.memory_space<hbm>>
    %dma_wait3A_479 = arith.constant 0 : i32
    %dma_wait3A_480 = tpu.memref_slice %arg4[%dma_wait3A_472, %dma_wait3A_473, %add3A, %dma_wait3A_479] : memref<200x8x32x1024xf32, #tpu.memory_space<hbm>> -> memref<1x1x1x1024xf32, #tpu.memory_space<hbm>>
    %dma_wait3A_481 = tpu.memref_squeeze %dma_wait3A_480 : memref<1x1x1x1024xf32, #tpu.memory_space<hbm>> -> memref<1024xf32, #tpu.memory_space<hbm>>
    %dma_wait3A_482 = arith.constant 2048 : i32
    %dma_wait3A_483 = tpu.memref_slice %arg9[%dma_wait3A_482] : memref<8192xf32, #tpu.memory_space<vmem>> -> memref<1024xf32, #tpu.memory_space<vmem>>
    tpu.wait_dma2 semaphore(%arg13 : memref<!tpu.dma_semaphore, #tpu.memory_space<semaphore_mem>>) src(%dma_wait3A_483 : memref<1024xf32, #tpu.memory_space<vmem>>) dst(%dma_wait3A_481 : memref<1024xf32, #tpu.memory_space<hbm>>)
    %dma_wait3A_484 = arith.constant 0 : i32
    %dma_wait3A_485 = arith.constant 3 : i32
    %dma_wait3A_486 = arith.constant 3072 : i32
    %dma_wait3A_487 = tpu.memref_slice %arg9[%dma_wait3A_486] : memref<8192xf32, #tpu.memory_space<vmem>> -> memref<1024xf32, #tpu.memory_space<vmem>>
    %dma_wait3A_488 = arith.constant 0 : i32
    %dma_wait3A_489 = tpu.memref_slice %arg4[%dma_wait3A_484, %dma_wait3A_485, %add3A, %dma_wait3A_488] : memref<200x8x32x1024xf32, #tpu.memory_space<hbm>> -> memref<1x1x1x1024xf32, #tpu.memory_space<hbm>>
    %dma_wait3A_490 = tpu.memref_squeeze %dma_wait3A_489 : memref<1x1x1x1024xf32, #tpu.memory_space<hbm>> -> memref<1024xf32, #tpu.memory_space<hbm>>
    %dma_wait3A_491 = arith.constant 0 : i32
    %dma_wait3A_492 = tpu.memref_slice %arg4[%dma_wait3A_484, %dma_wait3A_485, %add3A, %dma_wait3A_491] : memref<200x8x32x1024xf32, #tpu.memory_space<hbm>> -> memref<1x1x1x1024xf32, #tpu.memory_space<hbm>>
    %dma_wait3A_493 = tpu.memref_squeeze %dma_wait3A_492 : memref<1x1x1x1024xf32, #tpu.memory_space<hbm>> -> memref<1024xf32, #tpu.memory_space<hbm>>
    %dma_wait3A_494 = arith.constant 3072 : i32
    %dma_wait3A_495 = tpu.memref_slice %arg9[%dma_wait3A_494] : memref<8192xf32, #tpu.memory_space<vmem>> -> memref<1024xf32, #tpu.memory_space<vmem>>
    tpu.wait_dma2 semaphore(%arg13 : memref<!tpu.dma_semaphore, #tpu.memory_space<semaphore_mem>>) src(%dma_wait3A_495 : memref<1024xf32, #tpu.memory_space<vmem>>) dst(%dma_wait3A_493 : memref<1024xf32, #tpu.memory_space<hbm>>)
    %dma_wait3A_496 = arith.constant 0 : i32
    %dma_wait3A_497 = arith.constant 4 : i32
    %dma_wait3A_498 = arith.constant 4096 : i32
    %dma_wait3A_499 = tpu.memref_slice %arg9[%dma_wait3A_498] : memref<8192xf32, #tpu.memory_space<vmem>> -> memref<1024xf32, #tpu.memory_space<vmem>>
    %dma_wait3A_500 = arith.constant 0 : i32
    %dma_wait3A_501 = tpu.memref_slice %arg4[%dma_wait3A_496, %dma_wait3A_497, %add3A, %dma_wait3A_500] : memref<200x8x32x1024xf32, #tpu.memory_space<hbm>> -> memref<1x1x1x1024xf32, #tpu.memory_space<hbm>>
    %dma_wait3A_502 = tpu.memref_squeeze %dma_wait3A_501 : memref<1x1x1x1024xf32, #tpu.memory_space<hbm>> -> memref<1024xf32, #tpu.memory_space<hbm>>
    %dma_wait3A_503 = arith.constant 0 : i32
    %dma_wait3A_504 = tpu.memref_slice %arg4[%dma_wait3A_496, %dma_wait3A_497, %add3A, %dma_wait3A_503] : memref<200x8x32x1024xf32, #tpu.memory_space<hbm>> -> memref<1x1x1x1024xf32, #tpu.memory_space<hbm>>
    %dma_wait3A_505 = tpu.memref_squeeze %dma_wait3A_504 : memref<1x1x1x1024xf32, #tpu.memory_space<hbm>> -> memref<1024xf32, #tpu.memory_space<hbm>>
    %dma_wait3A_506 = arith.constant 4096 : i32
    %dma_wait3A_507 = tpu.memref_slice %arg9[%dma_wait3A_506] : memref<8192xf32, #tpu.memory_space<vmem>> -> memref<1024xf32, #tpu.memory_space<vmem>>
    tpu.wait_dma2 semaphore(%arg13 : memref<!tpu.dma_semaphore, #tpu.memory_space<semaphore_mem>>) src(%dma_wait3A_507 : memref<1024xf32, #tpu.memory_space<vmem>>) dst(%dma_wait3A_505 : memref<1024xf32, #tpu.memory_space<hbm>>)
    %dma_wait3A_508 = arith.constant 0 : i32
    %dma_wait3A_509 = arith.constant 5 : i32
    %dma_wait3A_510 = arith.constant 5120 : i32
    %dma_wait3A_511 = tpu.memref_slice %arg9[%dma_wait3A_510] : memref<8192xf32, #tpu.memory_space<vmem>> -> memref<1024xf32, #tpu.memory_space<vmem>>
    %dma_wait3A_512 = arith.constant 0 : i32
    %dma_wait3A_513 = tpu.memref_slice %arg4[%dma_wait3A_508, %dma_wait3A_509, %add3A, %dma_wait3A_512] : memref<200x8x32x1024xf32, #tpu.memory_space<hbm>> -> memref<1x1x1x1024xf32, #tpu.memory_space<hbm>>
    %dma_wait3A_514 = tpu.memref_squeeze %dma_wait3A_513 : memref<1x1x1x1024xf32, #tpu.memory_space<hbm>> -> memref<1024xf32, #tpu.memory_space<hbm>>
    %dma_wait3A_515 = arith.constant 0 : i32
    %dma_wait3A_516 = tpu.memref_slice %arg4[%dma_wait3A_508, %dma_wait3A_509, %add3A, %dma_wait3A_515] : memref<200x8x32x1024xf32, #tpu.memory_space<hbm>> -> memref<1x1x1x1024xf32, #tpu.memory_space<hbm>>
    %dma_wait3A_517 = tpu.memref_squeeze %dma_wait3A_516 : memref<1x1x1x1024xf32, #tpu.memory_space<hbm>> -> memref<1024xf32, #tpu.memory_space<hbm>>
    %dma_wait3A_518 = arith.constant 5120 : i32
    %dma_wait3A_519 = tpu.memref_slice %arg9[%dma_wait3A_518] : memref<8192xf32, #tpu.memory_space<vmem>> -> memref<1024xf32, #tpu.memory_space<vmem>>
    tpu.wait_dma2 semaphore(%arg13 : memref<!tpu.dma_semaphore, #tpu.memory_space<semaphore_mem>>) src(%dma_wait3A_519 : memref<1024xf32, #tpu.memory_space<vmem>>) dst(%dma_wait3A_517 : memref<1024xf32, #tpu.memory_space<hbm>>)
    %dma_wait3A_520 = arith.constant 0 : i32
    %dma_wait3A_521 = arith.constant 6 : i32
    %dma_wait3A_522 = arith.constant 6144 : i32
    %dma_wait3A_523 = tpu.memref_slice %arg9[%dma_wait3A_522] : memref<8192xf32, #tpu.memory_space<vmem>> -> memref<1024xf32, #tpu.memory_space<vmem>>
    %dma_wait3A_524 = arith.constant 0 : i32
    %dma_wait3A_525 = tpu.memref_slice %arg4[%dma_wait3A_520, %dma_wait3A_521, %add3A, %dma_wait3A_524] : memref<200x8x32x1024xf32, #tpu.memory_space<hbm>> -> memref<1x1x1x1024xf32, #tpu.memory_space<hbm>>
    %dma_wait3A_526 = tpu.memref_squeeze %dma_wait3A_525 : memref<1x1x1x1024xf32, #tpu.memory_space<hbm>> -> memref<1024xf32, #tpu.memory_space<hbm>>
    %dma_wait3A_527 = arith.constant 0 : i32
    %dma_wait3A_528 = tpu.memref_slice %arg4[%dma_wait3A_520, %dma_wait3A_521, %add3A, %dma_wait3A_527] : memref<200x8x32x1024xf32, #tpu.memory_space<hbm>> -> memref<1x1x1x1024xf32, #tpu.memory_space<hbm>>
    %dma_wait3A_529 = tpu.memref_squeeze %dma_wait3A_528 : memref<1x1x1x1024xf32, #tpu.memory_space<hbm>> -> memref<1024xf32, #tpu.memory_space<hbm>>
    %dma_wait3A_530 = arith.constant 6144 : i32
    %dma_wait3A_531 = tpu.memref_slice %arg9[%dma_wait3A_530] : memref<8192xf32, #tpu.memory_space<vmem>> -> memref<1024xf32, #tpu.memory_space<vmem>>
    tpu.wait_dma2 semaphore(%arg13 : memref<!tpu.dma_semaphore, #tpu.memory_space<semaphore_mem>>) src(%dma_wait3A_531 : memref<1024xf32, #tpu.memory_space<vmem>>) dst(%dma_wait3A_529 : memref<1024xf32, #tpu.memory_space<hbm>>)
    %dma_wait3A_532 = arith.constant 0 : i32
    %dma_wait3A_533 = arith.constant 7 : i32
    %dma_wait3A_534 = arith.constant 7168 : i32
    %dma_wait3A_535 = tpu.memref_slice %arg9[%dma_wait3A_534] : memref<8192xf32, #tpu.memory_space<vmem>> -> memref<1024xf32, #tpu.memory_space<vmem>>
    %dma_wait3A_536 = arith.constant 0 : i32
    %dma_wait3A_537 = tpu.memref_slice %arg4[%dma_wait3A_532, %dma_wait3A_533, %add3A, %dma_wait3A_536] : memref<200x8x32x1024xf32, #tpu.memory_space<hbm>> -> memref<1x1x1x1024xf32, #tpu.memory_space<hbm>>
    %dma_wait3A_538 = tpu.memref_squeeze %dma_wait3A_537 : memref<1x1x1x1024xf32, #tpu.memory_space<hbm>> -> memref<1024xf32, #tpu.memory_space<hbm>>
    %dma_wait3A_539 = arith.constant 0 : i32
    %dma_wait3A_540 = tpu.memref_slice %arg4[%dma_wait3A_532, %dma_wait3A_533, %add3A, %dma_wait3A_539] : memref<200x8x32x1024xf32, #tpu.memory_space<hbm>> -> memref<1x1x1x1024xf32, #tpu.memory_space<hbm>>
    %dma_wait3A_541 = tpu.memref_squeeze %dma_wait3A_540 : memref<1x1x1x1024xf32, #tpu.memory_space<hbm>> -> memref<1024xf32, #tpu.memory_space<hbm>>
    %dma_wait3A_542 = arith.constant 7168 : i32
    %dma_wait3A_543 = tpu.memref_slice %arg9[%dma_wait3A_542] : memref<8192xf32, #tpu.memory_space<vmem>> -> memref<1024xf32, #tpu.memory_space<vmem>>
    tpu.wait_dma2 semaphore(%arg13 : memref<!tpu.dma_semaphore, #tpu.memory_space<semaphore_mem>>) src(%dma_wait3A_543 : memref<1024xf32, #tpu.memory_space<vmem>>) dst(%dma_wait3A_541 : memref<1024xf32, #tpu.memory_space<hbm>>)
    %parallel_loop3A_544 = arith.constant 0 : i32
    %parallel_loop3A_545 = arith.constant 128 : i32
    %parallel_loop3A_546 = arith.constant 1 : i32
    scf.for %parallel_loop3A_835 = %parallel_loop3A_544 to %parallel_loop3A_545 step %parallel_loop3A_546  : i32 {
      %parallel_loop3A_836 = arith.constant 16 : i32
      %parallel_loop3A_837 = arith.divsi %parallel_loop3A_835, %parallel_loop3A_836 : i32
      %parallel_loop3A_838 = arith.constant 0 : i32
      %parallel_loop3A_839 = arith.cmpi sgt, %parallel_loop3A_835, %parallel_loop3A_838 : i32
      %parallel_loop3A_840 = arith.extui %parallel_loop3A_839 : i1 to i32
      %parallel_loop3A_841 = arith.constant 0 : i32
      %parallel_loop3A_842 = arith.cmpi slt, %parallel_loop3A_835, %parallel_loop3A_841 : i32
      %parallel_loop3A_843 = arith.extui %parallel_loop3A_842 : i1 to i32
      %parallel_loop3A_844 = arith.subi %parallel_loop3A_840, %parallel_loop3A_843 : i32
      %parallel_loop3A_845 = arith.constant 0 : i32
      %parallel_loop3A_846 = arith.cmpi sgt, %parallel_loop3A_836, %parallel_loop3A_845 : i32
      %parallel_loop3A_847 = arith.extui %parallel_loop3A_846 : i1 to i32
      %parallel_loop3A_848 = arith.constant 0 : i32
      %parallel_loop3A_849 = arith.cmpi slt, %parallel_loop3A_836, %parallel_loop3A_848 : i32
      %parallel_loop3A_850 = arith.extui %parallel_loop3A_849 : i1 to i32
      %parallel_loop3A_851 = arith.subi %parallel_loop3A_847, %parallel_loop3A_850 : i32
      %parallel_loop3A_852 = arith.cmpi ne, %parallel_loop3A_844, %parallel_loop3A_851 : i32
      %parallel_loop3A_853 = arith.remsi %parallel_loop3A_835, %parallel_loop3A_836 : i32
      %parallel_loop3A_854 = arith.constant 0 : i32
      %parallel_loop3A_855 = arith.cmpi ne, %parallel_loop3A_853, %parallel_loop3A_854 : i32
      %parallel_loop3A_856 = arith.andi %parallel_loop3A_852, %parallel_loop3A_855 : i1
      %parallel_loop3A_857 = arith.constant 1 : i32
      %parallel_loop3A_858 = arith.subi %parallel_loop3A_837, %parallel_loop3A_857 : i32
      %parallel_loop3A_859 = arith.select %parallel_loop3A_856, %parallel_loop3A_858, %parallel_loop3A_837 : i32
      %parallel_loop3A_860 = arith.constant 16 : i32
      %parallel_loop3A_861 = arith.muli %parallel_loop3A_859, %parallel_loop3A_860 : i32
      %parallel_loop3A_862 = vector.broadcast %parallel_loop3A_861 : i32 to vector<16xi32>
      %parallel_loop3A_863 = arith.addi %parallel_loop3A_862, %iota3A : vector<16xi32>
      %parallel_loop3A_864 = arith.constant 16 : i32
      %parallel_loop3A_865 = arith.constant 0 : i32
      %parallel_loop3A_866 = arith.cmpi eq, %parallel_loop3A_864, %parallel_loop3A_865 : i32
      %parallel_loop3A_867 = arith.constant 1 : i32
      %parallel_loop3A_868 = arith.select %parallel_loop3A_866, %parallel_loop3A_867, %parallel_loop3A_864 : i32
      %parallel_loop3A_869 = arith.remsi %parallel_loop3A_835, %parallel_loop3A_868 : i32
      %parallel_loop3A_870 = arith.constant 0 : i32
      %parallel_loop3A_871 = arith.cmpi ne, %parallel_loop3A_869, %parallel_loop3A_870 : i32
      %parallel_loop3A_872 = arith.constant 0 : i32
      %parallel_loop3A_873 = arith.cmpi slt, %parallel_loop3A_869, %parallel_loop3A_872 : i32
      %parallel_loop3A_874 = arith.constant 0 : i32
      %parallel_loop3A_875 = arith.cmpi slt, %parallel_loop3A_868, %parallel_loop3A_874 : i32
      %parallel_loop3A_876 = arith.xori %parallel_loop3A_873, %parallel_loop3A_875 : i1
      %parallel_loop3A_877 = arith.andi %parallel_loop3A_876, %parallel_loop3A_871 : i1
      %parallel_loop3A_878 = arith.addi %parallel_loop3A_869, %parallel_loop3A_868 : i32
      %parallel_loop3A_879 = arith.select %parallel_loop3A_877, %parallel_loop3A_878, %parallel_loop3A_869 : i32
      %parallel_loop3A_880 = vector.broadcast %parallel_loop3A_879 : i32 to vector<16xi32>
      %parallel_loop3A_881 = arith.addi %parallel_loop3A_880, %iota3A : vector<16xi32>
      %parallel_loop3A_882 = arith.constant 16 : i32
      %parallel_loop3A_883 = arith.constant 0 : i32
      %parallel_loop3A_884 = arith.cmpi eq, %parallel_loop3A_882, %parallel_loop3A_883 : i32
      %parallel_loop3A_885 = arith.constant 1 : i32
      %parallel_loop3A_886 = arith.select %parallel_loop3A_884, %parallel_loop3A_885, %parallel_loop3A_882 : i32
      %parallel_loop3A_887 = vector.broadcast %parallel_loop3A_886 : i32 to vector<16xi32>
      %parallel_loop3A_888 = arith.remsi %parallel_loop3A_881, %parallel_loop3A_887 : vector<16xi32>
      %parallel_loop3A_889 = arith.constant 0 : i32
      %parallel_loop3A_890 = vector.broadcast %parallel_loop3A_889 : i32 to vector<16xi32>
      %parallel_loop3A_891 = arith.cmpi ne, %parallel_loop3A_888, %parallel_loop3A_890 : vector<16xi32>
      %parallel_loop3A_892 = arith.constant 0 : i32
      %parallel_loop3A_893 = vector.broadcast %parallel_loop3A_892 : i32 to vector<16xi32>
      %parallel_loop3A_894 = arith.cmpi slt, %parallel_loop3A_888, %parallel_loop3A_893 : vector<16xi32>
      %parallel_loop3A_895 = arith.constant 0 : i32
      %parallel_loop3A_896 = arith.cmpi slt, %parallel_loop3A_886, %parallel_loop3A_895 : i32
      %parallel_loop3A_897 = vector.broadcast %parallel_loop3A_896 : i1 to vector<16xi1>
      %parallel_loop3A_898 = vector.broadcast %parallel_loop3A_897 : vector<16xi1> to vector<16xi1>
      %parallel_loop3A_899 = arith.xori %parallel_loop3A_894, %parallel_loop3A_898 : vector<16xi1>
      %parallel_loop3A_900 = arith.andi %parallel_loop3A_899, %parallel_loop3A_891 : vector<16xi1>
      %parallel_loop3A_901 = vector.broadcast %parallel_loop3A_886 : i32 to vector<16xi32>
      %parallel_loop3A_902 = arith.addi %parallel_loop3A_888, %parallel_loop3A_901 : vector<16xi32>
      %parallel_loop3A_903 = arith.select %parallel_loop3A_900, %parallel_loop3A_902, %parallel_loop3A_888 : vector<16xi1>, vector<16xi32>
      %parallel_loop3A_904 = arith.constant 0 : i32
      %parallel_loop3A_905 = vector.broadcast %parallel_loop3A_904 : i32 to vector<16xi32>
      %parallel_loop3A_906 = arith.addi %parallel_loop3A_903, %parallel_loop3A_905 : vector<16xi32>
      %parallel_loop3A_907 = tpu.vector_load_idx %arg7[%parallel_loop3A_863, %parallel_loop3A_906] : memref<128x64xf32, #tpu.memory_space<vmem>>[vector<16xi32>, vector<16xi32>], vector<16xf32>,
      %parallel_loop3A_908 = arith.constant 128 : i32
      %parallel_loop3A_909 = vector.broadcast %parallel_loop3A_908 : i32 to vector<16xi32>
      %parallel_loop3A_910 = arith.muli %parallel_loop3A_906, %parallel_loop3A_909 : vector<16xi32>
      %parallel_loop3A_911 = arith.addi %parallel_loop3A_910, %parallel_loop3A_863 : vector<16xi32>
      %parallel_loop3A_912 = arith.constant 8.000000e+00 : f32
      %parallel_loop3A_913 = vector.broadcast %parallel_loop3A_912 : f32 to vector<16xf32>
      %parallel_loop3A_914 = arith.mulf %parallel_loop3A_907, %parallel_loop3A_913 : vector<16xf32>
      tpu.vector_store_idx %arg9[%parallel_loop3A_911], %parallel_loop3A_914 : memref<8192xf32, #tpu.memory_space<vmem>>[vector<16xi32>], vector<16xf32>,
      %parallel_loop3A_915 = arith.constant 16 : i32
      %parallel_loop3A_916 = vector.broadcast %parallel_loop3A_915 : i32 to vector<16xi32>
      %parallel_loop3A_917 = arith.addi %parallel_loop3A_903, %parallel_loop3A_916 : vector<16xi32>
      %parallel_loop3A_918 = tpu.vector_load_idx %arg7[%parallel_loop3A_863, %parallel_loop3A_917] : memref<128x64xf32, #tpu.memory_space<vmem>>[vector<16xi32>, vector<16xi32>], vector<16xf32>,
      %parallel_loop3A_919 = arith.constant 128 : i32
      %parallel_loop3A_920 = vector.broadcast %parallel_loop3A_919 : i32 to vector<16xi32>
      %parallel_loop3A_921 = arith.muli %parallel_loop3A_917, %parallel_loop3A_920 : vector<16xi32>
      %parallel_loop3A_922 = arith.addi %parallel_loop3A_921, %parallel_loop3A_863 : vector<16xi32>
      %parallel_loop3A_923 = arith.constant 8.000000e+00 : f32
      %parallel_loop3A_924 = vector.broadcast %parallel_loop3A_923 : f32 to vector<16xf32>
      %parallel_loop3A_925 = arith.mulf %parallel_loop3A_918, %parallel_loop3A_924 : vector<16xf32>
      tpu.vector_store_idx %arg9[%parallel_loop3A_922], %parallel_loop3A_925 : memref<8192xf32, #tpu.memory_space<vmem>>[vector<16xi32>], vector<16xf32>,
      %parallel_loop3A_926 = arith.constant 32 : i32
      %parallel_loop3A_927 = vector.broadcast %parallel_loop3A_926 : i32 to vector<16xi32>
      %parallel_loop3A_928 = arith.addi %parallel_loop3A_903, %parallel_loop3A_927 : vector<16xi32>
      %parallel_loop3A_929 = tpu.vector_load_idx %arg7[%parallel_loop3A_863, %parallel_loop3A_928] : memref<128x64xf32, #tpu.memory_space<vmem>>[vector<16xi32>, vector<16xi32>], vector<16xf32>,
      %parallel_loop3A_930 = arith.constant 128 : i32
      %parallel_loop3A_931 = vector.broadcast %parallel_loop3A_930 : i32 to vector<16xi32>
      %parallel_loop3A_932 = arith.muli %parallel_loop3A_928, %parallel_loop3A_931 : vector<16xi32>
      %parallel_loop3A_933 = arith.addi %parallel_loop3A_932, %parallel_loop3A_863 : vector<16xi32>
      %parallel_loop3A_934 = arith.constant 8.000000e+00 : f32
      %parallel_loop3A_935 = vector.broadcast %parallel_loop3A_934 : f32 to vector<16xf32>
      %parallel_loop3A_936 = arith.mulf %parallel_loop3A_929, %parallel_loop3A_935 : vector<16xf32>
      tpu.vector_store_idx %arg9[%parallel_loop3A_933], %parallel_loop3A_936 : memref<8192xf32, #tpu.memory_space<vmem>>[vector<16xi32>], vector<16xf32>,
      %parallel_loop3A_937 = arith.constant 48 : i32
      %parallel_loop3A_938 = vector.broadcast %parallel_loop3A_937 : i32 to vector<16xi32>
      %parallel_loop3A_939 = arith.addi %parallel_loop3A_903, %parallel_loop3A_938 : vector<16xi32>
      %parallel_loop3A_940 = tpu.vector_load_idx %arg7[%parallel_loop3A_863, %parallel_loop3A_939] : memref<128x64xf32, #tpu.memory_space<vmem>>[vector<16xi32>, vector<16xi32>], vector<16xf32>,
      %parallel_loop3A_941 = arith.constant 128 : i32
      %parallel_loop3A_942 = vector.broadcast %parallel_loop3A_941 : i32 to vector<16xi32>
      %parallel_loop3A_943 = arith.muli %parallel_loop3A_939, %parallel_loop3A_942 : vector<16xi32>
      %parallel_loop3A_944 = arith.addi %parallel_loop3A_943, %parallel_loop3A_863 : vector<16xi32>
      %parallel_loop3A_945 = arith.constant 8.000000e+00 : f32
      %parallel_loop3A_946 = vector.broadcast %parallel_loop3A_945 : f32 to vector<16xf32>
      %parallel_loop3A_947 = arith.mulf %parallel_loop3A_940, %parallel_loop3A_946 : vector<16xf32>
      tpu.vector_store_idx %arg9[%parallel_loop3A_944], %parallel_loop3A_947 : memref<8192xf32, #tpu.memory_space<vmem>>[vector<16xi32>], vector<16xf32>,
    } {sc.loop_unroll_factor = 4 : i64, sc.parallel_access}
    %dma_start3A_547 = arith.constant 199 : i32
    %dma_start3A_548 = arith.constant 0 : i32
    %dma_start3A_549 = arith.constant 0 : i32
    %dma_start3A_550 = tpu.memref_slice %arg9[%dma_start3A_549] : memref<8192xf32, #tpu.memory_space<vmem>> -> memref<1024xf32, #tpu.memory_space<vmem>>
    %dma_start3A_551 = arith.constant 0 : i32
    %dma_start3A_552 = tpu.memref_slice %arg4[%dma_start3A_547, %dma_start3A_548, %add3A, %dma_start3A_551] : memref<200x8x32x1024xf32, #tpu.memory_space<hbm>> -> memref<1x1x1x1024xf32, #tpu.memory_space<hbm>>
    %dma_start3A_553 = tpu.memref_squeeze %dma_start3A_552 : memref<1x1x1x1024xf32, #tpu.memory_space<hbm>> -> memref<1024xf32, #tpu.memory_space<hbm>>
    %dma_start3A_554 = arith.constant 0 : i32
    %dma_start3A_555 = tpu.memref_slice %arg4[%dma_start3A_547, %dma_start3A_548, %add3A, %dma_start3A_554] : memref<200x8x32x1024xf32, #tpu.memory_space<hbm>> -> memref<1x1x1x1024xf32, #tpu.memory_space<hbm>>
    %dma_start3A_556 = tpu.memref_squeeze %dma_start3A_555 : memref<1x1x1x1024xf32, #tpu.memory_space<hbm>> -> memref<1024xf32, #tpu.memory_space<hbm>>
    %dma_start3A_557 = arith.constant 0 : i32
    %dma_start3A_558 = tpu.memref_slice %arg9[%dma_start3A_557] : memref<8192xf32, #tpu.memory_space<vmem>> -> memref<1024xf32, #tpu.memory_space<vmem>>
    tpu.enqueue_dma source(%dma_start3A_558 : memref<1024xf32, #tpu.memory_space<vmem>>) target(%dma_start3A_556 : memref<1024xf32, #tpu.memory_space<hbm>>) target_semaphore(%arg13 : memref<!tpu.dma_semaphore, #tpu.memory_space<semaphore_mem>>)
    %dma_start3A_559 = arith.constant 199 : i32
    %dma_start3A_560 = arith.constant 1 : i32
    %dma_start3A_561 = arith.constant 1024 : i32
    %dma_start3A_562 = tpu.memref_slice %arg9[%dma_start3A_561] : memref<8192xf32, #tpu.memory_space<vmem>> -> memref<1024xf32, #tpu.memory_space<vmem>>
    %dma_start3A_563 = arith.constant 0 : i32
    %dma_start3A_564 = tpu.memref_slice %arg4[%dma_start3A_559, %dma_start3A_560, %add3A, %dma_start3A_563] : memref<200x8x32x1024xf32, #tpu.memory_space<hbm>> -> memref<1x1x1x1024xf32, #tpu.memory_space<hbm>>
    %dma_start3A_565 = tpu.memref_squeeze %dma_start3A_564 : memref<1x1x1x1024xf32, #tpu.memory_space<hbm>> -> memref<1024xf32, #tpu.memory_space<hbm>>
    %dma_start3A_566 = arith.constant 0 : i32
    %dma_start3A_567 = tpu.memref_slice %arg4[%dma_start3A_559, %dma_start3A_560, %add3A, %dma_start3A_566] : memref<200x8x32x1024xf32, #tpu.memory_space<hbm>> -> memref<1x1x1x1024xf32, #tpu.memory_space<hbm>>
    %dma_start3A_568 = tpu.memref_squeeze %dma_start3A_567 : memref<1x1x1x1024xf32, #tpu.memory_space<hbm>> -> memref<1024xf32, #tpu.memory_space<hbm>>
    %dma_start3A_569 = arith.constant 1024 : i32
    %dma_start3A_570 = tpu.memref_slice %arg9[%dma_start3A_569] : memref<8192xf32, #tpu.memory_space<vmem>> -> memref<1024xf32, #tpu.memory_space<vmem>>
    tpu.enqueue_dma source(%dma_start3A_570 : memref<1024xf32, #tpu.memory_space<vmem>>) target(%dma_start3A_568 : memref<1024xf32, #tpu.memory_space<hbm>>) target_semaphore(%arg13 : memref<!tpu.dma_semaphore, #tpu.memory_space<semaphore_mem>>)
    %dma_start3A_571 = arith.constant 199 : i32
    %dma_start3A_572 = arith.constant 2 : i32
    %dma_start3A_573 = arith.constant 2048 : i32
    %dma_start3A_574 = tpu.memref_slice %arg9[%dma_start3A_573] : memref<8192xf32, #tpu.memory_space<vmem>> -> memref<1024xf32, #tpu.memory_space<vmem>>
    %dma_start3A_575 = arith.constant 0 : i32
    %dma_start3A_576 = tpu.memref_slice %arg4[%dma_start3A_571, %dma_start3A_572, %add3A, %dma_start3A_575] : memref<200x8x32x1024xf32, #tpu.memory_space<hbm>> -> memref<1x1x1x1024xf32, #tpu.memory_space<hbm>>
    %dma_start3A_577 = tpu.memref_squeeze %dma_start3A_576 : memref<1x1x1x1024xf32, #tpu.memory_space<hbm>> -> memref<1024xf32, #tpu.memory_space<hbm>>
    %dma_start3A_578 = arith.constant 0 : i32
    %dma_start3A_579 = tpu.memref_slice %arg4[%dma_start3A_571, %dma_start3A_572, %add3A, %dma_start3A_578] : memref<200x8x32x1024xf32, #tpu.memory_space<hbm>> -> memref<1x1x1x1024xf32, #tpu.memory_space<hbm>>
    %dma_start3A_580 = tpu.memref_squeeze %dma_start3A_579 : memref<1x1x1x1024xf32, #tpu.memory_space<hbm>> -> memref<1024xf32, #tpu.memory_space<hbm>>
    %dma_start3A_581 = arith.constant 2048 : i32
    %dma_start3A_582 = tpu.memref_slice %arg9[%dma_start3A_581] : memref<8192xf32, #tpu.memory_space<vmem>> -> memref<1024xf32, #tpu.memory_space<vmem>>
    tpu.enqueue_dma source(%dma_start3A_582 : memref<1024xf32, #tpu.memory_space<vmem>>) target(%dma_start3A_580 : memref<1024xf32, #tpu.memory_space<hbm>>) target_semaphore(%arg13 : memref<!tpu.dma_semaphore, #tpu.memory_space<semaphore_mem>>)
    %dma_start3A_583 = arith.constant 199 : i32
    %dma_start3A_584 = arith.constant 3 : i32
    %dma_start3A_585 = arith.constant 3072 : i32
    %dma_start3A_586 = tpu.memref_slice %arg9[%dma_start3A_585] : memref<8192xf32, #tpu.memory_space<vmem>> -> memref<1024xf32, #tpu.memory_space<vmem>>
    %dma_start3A_587 = arith.constant 0 : i32
    %dma_start3A_588 = tpu.memref_slice %arg4[%dma_start3A_583, %dma_start3A_584, %add3A, %dma_start3A_587] : memref<200x8x32x1024xf32, #tpu.memory_space<hbm>> -> memref<1x1x1x1024xf32, #tpu.memory_space<hbm>>
    %dma_start3A_589 = tpu.memref_squeeze %dma_start3A_588 : memref<1x1x1x1024xf32, #tpu.memory_space<hbm>> -> memref<1024xf32, #tpu.memory_space<hbm>>
    %dma_start3A_590 = arith.constant 0 : i32
    %dma_start3A_591 = tpu.memref_slice %arg4[%dma_start3A_583, %dma_start3A_584, %add3A, %dma_start3A_590] : memref<200x8x32x1024xf32, #tpu.memory_space<hbm>> -> memref<1x1x1x1024xf32, #tpu.memory_space<hbm>>
    %dma_start3A_592 = tpu.memref_squeeze %dma_start3A_591 : memref<1x1x1x1024xf32, #tpu.memory_space<hbm>> -> memref<1024xf32, #tpu.memory_space<hbm>>
    %dma_start3A_593 = arith.constant 3072 : i32
    %dma_start3A_594 = tpu.memref_slice %arg9[%dma_start3A_593] : memref<8192xf32, #tpu.memory_space<vmem>> -> memref<1024xf32, #tpu.memory_space<vmem>>
    tpu.enqueue_dma source(%dma_start3A_594 : memref<1024xf32, #tpu.memory_space<vmem>>) target(%dma_start3A_592 : memref<1024xf32, #tpu.memory_space<hbm>>) target_semaphore(%arg13 : memref<!tpu.dma_semaphore, #tpu.memory_space<semaphore_mem>>)
    %dma_start3A_595 = arith.constant 199 : i32
    %dma_start3A_596 = arith.constant 4 : i32
    %dma_start3A_597 = arith.constant 4096 : i32
    %dma_start3A_598 = tpu.memref_slice %arg9[%dma_start3A_597] : memref<8192xf32, #tpu.memory_space<vmem>> -> memref<1024xf32, #tpu.memory_space<vmem>>
    %dma_start3A_599 = arith.constant 0 : i32
    %dma_start3A_600 = tpu.memref_slice %arg4[%dma_start3A_595, %dma_start3A_596, %add3A, %dma_start3A_599] : memref<200x8x32x1024xf32, #tpu.memory_space<hbm>> -> memref<1x1x1x1024xf32, #tpu.memory_space<hbm>>
    %dma_start3A_601 = tpu.memref_squeeze %dma_start3A_600 : memref<1x1x1x1024xf32, #tpu.memory_space<hbm>> -> memref<1024xf32, #tpu.memory_space<hbm>>
    %dma_start3A_602 = arith.constant 0 : i32
    %dma_start3A_603 = tpu.memref_slice %arg4[%dma_start3A_595, %dma_start3A_596, %add3A, %dma_start3A_602] : memref<200x8x32x1024xf32, #tpu.memory_space<hbm>> -> memref<1x1x1x1024xf32, #tpu.memory_space<hbm>>
    %dma_start3A_604 = tpu.memref_squeeze %dma_start3A_603 : memref<1x1x1x1024xf32, #tpu.memory_space<hbm>> -> memref<1024xf32, #tpu.memory_space<hbm>>
    %dma_start3A_605 = arith.constant 4096 : i32
    %dma_start3A_606 = tpu.memref_slice %arg9[%dma_start3A_605] : memref<8192xf32, #tpu.memory_space<vmem>> -> memref<1024xf32, #tpu.memory_space<vmem>>
    tpu.enqueue_dma source(%dma_start3A_606 : memref<1024xf32, #tpu.memory_space<vmem>>) target(%dma_start3A_604 : memref<1024xf32, #tpu.memory_space<hbm>>) target_semaphore(%arg13 : memref<!tpu.dma_semaphore, #tpu.memory_space<semaphore_mem>>)
    %dma_start3A_607 = arith.constant 199 : i32
    %dma_start3A_608 = arith.constant 5 : i32
    %dma_start3A_609 = arith.constant 5120 : i32
    %dma_start3A_610 = tpu.memref_slice %arg9[%dma_start3A_609] : memref<8192xf32, #tpu.memory_space<vmem>> -> memref<1024xf32, #tpu.memory_space<vmem>>
    %dma_start3A_611 = arith.constant 0 : i32
    %dma_start3A_612 = tpu.memref_slice %arg4[%dma_start3A_607, %dma_start3A_608, %add3A, %dma_start3A_611] : memref<200x8x32x1024xf32, #tpu.memory_space<hbm>> -> memref<1x1x1x1024xf32, #tpu.memory_space<hbm>>
    %dma_start3A_613 = tpu.memref_squeeze %dma_start3A_612 : memref<1x1x1x1024xf32, #tpu.memory_space<hbm>> -> memref<1024xf32, #tpu.memory_space<hbm>>
    %dma_start3A_614 = arith.constant 0 : i32
    %dma_start3A_615 = tpu.memref_slice %arg4[%dma_start3A_607, %dma_start3A_608, %add3A, %dma_start3A_614] : memref<200x8x32x1024xf32, #tpu.memory_space<hbm>> -> memref<1x1x1x1024xf32, #tpu.memory_space<hbm>>
    %dma_start3A_616 = tpu.memref_squeeze %dma_start3A_615 : memref<1x1x1x1024xf32, #tpu.memory_space<hbm>> -> memref<1024xf32, #tpu.memory_space<hbm>>
    %dma_start3A_617 = arith.constant 5120 : i32
    %dma_start3A_618 = tpu.memref_slice %arg9[%dma_start3A_617] : memref<8192xf32, #tpu.memory_space<vmem>> -> memref<1024xf32, #tpu.memory_space<vmem>>
    tpu.enqueue_dma source(%dma_start3A_618 : memref<1024xf32, #tpu.memory_space<vmem>>) target(%dma_start3A_616 : memref<1024xf32, #tpu.memory_space<hbm>>) target_semaphore(%arg13 : memref<!tpu.dma_semaphore, #tpu.memory_space<semaphore_mem>>)
    %dma_start3A_619 = arith.constant 199 : i32
    %dma_start3A_620 = arith.constant 6 : i32
    %dma_start3A_621 = arith.constant 6144 : i32
    %dma_start3A_622 = tpu.memref_slice %arg9[%dma_start3A_621] : memref<8192xf32, #tpu.memory_space<vmem>> -> memref<1024xf32, #tpu.memory_space<vmem>>
    %dma_start3A_623 = arith.constant 0 : i32
    %dma_start3A_624 = tpu.memref_slice %arg4[%dma_start3A_619, %dma_start3A_620, %add3A, %dma_start3A_623] : memref<200x8x32x1024xf32, #tpu.memory_space<hbm>> -> memref<1x1x1x1024xf32, #tpu.memory_space<hbm>>
    %dma_start3A_625 = tpu.memref_squeeze %dma_start3A_624 : memref<1x1x1x1024xf32, #tpu.memory_space<hbm>> -> memref<1024xf32, #tpu.memory_space<hbm>>
    %dma_start3A_626 = arith.constant 0 : i32
    %dma_start3A_627 = tpu.memref_slice %arg4[%dma_start3A_619, %dma_start3A_620, %add3A, %dma_start3A_626] : memref<200x8x32x1024xf32, #tpu.memory_space<hbm>> -> memref<1x1x1x1024xf32, #tpu.memory_space<hbm>>
    %dma_start3A_628 = tpu.memref_squeeze %dma_start3A_627 : memref<1x1x1x1024xf32, #tpu.memory_space<hbm>> -> memref<1024xf32, #tpu.memory_space<hbm>>
    %dma_start3A_629 = arith.constant 6144 : i32
    %dma_start3A_630 = tpu.memref_slice %arg9[%dma_start3A_629] : memref<8192xf32, #tpu.memory_space<vmem>> -> memref<1024xf32, #tpu.memory_space<vmem>>
    tpu.enqueue_dma source(%dma_start3A_630 : memref<1024xf32, #tpu.memory_space<vmem>>) target(%dma_start3A_628 : memref<1024xf32, #tpu.memory_space<hbm>>) target_semaphore(%arg13 : memref<!tpu.dma_semaphore, #tpu.memory_space<semaphore_mem>>)
    %dma_start3A_631 = arith.constant 199 : i32
    %dma_start3A_632 = arith.constant 7 : i32
    %dma_start3A_633 = arith.constant 7168 : i32
    %dma_start3A_634 = tpu.memref_slice %arg9[%dma_start3A_633] : memref<8192xf32, #tpu.memory_space<vmem>> -> memref<1024xf32, #tpu.memory_space<vmem>>
    %dma_start3A_635 = arith.constant 0 : i32
    %dma_start3A_636 = tpu.memref_slice %arg4[%dma_start3A_631, %dma_start3A_632, %add3A, %dma_start3A_635] : memref<200x8x32x1024xf32, #tpu.memory_space<hbm>> -> memref<1x1x1x1024xf32, #tpu.memory_space<hbm>>
    %dma_start3A_637 = tpu.memref_squeeze %dma_start3A_636 : memref<1x1x1x1024xf32, #tpu.memory_space<hbm>> -> memref<1024xf32, #tpu.memory_space<hbm>>
    %dma_start3A_638 = arith.constant 0 : i32
    %dma_start3A_639 = tpu.memref_slice %arg4[%dma_start3A_631, %dma_start3A_632, %add3A, %dma_start3A_638] : memref<200x8x32x1024xf32, #tpu.memory_space<hbm>> -> memref<1x1x1x1024xf32, #tpu.memory_space<hbm>>
    %dma_start3A_640 = tpu.memref_squeeze %dma_start3A_639 : memref<1x1x1x1024xf32, #tpu.memory_space<hbm>> -> memref<1024xf32, #tpu.memory_space<hbm>>
    %dma_start3A_641 = arith.constant 7168 : i32
    %dma_start3A_642 = tpu.memref_slice %arg9[%dma_start3A_641] : memref<8192xf32, #tpu.memory_space<vmem>> -> memref<1024xf32, #tpu.memory_space<vmem>>
    tpu.enqueue_dma source(%dma_start3A_642 : memref<1024xf32, #tpu.memory_space<vmem>>) target(%dma_start3A_640 : memref<1024xf32, #tpu.memory_space<hbm>>) target_semaphore(%arg13 : memref<!tpu.dma_semaphore, #tpu.memory_space<semaphore_mem>>)
    %dma_wait3A_643 = arith.constant 0 : i32
    %dma_wait3A_644 = arith.constant 0 : i32
    %dma_wait3A_645 = arith.constant 0 : i32
    %dma_wait3A_646 = tpu.memref_slice %arg8[%dma_wait3A_645] : memref<8192xf32, #tpu.memory_space<vmem>> -> memref<1024xf32, #tpu.memory_space<vmem>>
    %dma_wait3A_647 = arith.constant 0 : i32
    %dma_wait3A_648 = tpu.memref_slice %arg4[%dma_wait3A_643, %dma_wait3A_644, %add3A, %dma_wait3A_647] : memref<200x8x32x1024xf32, #tpu.memory_space<hbm>> -> memref<1x1x1x1024xf32, #tpu.memory_space<hbm>>
    %dma_wait3A_649 = tpu.memref_squeeze %dma_wait3A_648 : memref<1x1x1x1024xf32, #tpu.memory_space<hbm>> -> memref<1024xf32, #tpu.memory_space<hbm>>
    %dma_wait3A_650 = arith.constant 0 : i32
    %dma_wait3A_651 = tpu.memref_slice %arg4[%dma_wait3A_643, %dma_wait3A_644, %add3A, %dma_wait3A_650] : memref<200x8x32x1024xf32, #tpu.memory_space<hbm>> -> memref<1x1x1x1024xf32, #tpu.memory_space<hbm>>
    %dma_wait3A_652 = tpu.memref_squeeze %dma_wait3A_651 : memref<1x1x1x1024xf32, #tpu.memory_space<hbm>> -> memref<1024xf32, #tpu.memory_space<hbm>>
    %dma_wait3A_653 = arith.constant 0 : i32
    %dma_wait3A_654 = tpu.memref_slice %arg8[%dma_wait3A_653] : memref<8192xf32, #tpu.memory_space<vmem>> -> memref<1024xf32, #tpu.memory_space<vmem>>
    tpu.wait_dma2 semaphore(%arg12 : memref<!tpu.dma_semaphore, #tpu.memory_space<semaphore_mem>>) src(%dma_wait3A_654 : memref<1024xf32, #tpu.memory_space<vmem>>) dst(%dma_wait3A_652 : memref<1024xf32, #tpu.memory_space<hbm>>)
    %dma_wait3A_655 = arith.constant 0 : i32
    %dma_wait3A_656 = arith.constant 1 : i32
    %dma_wait3A_657 = arith.constant 1024 : i32
    %dma_wait3A_658 = tpu.memref_slice %arg8[%dma_wait3A_657] : memref<8192xf32, #tpu.memory_space<vmem>> -> memref<1024xf32, #tpu.memory_space<vmem>>
    %dma_wait3A_659 = arith.constant 0 : i32
    %dma_wait3A_660 = tpu.memref_slice %arg4[%dma_wait3A_655, %dma_wait3A_656, %add3A, %dma_wait3A_659] : memref<200x8x32x1024xf32, #tpu.memory_space<hbm>> -> memref<1x1x1x1024xf32, #tpu.memory_space<hbm>>
    %dma_wait3A_661 = tpu.memref_squeeze %dma_wait3A_660 : memref<1x1x1x1024xf32, #tpu.memory_space<hbm>> -> memref<1024xf32, #tpu.memory_space<hbm>>
    %dma_wait3A_662 = arith.constant 0 : i32
    %dma_wait3A_663 = tpu.memref_slice %arg4[%dma_wait3A_655, %dma_wait3A_656, %add3A, %dma_wait3A_662] : memref<200x8x32x1024xf32, #tpu.memory_space<hbm>> -> memref<1x1x1x1024xf32, #tpu.memory_space<hbm>>
    %dma_wait3A_664 = tpu.memref_squeeze %dma_wait3A_663 : memref<1x1x1x1024xf32, #tpu.memory_space<hbm>> -> memref<1024xf32, #tpu.memory_space<hbm>>
    %dma_wait3A_665 = arith.constant 1024 : i32
    %dma_wait3A_666 = tpu.memref_slice %arg8[%dma_wait3A_665] : memref<8192xf32, #tpu.memory_space<vmem>> -> memref<1024xf32, #tpu.memory_space<vmem>>
    tpu.wait_dma2 semaphore(%arg12 : memref<!tpu.dma_semaphore, #tpu.memory_space<semaphore_mem>>) src(%dma_wait3A_666 : memref<1024xf32, #tpu.memory_space<vmem>>) dst(%dma_wait3A_664 : memref<1024xf32, #tpu.memory_space<hbm>>)
    %dma_wait3A_667 = arith.constant 0 : i32
    %dma_wait3A_668 = arith.constant 2 : i32
    %dma_wait3A_669 = arith.constant 2048 : i32
    %dma_wait3A_670 = tpu.memref_slice %arg8[%dma_wait3A_669] : memref<8192xf32, #tpu.memory_space<vmem>> -> memref<1024xf32, #tpu.memory_space<vmem>>
    %dma_wait3A_671 = arith.constant 0 : i32
    %dma_wait3A_672 = tpu.memref_slice %arg4[%dma_wait3A_667, %dma_wait3A_668, %add3A, %dma_wait3A_671] : memref<200x8x32x1024xf32, #tpu.memory_space<hbm>> -> memref<1x1x1x1024xf32, #tpu.memory_space<hbm>>
    %dma_wait3A_673 = tpu.memref_squeeze %dma_wait3A_672 : memref<1x1x1x1024xf32, #tpu.memory_space<hbm>> -> memref<1024xf32, #tpu.memory_space<hbm>>
    %dma_wait3A_674 = arith.constant 0 : i32
    %dma_wait3A_675 = tpu.memref_slice %arg4[%dma_wait3A_667, %dma_wait3A_668, %add3A, %dma_wait3A_674] : memref<200x8x32x1024xf32, #tpu.memory_space<hbm>> -> memref<1x1x1x1024xf32, #tpu.memory_space<hbm>>
    %dma_wait3A_676 = tpu.memref_squeeze %dma_wait3A_675 : memref<1x1x1x1024xf32, #tpu.memory_space<hbm>> -> memref<1024xf32, #tpu.memory_space<hbm>>
    %dma_wait3A_677 = arith.constant 2048 : i32
    %dma_wait3A_678 = tpu.memref_slice %arg8[%dma_wait3A_677] : memref<8192xf32, #tpu.memory_space<vmem>> -> memref<1024xf32, #tpu.memory_space<vmem>>
    tpu.wait_dma2 semaphore(%arg12 : memref<!tpu.dma_semaphore, #tpu.memory_space<semaphore_mem>>) src(%dma_wait3A_678 : memref<1024xf32, #tpu.memory_space<vmem>>) dst(%dma_wait3A_676 : memref<1024xf32, #tpu.memory_space<hbm>>)
    %dma_wait3A_679 = arith.constant 0 : i32
    %dma_wait3A_680 = arith.constant 3 : i32
    %dma_wait3A_681 = arith.constant 3072 : i32
    %dma_wait3A_682 = tpu.memref_slice %arg8[%dma_wait3A_681] : memref<8192xf32, #tpu.memory_space<vmem>> -> memref<1024xf32, #tpu.memory_space<vmem>>
    %dma_wait3A_683 = arith.constant 0 : i32
    %dma_wait3A_684 = tpu.memref_slice %arg4[%dma_wait3A_679, %dma_wait3A_680, %add3A, %dma_wait3A_683] : memref<200x8x32x1024xf32, #tpu.memory_space<hbm>> -> memref<1x1x1x1024xf32, #tpu.memory_space<hbm>>
    %dma_wait3A_685 = tpu.memref_squeeze %dma_wait3A_684 : memref<1x1x1x1024xf32, #tpu.memory_space<hbm>> -> memref<1024xf32, #tpu.memory_space<hbm>>
    %dma_wait3A_686 = arith.constant 0 : i32
    %dma_wait3A_687 = tpu.memref_slice %arg4[%dma_wait3A_679, %dma_wait3A_680, %add3A, %dma_wait3A_686] : memref<200x8x32x1024xf32, #tpu.memory_space<hbm>> -> memref<1x1x1x1024xf32, #tpu.memory_space<hbm>>
    %dma_wait3A_688 = tpu.memref_squeeze %dma_wait3A_687 : memref<1x1x1x1024xf32, #tpu.memory_space<hbm>> -> memref<1024xf32, #tpu.memory_space<hbm>>
    %dma_wait3A_689 = arith.constant 3072 : i32
    %dma_wait3A_690 = tpu.memref_slice %arg8[%dma_wait3A_689] : memref<8192xf32, #tpu.memory_space<vmem>> -> memref<1024xf32, #tpu.memory_space<vmem>>
    tpu.wait_dma2 semaphore(%arg12 : memref<!tpu.dma_semaphore, #tpu.memory_space<semaphore_mem>>) src(%dma_wait3A_690 : memref<1024xf32, #tpu.memory_space<vmem>>) dst(%dma_wait3A_688 : memref<1024xf32, #tpu.memory_space<hbm>>)
    %dma_wait3A_691 = arith.constant 0 : i32
    %dma_wait3A_692 = arith.constant 4 : i32
    %dma_wait3A_693 = arith.constant 4096 : i32
    %dma_wait3A_694 = tpu.memref_slice %arg8[%dma_wait3A_693] : memref<8192xf32, #tpu.memory_space<vmem>> -> memref<1024xf32, #tpu.memory_space<vmem>>
    %dma_wait3A_695 = arith.constant 0 : i32
    %dma_wait3A_696 = tpu.memref_slice %arg4[%dma_wait3A_691, %dma_wait3A_692, %add3A, %dma_wait3A_695] : memref<200x8x32x1024xf32, #tpu.memory_space<hbm>> -> memref<1x1x1x1024xf32, #tpu.memory_space<hbm>>
    %dma_wait3A_697 = tpu.memref_squeeze %dma_wait3A_696 : memref<1x1x1x1024xf32, #tpu.memory_space<hbm>> -> memref<1024xf32, #tpu.memory_space<hbm>>
    %dma_wait3A_698 = arith.constant 0 : i32
    %dma_wait3A_699 = tpu.memref_slice %arg4[%dma_wait3A_691, %dma_wait3A_692, %add3A, %dma_wait3A_698] : memref<200x8x32x1024xf32, #tpu.memory_space<hbm>> -> memref<1x1x1x1024xf32, #tpu.memory_space<hbm>>
    %dma_wait3A_700 = tpu.memref_squeeze %dma_wait3A_699 : memref<1x1x1x1024xf32, #tpu.memory_space<hbm>> -> memref<1024xf32, #tpu.memory_space<hbm>>
    %dma_wait3A_701 = arith.constant 4096 : i32
    %dma_wait3A_702 = tpu.memref_slice %arg8[%dma_wait3A_701] : memref<8192xf32, #tpu.memory_space<vmem>> -> memref<1024xf32, #tpu.memory_space<vmem>>
    tpu.wait_dma2 semaphore(%arg12 : memref<!tpu.dma_semaphore, #tpu.memory_space<semaphore_mem>>) src(%dma_wait3A_702 : memref<1024xf32, #tpu.memory_space<vmem>>) dst(%dma_wait3A_700 : memref<1024xf32, #tpu.memory_space<hbm>>)
    %dma_wait3A_703 = arith.constant 0 : i32
    %dma_wait3A_704 = arith.constant 5 : i32
    %dma_wait3A_705 = arith.constant 5120 : i32
    %dma_wait3A_706 = tpu.memref_slice %arg8[%dma_wait3A_705] : memref<8192xf32, #tpu.memory_space<vmem>> -> memref<1024xf32, #tpu.memory_space<vmem>>
    %dma_wait3A_707 = arith.constant 0 : i32
    %dma_wait3A_708 = tpu.memref_slice %arg4[%dma_wait3A_703, %dma_wait3A_704, %add3A, %dma_wait3A_707] : memref<200x8x32x1024xf32, #tpu.memory_space<hbm>> -> memref<1x1x1x1024xf32, #tpu.memory_space<hbm>>
    %dma_wait3A_709 = tpu.memref_squeeze %dma_wait3A_708 : memref<1x1x1x1024xf32, #tpu.memory_space<hbm>> -> memref<1024xf32, #tpu.memory_space<hbm>>
    %dma_wait3A_710 = arith.constant 0 : i32
    %dma_wait3A_711 = tpu.memref_slice %arg4[%dma_wait3A_703, %dma_wait3A_704, %add3A, %dma_wait3A_710] : memref<200x8x32x1024xf32, #tpu.memory_space<hbm>> -> memref<1x1x1x1024xf32, #tpu.memory_space<hbm>>
    %dma_wait3A_712 = tpu.memref_squeeze %dma_wait3A_711 : memref<1x1x1x1024xf32, #tpu.memory_space<hbm>> -> memref<1024xf32, #tpu.memory_space<hbm>>
    %dma_wait3A_713 = arith.constant 5120 : i32
    %dma_wait3A_714 = tpu.memref_slice %arg8[%dma_wait3A_713] : memref<8192xf32, #tpu.memory_space<vmem>> -> memref<1024xf32, #tpu.memory_space<vmem>>
    tpu.wait_dma2 semaphore(%arg12 : memref<!tpu.dma_semaphore, #tpu.memory_space<semaphore_mem>>) src(%dma_wait3A_714 : memref<1024xf32, #tpu.memory_space<vmem>>) dst(%dma_wait3A_712 : memref<1024xf32, #tpu.memory_space<hbm>>)
    %dma_wait3A_715 = arith.constant 0 : i32
    %dma_wait3A_716 = arith.constant 6 : i32
    %dma_wait3A_717 = arith.constant 6144 : i32
    %dma_wait3A_718 = tpu.memref_slice %arg8[%dma_wait3A_717] : memref<8192xf32, #tpu.memory_space<vmem>> -> memref<1024xf32, #tpu.memory_space<vmem>>
    %dma_wait3A_719 = arith.constant 0 : i32
    %dma_wait3A_720 = tpu.memref_slice %arg4[%dma_wait3A_715, %dma_wait3A_716, %add3A, %dma_wait3A_719] : memref<200x8x32x1024xf32, #tpu.memory_space<hbm>> -> memref<1x1x1x1024xf32, #tpu.memory_space<hbm>>
    %dma_wait3A_721 = tpu.memref_squeeze %dma_wait3A_720 : memref<1x1x1x1024xf32, #tpu.memory_space<hbm>> -> memref<1024xf32, #tpu.memory_space<hbm>>
    %dma_wait3A_722 = arith.constant 0 : i32
    %dma_wait3A_723 = tpu.memref_slice %arg4[%dma_wait3A_715, %dma_wait3A_716, %add3A, %dma_wait3A_722] : memref<200x8x32x1024xf32, #tpu.memory_space<hbm>> -> memref<1x1x1x1024xf32, #tpu.memory_space<hbm>>
    %dma_wait3A_724 = tpu.memref_squeeze %dma_wait3A_723 : memref<1x1x1x1024xf32, #tpu.memory_space<hbm>> -> memref<1024xf32, #tpu.memory_space<hbm>>
    %dma_wait3A_725 = arith.constant 6144 : i32
    %dma_wait3A_726 = tpu.memref_slice %arg8[%dma_wait3A_725] : memref<8192xf32, #tpu.memory_space<vmem>> -> memref<1024xf32, #tpu.memory_space<vmem>>
    tpu.wait_dma2 semaphore(%arg12 : memref<!tpu.dma_semaphore, #tpu.memory_space<semaphore_mem>>) src(%dma_wait3A_726 : memref<1024xf32, #tpu.memory_space<vmem>>) dst(%dma_wait3A_724 : memref<1024xf32, #tpu.memory_space<hbm>>)
    %dma_wait3A_727 = arith.constant 0 : i32
    %dma_wait3A_728 = arith.constant 7 : i32
    %dma_wait3A_729 = arith.constant 7168 : i32
    %dma_wait3A_730 = tpu.memref_slice %arg8[%dma_wait3A_729] : memref<8192xf32, #tpu.memory_space<vmem>> -> memref<1024xf32, #tpu.memory_space<vmem>>
    %dma_wait3A_731 = arith.constant 0 : i32
    %dma_wait3A_732 = tpu.memref_slice %arg4[%dma_wait3A_727, %dma_wait3A_728, %add3A, %dma_wait3A_731] : memref<200x8x32x1024xf32, #tpu.memory_space<hbm>> -> memref<1x1x1x1024xf32, #tpu.memory_space<hbm>>
    %dma_wait3A_733 = tpu.memref_squeeze %dma_wait3A_732 : memref<1x1x1x1024xf32, #tpu.memory_space<hbm>> -> memref<1024xf32, #tpu.memory_space<hbm>>
    %dma_wait3A_734 = arith.constant 0 : i32
    %dma_wait3A_735 = tpu.memref_slice %arg4[%dma_wait3A_727, %dma_wait3A_728, %add3A, %dma_wait3A_734] : memref<200x8x32x1024xf32, #tpu.memory_space<hbm>> -> memref<1x1x1x1024xf32, #tpu.memory_space<hbm>>
    %dma_wait3A_736 = tpu.memref_squeeze %dma_wait3A_735 : memref<1x1x1x1024xf32, #tpu.memory_space<hbm>> -> memref<1024xf32, #tpu.memory_space<hbm>>
    %dma_wait3A_737 = arith.constant 7168 : i32
    %dma_wait3A_738 = tpu.memref_slice %arg8[%dma_wait3A_737] : memref<8192xf32, #tpu.memory_space<vmem>> -> memref<1024xf32, #tpu.memory_space<vmem>>
    tpu.wait_dma2 semaphore(%arg12 : memref<!tpu.dma_semaphore, #tpu.memory_space<semaphore_mem>>) src(%dma_wait3A_738 : memref<1024xf32, #tpu.memory_space<vmem>>) dst(%dma_wait3A_736 : memref<1024xf32, #tpu.memory_space<hbm>>)
    %dma_wait3A_739 = arith.constant 0 : i32
    %dma_wait3A_740 = arith.constant 0 : i32
    %dma_wait3A_741 = arith.constant 0 : i32
    %dma_wait3A_742 = tpu.memref_slice %arg9[%dma_wait3A_741] : memref<8192xf32, #tpu.memory_space<vmem>> -> memref<1024xf32, #tpu.memory_space<vmem>>
    %dma_wait3A_743 = arith.constant 0 : i32
    %dma_wait3A_744 = tpu.memref_slice %arg4[%dma_wait3A_739, %dma_wait3A_740, %add3A, %dma_wait3A_743] : memref<200x8x32x1024xf32, #tpu.memory_space<hbm>> -> memref<1x1x1x1024xf32, #tpu.memory_space<hbm>>
    %dma_wait3A_745 = tpu.memref_squeeze %dma_wait3A_744 : memref<1x1x1x1024xf32, #tpu.memory_space<hbm>> -> memref<1024xf32, #tpu.memory_space<hbm>>
    %dma_wait3A_746 = arith.constant 0 : i32
    %dma_wait3A_747 = tpu.memref_slice %arg4[%dma_wait3A_739, %dma_wait3A_740, %add3A, %dma_wait3A_746] : memref<200x8x32x1024xf32, #tpu.memory_space<hbm>> -> memref<1x1x1x1024xf32, #tpu.memory_space<hbm>>
    %dma_wait3A_748 = tpu.memref_squeeze %dma_wait3A_747 : memref<1x1x1x1024xf32, #tpu.memory_space<hbm>> -> memref<1024xf32, #tpu.memory_space<hbm>>
    %dma_wait3A_749 = arith.constant 0 : i32
    %dma_wait3A_750 = tpu.memref_slice %arg9[%dma_wait3A_749] : memref<8192xf32, #tpu.memory_space<vmem>> -> memref<1024xf32, #tpu.memory_space<vmem>>
    tpu.wait_dma2 semaphore(%arg13 : memref<!tpu.dma_semaphore, #tpu.memory_space<semaphore_mem>>) src(%dma_wait3A_750 : memref<1024xf32, #tpu.memory_space<vmem>>) dst(%dma_wait3A_748 : memref<1024xf32, #tpu.memory_space<hbm>>)
    %dma_wait3A_751 = arith.constant 0 : i32
    %dma_wait3A_752 = arith.constant 1 : i32
    %dma_wait3A_753 = arith.constant 1024 : i32
    %dma_wait3A_754 = tpu.memref_slice %arg9[%dma_wait3A_753] : memref<8192xf32, #tpu.memory_space<vmem>> -> memref<1024xf32, #tpu.memory_space<vmem>>
    %dma_wait3A_755 = arith.constant 0 : i32
    %dma_wait3A_756 = tpu.memref_slice %arg4[%dma_wait3A_751, %dma_wait3A_752, %add3A, %dma_wait3A_755] : memref<200x8x32x1024xf32, #tpu.memory_space<hbm>> -> memref<1x1x1x1024xf32, #tpu.memory_space<hbm>>
    %dma_wait3A_757 = tpu.memref_squeeze %dma_wait3A_756 : memref<1x1x1x1024xf32, #tpu.memory_space<hbm>> -> memref<1024xf32, #tpu.memory_space<hbm>>
    %dma_wait3A_758 = arith.constant 0 : i32
    %dma_wait3A_759 = tpu.memref_slice %arg4[%dma_wait3A_751, %dma_wait3A_752, %add3A, %dma_wait3A_758] : memref<200x8x32x1024xf32, #tpu.memory_space<hbm>> -> memref<1x1x1x1024xf32, #tpu.memory_space<hbm>>
    %dma_wait3A_760 = tpu.memref_squeeze %dma_wait3A_759 : memref<1x1x1x1024xf32, #tpu.memory_space<hbm>> -> memref<1024xf32, #tpu.memory_space<hbm>>
    %dma_wait3A_761 = arith.constant 1024 : i32
    %dma_wait3A_762 = tpu.memref_slice %arg9[%dma_wait3A_761] : memref<8192xf32, #tpu.memory_space<vmem>> -> memref<1024xf32, #tpu.memory_space<vmem>>
    tpu.wait_dma2 semaphore(%arg13 : memref<!tpu.dma_semaphore, #tpu.memory_space<semaphore_mem>>) src(%dma_wait3A_762 : memref<1024xf32, #tpu.memory_space<vmem>>) dst(%dma_wait3A_760 : memref<1024xf32, #tpu.memory_space<hbm>>)
    %dma_wait3A_763 = arith.constant 0 : i32
    %dma_wait3A_764 = arith.constant 2 : i32
    %dma_wait3A_765 = arith.constant 2048 : i32
    %dma_wait3A_766 = tpu.memref_slice %arg9[%dma_wait3A_765] : memref<8192xf32, #tpu.memory_space<vmem>> -> memref<1024xf32, #tpu.memory_space<vmem>>
    %dma_wait3A_767 = arith.constant 0 : i32
    %dma_wait3A_768 = tpu.memref_slice %arg4[%dma_wait3A_763, %dma_wait3A_764, %add3A, %dma_wait3A_767] : memref<200x8x32x1024xf32, #tpu.memory_space<hbm>> -> memref<1x1x1x1024xf32, #tpu.memory_space<hbm>>
    %dma_wait3A_769 = tpu.memref_squeeze %dma_wait3A_768 : memref<1x1x1x1024xf32, #tpu.memory_space<hbm>> -> memref<1024xf32, #tpu.memory_space<hbm>>
    %dma_wait3A_770 = arith.constant 0 : i32
    %dma_wait3A_771 = tpu.memref_slice %arg4[%dma_wait3A_763, %dma_wait3A_764, %add3A, %dma_wait3A_770] : memref<200x8x32x1024xf32, #tpu.memory_space<hbm>> -> memref<1x1x1x1024xf32, #tpu.memory_space<hbm>>
    %dma_wait3A_772 = tpu.memref_squeeze %dma_wait3A_771 : memref<1x1x1x1024xf32, #tpu.memory_space<hbm>> -> memref<1024xf32, #tpu.memory_space<hbm>>
    %dma_wait3A_773 = arith.constant 2048 : i32
    %dma_wait3A_774 = tpu.memref_slice %arg9[%dma_wait3A_773] : memref<8192xf32, #tpu.memory_space<vmem>> -> memref<1024xf32, #tpu.memory_space<vmem>>
    tpu.wait_dma2 semaphore(%arg13 : memref<!tpu.dma_semaphore, #tpu.memory_space<semaphore_mem>>) src(%dma_wait3A_774 : memref<1024xf32, #tpu.memory_space<vmem>>) dst(%dma_wait3A_772 : memref<1024xf32, #tpu.memory_space<hbm>>)
    %dma_wait3A_775 = arith.constant 0 : i32
    %dma_wait3A_776 = arith.constant 3 : i32
    %dma_wait3A_777 = arith.constant 3072 : i32
    %dma_wait3A_778 = tpu.memref_slice %arg9[%dma_wait3A_777] : memref<8192xf32, #tpu.memory_space<vmem>> -> memref<1024xf32, #tpu.memory_space<vmem>>
    %dma_wait3A_779 = arith.constant 0 : i32
    %dma_wait3A_780 = tpu.memref_slice %arg4[%dma_wait3A_775, %dma_wait3A_776, %add3A, %dma_wait3A_779] : memref<200x8x32x1024xf32, #tpu.memory_space<hbm>> -> memref<1x1x1x1024xf32, #tpu.memory_space<hbm>>
    %dma_wait3A_781 = tpu.memref_squeeze %dma_wait3A_780 : memref<1x1x1x1024xf32, #tpu.memory_space<hbm>> -> memref<1024xf32, #tpu.memory_space<hbm>>
    %dma_wait3A_782 = arith.constant 0 : i32
    %dma_wait3A_783 = tpu.memref_slice %arg4[%dma_wait3A_775, %dma_wait3A_776, %add3A, %dma_wait3A_782] : memref<200x8x32x1024xf32, #tpu.memory_space<hbm>> -> memref<1x1x1x1024xf32, #tpu.memory_space<hbm>>
    %dma_wait3A_784 = tpu.memref_squeeze %dma_wait3A_783 : memref<1x1x1x1024xf32, #tpu.memory_space<hbm>> -> memref<1024xf32, #tpu.memory_space<hbm>>
    %dma_wait3A_785 = arith.constant 3072 : i32
    %dma_wait3A_786 = tpu.memref_slice %arg9[%dma_wait3A_785] : memref<8192xf32, #tpu.memory_space<vmem>> -> memref<1024xf32, #tpu.memory_space<vmem>>
    tpu.wait_dma2 semaphore(%arg13 : memref<!tpu.dma_semaphore, #tpu.memory_space<semaphore_mem>>) src(%dma_wait3A_786 : memref<1024xf32, #tpu.memory_space<vmem>>) dst(%dma_wait3A_784 : memref<1024xf32, #tpu.memory_space<hbm>>)
    %dma_wait3A_787 = arith.constant 0 : i32
    %dma_wait3A_788 = arith.constant 4 : i32
    %dma_wait3A_789 = arith.constant 4096 : i32
    %dma_wait3A_790 = tpu.memref_slice %arg9[%dma_wait3A_789] : memref<8192xf32, #tpu.memory_space<vmem>> -> memref<1024xf32, #tpu.memory_space<vmem>>
    %dma_wait3A_791 = arith.constant 0 : i32
    %dma_wait3A_792 = tpu.memref_slice %arg4[%dma_wait3A_787, %dma_wait3A_788, %add3A, %dma_wait3A_791] : memref<200x8x32x1024xf32, #tpu.memory_space<hbm>> -> memref<1x1x1x1024xf32, #tpu.memory_space<hbm>>
    %dma_wait3A_793 = tpu.memref_squeeze %dma_wait3A_792 : memref<1x1x1x1024xf32, #tpu.memory_space<hbm>> -> memref<1024xf32, #tpu.memory_space<hbm>>
    %dma_wait3A_794 = arith.constant 0 : i32
    %dma_wait3A_795 = tpu.memref_slice %arg4[%dma_wait3A_787, %dma_wait3A_788, %add3A, %dma_wait3A_794] : memref<200x8x32x1024xf32, #tpu.memory_space<hbm>> -> memref<1x1x1x1024xf32, #tpu.memory_space<hbm>>
    %dma_wait3A_796 = tpu.memref_squeeze %dma_wait3A_795 : memref<1x1x1x1024xf32, #tpu.memory_space<hbm>> -> memref<1024xf32, #tpu.memory_space<hbm>>
    %dma_wait3A_797 = arith.constant 4096 : i32
    %dma_wait3A_798 = tpu.memref_slice %arg9[%dma_wait3A_797] : memref<8192xf32, #tpu.memory_space<vmem>> -> memref<1024xf32, #tpu.memory_space<vmem>>
    tpu.wait_dma2 semaphore(%arg13 : memref<!tpu.dma_semaphore, #tpu.memory_space<semaphore_mem>>) src(%dma_wait3A_798 : memref<1024xf32, #tpu.memory_space<vmem>>) dst(%dma_wait3A_796 : memref<1024xf32, #tpu.memory_space<hbm>>)
    %dma_wait3A_799 = arith.constant 0 : i32
    %dma_wait3A_800 = arith.constant 5 : i32
    %dma_wait3A_801 = arith.constant 5120 : i32
    %dma_wait3A_802 = tpu.memref_slice %arg9[%dma_wait3A_801] : memref<8192xf32, #tpu.memory_space<vmem>> -> memref<1024xf32, #tpu.memory_space<vmem>>
    %dma_wait3A_803 = arith.constant 0 : i32
    %dma_wait3A_804 = tpu.memref_slice %arg4[%dma_wait3A_799, %dma_wait3A_800, %add3A, %dma_wait3A_803] : memref<200x8x32x1024xf32, #tpu.memory_space<hbm>> -> memref<1x1x1x1024xf32, #tpu.memory_space<hbm>>
    %dma_wait3A_805 = tpu.memref_squeeze %dma_wait3A_804 : memref<1x1x1x1024xf32, #tpu.memory_space<hbm>> -> memref<1024xf32, #tpu.memory_space<hbm>>
    %dma_wait3A_806 = arith.constant 0 : i32
    %dma_wait3A_807 = tpu.memref_slice %arg4[%dma_wait3A_799, %dma_wait3A_800, %add3A, %dma_wait3A_806] : memref<200x8x32x1024xf32, #tpu.memory_space<hbm>> -> memref<1x1x1x1024xf32, #tpu.memory_space<hbm>>
    %dma_wait3A_808 = tpu.memref_squeeze %dma_wait3A_807 : memref<1x1x1x1024xf32, #tpu.memory_space<hbm>> -> memref<1024xf32, #tpu.memory_space<hbm>>
    %dma_wait3A_809 = arith.constant 5120 : i32
    %dma_wait3A_810 = tpu.memref_slice %arg9[%dma_wait3A_809] : memref<8192xf32, #tpu.memory_space<vmem>> -> memref<1024xf32, #tpu.memory_space<vmem>>
    tpu.wait_dma2 semaphore(%arg13 : memref<!tpu.dma_semaphore, #tpu.memory_space<semaphore_mem>>) src(%dma_wait3A_810 : memref<1024xf32, #tpu.memory_space<vmem>>) dst(%dma_wait3A_808 : memref<1024xf32, #tpu.memory_space<hbm>>)
    %dma_wait3A_811 = arith.constant 0 : i32
    %dma_wait3A_812 = arith.constant 6 : i32
    %dma_wait3A_813 = arith.constant 6144 : i32
    %dma_wait3A_814 = tpu.memref_slice %arg9[%dma_wait3A_813] : memref<8192xf32, #tpu.memory_space<vmem>> -> memref<1024xf32, #tpu.memory_space<vmem>>
    %dma_wait3A_815 = arith.constant 0 : i32
    %dma_wait3A_816 = tpu.memref_slice %arg4[%dma_wait3A_811, %dma_wait3A_812, %add3A, %dma_wait3A_815] : memref<200x8x32x1024xf32, #tpu.memory_space<hbm>> -> memref<1x1x1x1024xf32, #tpu.memory_space<hbm>>
    %dma_wait3A_817 = tpu.memref_squeeze %dma_wait3A_816 : memref<1x1x1x1024xf32, #tpu.memory_space<hbm>> -> memref<1024xf32, #tpu.memory_space<hbm>>
    %dma_wait3A_818 = arith.constant 0 : i32
    %dma_wait3A_819 = tpu.memref_slice %arg4[%dma_wait3A_811, %dma_wait3A_812, %add3A, %dma_wait3A_818] : memref<200x8x32x1024xf32, #tpu.memory_space<hbm>> -> memref<1x1x1x1024xf32, #tpu.memory_space<hbm>>
    %dma_wait3A_820 = tpu.memref_squeeze %dma_wait3A_819 : memref<1x1x1x1024xf32, #tpu.memory_space<hbm>> -> memref<1024xf32, #tpu.memory_space<hbm>>
    %dma_wait3A_821 = arith.constant 6144 : i32
    %dma_wait3A_822 = tpu.memref_slice %arg9[%dma_wait3A_821] : memref<8192xf32, #tpu.memory_space<vmem>> -> memref<1024xf32, #tpu.memory_space<vmem>>
    tpu.wait_dma2 semaphore(%arg13 : memref<!tpu.dma_semaphore, #tpu.memory_space<semaphore_mem>>) src(%dma_wait3A_822 : memref<1024xf32, #tpu.memory_space<vmem>>) dst(%dma_wait3A_820 : memref<1024xf32, #tpu.memory_space<hbm>>)
    %dma_wait3A_823 = arith.constant 0 : i32
    %dma_wait3A_824 = arith.constant 7 : i32
    %dma_wait3A_825 = arith.constant 7168 : i32
    %dma_wait3A_826 = tpu.memref_slice %arg9[%dma_wait3A_825] : memref<8192xf32, #tpu.memory_space<vmem>> -> memref<1024xf32, #tpu.memory_space<vmem>>
    %dma_wait3A_827 = arith.constant 0 : i32
    %dma_wait3A_828 = tpu.memref_slice %arg4[%dma_wait3A_823, %dma_wait3A_824, %add3A, %dma_wait3A_827] : memref<200x8x32x1024xf32, #tpu.memory_space<hbm>> -> memref<1x1x1x1024xf32, #tpu.memory_space<hbm>>
    %dma_wait3A_829 = tpu.memref_squeeze %dma_wait3A_828 : memref<1x1x1x1024xf32, #tpu.memory_space<hbm>> -> memref<1024xf32, #tpu.memory_space<hbm>>
    %dma_wait3A_830 = arith.constant 0 : i32
    %dma_wait3A_831 = tpu.memref_slice %arg4[%dma_wait3A_823, %dma_wait3A_824, %add3A, %dma_wait3A_830] : memref<200x8x32x1024xf32, #tpu.memory_space<hbm>> -> memref<1x1x1x1024xf32, #tpu.memory_space<hbm>>
    %dma_wait3A_832 = tpu.memref_squeeze %dma_wait3A_831 : memref<1x1x1x1024xf32, #tpu.memory_space<hbm>> -> memref<1024xf32, #tpu.memory_space<hbm>>
    %dma_wait3A_833 = arith.constant 7168 : i32
    %dma_wait3A_834 = tpu.memref_slice %arg9[%dma_wait3A_833] : memref<8192xf32, #tpu.memory_space<vmem>> -> memref<1024xf32, #tpu.memory_space<vmem>>
    tpu.wait_dma2 semaphore(%arg13 : memref<!tpu.dma_semaphore, #tpu.memory_space<semaphore_mem>>) src(%dma_wait3A_834 : memref<1024xf32, #tpu.memory_space<vmem>>) dst(%dma_wait3A_832 : memref<1024xf32, #tpu.memory_space<hbm>>)
    return
  }
}

</mosaic_0001>

<sc_bundles>
// kernel: _gather_scale.3.cloned.1.call-start
scs
__scs_entry_jumppad:
0x0: {  	(pc) =	sbr.rel $0x88, $3  }
0x1: {  	(tag) =	ssettag $0x0;
	lr =	simm.s32 $0x1  }
0x2: {  	[smem:$0x3F9F] =	sst lr;
	_ =	strace $0xD0000000  }
0x3: {  	_ = 	snop  }
0x4: {  	_ = 	snop  }
0x5: {  	_ = 	snop  }
0x6: {  	_ = 	snop  }
0x7: {  	_ = 	snop  }
__scs_overlays_trampoline_lowered:
0x8: {  	[smem:$0x3FAE] =	sst s0  }
0x9: {  	[smem:$0x3FAF] =	sst s1  }
0xa: {  	[smem:$0x3FB0] =	sst s2  }
0xb: {  	[smem:$0x3FB1] =	sst s3  }
0xc: {  	[smem:$0x3FB2] =	sst s4  }
0xd: {  	[smem:$0x3FB3] =	sst s5  }
0xe: {  	[smem:$0x3FB4] =	sst s6  }
0xf: {  	[smem:$0x3FB5] =	sst s7  }
0x10: {  	[smem:$0x3FB6] =	sst s8  }
0x11: {  	[smem:$0x3FB7] =	sst s9;
	s0 =	simm.s32 @!p0 $0x0  }
0x12: {  	s1 =	sld [smem:$0x3F9D];
	s0 =	simm.s32 @p0 $0x1  }
0x13: {  	[smem:$0x3FB8] =	sst s0;
	s0 =	simm.s32 @!p1 $0x0  }
0x14: {  	s2 =	sld [smem:$0x3F9C];
	s0 =	simm.s32 @p1 $0x1  }
0x15: {  	[smem:$0x3FB9] =	sst s0;
	s0 =	simm.s32 @!p2 $0x0  }
0x16: {  	s3 =	sld [smem:$0x3FDB];
	s0 =	simm.s32 @p2 $0x1  }
0x17: {  	s4 =	simm.s32 $0x1BF5;
	[smem:$0x3FBB] =	sst s0  }
0x18: {  	s0 =	sld [smem:$0x3F9E];
	_ =	swait.ge [sflag:s4], $0x0  }
0x19: {  	s7 =	sld [smem:$0x3F9F]  }
0x1a: {  	s8 =	sadd.s32 $0xFFFFE003, lr  }
0x1b: {  	s9 =	sadd.s32 $0xFFFFFEF7, lr;
	s5 =	simm.s32 $0xFFFFFFFF;
	p2 =	slt.u32 s8, $0xFFFFF086  }
0x1c: {  	p1 =	slt.u32 s9, $0xF7A;
	s5 =	simm.s32 @!p2 $0x0  }
0x1d: {  	s5 =	simm.s32 @p1 $0x1;
	p0 =	seq.s32 s7, s2  }
0x1e: {  	s7 =	smul.u32 @!p0 $0xF7A, s2;
	p2 =	seq.s32 @!p0 s5, $0x0  }
0x1f: {  	s9 =	smul.u32 $0xF7A, s1;
	s8 =	simm.s32 @!p0 $0x1BF5;
	p2 =	por !p2, p0  }
0x20: {  	[sflag:s8] =	ssyncset.s32 @!p0 $0xFFFFF086;
	s6 =	sadd.s32 @!p0 s3, s7;
	s7 =	simm.s32 @!p0 $0x108  }
0x21: {  	s3 =	sadd.s32 s3, s9;
	s6 =	sadd.s32 @!p0 $0x88, s6;
	s7 =	simm.s32 @p2 $0x1082  }
0x22: {  	[simem:s7], [sflag:s8] =	dma.local @!p0 [hbm:s6], $0xF7A  }
0x23: {  	s9 =	sor.u32 $0xD0000000, s2;
	s6 =	simm.s32 $0x108;
	_ =	swait.ge @!p0 [sflag:s8], $0x0  }
0x24: {  	s3 =	sadd.s32 $0x88, s3;
	s6 =	simm.s32 @!p1 $0x1082;
	[sflag:s4] =	ssyncset.s32 $0xFFFFF086  }
0x25: {  	[simem:s6], [sflag:s4] =	dma.local [hbm:s3], $0xF7A  }
0x26: {  	[smem:$0x3F9F] =	sst s1;
	(tag) =	ssettag s2;
	_ =	strace s9  }
0x27: {  	s1 =	sld [smem:$0x3FAF]  }
0x28: {  	s2 =	sld [smem:$0x3FB0]  }
0x29: {  	s4 =	sld [smem:$0x3FB2]  }
0x2a: {  	p0 =	seq.s32 s5, $0x0;
	s5 =	sld [smem:$0x3FB3]  }
0x2b: {  	s6 =	sld [smem:$0x3FB4]  }
0x2c: {  	s7 =	sld [smem:$0x3FB5]  }
0x2d: {  	s3 =	simm.s32 $0x108;
	s8 =	sld [smem:$0x3FB6]  }
0x2e: {  	s3 =	simm.s32 @!p0 $0x1082;
	s9 =	sld [smem:$0x3FB7]  }
0x2f: {  	lr =	sadd.s32 s0, s3;
	s0 =	sld [smem:$0x3FAE]  }
0x30: {  	s3 =	sld [smem:$0x3FB1]  }
0x31: {  	[smem:$0x3FBA] =	sst s10  }
0x32: {  	s10 =	sld [smem:$0x3FB8];
	_ =	sdelay $0x3  }
0x33: {  	p0 =	seq.s32 s10, $0x1;
	s10 =	sld [smem:$0x3FBA];
	_ =	sdelay $0x3  }
0x34: {  	[smem:$0x3FBA] =	sst s10  }
0x35: {  	s10 =	sld [smem:$0x3FB9];
	_ =	sdelay $0x3  }
0x36: {  	p1 =	seq.s32 s10, $0x1;
	s10 =	sld [smem:$0x3FBA];
	_ =	sdelay $0x3  }
0x37: {  	[smem:$0x3FBA] =	sst s10  }
0x38: {  	s10 =	sld [smem:$0x3FBB]  }
0x39: {  	_ = 	snop;
	(pc) =	sbr.ind lr, $3  }
0x3a: {  	_ = 	snop  }
0x3b: {  	_ = 	snop  }
0x3c: {  	p2 =	seq.s32 s10, $0x1;
	s10 =	sld [smem:$0x3FBA]  }
0x3d: {  	_ =	shalt  }
0x3e: {  	_ =	shalt  }
0x3f: {  	_ =	shalt  }
0x40: {  	_ =	shalt  }
0x41: {  	_ =	shalt  }
0x42: {  	_ =	shalt  }
0x43: {  	_ =	shalt  }
0x44: {  	_ =	shalt  }
0x45: {  	_ =	shalt  }
0x46: {  	_ =	shalt  }
0x47: {  	_ =	shalt  }
0x48: {  	_ =	shalt  }
0x49: {  	_ =	shalt  }
0x4a: {  	_ =	shalt  }
0x4b: {  	_ =	shalt  }
0x4c: {  	_ =	shalt  }
0x4d: {  	_ =	shalt  }
0x4e: {  	_ =	shalt  }
0x4f: {  	_ =	shalt  }
0x50: {  	_ =	shalt  }
0x51: {  	_ =	shalt  }
0x52: {  	_ =	shalt  }
0x53: {  	_ =	shalt  }
0x54: {  	_ =	shalt  }
0x55: {  	_ =	shalt  }
0x56: {  	_ =	shalt  }
0x57: {  	_ =	shalt  }
0x58: {  	_ =	shalt  }
0x59: {  	_ =	shalt  }
0x5a: {  	_ =	shalt  }
0x5b: {  	_ =	shalt  }
0x5c: {  	_ =	shalt  }
0x5d: {  	_ =	shalt  }
0x5e: {  	_ =	shalt  }
0x5f: {  	_ =	shalt  }
0x60: {  	_ =	shalt  }
0x61: {  	_ =	shalt  }
0x62: {  	_ =	shalt  }
0x63: {  	_ =	shalt  }
0x64: {  	_ =	shalt  }
0x65: {  	_ =	shalt  }
0x66: {  	_ =	shalt  }
0x67: {  	_ =	shalt  }
0x68: {  	_ =	shalt  }
0x69: {  	_ =	shalt  }
0x6a: {  	_ =	shalt  }
0x6b: {  	_ =	shalt  }
0x6c: {  	_ =	shalt  }
0x6d: {  	_ =	shalt  }
0x6e: {  	_ =	shalt  }
0x6f: {  	_ =	shalt  }
0x70: {  	_ =	shalt  }
0x71: {  	_ =	shalt  }
0x72: {  	_ =	shalt  }
0x73: {  	_ =	shalt  }
0x74: {  	_ =	shalt  }
0x75: {  	_ =	shalt  }
0x76: {  	_ =	shalt  }
0x77: {  	_ =	shalt  }
0x78: {  	_ =	shalt  }
0x79: {  	_ =	shalt  }
0x7a: {  	_ =	shalt  }
0x7b: {  	_ =	shalt  }
0x7c: {  	_ =	shalt  }
0x7d: {  	_ =	shalt  }
0x7e: {  	_ =	shalt  }
0x7f: {  	_ =	shalt  }
0x80: {  	_ =	shalt  }
0x81: {  	_ =	shalt  }
0x82: {  	_ =	shalt  }
0x83: {  	_ =	shalt  }
0x84: {  	_ =	shalt  }
0x85: {  	_ =	shalt  }
0x86: {  	_ =	shalt  }
0x87: {  	_ =	shalt  }
.Lfunc_end0:
.L_simem_size_0:
called_computation_lowered:
.L_overlay_start_0:
0x88: {  	s2 =	sld [smem:$0x3FD9]  }
0x89: {  	s3 =	sld [smem:$0x3FFE];
	_ =	sdelay $0x1  }
0x8a: {  	s1 =	srdreg.scid  }
0x8b: {  	s0 =	sand.u32 $0x1, s1  }
0x8c: {  	s17 =	sshll.u32 s0, $0xA;
	s2 =	sadd.s32 s3, s2  }
0x8d: {  	s2 =	sadd.s32 s2, s17  }
0x8e: {  	[smem:$0x3FC6] =	sst s2  }
0x8f: {  	_ = 	snop  }
0x90: {  	s2 =	sld [smem:$0x3FC9];
	(tm) =	ssettm $0x1  }
0x91: {  	s18 =	sld [smem:$0x3FFB];
	_ =	sdelay $0x3  }
0x92: {  	_ =	strace s18  }
0x93: {  	s3 =	sld [smem:$0x3FFC];
	_ =	sdelay $0x3  }
0x94: {  	_ =	strace s3  }
0x95: {  	s3 =	sld [smem:$0x3FFD];
	_ =	sdelay $0x3  }
0x96: {  	_ =	strace s3  }
0x97: {  	_ =	strace $0x8FFFFFFF  }
0x98: {  	s19 =	sld [smem:$0x3FDB];
	_ =	sdelay $0x1  }
0x99: {  	s4 =	simm.s32 $_scs_section_size  }
0x9a: {  	s5 =	simm.s32 $_size__tile_overlayer_lowered;
	s6 =	simm.s32 $_tile_overlayer_lowered  }
0x9b: {  	s22 =	simm.s32 $0x1BFF;
	s21 =	sshll.u32 s6, $0x1;
	s3 =	sadd.s32 s4, s19  }
0x9c: {  	s7 =	simm.s32 $0x0;
	s20 =	sshll.u32 s5, $0x1;
	s5 =	sadd.s32 s21, s3  }
0x9d: {  	[timem:s7], [sflag:s22] =	dma.local [hbm:s5], s20  }
0x9e: {  	_ =	swait.ge [sflag:s22], s20  }
0x9f: {  	s4 =	ssub.s32 $0x0, s20;
	[sflag:s22] =	ssyncset.done $0x0  }
0xa0: {  	[sflag:s22] =	ssyncadd.s32 s4;
	_ =	sdelay $0x1  }
0xa1: {  	s23 =	simm.s32 $0x1B8B  }
0xa2: {  	_ =	swait.ge [sflag:s23], $0x1  }
0xa3: {  	[sflag:s23] =	ssyncset.done $0x0  }
0xa4: {  	s25 =	simm.s32 $0x1B8E;
	s24 =	sld [smem:$0x3FFE];
	[sflag:s23] =	ssyncadd.s32 $0xFFFFFFFF  }
0xa5: {  	s26 =	simm.s32 $execute0_lowered;
	[smem:$0x3FD2] =	sst s25  }
0xa6: {  	s5 =	sshll.u32 s26, $0x1;
	_ =	strace $0x80000046;
	[dreg:$0x1] =	wrdreg $0xFFFFFFFF  }
0xa7: {  	s28 =	simm.s32 $_size_execute0_lowered;
	s3 =	sadd.s32 s3, s5;
	[dreg:$0x0] =	wrdreg $0x0  }
0xa8: {  	s5 =	sshll.u32 s28, $0x1;
	[dreg:$0x2] =	wrdreg s3  }
0xa9: {  	[dreg:$0x3] =	wrdreg s5  }
0xaa: {  	[dreg:$0x4] =	wrdreg $0xC0  }
0xab: {  	_ =	task [dreg:s7], $0x5FFFF  }
0xac: {  	[dreg:$0x1] =	wrdreg $0xFFFFFFFF  }
0xad: {  	[dreg:$0x0] =	wrdreg $0x60  }
0xae: {  	[dreg:$0x2] =	wrdreg s2  }
0xaf: {  	[dreg:$0x3] =	wrdreg s24  }
0xb0: {  	[dreg:$0x4] =	wrdreg $0x9  }
0xb1: {  	_ =	task.clear_ibuf [dreg:s7], $0x5FFFF;
	_ =	strace $0x90000046  }
0xb2: {  	s29 =	simm.s32 $0x9;
	_ =	strace $0x80000048  }
0xb3: {  	_ =	swait.ge [sflag:s29], $0x1  }
0xb4: {  	[sflag:s29] =	ssyncadd.s32 $0xFFFFFFFF  }
0xb5: {  	_ =	strace $0x90000048  }
0xb6: {  	_ =	sfence  }
0xb7: {  	s30 =	sld [smem:$0x0];
	_ =	sdelay $0x2  }
0xb8: {  	s31 =	sshll.u32 s1, $0xD;
	s1 =	sshrl.u32 s1, $0x2  }
0xb9: {  	s3 =	sand.u32 $0x4000, s31;
	s1 =	sadd.s32 s1, s30  }
0xba: {  	s0 =	sor.u32 s3, s0;
	s1 =	sshll.u32 s1, $0x11  }
0xbb: {  	s0 =	sor.u32 s1, s0  }
0xbc: {  	s0 =	sadd.s32 $0x8F2B, s0  }
0xbd: {  	[sflag:s0] =	ssyncadd.remote.s32 $0x1  }
0xbe: {  	_ =	sfence.sel $0xFFFF  }
0xbf: {  	[dreg:$0x0] =	wrdreg $0xFFFFFFFF;
	(pc) =	sbr.abs _section_cstart, $3  }
0xc0: {  	[dreg:$0x1] =	wrdreg $0xFFFFFFFF  }
0xc1: {  	_ =	task.clear_ibuf [dreg:s7], $0x2FFFF;
	_ =	strace $0x9FFFFFFF  }
0xc2: {  	(tm) =	ssettm $0x7FFFFFFF  }
0xc3: {  	_ =	shalt  }
tec
execute0_lowered:
.L_overlay_start_1:
0x0: {  	(tag) =	ssettag $0x1  }
0x1: {  	s0 =	rddreg [dreg:$0x0]  }
0x2: {  	s1 =	rddreg [dreg:$0x1]  }
0x3: {  	s3 =	srdreg.scid;
	s4 =	stileid.u32;
	s2 =	simm.s32 $0x0  }
0x4: {  	s3 =	sand.u32 $0x1, s3;
	s4 =	sshll.u32 s4, $0x1;
	[smem:$0x7FF] =	sst s2  }
0x5: {  	s10 =	sadd.s32 $0x3400, s1;
	s11 =	sadd.s32 $0x4400, s1;
	s7 =	sor.u32 s3, s4  }
0x6: {  	s15 =	sadd.s32 $0x5400, s1;
	s16 =	sadd.s32 $0x6400, s1;
	s18 =	sshll.u32 s7, $0x7  }
0x7: {  	s5 =	ssub.s32 $0x2, s3;
	_ =	strace $0x80000047;
	s19 =	sadd.s32 s18, s10  }
0x8: {  	s6 =	sshrl.u32 s5, $0x1;
	s20 =	sadd.s32 s18, s11;
	[dreg:$0x7] =	wrdreg s19  }
0x9: {  	s8 =	smul.u32 $0xC80, s7;
	s21 =	sadd.s32 s18, s15;
	[dreg:$0x8] =	wrdreg s20  }
0xa: {  	s5 =	ssub.s32 s5, s6;
	s22 =	sadd.s32 s18, s16;
	[dreg:$0x9] =	wrdreg s21  }
0xb: {  	s6 =	sadd.s32 $0x1400, s1;
	s0 =	sadd.s32 s0, s8;
	[dreg:$0xa] =	wrdreg s22  }
0xc: {  	s9 =	sadd.s32 s18, s6;
	[dreg:$0x3] =	wrdreg s0  }
0xd: {  	s4 =	sadd.s32 $0x400, s1;
	s25 =	smax.u32 s5, $0x1;
	[dreg:$0x5] =	wrdreg s9  }
0xe: {  	s17 =	sadd.s32 $0x7400, s1;
	s8 =	sadd.s32 s4, s18;
	[dreg:$0xe] =	wrdreg s25  }
0xf: {  	s0 =	sadd.s32 s18, s17;
	[dreg:$0x4] =	wrdreg s8  }
0x10: {  	s23 =	sadd.s32 $0x8000, s8;
	[dreg:$0xb] =	wrdreg s0  }
0x11: {  	s24 =	sadd.s32 $0x9000, s8;
	[dreg:$0xc] =	wrdreg s23  }
0x12: {  	s26 =	sadd.s32 $0xA000, s8;
	[dreg:$0xd] =	wrdreg s24  }
0x13: {  	s28 =	sadd.s32 $0xB000, s8;
	[dreg:$0xf] =	wrdreg s26  }
0x14: {  	s29 =	sadd.s32 $0xC000, s8;
	[dreg:$0x10] =	wrdreg s28  }
0x15: {  	s30 =	sadd.s32 $0xD000, s8;
	[dreg:$0x11] =	wrdreg s29  }
0x16: {  	s3 =	sadd.s32 $0xF42800, s1;
	s31 =	sadd.s32 $0xE000, s8;
	[dreg:$0x12] =	wrdreg s30  }
0x17: {  	s9 =	sadd.s32 $0x2400, s1;
	s1 =	sadd.s32 $0xF000, s8;
	[dreg:$0x13] =	wrdreg s31  }
0x18: {  	s5 =	sadd.s32 $0x630000, s8;
	[dreg:$0x14] =	wrdreg s1  }
0x19: {  	s13 =	sadd.s32 $0x633000, s8;
	[dreg:$0x15] =	wrdreg s5  }
0x1a: {  	s14 =	sadd.s32 $0x634000, s8;
	[dreg:$0x18] =	wrdreg s13  }
0x1b: {  	s19 =	sadd.s32 $0x636000, s8;
	[dreg:$0x19] =	wrdreg s14  }
0x1c: {  	s7 =	sshll.u32 s7, $0xA;
	s20 =	sadd.s32 $0x637000, s8;
	[dreg:$0x1b] =	wrdreg s19  }
0x1d: {  	s21 =	sadd.s32 $0x638000, s8;
	s22 =	sadd.s32 $0x639000, s8;
	[dreg:$0x1c] =	wrdreg s20  }
0x1e: {  	s25 =	sadd.s32 $0x63A000, s8;
	s12 =	sadd.s32 s18, s9;
	[dreg:$0x1d] =	wrdreg s21  }
0x1f: {  	s23 =	sor.u32 $0x80000, s7;
	s24 =	sor.u32 $0xC0000, s7;
	[dreg:$0x1e] =	wrdreg s22  }
0x20: {  	s7 =	sadd.s32 $0x631000, s8;
	s18 =	sadd.s32 $0x635000, s8;
	[dreg:$0x1f] =	wrdreg s25  }
0x21: {  	s26 =	sadd.s32 $0x63B000, s8;
	s28 =	sadd.s32 $0x63C000, s8;
	[dreg:$0x6] =	wrdreg s12  }
0x22: {  	s29 =	sadd.s32 $0x63D000, s8;
	s30 =	sadd.s32 $0x63E000, s8;
	[dreg:$0x16] =	wrdreg s7  }
0x23: {  	s31 =	sadd.s32 $0x63F000, s8;
	s0 =	simm.s32 $0x80;
	[dreg:$0x1a] =	wrdreg s18  }
0x24: {  	s1 =	simm.s32 $0x6400;
	s5 =	simm.s32 $0x8400;
	[smem:$0x7F9] =	sst s26  }
0x25: {  	s25 =	simm.s32 $0x2;
	s13 =	simm.s32 $0xDC00;
	[smem:$0x7FA] =	sst s28  }
0x26: {  	s14 =	simm.s32 $0xE000;
	s19 =	simm.s32 $0x4;
	[smem:$0x7FB] =	sst s29  }
0x27: {  	s20 =	simm.s32 $0x0;
	s12 =	sadd.s32 $0x632000, s8;
	[smem:$0x7FC] =	sst s30  }
0x28: {  	v0 =	vlaneseq.u32;
	[smem:$0x7FD] =	sst s31;
	s8 =	simm.s32 $0x1;
	s26 =	simm.s32 $0xC400  }
0x29: {  	v1 =	vand.u32 $0x7, v0;
	s18 =	simm.s32 $0x3;
	[dreg:$0x17] =	wrdreg s12;
	s12 =	simm.s32 $0xA400  }
.LBB2_1:
0x2a: {  	s30 =	simm.s32 $0x0  }
0x2b: {  	[smem:$0x7F8] =	sst s20;
	s21 =	sand.u32 $0xC, s30;
	s20 =	sand.u32 $0x70, s30  }
0x2c: {  	v2 =	vadd.s32 s21, v0;
	s22 =	sor.u32 $0x1, s21;
	s28 =	sor.u32 $0x3, s21;
	v3 =	vor.u32 s20, v0  }
0x2d: {  	s31 =	sor.u32 $0x2, s21;
	v4 =	vadd.s32 s22, v0;
	v5 =	vadd.s32 s28, v0;
	v6 =	vshll.u32 v3, $0x6  }
0x2e: {  	v9 =	vadd.s32 s31, v0;
	v11 =	vand.u32 $0xF, v2;
	v20 =	vor.u32 $0x10, v2  }
0x2f: {  	v3 =	vand.u32 $0x78, v3;
	v7 =	vand.u32 $0xF, v5;
	v8 =	vand.u32 $0xF, v4  }
0x30: {  	s7 =	rddreg [dreg:$0x3];
	s29 =	simm.s32 $0x5;
	v13 =	vand.u32 $0xF, v9;
	v14 =	vor.u32 v11, v6;
	v17 =	vshll.u32 v11, $0x7  }
0x31: {  	[tilespmem:s2], [sflag:$0x5] =	stream.linear.gather [hbm4b:s7+s2], $0x6400, $0x38;
	v18 =	vor.u32 $0x10, v4;
	v22 =	vor.u32 $0x10, v9;
	v23 =	vor.u32 v6, v20;
	[tilespmem:$0xE400] =	vst v63  }
0x32: {  	_ =	swait.ge [sflag:s29], $0x6400;
	v26 =	vor.u32 $0x10, v5;
	v20 =	vshll.u32 v20, $0x7;
	v11 =	vor.u32 $0x20, v11  }
0x33: {  	s20 =	simm.s32 $0x4;
	[sflag:s29] =	ssyncset.done $0x0;
	v58 =	vand.u32 $0x7, v4;
	v4 =	vor.u32 $0x30, v4;
	v10 =	vor.u32 v6, v7  }
0x34: {  	s7 =	sand.u32 $0xC, s20;
	[sflag:s29] =	ssyncadd.s32 $0xFFFF9C00;
	v12 =	vor.u32 v6, v8;
	v15 =	vshll.u32 v8, $0x7;
	v16 =	vor.u32 v6, v13  }
0x35: {  	[tilespmem:s1], [sflag:$0x1] =	stream.indirect.gather [hbm4b:s3+s0], $0x40, s2, s0, $0xb8;
	v19 =	vshll.u32 v13, $0x7;
	v21 =	vor.u32 v6, v18;
	v18 =	vshll.u32 v18, $0x7;
	[tilespmem:$0xE400] =	vst v63  }
0x36: {  	s29 =	sor.u32 $0x1, s7;
	v24 =	vor.u32 v6, v22;
	v8 =	vor.u32 $0x20, v8;
	v25 =	vshll.u32 v7, $0x7  }
0x37: {  	v17 =	vor.u32 v3, v17;
	v27 =	vor.u32 v6, v26;
	v22 =	vshll.u32 v22, $0x7;
	[tilespmem:s5], [sflag:$0x2] =	stream.indirect.gather [hbm4b:s3+s0], $0x40, s0, s0, $0xb8;
	[tilespmem:$0xE400] =	vst v63  }
0x38: {  	s21 =	sor.u32 $0x2, s7;
	v13 =	vor.u32 $0x20, v13;
	v7 =	vor.u32 $0x20, v7;
	v60 =	vadd.s32 s29, v0;
	_ =	swait.ge [sflag:s8], $0x2000  }
0x39: {  	v63 =	vadd.s32 s21, v0;
	v15 =	vor.u32 v3, v15;
	v19 =	vor.u32 v3, v19;
	[sflag:s8] =	ssyncset.done $0x0  }
0x3a: {  	v25 =	vor.u32 v3, v25;
	v17 =	vor.u32 v1, v17;
	v18 =	vor.u32 v3, v18;
	[sflag:s8] =	ssyncadd.s32 $0xFFFFE000  }
0x3b: {  	v28 =	vand.u32 $0x28, v8;
	v22 =	vor.u32 v3, v22;
	v29 =	vand.u32 $0x28, v13;
	v10 =	vld.idx.msk [tilespmem:v10+s1+$0x0], $0xffff  }
0x3c: {  	v8 =	vshll.u32 v8, $0x7;
	v13 =	vshll.u32 v13, $0x7;
	v62 =	vand.u32 $0xF, v60;
	v12 =	vld.idx.msk [tilespmem:v12+s1+$0x0], $0xffff  }
0x3d: {  	v31 =	vand.u32 $0xF, v63;
	v36 =	vor.u32 $0x10, v60;
	v40 =	vor.u32 $0x10, v63;
	v16 =	vld.idx.msk [tilespmem:v16+s1+$0x0], $0xffff  }
0x3e: {  	v50 =	vand.u32 $0x7, v60;
	v52 =	vand.u32 $0x7, v63;
	v25 =	vor.u32 v1, v25;
	v14 =	vld.idx.msk [tilespmem:v14+s1+$0x0], $0xffff  }
0x3f: {  	v15 =	vor.u32 v1, v15;
	v19 =	vor.u32 v1, v19;
	v18 =	vor.u32 v1, v18  }
0x40: {  	v59 =	vor.u32 v28, v58;
	v22 =	vor.u32 v1, v22;
	v8 =	vor.u32 v3, v8  }
0x41: {  	v13 =	vor.u32 v3, v13;
	v33 =	vshll.u32 v62, $0x7;
	v10 =	vmul.f32 $8.000000000e+00, v10  }
0x42: {  	v37 =	vshll.u32 v31, $0x7;
	v8 =	vor.u32 v1, v8;
	v12 =	vmul.f32 $8.000000000e+00, v12  }
0x43: {  	v13 =	vor.u32 v1, v13;
	v16 =	vmul.f32 $8.000000000e+00, v16;
	[tilespmem:v25+s12+$0x0] =	vst.idx.msk $0xffff, v10;
	v10 =	vmul.f32 $8.000000000e+00, v14  }
0x44: {  	v14 =	vor.u32 v3, v20;
	v20 =	vand.u32 $0x28, v11;
	[tilespmem:v15+s12+$0x0] =	vst.idx.msk $0xffff, v12;
	v15 =	vshll.u32 v26, $0x7  }
0x45: {  	[tilespmem:v19+s12+$0x0] =	vst.idx.msk $0xffff, v16;
	v16 =	vand.u32 $0x28, v7;
	v19 =	vand.u32 $0x7, v9;
	v11 =	vshll.u32 v11, $0x7  }
0x46: {  	v7 =	vshll.u32 v7, $0x7;
	v12 =	vld.idx.msk [tilespmem:v27+s1+$0x0], $0xffff;
	v15 =	vor.u32 v3, v15;
	v19 =	vor.u32 v29, v19  }
0x47: {  	v21 =	vld.idx.msk [tilespmem:v21+s1+$0x0], $0xffff;
	v14 =	vor.u32 v1, v14;
	v11 =	vor.u32 v3, v11;
	v7 =	vor.u32 v3, v7  }
0x48: {  	v9 =	vor.u32 $0x30, v9;
	v27 =	vor.u32 $0x20, v62;
	[tilespmem:v17+s12+$0x0] =	vst.idx.msk $0xffff, v10;
	v10 =	vld.idx.msk [tilespmem:v24+s1+$0x0], $0xffff;
	v15 =	vor.u32 v1, v15  }
0x49: {  	v17 =	vand.u32 $0x7, v5;
	v19 =	vor.u32 v6, v19;
	v7 =	vor.u32 v1, v7;
	v23 =	vld.idx.msk [tilespmem:v23+s1+$0x0], $0xffff  }
0x4a: {  	v5 =	vor.u32 $0x30, v5;
	v11 =	vor.u32 v1, v11;
	v16 =	vor.u32 v16, v17  }
0x4b: {  	v17 =	vand.u32 $0x7, v2;
	v16 =	vor.u32 v6, v16;
	v12 =	vmul.f32 $8.000000000e+00, v12  }
0x4c: {  	v2 =	vor.u32 $0x30, v2;
	v17 =	vor.u32 v20, v17;
	v20 =	vmul.f32 $8.000000000e+00, v21  }
0x4d: {  	v17 =	vor.u32 v6, v17;
	v21 =	vor.u32 v6, v59;
	v10 =	vmul.f32 $8.000000000e+00, v10;
	[tilespmem:v15+s12+$0x0] =	vst.idx.msk $0xffff, v12  }
0x4e: {  	s31 =	sor.u32 $0x3, s7;
	v12 =	vmul.f32 $8.000000000e+00, v23;
	[tilespmem:v18+s12+$0x0] =	vst.idx.msk $0xffff, v20;
	v18 =	vor.u32 v6, v5;
	v20 =	vor.u32 v6, v2  }
0x4f: {  	v2 =	vshll.u32 v2, $0x7;
	v23 =	vadd.s32 s31, v0;
	[tilespmem:v22+s12+$0x0] =	vst.idx.msk $0xffff, v10;
	v22 =	vadd.s32 s7, v0  }
0x50: {  	v15 =	vld.idx.msk [tilespmem:v16+s1+$0x0], $0xffff;
	v61 =	vand.u32 $0xF, v23;
	v43 =	vor.u32 $0x10, v23;
	v44 =	vand.u32 $0x7, v23  }
0x51: {  	v23 =	vor.u32 $0x30, v23;
	v16 =	vld.idx.msk [tilespmem:v19+s1+$0x0], $0xffff;
	v19 =	vor.u32 v6, v4;
	v6 =	vor.u32 v6, v9  }
0x52: {  	v4 =	vshll.u32 v4, $0x7;
	v9 =	vshll.u32 v9, $0x7;
	v47 =	vand.u32 $0xF, v22  }
0x53: {  	v38 =	vor.u32 $0x10, v22;
	v26 =	vor.u32 $0x20, v61;
	v53 =	vand.u32 $0x7, v22  }
0x54: {  	v56 =	vshll.u32 v43, $0x7;
	v22 =	vor.u32 $0x30, v22;
	v10 =	vld.idx.msk [tilespmem:v21+s1+$0x0], $0xffff;
	v21 =	vor.u32 v3, v4  }
0x55: {  	s30 =	sand.u32 $0x70, s20;
	v9 =	vor.u32 v3, v9;
	v4 =	vshll.u32 v5, $0x7;
	v5 =	vor.u32 v3, v2  }
0x56: {  	v2 =	vor.u32 s30, v0;
	v35 =	vshll.u32 v47, $0x7;
	v29 =	vor.u32 $0x20, v47  }
0x57: {  	v49 =	vand.u32 $0x28, v26;
	v26 =	vshll.u32 v26, $0x7;
	v25 =	vshll.u32 v2, $0x6  }
0x58: {  	v3 =	vor.u32 v3, v4;
	v55 =	vor.u32 v1, v21;
	v4 =	vor.u32 v25, v61  }
0x59: {  	[tilespmem:v14+s12+$0x0] =	vst.idx.msk $0xffff, v12;
	v30 =	vor.u32 v25, v62;
	v32 =	vor.u32 v47, v25;
	v15 =	vmul.f32 $8.000000000e+00, v15  }
0x5a: {  	v17 =	vld.idx.msk [tilespmem:v17+s1+$0x0], $0xffff;
	v34 =	vor.u32 v25, v31;
	v39 =	vor.u32 v25, v36;
	v41 =	vor.u32 v25, v40  }
0x5b: {  	v12 =	vor.u32 v25, v43;
	v31 =	vor.u32 $0x20, v31;
	v54 =	vor.u32 v25, v38;
	[tilespmem:v7+s12+$0x0] =	vst.idx.msk $0xffff, v15  }
0x5c: {  	v21 =	vor.u32 v1, v3;
	v3 =	vor.u32 v1, v5;
	v51 =	vand.u32 $0x28, v31;
	v18 =	vld.idx.msk [tilespmem:v18+s1+$0x0], $0xffff  }
0x5d: {  	v16 =	vmul.f32 $8.000000000e+00, v16;
	v42 =	vld.idx.msk [tilespmem:v4+s1+$0x0], $0xffff;
	v4 =	vand.u32 $0x78, v2;
	v2 =	vshll.u32 v61, $0x7  }
0x5e: {  	v10 =	vmul.f32 $8.000000000e+00, v10;
	v15 =	vand.u32 $0x28, v27;
	v30 =	vld.idx.msk [tilespmem:v30+s1+$0x0], $0xffff;
	v2 =	vor.u32 v4, v2  }
0x5f: {  	v17 =	vmul.f32 $8.000000000e+00, v17;
	v7 =	vld.idx.msk [tilespmem:v32+s1+$0x0], $0xffff;
	v33 =	vor.u32 v4, v33;
	v2 =	vor.u32 v1, v2  }
0x60: {  	v15 =	vor.u32 v15, v50;
	v34 =	vld.idx.msk [tilespmem:v34+s1+$0x0], $0xffff;
	v35 =	vor.u32 v4, v35;
	v33 =	vor.u32 v1, v33  }
0x61: {  	[tilespmem:v8+s12+$0x0] =	vst.idx.msk $0xffff, v10;
	v8 =	vand.u32 $0x28, v29;
	v37 =	vor.u32 v4, v37;
	v14 =	vor.u32 v1, v35  }
0x62: {  	[tilespmem:v13+s12+$0x0] =	vst.idx.msk $0xffff, v16;
	v10 =	vor.u32 v51, v52;
	v37 =	vor.u32 v1, v37;
	v48 =	vmul.f32 $8.000000000e+00, v42  }
0x63: {  	[tilespmem:v11+s12+$0x0] =	vst.idx.msk $0xffff, v17;
	v11 =	vshll.u32 v27, $0x7;
	v8 =	vor.u32 v8, v53;
	v59 =	vld.idx.msk [tilespmem:v19+s1+$0x0], $0xffff;
	v30 =	vmul.f32 $8.000000000e+00, v30  }
0x64: {  	v10 =	vor.u32 v25, v10;
	v42 =	vor.u32 v49, v44;
	v5 =	vmul.f32 $8.000000000e+00, v7;
	[tilespmem:v2+s12+$0x0] =	vst.idx.msk $0xffff, v48  }
0x65: {  	v17 =	vshll.u32 v31, $0x7;
	[tilespmem:v33+s12+$0x0] =	vst.idx.msk $0xffff, v30;
	v2 =	vor.u32 v1, v9;
	v9 =	vmul.f32 $8.000000000e+00, v34;
	v7 =	vld.idx.msk [tilespmem:v12+s1+$0x0], $0xffff  }
0x66: {  	v18 =	vmul.f32 $8.000000000e+00, v18;
	v58 =	vor.u32 v25, v42;
	[tilespmem:v14+s12+$0x0] =	vst.idx.msk $0xffff, v5;
	v33 =	vor.u32 v4, v56  }
0x67: {  	v5 =	vshll.u32 v40, $0x7;
	v12 =	vld.idx.msk [tilespmem:v39+s1+$0x0], $0xffff;
	v33 =	vor.u32 v1, v33;
	[tilespmem:v37+s12+$0x0] =	vst.idx.msk $0xffff, v9;
	v9 =	vshll.u32 v36, $0x7  }
0x68: {  	v14 =	vshll.u32 v38, $0x7;
	v5 =	vor.u32 v4, v5;
	v57 =	vld.idx.msk [tilespmem:v41+s1+$0x0], $0xffff;
	v9 =	vor.u32 v4, v9  }
0x69: {  	v32 =	vld.idx.msk [tilespmem:v54+s1+$0x0], $0xffff;
	v14 =	vor.u32 v4, v14;
	v5 =	vor.u32 v1, v5;
	v9 =	vor.u32 v1, v9  }
0x6a: {  	v16 =	vld.idx.msk [tilespmem:v20+s1+$0x0], $0xffff;
	v19 =	vor.u32 v1, v14;
	v14 =	vor.u32 v25, v15;
	v7 =	vmul.f32 $8.000000000e+00, v7  }
0x6b: {  	v62 =	vor.u32 $0x30, v63;
	v11 =	vor.u32 v4, v11;
	v17 =	vor.u32 v4, v17;
	[tilespmem:v21+s12+$0x0] =	vst.idx.msk $0xffff, v18  }
0x6c: {  	v6 =	vld.idx.msk [tilespmem:v6+s1+$0x0], $0xffff;
	v8 =	vor.u32 v25, v8;
	v21 =	vshll.u32 v22, $0x7;
	v12 =	vmul.f32 $8.000000000e+00, v12;
	[tilespmem:v33+s12+$0x0] =	vst.idx.msk $0xffff, v7  }
0x6d: {  	v63 =	vmul.f32 $8.000000000e+00, v59;
	v15 =	vshll.u32 v29, $0x7;
	v13 =	vmul.f32 $8.000000000e+00, v57;
	v20 =	vld.idx.msk [tilespmem:v58+s1+$0x0], $0xffff  }
0x6e: {  	v7 =	vmul.f32 $8.000000000e+00, v32;
	[tilespmem:v9+s12+$0x0] =	vst.idx.msk $0xffff, v12;
	v9 =	vor.u32 v4, v15;
	v12 =	vor.u32 v4, v26  }
0x6f: {  	v16 =	vmul.f32 $8.000000000e+00, v16;
	v15 =	vor.u32 $0x30, v60;
	[tilespmem:v5+s12+$0x0] =	vst.idx.msk $0xffff, v13;
	v5 =	vor.u32 v1, v12;
	v60 =	vld.idx.msk [tilespmem:v14+s1+$0x0], $0xffff  }
0x70: {  	v14 =	vor.u32 v1, v17;
	v17 =	vor.u32 v25, v23;
	[tilespmem:v19+s12+$0x0] =	vst.idx.msk $0xffff, v7;
	v61 =	vld.idx.msk [tilespmem:v10+s1+$0x0], $0xffff  }
0x71: {  	v13 =	vor.u32 v1, v11;
	v12 =	vor.u32 v1, v9;
	v9 =	vor.u32 v25, v15;
	v18 =	vld.idx.msk [tilespmem:v8+s1+$0x0], $0xffff  }
0x72: {  	v11 =	vor.u32 v25, v22;
	v15 =	vshll.u32 v15, $0x7;
	v20 =	vmul.f32 $8.000000000e+00, v20  }
0x73: {  	v22 =	vshll.u32 v62, $0x7;
	v7 =	vor.u32 v4, v21;
	v10 =	vor.u32 v25, v62  }
0x74: {  	v19 =	vor.u32 v4, v15;
	v15 =	vmul.f32 $8.000000000e+00, v6;
	v6 =	vmul.f32 $8.000000000e+00, v60;
	[tilespmem:v5+s12+$0x0] =	vst.idx.msk $0xffff, v20  }
0x75: {  	[tilespmem:v55+s12+$0x0] =	vst.idx.msk $0xffff, v63;
	v21 =	vshll.u32 v23, $0x7;
	v20 =	vor.u32 v4, v22;
	v8 =	vmul.f32 $8.000000000e+00, v61;
	v17 =	vld.idx.msk [tilespmem:v17+s1+$0x0], $0xffff  }
.LBB2_2:
0x76: {  	s20 =	sadd.s32 $0x4, s20;
	v18 =	vmul.f32 $8.000000000e+00, v18;
	[tilespmem:v13+s12+$0x0] =	vst.idx.msk $0xffff, v6;
	v5 =	vor.u32 v1, v19;
	v4 =	vor.u32 v4, v21  }
0x77: {  	s21 =	sand.u32 $0xC, s20;
	p0 =	slt.u32 s20, $0x7C;
	v6 =	vld.idx.msk [tilespmem:v9+s1+$0x0], $0xffff;
	[tilespmem:v14+s12+$0x0] =	vst.idx.msk $0xffff, v8;
	v14 =	vor.u32 v1, v20;
	v4 =	vor.u32 v1, v4  }
0x78: {  	s22 =	sand.u32 $0x70, s20;
	v9 =	vadd.s32 s21, v0;
	s28 =	sor.u32 $0x1, s21;
	s29 =	sor.u32 $0x3, s21;
	[tilespmem:v12+s12+$0x0] =	vst.idx.msk $0xffff, v18;
	v18 =	vor.u32 v1, v7;
	v7 =	vld.idx.msk [tilespmem:v10+s1+$0x0], $0xffff  }
0x79: {  	v19 =	vor.u32 s22, v0;
	s21 =	sor.u32 $0x2, s21;
	v13 =	vadd.s32 s28, v0;
	v12 =	vadd.s32 s29, v0;
	v8 =	vld.idx.msk [tilespmem:v11+s1+$0x0], $0xffff  }
0x7a: {  	v10 =	vshll.u32 v19, $0x6;
	v17 =	vmul.f32 $8.000000000e+00, v17;
	v20 =	vand.u32 $0xF, v12;
	[tilespmem:v2+s12+$0x0] =	vst.idx.msk $0xffff, v15;
	v2 =	vmovc v14  }
0x7b: {  	v11 =	vadd.s32 s21, v0;
	v14 =	vand.u32 $0xF, v13;
	v15 =	vor.u32 v10, v20;
	[tilespmem:v3+s12+$0x0] =	vst.idx.msk $0xffff, v16;
	v3 =	vmovc v18  }
0x7c: {  	v21 =	vand.u32 $0xF, v11;
	v16 =	vand.u32 $0xF, v9;
	v18 =	vor.u32 v10, v14;
	[tilespmem:v4+s12+$0x0] =	vst.idx.msk $0xffff, v17  }
0x7d: {  	v22 =	vshll.u32 v14, $0x7;
	v23 =	vor.u32 v10, v21;
	v17 =	vor.u32 v16, v10  }
0x7e: {  	v25 =	vshll.u32 v21, $0x7;
	v24 =	vshll.u32 v16, $0x7;
	v4 =	vor.u32 $0x10, v13  }
0x7f: {  	v26 =	vor.u32 $0x10, v9;
	v28 =	vor.u32 $0x10, v11;
	v27 =	vor.u32 v10, v4  }
0x80: {  	v29 =	vor.u32 v10, v26;
	v31 =	vor.u32 v10, v28;
	v30 =	vshll.u32 v4, $0x7;
	v15 =	vld.idx.msk [tilespmem:v15+s1+$0x0], $0xffff  }
0x81: {  	v14 =	vor.u32 $0x20, v14;
	v4 =	vand.u32 $0x78, v19;
	v19 =	vshll.u32 v20, $0x7;
	v18 =	vld.idx.msk [tilespmem:v18+s1+$0x0], $0xffff  }
0x82: {  	v22 =	vor.u32 v4, v22;
	v25 =	vor.u32 v4, v25;
	v19 =	vor.u32 v4, v19;
	v23 =	vld.idx.msk [tilespmem:v23+s1+$0x0], $0xffff  }
0x83: {  	v32 =	vor.u32 $0x10, v12;
	v24 =	vor.u32 v4, v24;
	v19 =	vor.u32 v1, v19;
	v17 =	vld.idx.msk [tilespmem:v17+s1+$0x0], $0xffff  }
0x84: {  	v33 =	vor.u32 v10, v32;
	v22 =	vor.u32 v1, v22;
	v25 =	vor.u32 v1, v25  }
0x85: {  	v28 =	vshll.u32 v28, $0x7;
	v21 =	vor.u32 $0x20, v21;
	v24 =	vor.u32 v1, v24  }
0x86: {  	v26 =	vshll.u32 v26, $0x7;
	v16 =	vor.u32 $0x20, v16;
	v15 =	vmul.f32 $8.000000000e+00, v15  }
0x87: {  	v34 =	vand.u32 $0x28, v14;
	v30 =	vor.u32 v4, v30;
	v18 =	vmul.f32 $8.000000000e+00, v18  }
0x88: {  	v35 =	vand.u32 $0x28, v21;
	v28 =	vor.u32 v4, v28;
	v23 =	vmul.f32 $8.000000000e+00, v23;
	[tilespmem:v19+s12+$0x0] =	vst.idx.msk $0xffff, v15  }
0x89: {  	v15 =	vmul.f32 $8.000000000e+00, v17;
	v17 =	vor.u32 v4, v26;
	v19 =	vand.u32 $0x28, v16;
	[tilespmem:v22+s12+$0x0] =	vst.idx.msk $0xffff, v18;
	v18 =	vld.idx.msk [tilespmem:v33+s1+$0x0], $0xffff  }
0x8a: {  	v20 =	vor.u32 $0x20, v20;
	v26 =	vand.u32 $0x7, v13;
	v22 =	vld.idx.msk [tilespmem:v27+s1+$0x0], $0xffff;
	[tilespmem:v25+s12+$0x0] =	vst.idx.msk $0xffff, v23;
	v23 =	vshll.u32 v32, $0x7  }
0x8b: {  	v25 =	vand.u32 $0x7, v12;
	[tilespmem:v24+s12+$0x0] =	vst.idx.msk $0xffff, v15;
	v15 =	vld.idx.msk [tilespmem:v31+s1+$0x0], $0xffff;
	v23 =	vor.u32 v4, v23;
	v24 =	vand.u32 $0x28, v20  }
0x8c: {  	v27 =	vld.idx.msk [tilespmem:v29+s1+$0x0], $0xffff;
	v29 =	vand.u32 $0x7, v11;
	v23 =	vor.u32 v1, v23;
	v24 =	vor.u32 v24, v25  }
0x8d: {  	v30 =	vor.u32 v1, v30;
	v25 =	vand.u32 $0x7, v9;
	v24 =	vor.u32 v10, v24  }
0x8e: {  	v28 =	vor.u32 v1, v28;
	v26 =	vor.u32 v34, v26;
	v29 =	vor.u32 v35, v29  }
0x8f: {  	v17 =	vor.u32 v1, v17;
	v19 =	vor.u32 v19, v25;
	v18 =	vmul.f32 $8.000000000e+00, v18  }
0x90: {  	v25 =	vor.u32 v10, v26;
	v26 =	vor.u32 v10, v29;
	v22 =	vmul.f32 $8.000000000e+00, v22  }
0x91: {  	v14 =	vshll.u32 v14, $0x7;
	v19 =	vor.u32 v10, v19;
	v15 =	vmul.f32 $8.000000000e+00, v15;
	[tilespmem:v23+s12+$0x0] =	vst.idx.msk $0xffff, v18  }
0x92: {  	v21 =	vshll.u32 v21, $0x7;
	v16 =	vshll.u32 v16, $0x7;
	v18 =	vmul.f32 $8.000000000e+00, v27;
	[tilespmem:v30+s12+$0x0] =	vst.idx.msk $0xffff, v22;
	v22 =	vld.idx.msk [tilespmem:v24+s1+$0x0], $0xffff  }
0x93: {  	v14 =	vor.u32 v4, v14;
	v20 =	vshll.u32 v20, $0x7;
	[tilespmem:v28+s12+$0x0] =	vst.idx.msk $0xffff, v15;
	v15 =	vor.u32 v4, v21  }
0x94: {  	v16 =	vor.u32 v4, v16;
	[tilespmem:v17+s12+$0x0] =	vst.idx.msk $0xffff, v18;
	v17 =	vor.u32 $0x30, v13;
	v18 =	vor.u32 v4, v20  }
0x95: {  	v23 =	vor.u32 $0x30, v12;
	v13 =	vor.u32 v1, v14;
	v20 =	vld.idx.msk [tilespmem:v25+s1+$0x0], $0xffff;
	v21 =	vor.u32 v1, v18  }
0x96: {  	v12 =	vor.u32 v1, v16;
	v16 =	vor.u32 v10, v23;
	v14 =	vor.u32 v1, v15;
	v24 =	vld.idx.msk [tilespmem:v26+s1+$0x0], $0xffff  }
0x97: {  	v15 =	vor.u32 $0x30, v9;
	v9 =	vor.u32 v10, v17;
	v18 =	vld.idx.msk [tilespmem:v19+s1+$0x0], $0xffff;
	v19 =	vor.u32 $0x30, v11  }
.Ltmp0:
0x98: {  	v11 =	vor.u32 v10, v15;
	v22 =	vmul.f32 $8.000000000e+00, v22;
	v10 =	vor.u32 v10, v19;
	(pc) =	sbr.rel @p0 .LBB2_2-.Ltmp0, $4  }
0x99: {  	v25 =	vshll.u32 v15, $0x7;
	v15 =	vshll.u32 v17, $0x7;
	v17 =	vshll.u32 v19, $0x7  }
0x9a: {  	v19 =	vor.u32 v4, v15;
	v15 =	vmul.f32 $8.000000000e+00, v7;
	[tilespmem:v21+s12+$0x0] =	vst.idx.msk $0xffff, v22;
	v22 =	vmul.f32 $8.000000000e+00, v6  }
0x9b: {  	v6 =	vmul.f32 $8.000000000e+00, v20;
	v20 =	vor.u32 v4, v17;
	v17 =	vld.idx.msk [tilespmem:v16+s1+$0x0], $0xffff;
	v16 =	vmul.f32 $8.000000000e+00, v8  }
0x9c: {  	v7 =	vor.u32 v4, v25;
	v21 =	vshll.u32 v23, $0x7;
	v8 =	vmul.f32 $8.000000000e+00, v24;
	[tilespmem:v5+s12+$0x0] =	vst.idx.msk $0xffff, v22  }
0x9d: {  	_ =	sdelay $0x3  }
0x9e: {  	v5 =	vmul.f32 $8.000000000e+00, v18;
	[tilespmem:v13+s12+$0x0] =	vst.idx.msk $0xffff, v6  }
0x9f: {  	v4 =	vor.u32 v4, v21;
	v6 =	vld.idx.msk [tilespmem:v9+s1+$0x0], $0xffff;
	[tilespmem:v14+s12+$0x0] =	vst.idx.msk $0xffff, v8  }
0xa0: {  	v4 =	vor.u32 v1, v4;
	[tilespmem:v12+s12+$0x0] =	vst.idx.msk $0xffff, v5;
	v5 =	vld.idx.msk [tilespmem:v10+s1+$0x0], $0xffff  }
0xa1: {  	v8 =	vor.u32 v1, v19;
	v9 =	vld.idx.msk [tilespmem:v11+s1+$0x0], $0xffff  }
0xa2: {  	v10 =	vor.u32 v1, v20  }
0xa3: {  	v7 =	vor.u32 v1, v7;
	[tilespmem:v2+s12+$0x0] =	vst.idx.msk $0xffff, v15;
	v11 =	vmul.f32 $8.000000000e+00, v17  }
0xa4: {  	[tilespmem:v3+s12+$0x0] =	vst.idx.msk $0xffff, v16;
	v2 =	vmul.f32 $8.000000000e+00, v6  }
0xa5: {  	[tilespmem:v4+s12+$0x0] =	vst.idx.msk $0xffff, v11;
	v3 =	vmul.f32 $8.000000000e+00, v5  }
0xa6: {  	v4 =	vmul.f32 $8.000000000e+00, v9;
	[tilespmem:v8+s12+$0x0] =	vst.idx.msk $0xffff, v2  }
0xa7: {  	[tilespmem:v10+s12+$0x0] =	vst.idx.msk $0xffff, v3  }
0xa8: {  	[tilespmem:v7+s12+$0x0] =	vst.idx.msk $0xffff, v4  }
0xa9: {  	s7 =	rddreg [dreg:$0x4]  }
0xaa: {  	[hbm4b:s7+s2] =	stream.linear.scatter [tilespmem:s12], [sflag:$0x3], $0x400, $0x38;
	[tilespmem:$0xE400] =	vst v63  }
0xab: {  	s20 =	simm.s32 $0xA800;
	s29 =	rddreg [dreg:$0x5]  }
0xac: {  	[hbm4b:s29+s2] =	stream.linear.scatter [tilespmem:s20], [sflag:$0x3], $0x400, $0x38;
	[tilespmem:$0xE400] =	vst v63  }
0xad: {  	s31 =	simm.s32 $0xAC00;
	s30 =	rddreg [dreg:$0x6]  }
0xae: {  	[hbm4b:s30+s2] =	stream.linear.scatter [tilespmem:s31], [sflag:$0x3], $0x400, $0x38;
	[tilespmem:$0xE400] =	vst v63  }
0xaf: {  	s22 =	simm.s32 $0xB000;
	s21 =	rddreg [dreg:$0x7]  }
0xb0: {  	[hbm4b:s21+s2] =	stream.linear.scatter [tilespmem:s22], [sflag:$0x3], $0x400, $0x38;
	[tilespmem:$0xE400] =	vst v63  }
0xb1: {  	s28 =	rddreg [dreg:$0x8];
	s29 =	simm.s32 $0xB400  }
0xb2: {  	[hbm4b:s28+s2] =	stream.linear.scatter [tilespmem:s29], [sflag:$0x3], $0x400, $0x38;
	[tilespmem:$0xE400] =	vst v63  }
0xb3: {  	s28 =	simm.s32 $0x0  }
0xb4: {  	s30 =	rddreg [dreg:$0x9];
	s31 =	simm.s32 $0xB800;
	s20 =	sand.u32 $0x70, s28  }
0xb5: {  	[hbm4b:s30+s2] =	stream.linear.scatter [tilespmem:s31], [sflag:$0x3], $0x400, $0x38;
	[tilespmem:$0xE400] =	vst v63  }
0xb6: {  	v3 =	vor.u32 s20, v0;
	s20 =	simm.s32 $0x4  }
0xb7: {  	s21 =	rddreg [dreg:$0xa];
	s22 =	simm.s32 $0xBC00;
	s29 =	sand.u32 $0xC, s20  }
0xb8: {  	[hbm4b:s21+s2] =	stream.linear.scatter [tilespmem:s22], [sflag:$0x3], $0x400, $0x38;
	[tilespmem:$0xE400] =	vst v63  }
0xb9: {  	s30 =	sand.u32 $0x70, s20;
	v12 =	vshll.u32 v3, $0x6;
	v3 =	vand.u32 $0x78, v3;
	s21 =	sand.u32 $0xC, s28;
	v5 =	vadd.s32 s29, v0;
	s31 =	sor.u32 $0x1, s29  }
0xba: {  	v2 =	vor.u32 s30, v0;
	s7 =	sor.u32 $0x3, s29;
	v4 =	vadd.s32 s21, v0;
	v8 =	vadd.s32 s31, v0  }
0xbb: {  	s22 =	sor.u32 $0x1, s21;
	s28 =	sor.u32 $0x3, s21;
	s21 =	sor.u32 $0x2, s21;
	v7 =	vadd.s32 s7, v0;
	v60 =	vand.u32 $0xF, v5;
	v38 =	vor.u32 $0x10, v5  }
0xbc: {  	v9 =	vadd.s32 s22, v0;
	v10 =	vadd.s32 s28, v0;
	v11 =	vadd.s32 s21, v0  }
0xbd: {  	v16 =	vand.u32 $0xF, v4;
	v25 =	vor.u32 $0x10, v4;
	v58 =	vand.u32 $0xF, v7  }
0xbe: {  	v59 =	vand.u32 $0xF, v8;
	v35 =	vshll.u32 v60, $0x7;
	v36 =	vor.u32 $0x10, v8  }
0xbf: {  	s22 =	sor.u32 $0x2, s29;
	v43 =	vor.u32 $0x10, v7;
	v44 =	vand.u32 $0x7, v7;
	v50 =	vand.u32 $0x7, v8  }
0xc0: {  	v8 =	vor.u32 $0x30, v8;
	v6 =	vadd.s32 s22, v0;
	v13 =	vand.u32 $0xF, v10  }
0xc1: {  	v14 =	vand.u32 $0xF, v9;
	v18 =	vand.u32 $0xF, v11;
	v19 =	vor.u32 v16, v12  }
0xc2: {  	v22 =	vshll.u32 v16, $0x7;
	v23 =	vor.u32 $0x10, v9;
	v27 =	vor.u32 $0x10, v11  }
0xc3: {  	v28 =	vor.u32 v12, v25;
	v31 =	vor.u32 $0x10, v10;
	v25 =	vshll.u32 v25, $0x7  }
0xc4: {  	v16 =	vor.u32 $0x20, v16;
	v52 =	vand.u32 $0x7, v9;
	v53 =	vand.u32 $0x7, v11  }
0xc5: {  	v9 =	vor.u32 $0x30, v9;
	v11 =	vor.u32 $0x30, v11;
	v46 =	vshll.u32 v59, $0x7  }
0xc6: {  	v15 =	vor.u32 v12, v13;
	v17 =	vor.u32 v12, v14;
	v20 =	vshll.u32 v14, $0x7  }
0xc7: {  	s30 =	simm.s32 $0xC000;
	s29 =	rddreg [dreg:$0xb];
	v21 =	vor.u32 v12, v18;
	v24 =	vshll.u32 v18, $0x7;
	v26 =	vor.u32 v12, v23  }
0xc8: {  	[hbm4b:s29+s2] =	stream.linear.scatter [tilespmem:s30], [sflag:$0x3], $0x400, $0x38;
	v23 =	vshll.u32 v23, $0x7;
	v29 =	vor.u32 v12, v27;
	v30 =	vshll.u32 v13, $0x7;
	[tilespmem:$0xE400] =	vst v63  }
0xc9: {  	s31 =	simm.s32 $0x100;
	v14 =	vor.u32 $0x20, v14;
	v22 =	vor.u32 v3, v22;
	v32 =	vor.u32 v12, v31  }
0xca: {  	v27 =	vshll.u32 v27, $0x7;
	v18 =	vor.u32 $0x20, v18;
	v51 =	vand.u32 $0x28, v16;
	[tilespmem:s1], [sflag:$0x1] =	stream.indirect.gather [hbm4b:s3+s0], $0x40, s31, s0, $0xb8;
	[tilespmem:$0xE400] =	vst v63  }
0xcb: {  	v13 =	vor.u32 $0x20, v13;
	v16 =	vshll.u32 v16, $0x7;
	v62 =	vand.u32 $0xF, v6;
	_ =	swait.ge [sflag:s25], $0x2000  }
0xcc: {  	v40 =	vor.u32 $0x10, v6;
	v20 =	vor.u32 v3, v20;
	v30 =	vor.u32 v3, v30;
	[sflag:s25] =	ssyncset.done $0x0  }
0xcd: {  	v24 =	vor.u32 v3, v24;
	v22 =	vor.u32 v1, v22;
	v23 =	vor.u32 v3, v23;
	[sflag:s25] =	ssyncadd.s32 $0xFFFFE000  }
0xce: {  	v33 =	vand.u32 $0x28, v14;
	v27 =	vor.u32 v3, v27;
	v34 =	vand.u32 $0x28, v18;
	v15 =	vld.idx.msk [tilespmem:v15+s5+$0x0], $0xffff  }
0xcf: {  	v14 =	vshll.u32 v14, $0x7;
	v18 =	vshll.u32 v18, $0x7;
	v16 =	vor.u32 v3, v16;
	v17 =	vld.idx.msk [tilespmem:v17+s5+$0x0], $0xffff  }
0xd0: {  	v37 =	vshll.u32 v62, $0x7;
	v30 =	vor.u32 v1, v30;
	v20 =	vor.u32 v1, v20;
	v21 =	vld.idx.msk [tilespmem:v21+s5+$0x0], $0xffff  }
0xd1: {  	v24 =	vor.u32 v1, v24;
	v23 =	vor.u32 v1, v23;
	v54 =	vor.u32 v33, v52;
	v19 =	vld.idx.msk [tilespmem:v19+s5+$0x0], $0xffff  }
0xd2: {  	v27 =	vor.u32 v1, v27;
	v14 =	vor.u32 v3, v14;
	v18 =	vor.u32 v3, v18  }
0xd3: {  	v16 =	vor.u32 v1, v16;
	v52 =	vand.u32 $0x7, v6;
	v15 =	vmul.f32 $8.000000000e+00, v15  }
0xd4: {  	v6 =	vor.u32 $0x30, v6;
	v56 =	vor.u32 v12, v54;
	v17 =	vmul.f32 $8.000000000e+00, v17  }
0xd5: {  	v14 =	vor.u32 v1, v14;
	v18 =	vor.u32 v1, v18;
	v21 =	vmul.f32 $8.000000000e+00, v21;
	[tilespmem:v30+s26+$0x0] =	vst.idx.msk $0xffff, v15  }
0xd6: {  	v15 =	vmul.f32 $8.000000000e+00, v19;
	v19 =	vor.u32 v3, v25;
	[tilespmem:v20+s26+$0x0] =	vst.idx.msk $0xffff, v17;
	v20 =	vshll.u32 v31, $0x7  }
0xd7: {  	[tilespmem:v24+s26+$0x0] =	vst.idx.msk $0xffff, v21;
	v21 =	vand.u32 $0x28, v13;
	v24 =	vor.u32 v34, v53;
	v13 =	vshll.u32 v13, $0x7  }
0xd8: {  	v31 =	vor.u32 $0x20, v62;
	v53 =	vand.u32 $0x7, v5;
	v17 =	vld.idx.msk [tilespmem:v32+s5+$0x0], $0xffff;
	v20 =	vor.u32 v3, v20  }
0xd9: {  	v26 =	vld.idx.msk [tilespmem:v26+s5+$0x0], $0xffff;
	v19 =	vor.u32 v1, v19;
	v24 =	vor.u32 v12, v24;
	v13 =	vor.u32 v3, v13  }
0xda: {  	v5 =	vor.u32 $0x30, v5;
	[tilespmem:v22+s26+$0x0] =	vst.idx.msk $0xffff, v15;
	v15 =	vld.idx.msk [tilespmem:v29+s5+$0x0], $0xffff;
	v22 =	vand.u32 $0x7, v10;
	v20 =	vor.u32 v1, v20  }
0xdb: {  	v13 =	vor.u32 v1, v13;
	v10 =	vor.u32 $0x30, v10;
	v29 =	vor.u32 $0x20, v60;
	v28 =	vld.idx.msk [tilespmem:v28+s5+$0x0], $0xffff  }
0xdc: {  	v21 =	vor.u32 v21, v22;
	v22 =	vand.u32 $0x7, v4;
	v4 =	vor.u32 $0x30, v4  }
0xdd: {  	v21 =	vor.u32 v12, v21;
	v22 =	vor.u32 v51, v22;
	v17 =	vmul.f32 $8.000000000e+00, v17  }
0xde: {  	v25 =	vor.u32 v12, v4;
	v4 =	vshll.u32 v4, $0x7;
	v55 =	vmul.f32 $8.000000000e+00, v26  }
0xdf: {  	v51 =	vand.u32 $0x28, v31;
	v22 =	vor.u32 v12, v22;
	v15 =	vmul.f32 $8.000000000e+00, v15;
	[tilespmem:v20+s26+$0x0] =	vst.idx.msk $0xffff, v17  }
0xe0: {  	v57 =	vor.u32 v3, v4;
	v4 =	vshll.u32 v10, $0x7;
	v17 =	vmul.f32 $8.000000000e+00, v28;
	[tilespmem:v23+s26+$0x0] =	vst.idx.msk $0xffff, v55  }
0xe1: {  	v23 =	vor.u32 v12, v10;
	v10 =	vshll.u32 v2, $0x6;
	v28 =	vor.u32 $0x20, v59;
	[tilespmem:v27+s26+$0x0] =	vst.idx.msk $0xffff, v15  }
0xe2: {  	v15 =	vld.idx.msk [tilespmem:v21+s5+$0x0], $0xffff;
	v61 =	vor.u32 v10, v59;
	v63 =	vor.u32 v60, v10;
	v47 =	vor.u32 v10, v62  }
0xe3: {  	v39 =	vor.u32 v10, v36;
	v21 =	vld.idx.msk [tilespmem:v24+s5+$0x0], $0xffff;
	v24 =	vor.u32 v12, v9;
	v9 =	vshll.u32 v9, $0x7  }
0xe4: {  	v20 =	vld.idx.msk [tilespmem:v56+s5+$0x0], $0xffff;
	v12 =	vor.u32 v12, v11;
	v11 =	vshll.u32 v11, $0x7;
	v9 =	vor.u32 v3, v9  }
0xe5: {  	v11 =	vor.u32 v3, v11;
	v3 =	vor.u32 v3, v4;
	v4 =	vor.u32 v10, v58  }
0xe6: {  	v41 =	vor.u32 v10, v40;
	v27 =	vor.u32 $0x20, v58;
	v54 =	vor.u32 v10, v38  }
0xe7: {  	v60 =	vshll.u32 v31, $0x7;
	[tilespmem:v19+s26+$0x0] =	vst.idx.msk $0xffff, v17;
	v17 =	vor.u32 v10, v43;
	v49 =	vand.u32 $0x28, v27  }
0xe8: {  	v22 =	vld.idx.msk [tilespmem:v22+s5+$0x0], $0xffff;
	v55 =	vor.u32 v1, v9;
	v56 =	vor.u32 v1, v3;
	v3 =	vor.u32 v1, v57  }
0xe9: {  	v57 =	vshll.u32 v43, $0x7;
	v15 =	vmul.f32 $8.000000000e+00, v15;
	v20 =	vmul.f32 $8.000000000e+00, v20;
	v30 =	vld.idx.msk [tilespmem:v61+s5+$0x0], $0xffff  }
0xea: {  	v61 =	vor.u32 $0x30, v7;
	v42 =	vld.idx.msk [tilespmem:v4+s5+$0x0], $0xffff;
	v4 =	vand.u32 $0x78, v2;
	v2 =	vshll.u32 v58, $0x7  }
0xeb: {  	v21 =	vmul.f32 $8.000000000e+00, v21;
	v62 =	vor.u32 v10, v61;
	[tilespmem:v13+s26+$0x0] =	vst.idx.msk $0xffff, v15;
	v2 =	vor.u32 v4, v2  }
0xec: {  	v34 =	vld.idx.msk [tilespmem:v47+s5+$0x0], $0xffff;
	v15 =	vand.u32 $0x28, v28;
	[tilespmem:v14+s26+$0x0] =	vst.idx.msk $0xffff, v20;
	v14 =	vand.u32 $0x28, v29;
	v2 =	vor.u32 v1, v2  }
0xed: {  	v13 =	vld.idx.msk [tilespmem:v63+s5+$0x0], $0xffff;
	v20 =	vor.u32 v51, v52;
	v33 =	vor.u32 v4, v46;
	v37 =	vor.u32 v4, v37  }
0xee: {  	v35 =	vor.u32 v4, v35;
	v15 =	vor.u32 v15, v50;
	v33 =	vor.u32 v1, v33  }
0xef: {  	v23 =	vld.idx.msk [tilespmem:v23+s5+$0x0], $0xffff;
	v14 =	vor.u32 v14, v53;
	v37 =	vor.u32 v1, v37;
	v48 =	vmul.f32 $8.000000000e+00, v42  }
0xf0: {  	v22 =	vmul.f32 $8.000000000e+00, v22;
	v26 =	vor.u32 v4, v57;
	[tilespmem:v18+s26+$0x0] =	vst.idx.msk $0xffff, v21;
	v19 =	vor.u32 v1, v35  }
0xf1: {  	v20 =	vor.u32 v10, v20;
	v26 =	vor.u32 v1, v26;
	v30 =	vmul.f32 $8.000000000e+00, v30;
	[tilespmem:v2+s26+$0x0] =	vst.idx.msk $0xffff, v48  }
0xf2: {  	[tilespmem:v16+s26+$0x0] =	vst.idx.msk $0xffff, v22;
	v9 =	vmul.f32 $8.000000000e+00, v34;
	v2 =	vor.u32 v1, v11;
	v11 =	vmul.f32 $8.000000000e+00, v13;
	v13 =	vld.idx.msk [tilespmem:v17+s5+$0x0], $0xffff  }
0xf3: {  	v24 =	vld.idx.msk [tilespmem:v24+s5+$0x0], $0xffff;
	v15 =	vor.u32 v10, v15;
	v42 =	vor.u32 v49, v44;
	[tilespmem:v33+s26+$0x0] =	vst.idx.msk $0xffff, v30  }
0xf4: {  	v59 =	vor.u32 v10, v42;
	[tilespmem:v37+s26+$0x0] =	vst.idx.msk $0xffff, v9;
	v9 =	vshll.u32 v36, $0x7;
	v17 =	vmul.f32 $8.000000000e+00, v23;
	v23 =	vld.idx.msk [tilespmem:v39+s5+$0x0], $0xffff  }
0xf5: {  	v27 =	vshll.u32 v27, $0x7;
	v58 =	vld.idx.msk [tilespmem:v41+s5+$0x0], $0xffff;
	v9 =	vor.u32 v4, v9;
	[tilespmem:v19+s26+$0x0] =	vst.idx.msk $0xffff, v11;
	v11 =	vshll.u32 v40, $0x7  }
0xf6: {  	v19 =	vshll.u32 v38, $0x7;
	v9 =	vor.u32 v1, v9;
	v11 =	vor.u32 v4, v11;
	v32 =	vld.idx.msk [tilespmem:v54+s5+$0x0], $0xffff  }
0xf7: {  	v16 =	vld.idx.msk [tilespmem:v12+s5+$0x0], $0xffff;
	v19 =	vor.u32 v4, v19;
	v11 =	vor.u32 v1, v11;
	v13 =	vmul.f32 $8.000000000e+00, v13  }
0xf8: {  	v21 =	vor.u32 v10, v14;
	v12 =	vshll.u32 v28, $0x7;
	v22 =	vld.idx.msk [tilespmem:v25+s5+$0x0], $0xffff;
	v19 =	vor.u32 v1, v19  }
0xf9: {  	v12 =	vor.u32 v4, v12;
	v25 =	vor.u32 v4, v60;
	v18 =	vmul.f32 $8.000000000e+00, v23;
	[tilespmem:v26+s26+$0x0] =	vst.idx.msk $0xffff, v13  }
0xfa: {  	[tilespmem:v56+s26+$0x0] =	vst.idx.msk $0xffff, v17;
	v17 =	vshll.u32 v6, $0x7;
	v14 =	vmul.f32 $8.000000000e+00, v58;
	v13 =	vshll.u32 v29, $0x7;
	v26 =	vld.idx.msk [tilespmem:v59+s5+$0x0], $0xffff  }
0xfb: {  	v23 =	vmul.f32 $8.000000000e+00, v32;
	[tilespmem:v9+s26+$0x0] =	vst.idx.msk $0xffff, v18;
	v18 =	vor.u32 v4, v27;
	v9 =	vor.u32 v4, v13  }
0xfc: {  	[tilespmem:v11+s26+$0x0] =	vst.idx.msk $0xffff, v14;
	v13 =	vor.u32 v1, v12;
	v27 =	vor.u32 v1, v18;
	v7 =	vld.idx.msk [tilespmem:v15+s5+$0x0], $0xffff  }
0xfd: {  	v14 =	vor.u32 v1, v25;
	v11 =	vor.u32 v10, v5;
	v63 =	vld.idx.msk [tilespmem:v20+s5+$0x0], $0xffff;
	[tilespmem:v19+s26+$0x0] =	vst.idx.msk $0xffff, v23  }
0xfe: {  	v5 =	vshll.u32 v5, $0x7;
	v15 =	vmul.f32 $8.000000000e+00, v16;
	v23 =	vmul.f32 $8.000000000e+00, v24;
	v18 =	vld.idx.msk [tilespmem:v21+s5+$0x0], $0xffff  }
0xff: {  	v12 =	vor.u32 v1, v9;
	v9 =	vor.u32 v10, v8;
	v20 =	vmul.f32 $8.000000000e+00, v26  }
0x100: {  	v16 =	vmul.f32 $8.000000000e+00, v22;
	v10 =	vor.u32 v10, v6;
	v8 =	vshll.u32 v8, $0x7;
	[tilespmem:v55+s26+$0x0] =	vst.idx.msk $0xffff, v23  }
0x101: {  	v19 =	vor.u32 v4, v8;
	v21 =	vshll.u32 v61, $0x7;
	v6 =	vmul.f32 $8.000000000e+00, v7;
	[tilespmem:v27+s26+$0x0] =	vst.idx.msk $0xffff, v20  }
0x102: {  	v7 =	vor.u32 v4, v5;
	v8 =	vmul.f32 $8.000000000e+00, v63;
	v20 =	vor.u32 v4, v17;
	v17 =	vld.idx.msk [tilespmem:v62+s5+$0x0], $0xffff  }
.LBB2_4:
0x103: {  	s20 =	sadd.s32 $0x4, s20;
	v18 =	vmul.f32 $8.000000000e+00, v18;
	[tilespmem:v13+s26+$0x0] =	vst.idx.msk $0xffff, v6;
	v5 =	vor.u32 v1, v19;
	v4 =	vor.u32 v4, v21  }
0x104: {  	s21 =	sand.u32 $0xC, s20;
	p0 =	slt.u32 s20, $0x7C;
	v6 =	vld.idx.msk [tilespmem:v9+s5+$0x0], $0xffff;
	[tilespmem:v14+s26+$0x0] =	vst.idx.msk $0xffff, v8;
	v14 =	vor.u32 v1, v20;
	v4 =	vor.u32 v1, v4  }
0x105: {  	s22 =	sand.u32 $0x70, s20;
	v9 =	vadd.s32 s21, v0;
	s28 =	sor.u32 $0x1, s21;
	s29 =	sor.u32 $0x3, s21;
	[tilespmem:v12+s26+$0x0] =	vst.idx.msk $0xffff, v18;
	v18 =	vor.u32 v1, v7;
	v7 =	vld.idx.msk [tilespmem:v10+s5+$0x0], $0xffff  }
0x106: {  	v19 =	vor.u32 s22, v0;
	s21 =	sor.u32 $0x2, s21;
	v13 =	vadd.s32 s28, v0;
	v12 =	vadd.s32 s29, v0;
	v8 =	vld.idx.msk [tilespmem:v11+s5+$0x0], $0xffff  }
0x107: {  	v10 =	vshll.u32 v19, $0x6;
	v17 =	vmul.f32 $8.000000000e+00, v17;
	v20 =	vand.u32 $0xF, v12;
	[tilespmem:v2+s26+$0x0] =	vst.idx.msk $0xffff, v15;
	v2 =	vmovc v14  }
0x108: {  	v11 =	vadd.s32 s21, v0;
	v14 =	vand.u32 $0xF, v13;
	v15 =	vor.u32 v10, v20;
	[tilespmem:v3+s26+$0x0] =	vst.idx.msk $0xffff, v16;
	v3 =	vmovc v18  }
0x109: {  	v21 =	vand.u32 $0xF, v11;
	v16 =	vand.u32 $0xF, v9;
	v18 =	vor.u32 v10, v14;
	[tilespmem:v4+s26+$0x0] =	vst.idx.msk $0xffff, v17  }
0x10a: {  	v22 =	vshll.u32 v14, $0x7;
	v23 =	vor.u32 v10, v21;
	v17 =	vor.u32 v16, v10  }
0x10b: {  	v25 =	vshll.u32 v21, $0x7;
	v24 =	vshll.u32 v16, $0x7;
	v4 =	vor.u32 $0x10, v13  }
0x10c: {  	v26 =	vor.u32 $0x10, v9;
	v28 =	vor.u32 $0x10, v11;
	v27 =	vor.u32 v10, v4  }
0x10d: {  	v29 =	vor.u32 v10, v26;
	v31 =	vor.u32 v10, v28;
	v30 =	vshll.u32 v4, $0x7;
	v15 =	vld.idx.msk [tilespmem:v15+s5+$0x0], $0xffff  }
0x10e: {  	v14 =	vor.u32 $0x20, v14;
	v4 =	vand.u32 $0x78, v19;
	v19 =	vshll.u32 v20, $0x7;
	v18 =	vld.idx.msk [tilespmem:v18+s5+$0x0], $0xffff  }
0x10f: {  	v22 =	vor.u32 v4, v22;
	v25 =	vor.u32 v4, v25;
	v19 =	vor.u32 v4, v19;
	v23 =	vld.idx.msk [tilespmem:v23+s5+$0x0], $0xffff  }
0x110: {  	v32 =	vor.u32 $0x10, v12;
	v24 =	vor.u32 v4, v24;
	v19 =	vor.u32 v1, v19;
	v17 =	vld.idx.msk [tilespmem:v17+s5+$0x0], $0xffff  }
0x111: {  	v33 =	vor.u32 v10, v32;
	v22 =	vor.u32 v1, v22;
	v25 =	vor.u32 v1, v25  }
0x112: {  	v28 =	vshll.u32 v28, $0x7;
	v21 =	vor.u32 $0x20, v21;
	v24 =	vor.u32 v1, v24  }
0x113: {  	v26 =	vshll.u32 v26, $0x7;
	v16 =	vor.u32 $0x20, v16;
	v15 =	vmul.f32 $8.000000000e+00, v15  }
0x114: {  	v34 =	vand.u32 $0x28, v14;
	v30 =	vor.u32 v4, v30;
	v18 =	vmul.f32 $8.000000000e+00, v18  }
0x115: {  	v35 =	vand.u32 $0x28, v21;
	v28 =	vor.u32 v4, v28;
	v23 =	vmul.f32 $8.000000000e+00, v23;
	[tilespmem:v19+s26+$0x0] =	vst.idx.msk $0xffff, v15  }
0x116: {  	v15 =	vmul.f32 $8.000000000e+00, v17;
	v17 =	vor.u32 v4, v26;
	v19 =	vand.u32 $0x28, v16;
	[tilespmem:v22+s26+$0x0] =	vst.idx.msk $0xffff, v18;
	v18 =	vld.idx.msk [tilespmem:v33+s5+$0x0], $0xffff  }
0x117: {  	v20 =	vor.u32 $0x20, v20;
	v26 =	vand.u32 $0x7, v13;
	v22 =	vld.idx.msk [tilespmem:v27+s5+$0x0], $0xffff;
	[tilespmem:v25+s26+$0x0] =	vst.idx.msk $0xffff, v23;
	v23 =	vshll.u32 v32, $0x7  }
0x118: {  	v25 =	vand.u32 $0x7, v12;
	[tilespmem:v24+s26+$0x0] =	vst.idx.msk $0xffff, v15;
	v15 =	vld.idx.msk [tilespmem:v31+s5+$0x0], $0xffff;
	v23 =	vor.u32 v4, v23;
	v24 =	vand.u32 $0x28, v20  }
0x119: {  	v27 =	vld.idx.msk [tilespmem:v29+s5+$0x0], $0xffff;
	v29 =	vand.u32 $0x7, v11;
	v23 =	vor.u32 v1, v23;
	v24 =	vor.u32 v24, v25  }
0x11a: {  	v30 =	vor.u32 v1, v30;
	v25 =	vand.u32 $0x7, v9;
	v24 =	vor.u32 v10, v24  }
0x11b: {  	v28 =	vor.u32 v1, v28;
	v26 =	vor.u32 v34, v26;
	v29 =	vor.u32 v35, v29  }
0x11c: {  	v17 =	vor.u32 v1, v17;
	v19 =	vor.u32 v19, v25;
	v18 =	vmul.f32 $8.000000000e+00, v18  }
0x11d: {  	v25 =	vor.u32 v10, v26;
	v26 =	vor.u32 v10, v29;
	v22 =	vmul.f32 $8.000000000e+00, v22  }
0x11e: {  	v14 =	vshll.u32 v14, $0x7;
	v19 =	vor.u32 v10, v19;
	v15 =	vmul.f32 $8.000000000e+00, v15;
	[tilespmem:v23+s26+$0x0] =	vst.idx.msk $0xffff, v18  }
0x11f: {  	v21 =	vshll.u32 v21, $0x7;
	v16 =	vshll.u32 v16, $0x7;
	v18 =	vmul.f32 $8.000000000e+00, v27;
	[tilespmem:v30+s26+$0x0] =	vst.idx.msk $0xffff, v22;
	v22 =	vld.idx.msk [tilespmem:v24+s5+$0x0], $0xffff  }
0x120: {  	v14 =	vor.u32 v4, v14;
	v20 =	vshll.u32 v20, $0x7;
	[tilespmem:v28+s26+$0x0] =	vst.idx.msk $0xffff, v15;
	v15 =	vor.u32 v4, v21  }
0x121: {  	v16 =	vor.u32 v4, v16;
	[tilespmem:v17+s26+$0x0] =	vst.idx.msk $0xffff, v18;
	v17 =	vor.u32 $0x30, v13;
	v18 =	vor.u32 v4, v20  }
0x122: {  	v23 =	vor.u32 $0x30, v12;
	v13 =	vor.u32 v1, v14;
	v20 =	vld.idx.msk [tilespmem:v25+s5+$0x0], $0xffff;
	v21 =	vor.u32 v1, v18  }
0x123: {  	v12 =	vor.u32 v1, v16;
	v16 =	vor.u32 v10, v23;
	v14 =	vor.u32 v1, v15;
	v24 =	vld.idx.msk [tilespmem:v26+s5+$0x0], $0xffff  }
0x124: {  	v15 =	vor.u32 $0x30, v9;
	v9 =	vor.u32 v10, v17;
	v18 =	vld.idx.msk [tilespmem:v19+s5+$0x0], $0xffff;
	v19 =	vor.u32 $0x30, v11  }
.Ltmp1:
0x125: {  	v11 =	vor.u32 v10, v15;
	v22 =	vmul.f32 $8.000000000e+00, v22;
	v10 =	vor.u32 v10, v19;
	(pc) =	sbr.rel @p0 .LBB2_4-.Ltmp1, $4  }
0x126: {  	v25 =	vshll.u32 v15, $0x7;
	v15 =	vshll.u32 v17, $0x7;
	v17 =	vshll.u32 v19, $0x7  }
0x127: {  	v19 =	vor.u32 v4, v15;
	v15 =	vmul.f32 $8.000000000e+00, v7;
	[tilespmem:v21+s26+$0x0] =	vst.idx.msk $0xffff, v22;
	v22 =	vmul.f32 $8.000000000e+00, v6  }
0x128: {  	v6 =	vmul.f32 $8.000000000e+00, v20;
	v20 =	vor.u32 v4, v17;
	v17 =	vld.idx.msk [tilespmem:v16+s5+$0x0], $0xffff;
	v16 =	vmul.f32 $8.000000000e+00, v8  }
0x129: {  	v7 =	vor.u32 v4, v25;
	v21 =	vshll.u32 v23, $0x7;
	v8 =	vmul.f32 $8.000000000e+00, v24;
	[tilespmem:v5+s26+$0x0] =	vst.idx.msk $0xffff, v22  }
0x12a: {  	_ =	sdelay $0x3  }
0x12b: {  	v5 =	vmul.f32 $8.000000000e+00, v18;
	[tilespmem:v13+s26+$0x0] =	vst.idx.msk $0xffff, v6  }
0x12c: {  	v4 =	vor.u32 v4, v21;
	v6 =	vld.idx.msk [tilespmem:v9+s5+$0x0], $0xffff;
	[tilespmem:v14+s26+$0x0] =	vst.idx.msk $0xffff, v8  }
0x12d: {  	v4 =	vor.u32 v1, v4;
	[tilespmem:v12+s26+$0x0] =	vst.idx.msk $0xffff, v5;
	v58 =	vld.idx.msk [tilespmem:v10+s5+$0x0], $0xffff  }
0x12e: {  	v59 =	vor.u32 v1, v19;
	v60 =	vld.idx.msk [tilespmem:v11+s5+$0x0], $0xffff  }
0x12f: {  	v61 =	vor.u32 v1, v20  }
0x130: {  	v7 =	vor.u32 v1, v7;
	[tilespmem:v2+s26+$0x0] =	vst.idx.msk $0xffff, v15;
	v62 =	vmul.f32 $8.000000000e+00, v17  }
0x131: {  	[tilespmem:v3+s26+$0x0] =	vst.idx.msk $0xffff, v16;
	v2 =	vmul.f32 $8.000000000e+00, v6  }
0x132: {  	[tilespmem:v4+s26+$0x0] =	vst.idx.msk $0xffff, v62;
	v3 =	vmul.f32 $8.000000000e+00, v58  }
0x133: {  	v63 =	vmul.f32 $8.000000000e+00, v60;
	[tilespmem:v59+s26+$0x0] =	vst.idx.msk $0xffff, v2  }
0x134: {  	[tilespmem:v61+s26+$0x0] =	vst.idx.msk $0xffff, v3  }
0x135: {  	[tilespmem:v7+s26+$0x0] =	vst.idx.msk $0xffff, v63  }
0x136: {  	s20 =	simm.s32 $0x0;
	s7 =	rddreg [dreg:$0xc]  }
0x137: {  	[hbm4b:s7+s20] =	stream.linear.scatter [tilespmem:s26], [sflag:$0x4], $0x400, $0x38;
	[tilespmem:$0xE400] =	vst v63  }
0x138: {  	s21 =	simm.s32 $0xC800;
	s31 =	rddreg [dreg:$0xd]  }
0x139: {  	[hbm4b:s31+s20] =	stream.linear.scatter [tilespmem:s21], [sflag:$0x4], $0x400, $0x38;
	[tilespmem:$0xE400] =	vst v63  }
0x13a: {  	s22 =	simm.s32 $0xCC00;
	s21 =	rddreg [dreg:$0xf]  }
0x13b: {  	[hbm4b:s21+s20] =	stream.linear.scatter [tilespmem:s22], [sflag:$0x4], $0x400, $0x38;
	[tilespmem:$0xE400] =	vst v63  }
0x13c: {  	s29 =	simm.s32 $0xD000;
	s28 =	rddreg [dreg:$0x10]  }
0x13d: {  	[hbm4b:s28+s20] =	stream.linear.scatter [tilespmem:s29], [sflag:$0x4], $0x400, $0x38;
	[tilespmem:$0xE400] =	vst v63  }
0x13e: {  	s30 =	rddreg [dreg:$0x11];
	s31 =	simm.s32 $0xD400  }
0x13f: {  	[hbm4b:s30+s20] =	stream.linear.scatter [tilespmem:s31], [sflag:$0x4], $0x400, $0x38;
	[tilespmem:$0xE400] =	vst v63  }
0x140: {  	s22 =	rddreg [dreg:$0x12];
	s28 =	simm.s32 $0xD800  }
0x141: {  	[hbm4b:s22+s20] =	stream.linear.scatter [tilespmem:s28], [sflag:$0x4], $0x400, $0x38;
	[tilespmem:$0xE400] =	vst v63  }
0x142: {  	s29 =	rddreg [dreg:$0x13]  }
0x143: {  	[hbm4b:s29+s20] =	stream.linear.scatter [tilespmem:s13], [sflag:$0x4], $0x400, $0x38;
	[tilespmem:$0xE400] =	vst v63  }
0x144: {  	s30 =	rddreg [dreg:$0x14]  }
0x145: {  	[hbm4b:s30+s20] =	stream.linear.scatter [tilespmem:s14], [sflag:$0x4], $0x400, $0x38;
	[tilespmem:$0xE400] =	vst v63  }
0x146: {  	s31 =	simm.s32 $0x180  }
0x147: {  	[tilespmem:s5], [sflag:$0x2] =	stream.indirect.gather [hbm4b:s3+s0], $0x40, s31, s0, $0xb8;
	[tilespmem:$0xE400] =	vst v63  }
.LBB2_6:
0x148: {  	_ =	swait.ge [sflag:s8], $0x2000  }
0x149: {  	[sflag:s8] =	ssyncset.done $0x0  }
0x14a: {  	[sflag:s8] =	ssyncadd.s32 $0xFFFFE000  }
0x14b: {  	_ =	swait.ge [sflag:s18], $0x400  }
0x14c: {  	[sflag:s18] =	ssyncset.done $0x0  }
0x14d: {  	[sflag:s18] =	ssyncadd.s32 $0xFFFFFC00  }
0x14e: {  	_ =	swait.ge [sflag:s18], $0x400  }
0x14f: {  	[sflag:s18] =	ssyncset.done $0x0  }
0x150: {  	[sflag:s18] =	ssyncadd.s32 $0xFFFFFC00  }
0x151: {  	_ =	swait.ge [sflag:s18], $0x400  }
0x152: {  	[sflag:s18] =	ssyncset.done $0x0  }
0x153: {  	s21 =	simm.s32 $0x0;
	[sflag:s18] =	ssyncadd.s32 $0xFFFFFC00  }
0x154: {  	s22 =	sand.u32 $0xC, s21;
	_ =	swait.ge [sflag:s18], $0x400  }
0x155: {  	s21 =	sand.u32 $0x70, s21;
	s28 =	sor.u32 $0x1, s22;
	[sflag:s18] =	ssyncset.done $0x0  }
0x156: {  	v2 =	vadd.s32 s22, v0;
	s29 =	sor.u32 $0x3, s22;
	v3 =	vor.u32 s21, v0;
	s31 =	sor.u32 $0x2, s22;
	v4 =	vadd.s32 s28, v0;
	[sflag:s18] =	ssyncadd.s32 $0xFFFFFC00  }
0x157: {  	v5 =	vadd.s32 s29, v0;
	v6 =	vshll.u32 v3, $0x6;
	v9 =	vadd.s32 s31, v0;
	_ =	swait.ge [sflag:s18], $0x400  }
0x158: {  	v11 =	vand.u32 $0xF, v2;
	v20 =	vor.u32 $0x10, v2;
	v3 =	vand.u32 $0x78, v3;
	[sflag:s18] =	ssyncset.done $0x0  }
0x159: {  	v7 =	vand.u32 $0xF, v5;
	v8 =	vand.u32 $0xF, v4;
	v13 =	vand.u32 $0xF, v9;
	[sflag:s18] =	ssyncadd.s32 $0xFFFFFC00  }
0x15a: {  	v14 =	vor.u32 v11, v6;
	v17 =	vshll.u32 v11, $0x7;
	v18 =	vor.u32 $0x10, v4;
	_ =	swait.ge [sflag:s18], $0x400  }
0x15b: {  	v22 =	vor.u32 $0x10, v9;
	v23 =	vor.u32 v6, v20;
	v26 =	vor.u32 $0x10, v5;
	[sflag:s18] =	ssyncset.done $0x0  }
0x15c: {  	v20 =	vshll.u32 v20, $0x7;
	v11 =	vor.u32 $0x20, v11;
	v58 =	vand.u32 $0x7, v4;
	[sflag:s18] =	ssyncadd.s32 $0xFFFFFC00  }
0x15d: {  	v4 =	vor.u32 $0x30, v4;
	v10 =	vor.u32 v6, v7;
	v12 =	vor.u32 v6, v8;
	_ =	swait.ge [sflag:s18], $0x400  }
0x15e: {  	v15 =	vshll.u32 v8, $0x7;
	v16 =	vor.u32 v6, v13;
	v19 =	vshll.u32 v13, $0x7;
	[sflag:s18] =	ssyncset.done $0x0  }
0x15f: {  	s21 =	simm.s32 $0x4;
	v21 =	vor.u32 v6, v18;
	v18 =	vshll.u32 v18, $0x7;
	v24 =	vor.u32 v6, v22;
	[sflag:s18] =	ssyncadd.s32 $0xFFFFFC00  }
0x160: {  	s22 =	sand.u32 $0xC, s21;
	v8 =	vor.u32 $0x20, v8;
	v25 =	vshll.u32 v7, $0x7;
	v17 =	vor.u32 v3, v17;
	_ =	swait.ge [sflag:s18], $0x400  }
0x161: {  	s30 =	sor.u32 $0x1, s22;
	v27 =	vor.u32 v6, v26;
	v22 =	vshll.u32 v22, $0x7;
	v13 =	vor.u32 $0x20, v13;
	[sflag:s18] =	ssyncset.done $0x0  }
0x162: {  	v7 =	vor.u32 $0x20, v7;
	v60 =	vadd.s32 s30, v0;
	v15 =	vor.u32 v3, v15;
	[sflag:s18] =	ssyncadd.s32 $0xFFFFFC00  }
0x163: {  	v19 =	vor.u32 v3, v19;
	v25 =	vor.u32 v3, v25;
	v17 =	vor.u32 v1, v17;
	v10 =	vld.idx.msk [tilespmem:v10+s1+$0x0], $0xffff  }
0x164: {  	v18 =	vor.u32 v3, v18;
	v28 =	vand.u32 $0x28, v8;
	v22 =	vor.u32 v3, v22;
	v12 =	vld.idx.msk [tilespmem:v12+s1+$0x0], $0xffff  }
0x165: {  	v29 =	vand.u32 $0x28, v13;
	v8 =	vshll.u32 v8, $0x7;
	v13 =	vshll.u32 v13, $0x7;
	v16 =	vld.idx.msk [tilespmem:v16+s1+$0x0], $0xffff  }
0x166: {  	v62 =	vand.u32 $0xF, v60;
	v36 =	vor.u32 $0x10, v60;
	v25 =	vor.u32 v1, v25;
	v14 =	vld.idx.msk [tilespmem:v14+s1+$0x0], $0xffff  }
0x167: {  	v50 =	vand.u32 $0x7, v60;
	v15 =	vor.u32 v1, v15;
	v19 =	vor.u32 v1, v19  }
0x168: {  	v18 =	vor.u32 v1, v18;
	v59 =	vor.u32 v28, v58;
	v22 =	vor.u32 v1, v22  }
0x169: {  	v8 =	vor.u32 v3, v8;
	v13 =	vor.u32 v3, v13;
	v10 =	vmul.f32 $8.000000000e+00, v10  }
0x16a: {  	v33 =	vshll.u32 v62, $0x7;
	v8 =	vor.u32 v1, v8;
	v12 =	vmul.f32 $8.000000000e+00, v12  }
0x16b: {  	v13 =	vor.u32 v1, v13;
	v16 =	vmul.f32 $8.000000000e+00, v16;
	[tilespmem:v25+s12+$0x0] =	vst.idx.msk $0xffff, v10;
	v10 =	vmul.f32 $8.000000000e+00, v14  }
0x16c: {  	v14 =	vor.u32 v3, v20;
	v20 =	vand.u32 $0x28, v11;
	[tilespmem:v15+s12+$0x0] =	vst.idx.msk $0xffff, v12;
	v15 =	vshll.u32 v26, $0x7  }
0x16d: {  	[tilespmem:v19+s12+$0x0] =	vst.idx.msk $0xffff, v16;
	v16 =	vand.u32 $0x28, v7;
	v19 =	vand.u32 $0x7, v9;
	v11 =	vshll.u32 v11, $0x7  }
0x16e: {  	v7 =	vshll.u32 v7, $0x7;
	v9 =	vor.u32 $0x30, v9;
	v12 =	vld.idx.msk [tilespmem:v27+s1+$0x0], $0xffff;
	v15 =	vor.u32 v3, v15  }
0x16f: {  	v21 =	vld.idx.msk [tilespmem:v21+s1+$0x0], $0xffff;
	v19 =	vor.u32 v29, v19;
	v14 =	vor.u32 v1, v14;
	v11 =	vor.u32 v3, v11  }
0x170: {  	v7 =	vor.u32 v3, v7;
	[tilespmem:v17+s12+$0x0] =	vst.idx.msk $0xffff, v10;
	v10 =	vld.idx.msk [tilespmem:v24+s1+$0x0], $0xffff;
	v15 =	vor.u32 v1, v15  }
0x171: {  	v27 =	vor.u32 $0x20, v62;
	v17 =	vand.u32 $0x7, v5;
	v19 =	vor.u32 v6, v19;
	v23 =	vld.idx.msk [tilespmem:v23+s1+$0x0], $0xffff  }
0x172: {  	v7 =	vor.u32 v1, v7;
	v5 =	vor.u32 $0x30, v5;
	v16 =	vor.u32 v16, v17  }
0x173: {  	v17 =	vand.u32 $0x7, v2;
	v16 =	vor.u32 v6, v16;
	v12 =	vmul.f32 $8.000000000e+00, v12  }
0x174: {  	v11 =	vor.u32 v1, v11;
	v17 =	vor.u32 v20, v17;
	v20 =	vmul.f32 $8.000000000e+00, v21  }
0x175: {  	v2 =	vor.u32 $0x30, v2;
	v17 =	vor.u32 v6, v17;
	v21 =	vor.u32 v6, v59;
	[tilespmem:v15+s12+$0x0] =	vst.idx.msk $0xffff, v12  }
0x176: {  	s31 =	sor.u32 $0x3, s22;
	v10 =	vmul.f32 $8.000000000e+00, v10;
	v12 =	vmul.f32 $8.000000000e+00, v23;
	[tilespmem:v18+s12+$0x0] =	vst.idx.msk $0xffff, v20;
	v18 =	vor.u32 v6, v5  }
0x177: {  	v20 =	vor.u32 v6, v2;
	v2 =	vshll.u32 v2, $0x7;
	v23 =	vadd.s32 s31, v0  }
0x178: {  	v15 =	vld.idx.msk [tilespmem:v16+s1+$0x0], $0xffff;
	[tilespmem:v22+s12+$0x0] =	vst.idx.msk $0xffff, v10;
	v22 =	vadd.s32 s22, v0;
	v61 =	vand.u32 $0xF, v23;
	v43 =	vor.u32 $0x10, v23  }
0x179: {  	v44 =	vand.u32 $0x7, v23;
	v23 =	vor.u32 $0x30, v23;
	v16 =	vld.idx.msk [tilespmem:v19+s1+$0x0], $0xffff;
	v19 =	vor.u32 v6, v4  }
0x17a: {  	s22 =	sor.u32 $0x2, s22;
	v6 =	vor.u32 v6, v9;
	v4 =	vshll.u32 v4, $0x7;
	v9 =	vshll.u32 v9, $0x7  }
0x17b: {  	v63 =	vadd.s32 s22, v0;
	v47 =	vand.u32 $0xF, v22;
	v38 =	vor.u32 $0x10, v22  }
0x17c: {  	v26 =	vor.u32 $0x20, v61;
	v53 =	vand.u32 $0x7, v22;
	v56 =	vshll.u32 v43, $0x7  }
0x17d: {  	s7 =	sand.u32 $0x70, s21;
	v22 =	vor.u32 $0x30, v22;
	v10 =	vld.idx.msk [tilespmem:v21+s1+$0x0], $0xffff;
	v21 =	vor.u32 v3, v4;
	v9 =	vor.u32 v3, v9  }
0x17e: {  	v4 =	vshll.u32 v5, $0x7;
	v5 =	vor.u32 v3, v2;
	v2 =	vor.u32 s7, v0  }
0x17f: {  	v31 =	vand.u32 $0xF, v63;
	v35 =	vshll.u32 v47, $0x7;
	v40 =	vor.u32 $0x10, v63  }
0x180: {  	v29 =	vor.u32 $0x20, v47;
	v49 =	vand.u32 $0x28, v26;
	v52 =	vand.u32 $0x7, v63  }
0x181: {  	v26 =	vshll.u32 v26, $0x7;
	v3 =	vor.u32 v3, v4;
	v25 =	vshll.u32 v2, $0x6  }
0x182: {  	v37 =	vshll.u32 v31, $0x7;
	v55 =	vor.u32 v1, v21;
	v4 =	vor.u32 v25, v61  }
0x183: {  	[tilespmem:v14+s12+$0x0] =	vst.idx.msk $0xffff, v12;
	v30 =	vor.u32 v25, v62;
	v32 =	vor.u32 v47, v25;
	v15 =	vmul.f32 $8.000000000e+00, v15  }
0x184: {  	v17 =	vld.idx.msk [tilespmem:v17+s1+$0x0], $0xffff;
	v34 =	vor.u32 v25, v31;
	v39 =	vor.u32 v25, v36;
	v41 =	vor.u32 v25, v40  }
0x185: {  	v12 =	vor.u32 v25, v43;
	v31 =	vor.u32 $0x20, v31;
	v54 =	vor.u32 v25, v38;
	[tilespmem:v7+s12+$0x0] =	vst.idx.msk $0xffff, v15  }
0x186: {  	v21 =	vor.u32 v1, v3;
	v3 =	vor.u32 v1, v5;
	v51 =	vand.u32 $0x28, v31;
	v18 =	vld.idx.msk [tilespmem:v18+s1+$0x0], $0xffff  }
0x187: {  	v16 =	vmul.f32 $8.000000000e+00, v16;
	v42 =	vld.idx.msk [tilespmem:v4+s1+$0x0], $0xffff;
	v4 =	vand.u32 $0x78, v2;
	v2 =	vshll.u32 v61, $0x7  }
0x188: {  	v10 =	vmul.f32 $8.000000000e+00, v10;
	v15 =	vand.u32 $0x28, v27;
	v30 =	vld.idx.msk [tilespmem:v30+s1+$0x0], $0xffff;
	v2 =	vor.u32 v4, v2  }
0x189: {  	v17 =	vmul.f32 $8.000000000e+00, v17;
	v7 =	vld.idx.msk [tilespmem:v32+s1+$0x0], $0xffff;
	v33 =	vor.u32 v4, v33;
	v2 =	vor.u32 v1, v2  }
0x18a: {  	v15 =	vor.u32 v15, v50;
	v34 =	vld.idx.msk [tilespmem:v34+s1+$0x0], $0xffff;
	v35 =	vor.u32 v4, v35;
	v33 =	vor.u32 v1, v33  }
0x18b: {  	[tilespmem:v8+s12+$0x0] =	vst.idx.msk $0xffff, v10;
	v8 =	vand.u32 $0x28, v29;
	v37 =	vor.u32 v4, v37;
	v14 =	vor.u32 v1, v35  }
0x18c: {  	[tilespmem:v13+s12+$0x0] =	vst.idx.msk $0xffff, v16;
	v10 =	vor.u32 v51, v52;
	v37 =	vor.u32 v1, v37;
	v48 =	vmul.f32 $8.000000000e+00, v42  }
0x18d: {  	[tilespmem:v11+s12+$0x0] =	vst.idx.msk $0xffff, v17;
	v11 =	vshll.u32 v27, $0x7;
	v8 =	vor.u32 v8, v53;
	v59 =	vld.idx.msk [tilespmem:v19+s1+$0x0], $0xffff;
	v30 =	vmul.f32 $8.000000000e+00, v30  }
0x18e: {  	v10 =	vor.u32 v25, v10;
	v42 =	vor.u32 v49, v44;
	v5 =	vmul.f32 $8.000000000e+00, v7;
	[tilespmem:v2+s12+$0x0] =	vst.idx.msk $0xffff, v48  }
0x18f: {  	v17 =	vshll.u32 v31, $0x7;
	[tilespmem:v33+s12+$0x0] =	vst.idx.msk $0xffff, v30;
	v2 =	vor.u32 v1, v9;
	v9 =	vmul.f32 $8.000000000e+00, v34;
	v7 =	vld.idx.msk [tilespmem:v12+s1+$0x0], $0xffff  }
0x190: {  	v18 =	vmul.f32 $8.000000000e+00, v18;
	v58 =	vor.u32 v25, v42;
	[tilespmem:v14+s12+$0x0] =	vst.idx.msk $0xffff, v5;
	v33 =	vor.u32 v4, v56  }
0x191: {  	v5 =	vshll.u32 v40, $0x7;
	v12 =	vld.idx.msk [tilespmem:v39+s1+$0x0], $0xffff;
	v33 =	vor.u32 v1, v33;
	[tilespmem:v37+s12+$0x0] =	vst.idx.msk $0xffff, v9;
	v9 =	vshll.u32 v36, $0x7  }
0x192: {  	v14 =	vshll.u32 v38, $0x7;
	v5 =	vor.u32 v4, v5;
	v57 =	vld.idx.msk [tilespmem:v41+s1+$0x0], $0xffff;
	v9 =	vor.u32 v4, v9  }
0x193: {  	v32 =	vld.idx.msk [tilespmem:v54+s1+$0x0], $0xffff;
	v14 =	vor.u32 v4, v14;
	v5 =	vor.u32 v1, v5;
	v9 =	vor.u32 v1, v9  }
0x194: {  	v16 =	vld.idx.msk [tilespmem:v20+s1+$0x0], $0xffff;
	v19 =	vor.u32 v1, v14;
	v14 =	vor.u32 v25, v15;
	v7 =	vmul.f32 $8.000000000e+00, v7  }
0x195: {  	v62 =	vor.u32 $0x30, v63;
	v11 =	vor.u32 v4, v11;
	v17 =	vor.u32 v4, v17;
	[tilespmem:v21+s12+$0x0] =	vst.idx.msk $0xffff, v18  }
0x196: {  	v6 =	vld.idx.msk [tilespmem:v6+s1+$0x0], $0xffff;
	v8 =	vor.u32 v25, v8;
	v21 =	vshll.u32 v22, $0x7;
	v12 =	vmul.f32 $8.000000000e+00, v12;
	[tilespmem:v33+s12+$0x0] =	vst.idx.msk $0xffff, v7  }
0x197: {  	v63 =	vmul.f32 $8.000000000e+00, v59;
	v15 =	vshll.u32 v29, $0x7;
	v13 =	vmul.f32 $8.000000000e+00, v57;
	v20 =	vld.idx.msk [tilespmem:v58+s1+$0x0], $0xffff  }
0x198: {  	v7 =	vmul.f32 $8.000000000e+00, v32;
	[tilespmem:v9+s12+$0x0] =	vst.idx.msk $0xffff, v12;
	v9 =	vor.u32 v4, v15;
	v12 =	vor.u32 v4, v26  }
0x199: {  	v16 =	vmul.f32 $8.000000000e+00, v16;
	v15 =	vor.u32 $0x30, v60;
	[tilespmem:v5+s12+$0x0] =	vst.idx.msk $0xffff, v13;
	v5 =	vor.u32 v1, v12;
	v60 =	vld.idx.msk [tilespmem:v14+s1+$0x0], $0xffff  }
0x19a: {  	v14 =	vor.u32 v1, v17;
	v17 =	vor.u32 v25, v23;
	[tilespmem:v19+s12+$0x0] =	vst.idx.msk $0xffff, v7;
	v61 =	vld.idx.msk [tilespmem:v10+s1+$0x0], $0xffff  }
0x19b: {  	v13 =	vor.u32 v1, v11;
	v12 =	vor.u32 v1, v9;
	v9 =	vor.u32 v25, v15;
	v18 =	vld.idx.msk [tilespmem:v8+s1+$0x0], $0xffff  }
0x19c: {  	v11 =	vor.u32 v25, v22;
	v15 =	vshll.u32 v15, $0x7;
	v20 =	vmul.f32 $8.000000000e+00, v20  }
0x19d: {  	v22 =	vshll.u32 v62, $0x7;
	v7 =	vor.u32 v4, v21;
	v10 =	vor.u32 v25, v62  }
0x19e: {  	v19 =	vor.u32 v4, v15;
	v15 =	vmul.f32 $8.000000000e+00, v6;
	v6 =	vmul.f32 $8.000000000e+00, v60;
	[tilespmem:v5+s12+$0x0] =	vst.idx.msk $0xffff, v20  }
0x19f: {  	[tilespmem:v55+s12+$0x0] =	vst.idx.msk $0xffff, v63;
	v21 =	vshll.u32 v23, $0x7;
	v20 =	vor.u32 v4, v22;
	v8 =	vmul.f32 $8.000000000e+00, v61;
	v17 =	vld.idx.msk [tilespmem:v17+s1+$0x0], $0xffff  }
.LBB2_7:
0x1a0: {  	s21 =	sadd.s32 $0x4, s21;
	v18 =	vmul.f32 $8.000000000e+00, v18;
	[tilespmem:v13+s12+$0x0] =	vst.idx.msk $0xffff, v6;
	v5 =	vor.u32 v1, v19;
	v4 =	vor.u32 v4, v21  }
0x1a1: {  	s22 =	sand.u32 $0xC, s21;
	p0 =	slt.u32 s21, $0x7C;
	v6 =	vld.idx.msk [tilespmem:v9+s1+$0x0], $0xffff;
	[tilespmem:v14+s12+$0x0] =	vst.idx.msk $0xffff, v8;
	v14 =	vor.u32 v1, v20;
	v4 =	vor.u32 v1, v4  }
0x1a2: {  	s28 =	sand.u32 $0x70, s21;
	v9 =	vadd.s32 s22, v0;
	s29 =	sor.u32 $0x1, s22;
	s30 =	sor.u32 $0x3, s22;
	[tilespmem:v12+s12+$0x0] =	vst.idx.msk $0xffff, v18;
	v18 =	vor.u32 v1, v7;
	v7 =	vld.idx.msk [tilespmem:v10+s1+$0x0], $0xffff  }
0x1a3: {  	v19 =	vor.u32 s28, v0;
	s22 =	sor.u32 $0x2, s22;
	v13 =	vadd.s32 s29, v0;
	v12 =	vadd.s32 s30, v0;
	v8 =	vld.idx.msk [tilespmem:v11+s1+$0x0], $0xffff  }
0x1a4: {  	v10 =	vshll.u32 v19, $0x6;
	v17 =	vmul.f32 $8.000000000e+00, v17;
	v20 =	vand.u32 $0xF, v12;
	[tilespmem:v2+s12+$0x0] =	vst.idx.msk $0xffff, v15;
	v2 =	vmovc v14  }
0x1a5: {  	v11 =	vadd.s32 s22, v0;
	v14 =	vand.u32 $0xF, v13;
	v15 =	vor.u32 v10, v20;
	[tilespmem:v3+s12+$0x0] =	vst.idx.msk $0xffff, v16;
	v3 =	vmovc v18  }
0x1a6: {  	v21 =	vand.u32 $0xF, v11;
	v16 =	vand.u32 $0xF, v9;
	v18 =	vor.u32 v10, v14;
	[tilespmem:v4+s12+$0x0] =	vst.idx.msk $0xffff, v17  }
0x1a7: {  	v22 =	vshll.u32 v14, $0x7;
	v23 =	vor.u32 v10, v21;
	v17 =	vor.u32 v16, v10  }
0x1a8: {  	v25 =	vshll.u32 v21, $0x7;
	v24 =	vshll.u32 v16, $0x7;
	v4 =	vor.u32 $0x10, v13  }
0x1a9: {  	v26 =	vor.u32 $0x10, v9;
	v28 =	vor.u32 $0x10, v11;
	v27 =	vor.u32 v10, v4  }
0x1aa: {  	v29 =	vor.u32 v10, v26;
	v31 =	vor.u32 v10, v28;
	v30 =	vshll.u32 v4, $0x7;
	v15 =	vld.idx.msk [tilespmem:v15+s1+$0x0], $0xffff  }
0x1ab: {  	v14 =	vor.u32 $0x20, v14;
	v4 =	vand.u32 $0x78, v19;
	v19 =	vshll.u32 v20, $0x7;
	v18 =	vld.idx.msk [tilespmem:v18+s1+$0x0], $0xffff  }
0x1ac: {  	v22 =	vor.u32 v4, v22;
	v25 =	vor.u32 v4, v25;
	v19 =	vor.u32 v4, v19;
	v23 =	vld.idx.msk [tilespmem:v23+s1+$0x0], $0xffff  }
0x1ad: {  	v32 =	vor.u32 $0x10, v12;
	v24 =	vor.u32 v4, v24;
	v19 =	vor.u32 v1, v19;
	v17 =	vld.idx.msk [tilespmem:v17+s1+$0x0], $0xffff  }
0x1ae: {  	v33 =	vor.u32 v10, v32;
	v22 =	vor.u32 v1, v22;
	v25 =	vor.u32 v1, v25  }
0x1af: {  	v28 =	vshll.u32 v28, $0x7;
	v21 =	vor.u32 $0x20, v21;
	v24 =	vor.u32 v1, v24  }
0x1b0: {  	v26 =	vshll.u32 v26, $0x7;
	v16 =	vor.u32 $0x20, v16;
	v15 =	vmul.f32 $8.000000000e+00, v15  }
0x1b1: {  	v34 =	vand.u32 $0x28, v14;
	v30 =	vor.u32 v4, v30;
	v18 =	vmul.f32 $8.000000000e+00, v18  }
0x1b2: {  	v35 =	vand.u32 $0x28, v21;
	v28 =	vor.u32 v4, v28;
	v23 =	vmul.f32 $8.000000000e+00, v23;
	[tilespmem:v19+s12+$0x0] =	vst.idx.msk $0xffff, v15  }
0x1b3: {  	v15 =	vmul.f32 $8.000000000e+00, v17;
	v17 =	vor.u32 v4, v26;
	v19 =	vand.u32 $0x28, v16;
	[tilespmem:v22+s12+$0x0] =	vst.idx.msk $0xffff, v18;
	v18 =	vld.idx.msk [tilespmem:v33+s1+$0x0], $0xffff  }
0x1b4: {  	v20 =	vor.u32 $0x20, v20;
	v26 =	vand.u32 $0x7, v13;
	v22 =	vld.idx.msk [tilespmem:v27+s1+$0x0], $0xffff;
	[tilespmem:v25+s12+$0x0] =	vst.idx.msk $0xffff, v23;
	v23 =	vshll.u32 v32, $0x7  }
0x1b5: {  	v25 =	vand.u32 $0x7, v12;
	[tilespmem:v24+s12+$0x0] =	vst.idx.msk $0xffff, v15;
	v15 =	vld.idx.msk [tilespmem:v31+s1+$0x0], $0xffff;
	v23 =	vor.u32 v4, v23;
	v24 =	vand.u32 $0x28, v20  }
0x1b6: {  	v27 =	vld.idx.msk [tilespmem:v29+s1+$0x0], $0xffff;
	v29 =	vand.u32 $0x7, v11;
	v23 =	vor.u32 v1, v23;
	v24 =	vor.u32 v24, v25  }
0x1b7: {  	v30 =	vor.u32 v1, v30;
	v25 =	vand.u32 $0x7, v9;
	v24 =	vor.u32 v10, v24  }
0x1b8: {  	v28 =	vor.u32 v1, v28;
	v26 =	vor.u32 v34, v26;
	v29 =	vor.u32 v35, v29  }
0x1b9: {  	v17 =	vor.u32 v1, v17;
	v19 =	vor.u32 v19, v25;
	v18 =	vmul.f32 $8.000000000e+00, v18  }
0x1ba: {  	v25 =	vor.u32 v10, v26;
	v26 =	vor.u32 v10, v29;
	v22 =	vmul.f32 $8.000000000e+00, v22  }
0x1bb: {  	v14 =	vshll.u32 v14, $0x7;
	v19 =	vor.u32 v10, v19;
	v15 =	vmul.f32 $8.000000000e+00, v15;
	[tilespmem:v23+s12+$0x0] =	vst.idx.msk $0xffff, v18  }
0x1bc: {  	v21 =	vshll.u32 v21, $0x7;
	v16 =	vshll.u32 v16, $0x7;
	v18 =	vmul.f32 $8.000000000e+00, v27;
	[tilespmem:v30+s12+$0x0] =	vst.idx.msk $0xffff, v22;
	v22 =	vld.idx.msk [tilespmem:v24+s1+$0x0], $0xffff  }
0x1bd: {  	v14 =	vor.u32 v4, v14;
	v20 =	vshll.u32 v20, $0x7;
	[tilespmem:v28+s12+$0x0] =	vst.idx.msk $0xffff, v15;
	v15 =	vor.u32 v4, v21  }
0x1be: {  	v16 =	vor.u32 v4, v16;
	[tilespmem:v17+s12+$0x0] =	vst.idx.msk $0xffff, v18;
	v17 =	vor.u32 $0x30, v13;
	v18 =	vor.u32 v4, v20  }
0x1bf: {  	v23 =	vor.u32 $0x30, v12;
	v13 =	vor.u32 v1, v14;
	v20 =	vld.idx.msk [tilespmem:v25+s1+$0x0], $0xffff;
	v21 =	vor.u32 v1, v18  }
0x1c0: {  	v12 =	vor.u32 v1, v16;
	v16 =	vor.u32 v10, v23;
	v14 =	vor.u32 v1, v15;
	v24 =	vld.idx.msk [tilespmem:v26+s1+$0x0], $0xffff  }
0x1c1: {  	v15 =	vor.u32 $0x30, v9;
	v9 =	vor.u32 v10, v17;
	v18 =	vld.idx.msk [tilespmem:v19+s1+$0x0], $0xffff;
	v19 =	vor.u32 $0x30, v11  }
.Ltmp2:
0x1c2: {  	v11 =	vor.u32 v10, v15;
	v22 =	vmul.f32 $8.000000000e+00, v22;
	v10 =	vor.u32 v10, v19;
	(pc) =	sbr.rel @p0 .LBB2_7-.Ltmp2, $4  }
0x1c3: {  	v25 =	vshll.u32 v15, $0x7;
	v15 =	vshll.u32 v17, $0x7;
	v17 =	vshll.u32 v19, $0x7  }
0x1c4: {  	v19 =	vor.u32 v4, v15;
	v15 =	vmul.f32 $8.000000000e+00, v7;
	[tilespmem:v21+s12+$0x0] =	vst.idx.msk $0xffff, v22;
	v22 =	vmul.f32 $8.000000000e+00, v6  }
0x1c5: {  	v6 =	vmul.f32 $8.000000000e+00, v20;
	v20 =	vor.u32 v4, v17;
	v17 =	vld.idx.msk [tilespmem:v16+s1+$0x0], $0xffff;
	v16 =	vmul.f32 $8.000000000e+00, v8  }
0x1c6: {  	v7 =	vor.u32 v4, v25;
	v21 =	vshll.u32 v23, $0x7;
	v8 =	vmul.f32 $8.000000000e+00, v24;
	[tilespmem:v5+s12+$0x0] =	vst.idx.msk $0xffff, v22  }
0x1c7: {  	_ =	sdelay $0x3  }
0x1c8: {  	v5 =	vmul.f32 $8.000000000e+00, v18;
	[tilespmem:v13+s12+$0x0] =	vst.idx.msk $0xffff, v6  }
0x1c9: {  	v4 =	vor.u32 v4, v21;
	v6 =	vld.idx.msk [tilespmem:v9+s1+$0x0], $0xffff;
	[tilespmem:v14+s12+$0x0] =	vst.idx.msk $0xffff, v8  }
0x1ca: {  	v4 =	vor.u32 v1, v4;
	[tilespmem:v12+s12+$0x0] =	vst.idx.msk $0xffff, v5;
	v5 =	vld.idx.msk [tilespmem:v10+s1+$0x0], $0xffff  }
0x1cb: {  	v8 =	vor.u32 v1, v19;
	v9 =	vld.idx.msk [tilespmem:v11+s1+$0x0], $0xffff  }
0x1cc: {  	v10 =	vor.u32 v1, v20  }
0x1cd: {  	v7 =	vor.u32 v1, v7;
	[tilespmem:v2+s12+$0x0] =	vst.idx.msk $0xffff, v15;
	v11 =	vmul.f32 $8.000000000e+00, v17  }
0x1ce: {  	[tilespmem:v3+s12+$0x0] =	vst.idx.msk $0xffff, v16;
	v2 =	vmul.f32 $8.000000000e+00, v6  }
0x1cf: {  	s21 =	sshll.u32 s20, $0x13;
	[tilespmem:v4+s12+$0x0] =	vst.idx.msk $0xffff, v11;
	v3 =	vmul.f32 $8.000000000e+00, v5  }
0x1d0: {  	s22 =	sadd.s32 s23, s21;
	v4 =	vmul.f32 $8.000000000e+00, v9;
	[tilespmem:v8+s12+$0x0] =	vst.idx.msk $0xffff, v2  }
0x1d1: {  	s22 =	sshrl.u32 s22, $0x3;
	[tilespmem:v10+s12+$0x0] =	vst.idx.msk $0xffff, v3  }
0x1d2: {  	s28 =	sadd.s32 s4, s22;
	[tilespmem:v7+s12+$0x0] =	vst.idx.msk $0xffff, v4  }
0x1d3: {  	[hbm4b:s28+s2] =	stream.linear.scatter [tilespmem:s12], [sflag:$0x3], $0x400, $0x38;
	[tilespmem:$0xE400] =	vst v63  }
0x1d4: {  	s7 =	simm.s32 $0xA800;
	s28 =	sadd.s32 s22, s6  }
0x1d5: {  	[hbm4b:s28+s2] =	stream.linear.scatter [tilespmem:s7], [sflag:$0x3], $0x400, $0x38;
	[tilespmem:$0xE400] =	vst v63  }
0x1d6: {  	s31 =	simm.s32 $0xAC00;
	s28 =	sadd.s32 s22, s9  }
0x1d7: {  	[hbm4b:s28+s2] =	stream.linear.scatter [tilespmem:s31], [sflag:$0x3], $0x400, $0x38;
	[tilespmem:$0xE400] =	vst v63  }
0x1d8: {  	s29 =	simm.s32 $0xB000;
	s28 =	sadd.s32 s22, s10  }
0x1d9: {  	[hbm4b:s28+s2] =	stream.linear.scatter [tilespmem:s29], [sflag:$0x3], $0x400, $0x38;
	[tilespmem:$0xE400] =	vst v63  }
0x1da: {  	s30 =	simm.s32 $0xB400;
	s28 =	sadd.s32 s22, s11  }
0x1db: {  	[hbm4b:s28+s2] =	stream.linear.scatter [tilespmem:s30], [sflag:$0x3], $0x400, $0x38;
	[tilespmem:$0xE400] =	vst v63  }
0x1dc: {  	s31 =	simm.s32 $0xB800;
	s28 =	sadd.s32 s22, s15  }
0x1dd: {  	[hbm4b:s28+s2] =	stream.linear.scatter [tilespmem:s31], [sflag:$0x3], $0x400, $0x38;
	[tilespmem:$0xE400] =	vst v63  }
0x1de: {  	s29 =	simm.s32 $0xBC00;
	s28 =	sadd.s32 s22, s16  }
0x1df: {  	[hbm4b:s28+s2] =	stream.linear.scatter [tilespmem:s29], [sflag:$0x3], $0x400, $0x38;
	[tilespmem:$0xE400] =	vst v63  }
0x1e0: {  	s30 =	simm.s32 $0xC000;
	s22 =	sadd.s32 s22, s17;
	s31 =	sshll.u32 s20, $0x8  }
0x1e1: {  	[hbm4b:s22+s2] =	stream.linear.scatter [tilespmem:s30], [sflag:$0x3], $0x400, $0x38;
	[tilespmem:$0xE400] =	vst v63  }
0x1e2: {  	s22 =	sand.u32 $0x3FFFFF00, s31  }
0x1e3: {  	s28 =	sadd.s32 $0x200, s22  }
0x1e4: {  	[tilespmem:s1], [sflag:$0x1] =	stream.indirect.gather [hbm4b:s3+s0], $0x40, s28, s0, $0xb8;
	[tilespmem:$0xE400] =	vst v63  }
0x1e5: {  	_ =	swait.ge [sflag:s25], $0x2000  }
0x1e6: {  	[sflag:s25] =	ssyncset.done $0x0  }
0x1e7: {  	[sflag:s25] =	ssyncadd.s32 $0xFFFFE000  }
0x1e8: {  	s28 =	simm.s32 $0x0;
	_ =	swait.ge [sflag:s19], $0x400  }
0x1e9: {  	s29 =	sand.u32 $0xC, s28;
	s28 =	sand.u32 $0x70, s28;
	[sflag:s19] =	ssyncset.done $0x0  }
0x1ea: {  	s30 =	sor.u32 $0x1, s29;
	s31 =	sor.u32 $0x3, s29;
	v3 =	vor.u32 s28, v0;
	[sflag:s19] =	ssyncadd.s32 $0xFFFFFC00  }
0x1eb: {  	s28 =	simm.s32 $0x4;
	v4 =	vadd.s32 s29, v0;
	s29 =	sor.u32 $0x2, s29;
	v9 =	vadd.s32 s30, v0;
	v10 =	vadd.s32 s31, v0;
	_ =	swait.ge [sflag:s19], $0x400  }
0x1ec: {  	s30 =	sand.u32 $0xC, s28;
	v11 =	vadd.s32 s29, v0;
	v12 =	vshll.u32 v3, $0x6;
	v16 =	vand.u32 $0xF, v4;
	[sflag:s19] =	ssyncset.done $0x0  }
0x1ed: {  	s7 =	sand.u32 $0x70, s28;
	v25 =	vor.u32 $0x10, v4;
	v3 =	vand.u32 $0x78, v3;
	v5 =	vadd.s32 s30, v0;
	[sflag:s19] =	ssyncadd.s32 $0xFFFFFC00  }
0x1ee: {  	v2 =	vor.u32 s7, v0;
	v13 =	vand.u32 $0xF, v10;
	v14 =	vand.u32 $0xF, v9;
	_ =	swait.ge [sflag:s19], $0x400  }
0x1ef: {  	v18 =	vand.u32 $0xF, v11;
	v19 =	vor.u32 v16, v12;
	v22 =	vshll.u32 v16, $0x7;
	[sflag:s19] =	ssyncset.done $0x0  }
0x1f0: {  	v23 =	vor.u32 $0x10, v9;
	v27 =	vor.u32 $0x10, v11;
	v28 =	vor.u32 v12, v25;
	[sflag:s19] =	ssyncadd.s32 $0xFFFFFC00  }
0x1f1: {  	v31 =	vor.u32 $0x10, v10;
	v25 =	vshll.u32 v25, $0x7;
	v16 =	vor.u32 $0x20, v16;
	_ =	swait.ge [sflag:s19], $0x400  }
0x1f2: {  	s29 =	sor.u32 $0x1, s30;
	s7 =	sor.u32 $0x3, s30;
	v52 =	vand.u32 $0x7, v9;
	v53 =	vand.u32 $0x7, v11;
	v9 =	vor.u32 $0x30, v9;
	[sflag:s19] =	ssyncset.done $0x0  }
0x1f3: {  	s30 =	sor.u32 $0x2, s30;
	v11 =	vor.u32 $0x30, v11;
	v8 =	vadd.s32 s29, v0;
	v7 =	vadd.s32 s7, v0;
	[sflag:s19] =	ssyncadd.s32 $0xFFFFFC00  }
0x1f4: {  	v6 =	vadd.s32 s30, v0;
	v15 =	vor.u32 v12, v13;
	v17 =	vor.u32 v12, v14;
	_ =	swait.ge [sflag:s19], $0x400  }
0x1f5: {  	v20 =	vshll.u32 v14, $0x7;
	v21 =	vor.u32 v12, v18;
	v24 =	vshll.u32 v18, $0x7;
	[sflag:s19] =	ssyncset.done $0x0  }
0x1f6: {  	v26 =	vor.u32 v12, v23;
	v23 =	vshll.u32 v23, $0x7;
	v29 =	vor.u32 v12, v27;
	[sflag:s19] =	ssyncadd.s32 $0xFFFFFC00  }
0x1f7: {  	v30 =	vshll.u32 v13, $0x7;
	v14 =	vor.u32 $0x20, v14;
	v22 =	vor.u32 v3, v22;
	_ =	swait.ge [sflag:s19], $0x400  }
0x1f8: {  	v32 =	vor.u32 v12, v31;
	v27 =	vshll.u32 v27, $0x7;
	v18 =	vor.u32 $0x20, v18;
	[sflag:s19] =	ssyncset.done $0x0  }
0x1f9: {  	v51 =	vand.u32 $0x28, v16;
	v13 =	vor.u32 $0x20, v13;
	v16 =	vshll.u32 v16, $0x7;
	[sflag:s19] =	ssyncadd.s32 $0xFFFFFC00  }
0x1fa: {  	v60 =	vand.u32 $0xF, v5;
	v38 =	vor.u32 $0x10, v5;
	v20 =	vor.u32 v3, v20;
	_ =	swait.ge [sflag:s19], $0x400  }
0x1fb: {  	v30 =	vor.u32 v3, v30;
	v24 =	vor.u32 v3, v24;
	v22 =	vor.u32 v1, v22;
	[sflag:s19] =	ssyncset.done $0x0  }
0x1fc: {  	v23 =	vor.u32 v3, v23;
	v33 =	vand.u32 $0x28, v14;
	v27 =	vor.u32 v3, v27;
	[sflag:s19] =	ssyncadd.s32 $0xFFFFFC00  }
0x1fd: {  	v34 =	vand.u32 $0x28, v18;
	v14 =	vshll.u32 v14, $0x7;
	v18 =	vshll.u32 v18, $0x7;
	_ =	swait.ge [sflag:s19], $0x400  }
0x1fe: {  	v16 =	vor.u32 v3, v16;
	v58 =	vand.u32 $0xF, v7;
	v59 =	vand.u32 $0xF, v8;
	[sflag:s19] =	ssyncset.done $0x0  }
0x1ff: {  	v62 =	vand.u32 $0xF, v6;
	v35 =	vshll.u32 v60, $0x7;
	v36 =	vor.u32 $0x10, v8;
	[sflag:s19] =	ssyncadd.s32 $0xFFFFFC00  }
0x200: {  	v40 =	vor.u32 $0x10, v6;
	v43 =	vor.u32 $0x10, v7;
	v44 =	vand.u32 $0x7, v7;
	v15 =	vld.idx.msk [tilespmem:v15+s5+$0x0], $0xffff  }
0x201: {  	v50 =	vand.u32 $0x7, v8;
	v8 =	vor.u32 $0x30, v8;
	v30 =	vor.u32 v1, v30;
	v17 =	vld.idx.msk [tilespmem:v17+s5+$0x0], $0xffff  }
0x202: {  	v20 =	vor.u32 v1, v20;
	v24 =	vor.u32 v1, v24;
	v23 =	vor.u32 v1, v23;
	v21 =	vld.idx.msk [tilespmem:v21+s5+$0x0], $0xffff  }
0x203: {  	v54 =	vor.u32 v33, v52;
	v27 =	vor.u32 v1, v27;
	v14 =	vor.u32 v3, v14;
	v19 =	vld.idx.msk [tilespmem:v19+s5+$0x0], $0xffff  }
0x204: {  	v18 =	vor.u32 v3, v18;
	v16 =	vor.u32 v1, v16;
	v46 =	vshll.u32 v59, $0x7  }
0x205: {  	v37 =	vshll.u32 v62, $0x7;
	v52 =	vand.u32 $0x7, v6;
	v15 =	vmul.f32 $8.000000000e+00, v15  }
0x206: {  	v6 =	vor.u32 $0x30, v6;
	v56 =	vor.u32 v12, v54;
	v17 =	vmul.f32 $8.000000000e+00, v17  }
0x207: {  	v14 =	vor.u32 v1, v14;
	v18 =	vor.u32 v1, v18;
	v21 =	vmul.f32 $8.000000000e+00, v21;
	[tilespmem:v30+s26+$0x0] =	vst.idx.msk $0xffff, v15  }
0x208: {  	v15 =	vmul.f32 $8.000000000e+00, v19;
	v19 =	vor.u32 v3, v25;
	[tilespmem:v20+s26+$0x0] =	vst.idx.msk $0xffff, v17;
	v20 =	vshll.u32 v31, $0x7  }
0x209: {  	[tilespmem:v24+s26+$0x0] =	vst.idx.msk $0xffff, v21;
	v21 =	vand.u32 $0x28, v13;
	v24 =	vor.u32 v34, v53;
	v13 =	vshll.u32 v13, $0x7  }
0x20a: {  	v31 =	vor.u32 $0x20, v62;
	v53 =	vand.u32 $0x7, v5;
	v17 =	vld.idx.msk [tilespmem:v32+s5+$0x0], $0xffff;
	v20 =	vor.u32 v3, v20  }
0x20b: {  	v26 =	vld.idx.msk [tilespmem:v26+s5+$0x0], $0xffff;
	v19 =	vor.u32 v1, v19;
	v24 =	vor.u32 v12, v24;
	v13 =	vor.u32 v3, v13  }
0x20c: {  	v5 =	vor.u32 $0x30, v5;
	[tilespmem:v22+s26+$0x0] =	vst.idx.msk $0xffff, v15;
	v15 =	vld.idx.msk [tilespmem:v29+s5+$0x0], $0xffff;
	v22 =	vand.u32 $0x7, v10;
	v20 =	vor.u32 v1, v20  }
0x20d: {  	v13 =	vor.u32 v1, v13;
	v10 =	vor.u32 $0x30, v10;
	v29 =	vor.u32 $0x20, v60;
	v28 =	vld.idx.msk [tilespmem:v28+s5+$0x0], $0xffff  }
0x20e: {  	v21 =	vor.u32 v21, v22;
	v22 =	vand.u32 $0x7, v4;
	v4 =	vor.u32 $0x30, v4  }
0x20f: {  	v21 =	vor.u32 v12, v21;
	v22 =	vor.u32 v51, v22;
	v17 =	vmul.f32 $8.000000000e+00, v17  }
0x210: {  	v25 =	vor.u32 v12, v4;
	v4 =	vshll.u32 v4, $0x7;
	v55 =	vmul.f32 $8.000000000e+00, v26  }
0x211: {  	v51 =	vand.u32 $0x28, v31;
	v22 =	vor.u32 v12, v22;
	v15 =	vmul.f32 $8.000000000e+00, v15;
	[tilespmem:v20+s26+$0x0] =	vst.idx.msk $0xffff, v17  }
0x212: {  	v57 =	vor.u32 v3, v4;
	v4 =	vshll.u32 v10, $0x7;
	v17 =	vmul.f32 $8.000000000e+00, v28;
	[tilespmem:v23+s26+$0x0] =	vst.idx.msk $0xffff, v55  }
0x213: {  	v23 =	vor.u32 v12, v10;
	v10 =	vshll.u32 v2, $0x6;
	v28 =	vor.u32 $0x20, v59;
	[tilespmem:v27+s26+$0x0] =	vst.idx.msk $0xffff, v15  }
0x214: {  	v15 =	vld.idx.msk [tilespmem:v21+s5+$0x0], $0xffff;
	v61 =	vor.u32 v10, v59;
	v63 =	vor.u32 v60, v10;
	v47 =	vor.u32 v10, v62  }
0x215: {  	v39 =	vor.u32 v10, v36;
	v21 =	vld.idx.msk [tilespmem:v24+s5+$0x0], $0xffff;
	v24 =	vor.u32 v12, v9;
	v9 =	vshll.u32 v9, $0x7  }
0x216: {  	v20 =	vld.idx.msk [tilespmem:v56+s5+$0x0], $0xffff;
	v12 =	vor.u32 v12, v11;
	v11 =	vshll.u32 v11, $0x7;
	v9 =	vor.u32 v3, v9  }
0x217: {  	v11 =	vor.u32 v3, v11;
	v3 =	vor.u32 v3, v4;
	v4 =	vor.u32 v10, v58  }
0x218: {  	v41 =	vor.u32 v10, v40;
	v27 =	vor.u32 $0x20, v58;
	v54 =	vor.u32 v10, v38  }
0x219: {  	v60 =	vshll.u32 v31, $0x7;
	[tilespmem:v19+s26+$0x0] =	vst.idx.msk $0xffff, v17;
	v17 =	vor.u32 v10, v43;
	v49 =	vand.u32 $0x28, v27  }
0x21a: {  	v22 =	vld.idx.msk [tilespmem:v22+s5+$0x0], $0xffff;
	v55 =	vor.u32 v1, v9;
	v56 =	vor.u32 v1, v3;
	v3 =	vor.u32 v1, v57  }
0x21b: {  	v57 =	vshll.u32 v43, $0x7;
	v15 =	vmul.f32 $8.000000000e+00, v15;
	v20 =	vmul.f32 $8.000000000e+00, v20;
	v30 =	vld.idx.msk [tilespmem:v61+s5+$0x0], $0xffff  }
0x21c: {  	v61 =	vor.u32 $0x30, v7;
	v42 =	vld.idx.msk [tilespmem:v4+s5+$0x0], $0xffff;
	v4 =	vand.u32 $0x78, v2;
	v2 =	vshll.u32 v58, $0x7  }
0x21d: {  	v21 =	vmul.f32 $8.000000000e+00, v21;
	v62 =	vor.u32 v10, v61;
	[tilespmem:v13+s26+$0x0] =	vst.idx.msk $0xffff, v15;
	v2 =	vor.u32 v4, v2  }
0x21e: {  	v34 =	vld.idx.msk [tilespmem:v47+s5+$0x0], $0xffff;
	v15 =	vand.u32 $0x28, v28;
	[tilespmem:v14+s26+$0x0] =	vst.idx.msk $0xffff, v20;
	v14 =	vand.u32 $0x28, v29;
	v2 =	vor.u32 v1, v2  }
0x21f: {  	v13 =	vld.idx.msk [tilespmem:v63+s5+$0x0], $0xffff;
	v20 =	vor.u32 v51, v52;
	v33 =	vor.u32 v4, v46;
	v37 =	vor.u32 v4, v37  }
0x220: {  	v35 =	vor.u32 v4, v35;
	v15 =	vor.u32 v15, v50;
	v33 =	vor.u32 v1, v33  }
0x221: {  	v23 =	vld.idx.msk [tilespmem:v23+s5+$0x0], $0xffff;
	v14 =	vor.u32 v14, v53;
	v37 =	vor.u32 v1, v37;
	v48 =	vmul.f32 $8.000000000e+00, v42  }
0x222: {  	v22 =	vmul.f32 $8.000000000e+00, v22;
	v26 =	vor.u32 v4, v57;
	[tilespmem:v18+s26+$0x0] =	vst.idx.msk $0xffff, v21;
	v19 =	vor.u32 v1, v35  }
0x223: {  	v20 =	vor.u32 v10, v20;
	v26 =	vor.u32 v1, v26;
	v30 =	vmul.f32 $8.000000000e+00, v30;
	[tilespmem:v2+s26+$0x0] =	vst.idx.msk $0xffff, v48  }
0x224: {  	[tilespmem:v16+s26+$0x0] =	vst.idx.msk $0xffff, v22;
	v9 =	vmul.f32 $8.000000000e+00, v34;
	v2 =	vor.u32 v1, v11;
	v11 =	vmul.f32 $8.000000000e+00, v13;
	v13 =	vld.idx.msk [tilespmem:v17+s5+$0x0], $0xffff  }
0x225: {  	v24 =	vld.idx.msk [tilespmem:v24+s5+$0x0], $0xffff;
	v15 =	vor.u32 v10, v15;
	v42 =	vor.u32 v49, v44;
	[tilespmem:v33+s26+$0x0] =	vst.idx.msk $0xffff, v30  }
0x226: {  	v59 =	vor.u32 v10, v42;
	[tilespmem:v37+s26+$0x0] =	vst.idx.msk $0xffff, v9;
	v9 =	vshll.u32 v36, $0x7;
	v17 =	vmul.f32 $8.000000000e+00, v23;
	v23 =	vld.idx.msk [tilespmem:v39+s5+$0x0], $0xffff  }
0x227: {  	v27 =	vshll.u32 v27, $0x7;
	v58 =	vld.idx.msk [tilespmem:v41+s5+$0x0], $0xffff;
	v9 =	vor.u32 v4, v9;
	[tilespmem:v19+s26+$0x0] =	vst.idx.msk $0xffff, v11;
	v11 =	vshll.u32 v40, $0x7  }
0x228: {  	v19 =	vshll.u32 v38, $0x7;
	v9 =	vor.u32 v1, v9;
	v11 =	vor.u32 v4, v11;
	v32 =	vld.idx.msk [tilespmem:v54+s5+$0x0], $0xffff  }
0x229: {  	v16 =	vld.idx.msk [tilespmem:v12+s5+$0x0], $0xffff;
	v19 =	vor.u32 v4, v19;
	v11 =	vor.u32 v1, v11;
	v13 =	vmul.f32 $8.000000000e+00, v13  }
0x22a: {  	v21 =	vor.u32 v10, v14;
	v12 =	vshll.u32 v28, $0x7;
	v22 =	vld.idx.msk [tilespmem:v25+s5+$0x0], $0xffff;
	v19 =	vor.u32 v1, v19  }
0x22b: {  	v12 =	vor.u32 v4, v12;
	v25 =	vor.u32 v4, v60;
	v18 =	vmul.f32 $8.000000000e+00, v23;
	[tilespmem:v26+s26+$0x0] =	vst.idx.msk $0xffff, v13  }
0x22c: {  	[tilespmem:v56+s26+$0x0] =	vst.idx.msk $0xffff, v17;
	v17 =	vshll.u32 v6, $0x7;
	v14 =	vmul.f32 $8.000000000e+00, v58;
	v13 =	vshll.u32 v29, $0x7;
	v26 =	vld.idx.msk [tilespmem:v59+s5+$0x0], $0xffff  }
0x22d: {  	v23 =	vmul.f32 $8.000000000e+00, v32;
	[tilespmem:v9+s26+$0x0] =	vst.idx.msk $0xffff, v18;
	v18 =	vor.u32 v4, v27;
	v9 =	vor.u32 v4, v13  }
0x22e: {  	[tilespmem:v11+s26+$0x0] =	vst.idx.msk $0xffff, v14;
	v13 =	vor.u32 v1, v12;
	v27 =	vor.u32 v1, v18;
	v7 =	vld.idx.msk [tilespmem:v15+s5+$0x0], $0xffff  }
0x22f: {  	v14 =	vor.u32 v1, v25;
	v11 =	vor.u32 v10, v5;
	v63 =	vld.idx.msk [tilespmem:v20+s5+$0x0], $0xffff;
	[tilespmem:v19+s26+$0x0] =	vst.idx.msk $0xffff, v23  }
0x230: {  	v5 =	vshll.u32 v5, $0x7;
	v15 =	vmul.f32 $8.000000000e+00, v16;
	v23 =	vmul.f32 $8.000000000e+00, v24;
	v18 =	vld.idx.msk [tilespmem:v21+s5+$0x0], $0xffff  }
0x231: {  	v12 =	vor.u32 v1, v9;
	v9 =	vor.u32 v10, v8;
	v20 =	vmul.f32 $8.000000000e+00, v26  }
0x232: {  	v16 =	vmul.f32 $8.000000000e+00, v22;
	v10 =	vor.u32 v10, v6;
	v8 =	vshll.u32 v8, $0x7;
	[tilespmem:v55+s26+$0x0] =	vst.idx.msk $0xffff, v23  }
0x233: {  	v19 =	vor.u32 v4, v8;
	v21 =	vshll.u32 v61, $0x7;
	v6 =	vmul.f32 $8.000000000e+00, v7;
	[tilespmem:v27+s26+$0x0] =	vst.idx.msk $0xffff, v20  }
0x234: {  	v7 =	vor.u32 v4, v5;
	v8 =	vmul.f32 $8.000000000e+00, v63;
	v20 =	vor.u32 v4, v17;
	v17 =	vld.idx.msk [tilespmem:v62+s5+$0x0], $0xffff  }
.LBB2_9:
0x235: {  	s28 =	sadd.s32 $0x4, s28;
	v18 =	vmul.f32 $8.000000000e+00, v18;
	[tilespmem:v13+s26+$0x0] =	vst.idx.msk $0xffff, v6;
	v5 =	vor.u32 v1, v19;
	v4 =	vor.u32 v4, v21  }
0x236: {  	s29 =	sand.u32 $0xC, s28;
	p0 =	slt.u32 s28, $0x7C;
	v6 =	vld.idx.msk [tilespmem:v9+s5+$0x0], $0xffff;
	[tilespmem:v14+s26+$0x0] =	vst.idx.msk $0xffff, v8;
	v14 =	vor.u32 v1, v20;
	v4 =	vor.u32 v1, v4  }
0x237: {  	s30 =	sand.u32 $0x70, s28;
	v9 =	vadd.s32 s29, v0;
	s31 =	sor.u32 $0x1, s29;
	s7 =	sor.u32 $0x3, s29;
	[tilespmem:v12+s26+$0x0] =	vst.idx.msk $0xffff, v18;
	v18 =	vor.u32 v1, v7;
	v7 =	vld.idx.msk [tilespmem:v10+s5+$0x0], $0xffff  }
0x238: {  	v19 =	vor.u32 s30, v0;
	s29 =	sor.u32 $0x2, s29;
	v13 =	vadd.s32 s31, v0;
	v12 =	vadd.s32 s7, v0;
	v8 =	vld.idx.msk [tilespmem:v11+s5+$0x0], $0xffff  }
0x239: {  	v10 =	vshll.u32 v19, $0x6;
	v17 =	vmul.f32 $8.000000000e+00, v17;
	v20 =	vand.u32 $0xF, v12;
	[tilespmem:v2+s26+$0x0] =	vst.idx.msk $0xffff, v15;
	v2 =	vmovc v14  }
0x23a: {  	v11 =	vadd.s32 s29, v0;
	v14 =	vand.u32 $0xF, v13;
	v15 =	vor.u32 v10, v20;
	[tilespmem:v3+s26+$0x0] =	vst.idx.msk $0xffff, v16;
	v3 =	vmovc v18  }
0x23b: {  	v21 =	vand.u32 $0xF, v11;
	v16 =	vand.u32 $0xF, v9;
	v18 =	vor.u32 v10, v14;
	[tilespmem:v4+s26+$0x0] =	vst.idx.msk $0xffff, v17  }
0x23c: {  	v22 =	vshll.u32 v14, $0x7;
	v23 =	vor.u32 v10, v21;
	v17 =	vor.u32 v16, v10  }
0x23d: {  	v25 =	vshll.u32 v21, $0x7;
	v24 =	vshll.u32 v16, $0x7;
	v4 =	vor.u32 $0x10, v13  }
0x23e: {  	v26 =	vor.u32 $0x10, v9;
	v28 =	vor.u32 $0x10, v11;
	v27 =	vor.u32 v10, v4  }
0x23f: {  	v29 =	vor.u32 v10, v26;
	v31 =	vor.u32 v10, v28;
	v30 =	vshll.u32 v4, $0x7;
	v15 =	vld.idx.msk [tilespmem:v15+s5+$0x0], $0xffff  }
0x240: {  	v14 =	vor.u32 $0x20, v14;
	v4 =	vand.u32 $0x78, v19;
	v19 =	vshll.u32 v20, $0x7;
	v18 =	vld.idx.msk [tilespmem:v18+s5+$0x0], $0xffff  }
0x241: {  	v22 =	vor.u32 v4, v22;
	v25 =	vor.u32 v4, v25;
	v19 =	vor.u32 v4, v19;
	v23 =	vld.idx.msk [tilespmem:v23+s5+$0x0], $0xffff  }
0x242: {  	v32 =	vor.u32 $0x10, v12;
	v24 =	vor.u32 v4, v24;
	v19 =	vor.u32 v1, v19;
	v17 =	vld.idx.msk [tilespmem:v17+s5+$0x0], $0xffff  }
0x243: {  	v33 =	vor.u32 v10, v32;
	v22 =	vor.u32 v1, v22;
	v25 =	vor.u32 v1, v25  }
0x244: {  	v28 =	vshll.u32 v28, $0x7;
	v21 =	vor.u32 $0x20, v21;
	v24 =	vor.u32 v1, v24  }
0x245: {  	v26 =	vshll.u32 v26, $0x7;
	v16 =	vor.u32 $0x20, v16;
	v15 =	vmul.f32 $8.000000000e+00, v15  }
0x246: {  	v34 =	vand.u32 $0x28, v14;
	v30 =	vor.u32 v4, v30;
	v18 =	vmul.f32 $8.000000000e+00, v18  }
0x247: {  	v35 =	vand.u32 $0x28, v21;
	v28 =	vor.u32 v4, v28;
	v23 =	vmul.f32 $8.000000000e+00, v23;
	[tilespmem:v19+s26+$0x0] =	vst.idx.msk $0xffff, v15  }
0x248: {  	v15 =	vmul.f32 $8.000000000e+00, v17;
	v17 =	vor.u32 v4, v26;
	v19 =	vand.u32 $0x28, v16;
	[tilespmem:v22+s26+$0x0] =	vst.idx.msk $0xffff, v18;
	v18 =	vld.idx.msk [tilespmem:v33+s5+$0x0], $0xffff  }
0x249: {  	v20 =	vor.u32 $0x20, v20;
	v26 =	vand.u32 $0x7, v13;
	v22 =	vld.idx.msk [tilespmem:v27+s5+$0x0], $0xffff;
	[tilespmem:v25+s26+$0x0] =	vst.idx.msk $0xffff, v23;
	v23 =	vshll.u32 v32, $0x7  }
0x24a: {  	v25 =	vand.u32 $0x7, v12;
	[tilespmem:v24+s26+$0x0] =	vst.idx.msk $0xffff, v15;
	v15 =	vld.idx.msk [tilespmem:v31+s5+$0x0], $0xffff;
	v23 =	vor.u32 v4, v23;
	v24 =	vand.u32 $0x28, v20  }
0x24b: {  	v27 =	vld.idx.msk [tilespmem:v29+s5+$0x0], $0xffff;
	v29 =	vand.u32 $0x7, v11;
	v23 =	vor.u32 v1, v23;
	v24 =	vor.u32 v24, v25  }
0x24c: {  	v30 =	vor.u32 v1, v30;
	v25 =	vand.u32 $0x7, v9;
	v24 =	vor.u32 v10, v24  }
0x24d: {  	v28 =	vor.u32 v1, v28;
	v26 =	vor.u32 v34, v26;
	v29 =	vor.u32 v35, v29  }
0x24e: {  	v17 =	vor.u32 v1, v17;
	v19 =	vor.u32 v19, v25;
	v18 =	vmul.f32 $8.000000000e+00, v18  }
0x24f: {  	v25 =	vor.u32 v10, v26;
	v26 =	vor.u32 v10, v29;
	v22 =	vmul.f32 $8.000000000e+00, v22  }
0x250: {  	v14 =	vshll.u32 v14, $0x7;
	v19 =	vor.u32 v10, v19;
	v15 =	vmul.f32 $8.000000000e+00, v15;
	[tilespmem:v23+s26+$0x0] =	vst.idx.msk $0xffff, v18  }
0x251: {  	v21 =	vshll.u32 v21, $0x7;
	v16 =	vshll.u32 v16, $0x7;
	v18 =	vmul.f32 $8.000000000e+00, v27;
	[tilespmem:v30+s26+$0x0] =	vst.idx.msk $0xffff, v22;
	v22 =	vld.idx.msk [tilespmem:v24+s5+$0x0], $0xffff  }
0x252: {  	v14 =	vor.u32 v4, v14;
	v20 =	vshll.u32 v20, $0x7;
	[tilespmem:v28+s26+$0x0] =	vst.idx.msk $0xffff, v15;
	v15 =	vor.u32 v4, v21  }
0x253: {  	v16 =	vor.u32 v4, v16;
	[tilespmem:v17+s26+$0x0] =	vst.idx.msk $0xffff, v18;
	v17 =	vor.u32 $0x30, v13;
	v18 =	vor.u32 v4, v20  }
0x254: {  	v23 =	vor.u32 $0x30, v12;
	v13 =	vor.u32 v1, v14;
	v20 =	vld.idx.msk [tilespmem:v25+s5+$0x0], $0xffff;
	v21 =	vor.u32 v1, v18  }
0x255: {  	v12 =	vor.u32 v1, v16;
	v16 =	vor.u32 v10, v23;
	v14 =	vor.u32 v1, v15;
	v24 =	vld.idx.msk [tilespmem:v26+s5+$0x0], $0xffff  }
0x256: {  	v15 =	vor.u32 $0x30, v9;
	v9 =	vor.u32 v10, v17;
	v18 =	vld.idx.msk [tilespmem:v19+s5+$0x0], $0xffff;
	v19 =	vor.u32 $0x30, v11  }
.Ltmp3:
0x257: {  	v11 =	vor.u32 v10, v15;
	v22 =	vmul.f32 $8.000000000e+00, v22;
	v10 =	vor.u32 v10, v19;
	(pc) =	sbr.rel @p0 .LBB2_9-.Ltmp3, $4  }
0x258: {  	v25 =	vshll.u32 v15, $0x7;
	v15 =	vshll.u32 v17, $0x7;
	v17 =	vshll.u32 v19, $0x7  }
0x259: {  	v19 =	vor.u32 v4, v15;
	v15 =	vmul.f32 $8.000000000e+00, v7;
	[tilespmem:v21+s26+$0x0] =	vst.idx.msk $0xffff, v22;
	v22 =	vmul.f32 $8.000000000e+00, v6  }
0x25a: {  	v6 =	vmul.f32 $8.000000000e+00, v20;
	v20 =	vor.u32 v4, v17;
	v17 =	vld.idx.msk [tilespmem:v16+s5+$0x0], $0xffff;
	v16 =	vmul.f32 $8.000000000e+00, v8  }
0x25b: {  	v7 =	vor.u32 v4, v25;
	v21 =	vshll.u32 v23, $0x7;
	v8 =	vmul.f32 $8.000000000e+00, v24;
	[tilespmem:v5+s26+$0x0] =	vst.idx.msk $0xffff, v22  }
0x25c: {  	_ =	sdelay $0x3  }
0x25d: {  	v5 =	vmul.f32 $8.000000000e+00, v18;
	[tilespmem:v13+s26+$0x0] =	vst.idx.msk $0xffff, v6  }
0x25e: {  	v4 =	vor.u32 v4, v21;
	v6 =	vld.idx.msk [tilespmem:v9+s5+$0x0], $0xffff;
	[tilespmem:v14+s26+$0x0] =	vst.idx.msk $0xffff, v8  }
0x25f: {  	v4 =	vor.u32 v1, v4;
	[tilespmem:v12+s26+$0x0] =	vst.idx.msk $0xffff, v5;
	v58 =	vld.idx.msk [tilespmem:v10+s5+$0x0], $0xffff  }
0x260: {  	v59 =	vor.u32 v1, v19;
	v60 =	vld.idx.msk [tilespmem:v11+s5+$0x0], $0xffff  }
0x261: {  	v61 =	vor.u32 v1, v20  }
0x262: {  	v7 =	vor.u32 v1, v7;
	[tilespmem:v2+s26+$0x0] =	vst.idx.msk $0xffff, v15;
	v62 =	vmul.f32 $8.000000000e+00, v17  }
0x263: {  	[tilespmem:v3+s26+$0x0] =	vst.idx.msk $0xffff, v16;
	v2 =	vmul.f32 $8.000000000e+00, v6  }
0x264: {  	[tilespmem:v4+s26+$0x0] =	vst.idx.msk $0xffff, v62;
	v3 =	vmul.f32 $8.000000000e+00, v58  }
0x265: {  	s7 =	sadd.s32 s24, s21;
	v63 =	vmul.f32 $8.000000000e+00, v60;
	[tilespmem:v59+s26+$0x0] =	vst.idx.msk $0xffff, v2  }
0x266: {  	s7 =	sshrl.u32 s7, $0x3;
	[tilespmem:v61+s26+$0x0] =	vst.idx.msk $0xffff, v3  }
0x267: {  	s29 =	sadd.s32 s4, s7;
	[tilespmem:v7+s26+$0x0] =	vst.idx.msk $0xffff, v63  }
0x268: {  	[hbm4b:s29+s2] =	stream.linear.scatter [tilespmem:s26], [sflag:$0x4], $0x400, $0x38;
	[tilespmem:$0xE400] =	vst v63  }
0x269: {  	s28 =	simm.s32 $0xC800;
	s30 =	sadd.s32 s7, s6  }
0x26a: {  	[hbm4b:s30+s2] =	stream.linear.scatter [tilespmem:s28], [sflag:$0x4], $0x400, $0x38;
	[tilespmem:$0xE400] =	vst v63  }
0x26b: {  	s31 =	sadd.s32 s7, s9;
	s29 =	simm.s32 $0xCC00  }
0x26c: {  	[hbm4b:s31+s2] =	stream.linear.scatter [tilespmem:s29], [sflag:$0x4], $0x400, $0x38;
	[tilespmem:$0xE400] =	vst v63  }
0x26d: {  	s30 =	sadd.s32 s7, s10;
	s31 =	simm.s32 $0xD000  }
0x26e: {  	[hbm4b:s30+s2] =	stream.linear.scatter [tilespmem:s31], [sflag:$0x4], $0x400, $0x38;
	[tilespmem:$0xE400] =	vst v63  }
0x26f: {  	s29 =	sadd.s32 s7, s11;
	s30 =	simm.s32 $0xD400  }
0x270: {  	[hbm4b:s29+s2] =	stream.linear.scatter [tilespmem:s30], [sflag:$0x4], $0x400, $0x38;
	[tilespmem:$0xE400] =	vst v63  }
0x271: {  	s20 =	sadd.s32 $0x1, s20;
	s31 =	sadd.s32 s7, s15;
	s29 =	simm.s32 $0xD800  }
0x272: {  	[hbm4b:s31+s2] =	stream.linear.scatter [tilespmem:s29], [sflag:$0x4], $0x400, $0x38;
	[tilespmem:$0xE400] =	vst v63  }
0x273: {  	p0 =	sne.s32 s20, $0x62;
	s30 =	sadd.s32 s7, s16  }
0x274: {  	[hbm4b:s30+s2] =	stream.linear.scatter [tilespmem:s13], [sflag:$0x4], $0x400, $0x38;
	[tilespmem:$0xE400] =	vst v63  }
.Ltmp4:
0x275: {  	_ = 	snop;
	(pc) =	sbr.rel @p0 .LBB2_6-.Ltmp4, $4  }
0x276: {  	s7 =	sadd.s32 s7, s17  }
0x277: {  	[hbm4b:s7+s2] =	stream.linear.scatter [tilespmem:s14], [sflag:$0x4], $0x400, $0x38;
	[tilespmem:$0xE400] =	vst v63  }
0x278: {  	s31 =	sadd.s32 $0x280, s22  }
0x279: {  	[tilespmem:s5], [sflag:$0x2] =	stream.indirect.gather [hbm4b:s3+s0], $0x40, s31, s0, $0xb8;
	[tilespmem:$0xE400] =	vst v63  }
0x27a: {  	_ =	swait.ge [sflag:s8], $0x2000  }
0x27b: {  	[sflag:s8] =	ssyncset.done $0x0  }
0x27c: {  	[sflag:s8] =	ssyncadd.s32 $0xFFFFE000  }
0x27d: {  	_ =	swait.ge [sflag:s18], $0x400  }
0x27e: {  	[sflag:s18] =	ssyncset.done $0x0  }
0x27f: {  	[sflag:s18] =	ssyncadd.s32 $0xFFFFFC00  }
0x280: {  	_ =	swait.ge [sflag:s18], $0x400  }
0x281: {  	[sflag:s18] =	ssyncset.done $0x0  }
0x282: {  	[sflag:s18] =	ssyncadd.s32 $0xFFFFFC00  }
0x283: {  	_ =	swait.ge [sflag:s18], $0x400  }
0x284: {  	s7 =	simm.s32 $0x0;
	[sflag:s18] =	ssyncset.done $0x0  }
0x285: {  	s20 =	sand.u32 $0xC, s7;
	s7 =	sand.u32 $0x70, s7;
	[sflag:s18] =	ssyncadd.s32 $0xFFFFFC00  }
0x286: {  	v2 =	vadd.s32 s20, v0;
	s21 =	sor.u32 $0x1, s20;
	s22 =	sor.u32 $0x3, s20;
	v3 =	vor.u32 s7, v0;
	_ =	swait.ge [sflag:s18], $0x400  }
0x287: {  	s28 =	sor.u32 $0x2, s20;
	v4 =	vadd.s32 s21, v0;
	v5 =	vadd.s32 s22, v0;
	v6 =	vshll.u32 v3, $0x6;
	[sflag:s18] =	ssyncset.done $0x0  }
0x288: {  	v9 =	vadd.s32 s28, v0;
	v11 =	vand.u32 $0xF, v2;
	v20 =	vor.u32 $0x10, v2;
	[sflag:s18] =	ssyncadd.s32 $0xFFFFFC00  }
0x289: {  	v3 =	vand.u32 $0x78, v3;
	v7 =	vand.u32 $0xF, v5;
	v8 =	vand.u32 $0xF, v4;
	_ =	swait.ge [sflag:s18], $0x400  }
0x28a: {  	v13 =	vand.u32 $0xF, v9;
	v14 =	vor.u32 v11, v6;
	v17 =	vshll.u32 v11, $0x7;
	[sflag:s18] =	ssyncset.done $0x0  }
0x28b: {  	v18 =	vor.u32 $0x10, v4;
	v22 =	vor.u32 $0x10, v9;
	v23 =	vor.u32 v6, v20;
	[sflag:s18] =	ssyncadd.s32 $0xFFFFFC00  }
0x28c: {  	v26 =	vor.u32 $0x10, v5;
	v20 =	vshll.u32 v20, $0x7;
	v11 =	vor.u32 $0x20, v11;
	_ =	swait.ge [sflag:s18], $0x400  }
0x28d: {  	v58 =	vand.u32 $0x7, v4;
	v4 =	vor.u32 $0x30, v4;
	v10 =	vor.u32 v6, v7;
	[sflag:s18] =	ssyncset.done $0x0  }
0x28e: {  	v12 =	vor.u32 v6, v8;
	v15 =	vshll.u32 v8, $0x7;
	v16 =	vor.u32 v6, v13;
	[sflag:s18] =	ssyncadd.s32 $0xFFFFFC00  }
0x28f: {  	s20 =	simm.s32 $0x4;
	v19 =	vshll.u32 v13, $0x7;
	v21 =	vor.u32 v6, v18;
	v18 =	vshll.u32 v18, $0x7;
	_ =	swait.ge [sflag:s18], $0x400  }
0x290: {  	s29 =	sand.u32 $0xC, s20;
	v24 =	vor.u32 v6, v22;
	v8 =	vor.u32 $0x20, v8;
	v25 =	vshll.u32 v7, $0x7;
	[sflag:s18] =	ssyncset.done $0x0  }
0x291: {  	s28 =	sor.u32 $0x1, s29;
	v17 =	vor.u32 v3, v17;
	v27 =	vor.u32 v6, v26;
	v22 =	vshll.u32 v22, $0x7;
	[sflag:s18] =	ssyncadd.s32 $0xFFFFFC00  }
0x292: {  	s7 =	sor.u32 $0x2, s29;
	v13 =	vor.u32 $0x20, v13;
	v7 =	vor.u32 $0x20, v7;
	v60 =	vadd.s32 s28, v0;
	_ =	swait.ge [sflag:s18], $0x400  }
0x293: {  	v63 =	vadd.s32 s7, v0;
	v15 =	vor.u32 v3, v15;
	v19 =	vor.u32 v3, v19;
	[sflag:s18] =	ssyncset.done $0x0  }
0x294: {  	v25 =	vor.u32 v3, v25;
	v17 =	vor.u32 v1, v17;
	v18 =	vor.u32 v3, v18;
	[sflag:s18] =	ssyncadd.s32 $0xFFFFFC00  }
0x295: {  	v28 =	vand.u32 $0x28, v8;
	v22 =	vor.u32 v3, v22;
	v29 =	vand.u32 $0x28, v13;
	v10 =	vld.idx.msk [tilespmem:v10+s1+$0x0], $0xffff  }
0x296: {  	v8 =	vshll.u32 v8, $0x7;
	v13 =	vshll.u32 v13, $0x7;
	v62 =	vand.u32 $0xF, v60;
	v12 =	vld.idx.msk [tilespmem:v12+s1+$0x0], $0xffff  }
0x297: {  	v31 =	vand.u32 $0xF, v63;
	v36 =	vor.u32 $0x10, v60;
	v40 =	vor.u32 $0x10, v63;
	v16 =	vld.idx.msk [tilespmem:v16+s1+$0x0], $0xffff  }
0x298: {  	v50 =	vand.u32 $0x7, v60;
	v52 =	vand.u32 $0x7, v63;
	v25 =	vor.u32 v1, v25;
	v14 =	vld.idx.msk [tilespmem:v14+s1+$0x0], $0xffff  }
0x299: {  	v15 =	vor.u32 v1, v15;
	v19 =	vor.u32 v1, v19;
	v18 =	vor.u32 v1, v18  }
0x29a: {  	v59 =	vor.u32 v28, v58;
	v22 =	vor.u32 v1, v22;
	v8 =	vor.u32 v3, v8  }
0x29b: {  	v13 =	vor.u32 v3, v13;
	v33 =	vshll.u32 v62, $0x7;
	v10 =	vmul.f32 $8.000000000e+00, v10  }
0x29c: {  	v37 =	vshll.u32 v31, $0x7;
	v8 =	vor.u32 v1, v8;
	v12 =	vmul.f32 $8.000000000e+00, v12  }
0x29d: {  	v13 =	vor.u32 v1, v13;
	v16 =	vmul.f32 $8.000000000e+00, v16;
	[tilespmem:v25+s12+$0x0] =	vst.idx.msk $0xffff, v10;
	v10 =	vmul.f32 $8.000000000e+00, v14  }
0x29e: {  	v14 =	vor.u32 v3, v20;
	v20 =	vand.u32 $0x28, v11;
	[tilespmem:v15+s12+$0x0] =	vst.idx.msk $0xffff, v12;
	v15 =	vshll.u32 v26, $0x7  }
0x29f: {  	[tilespmem:v19+s12+$0x0] =	vst.idx.msk $0xffff, v16;
	v16 =	vand.u32 $0x28, v7;
	v19 =	vand.u32 $0x7, v9;
	v11 =	vshll.u32 v11, $0x7  }
0x2a0: {  	v7 =	vshll.u32 v7, $0x7;
	v12 =	vld.idx.msk [tilespmem:v27+s1+$0x0], $0xffff;
	v15 =	vor.u32 v3, v15;
	v19 =	vor.u32 v29, v19  }
0x2a1: {  	v21 =	vld.idx.msk [tilespmem:v21+s1+$0x0], $0xffff;
	v14 =	vor.u32 v1, v14;
	v11 =	vor.u32 v3, v11;
	v7 =	vor.u32 v3, v7  }
0x2a2: {  	v9 =	vor.u32 $0x30, v9;
	v27 =	vor.u32 $0x20, v62;
	[tilespmem:v17+s12+$0x0] =	vst.idx.msk $0xffff, v10;
	v10 =	vld.idx.msk [tilespmem:v24+s1+$0x0], $0xffff;
	v15 =	vor.u32 v1, v15  }
0x2a3: {  	v17 =	vand.u32 $0x7, v5;
	v19 =	vor.u32 v6, v19;
	v7 =	vor.u32 v1, v7;
	v23 =	vld.idx.msk [tilespmem:v23+s1+$0x0], $0xffff  }
0x2a4: {  	v5 =	vor.u32 $0x30, v5;
	v11 =	vor.u32 v1, v11;
	v16 =	vor.u32 v16, v17  }
0x2a5: {  	v17 =	vand.u32 $0x7, v2;
	v16 =	vor.u32 v6, v16;
	v12 =	vmul.f32 $8.000000000e+00, v12  }
0x2a6: {  	v2 =	vor.u32 $0x30, v2;
	v17 =	vor.u32 v20, v17;
	v20 =	vmul.f32 $8.000000000e+00, v21  }
0x2a7: {  	v17 =	vor.u32 v6, v17;
	v21 =	vor.u32 v6, v59;
	v10 =	vmul.f32 $8.000000000e+00, v10;
	[tilespmem:v15+s12+$0x0] =	vst.idx.msk $0xffff, v12  }
0x2a8: {  	s31 =	sor.u32 $0x3, s29;
	v12 =	vmul.f32 $8.000000000e+00, v23;
	[tilespmem:v18+s12+$0x0] =	vst.idx.msk $0xffff, v20;
	v18 =	vor.u32 v6, v5;
	v20 =	vor.u32 v6, v2  }
0x2a9: {  	v2 =	vshll.u32 v2, $0x7;
	v23 =	vadd.s32 s31, v0;
	[tilespmem:v22+s12+$0x0] =	vst.idx.msk $0xffff, v10;
	v22 =	vadd.s32 s29, v0  }
0x2aa: {  	v15 =	vld.idx.msk [tilespmem:v16+s1+$0x0], $0xffff;
	v61 =	vand.u32 $0xF, v23;
	v43 =	vor.u32 $0x10, v23;
	v44 =	vand.u32 $0x7, v23  }
0x2ab: {  	v23 =	vor.u32 $0x30, v23;
	v16 =	vld.idx.msk [tilespmem:v19+s1+$0x0], $0xffff;
	v19 =	vor.u32 v6, v4;
	v6 =	vor.u32 v6, v9  }
0x2ac: {  	v4 =	vshll.u32 v4, $0x7;
	v9 =	vshll.u32 v9, $0x7;
	v47 =	vand.u32 $0xF, v22  }
0x2ad: {  	v38 =	vor.u32 $0x10, v22;
	v26 =	vor.u32 $0x20, v61;
	v53 =	vand.u32 $0x7, v22  }
0x2ae: {  	v56 =	vshll.u32 v43, $0x7;
	v22 =	vor.u32 $0x30, v22;
	v10 =	vld.idx.msk [tilespmem:v21+s1+$0x0], $0xffff;
	v21 =	vor.u32 v3, v4  }
0x2af: {  	s30 =	sand.u32 $0x70, s20;
	v9 =	vor.u32 v3, v9;
	v4 =	vshll.u32 v5, $0x7;
	v5 =	vor.u32 v3, v2  }
0x2b0: {  	v2 =	vor.u32 s30, v0;
	v35 =	vshll.u32 v47, $0x7;
	v29 =	vor.u32 $0x20, v47  }
0x2b1: {  	v49 =	vand.u32 $0x28, v26;
	v26 =	vshll.u32 v26, $0x7;
	v25 =	vshll.u32 v2, $0x6  }
0x2b2: {  	v3 =	vor.u32 v3, v4;
	v55 =	vor.u32 v1, v21;
	v4 =	vor.u32 v25, v61  }
0x2b3: {  	[tilespmem:v14+s12+$0x0] =	vst.idx.msk $0xffff, v12;
	v30 =	vor.u32 v25, v62;
	v32 =	vor.u32 v47, v25;
	v15 =	vmul.f32 $8.000000000e+00, v15  }
0x2b4: {  	v17 =	vld.idx.msk [tilespmem:v17+s1+$0x0], $0xffff;
	v34 =	vor.u32 v25, v31;
	v39 =	vor.u32 v25, v36;
	v41 =	vor.u32 v25, v40  }
0x2b5: {  	v12 =	vor.u32 v25, v43;
	v31 =	vor.u32 $0x20, v31;
	v54 =	vor.u32 v25, v38;
	[tilespmem:v7+s12+$0x0] =	vst.idx.msk $0xffff, v15  }
0x2b6: {  	v21 =	vor.u32 v1, v3;
	v3 =	vor.u32 v1, v5;
	v51 =	vand.u32 $0x28, v31;
	v18 =	vld.idx.msk [tilespmem:v18+s1+$0x0], $0xffff  }
0x2b7: {  	v16 =	vmul.f32 $8.000000000e+00, v16;
	v42 =	vld.idx.msk [tilespmem:v4+s1+$0x0], $0xffff;
	v4 =	vand.u32 $0x78, v2;
	v2 =	vshll.u32 v61, $0x7  }
0x2b8: {  	v10 =	vmul.f32 $8.000000000e+00, v10;
	v15 =	vand.u32 $0x28, v27;
	v30 =	vld.idx.msk [tilespmem:v30+s1+$0x0], $0xffff;
	v2 =	vor.u32 v4, v2  }
0x2b9: {  	v17 =	vmul.f32 $8.000000000e+00, v17;
	v7 =	vld.idx.msk [tilespmem:v32+s1+$0x0], $0xffff;
	v33 =	vor.u32 v4, v33;
	v2 =	vor.u32 v1, v2  }
0x2ba: {  	v15 =	vor.u32 v15, v50;
	v34 =	vld.idx.msk [tilespmem:v34+s1+$0x0], $0xffff;
	v35 =	vor.u32 v4, v35;
	v33 =	vor.u32 v1, v33  }
0x2bb: {  	[tilespmem:v8+s12+$0x0] =	vst.idx.msk $0xffff, v10;
	v8 =	vand.u32 $0x28, v29;
	v37 =	vor.u32 v4, v37;
	v14 =	vor.u32 v1, v35  }
0x2bc: {  	[tilespmem:v13+s12+$0x0] =	vst.idx.msk $0xffff, v16;
	v10 =	vor.u32 v51, v52;
	v37 =	vor.u32 v1, v37;
	v48 =	vmul.f32 $8.000000000e+00, v42  }
0x2bd: {  	[tilespmem:v11+s12+$0x0] =	vst.idx.msk $0xffff, v17;
	v11 =	vshll.u32 v27, $0x7;
	v8 =	vor.u32 v8, v53;
	v59 =	vld.idx.msk [tilespmem:v19+s1+$0x0], $0xffff;
	v30 =	vmul.f32 $8.000000000e+00, v30  }
0x2be: {  	v10 =	vor.u32 v25, v10;
	v42 =	vor.u32 v49, v44;
	v5 =	vmul.f32 $8.000000000e+00, v7;
	[tilespmem:v2+s12+$0x0] =	vst.idx.msk $0xffff, v48  }
0x2bf: {  	v17 =	vshll.u32 v31, $0x7;
	[tilespmem:v33+s12+$0x0] =	vst.idx.msk $0xffff, v30;
	v2 =	vor.u32 v1, v9;
	v9 =	vmul.f32 $8.000000000e+00, v34;
	v7 =	vld.idx.msk [tilespmem:v12+s1+$0x0], $0xffff  }
0x2c0: {  	v18 =	vmul.f32 $8.000000000e+00, v18;
	v58 =	vor.u32 v25, v42;
	[tilespmem:v14+s12+$0x0] =	vst.idx.msk $0xffff, v5;
	v33 =	vor.u32 v4, v56  }
0x2c1: {  	v5 =	vshll.u32 v40, $0x7;
	v12 =	vld.idx.msk [tilespmem:v39+s1+$0x0], $0xffff;
	v33 =	vor.u32 v1, v33;
	[tilespmem:v37+s12+$0x0] =	vst.idx.msk $0xffff, v9;
	v9 =	vshll.u32 v36, $0x7  }
0x2c2: {  	v14 =	vshll.u32 v38, $0x7;
	v5 =	vor.u32 v4, v5;
	v57 =	vld.idx.msk [tilespmem:v41+s1+$0x0], $0xffff;
	v9 =	vor.u32 v4, v9  }
0x2c3: {  	v32 =	vld.idx.msk [tilespmem:v54+s1+$0x0], $0xffff;
	v14 =	vor.u32 v4, v14;
	v5 =	vor.u32 v1, v5;
	v9 =	vor.u32 v1, v9  }
0x2c4: {  	v16 =	vld.idx.msk [tilespmem:v20+s1+$0x0], $0xffff;
	v19 =	vor.u32 v1, v14;
	v14 =	vor.u32 v25, v15;
	v7 =	vmul.f32 $8.000000000e+00, v7  }
0x2c5: {  	v62 =	vor.u32 $0x30, v63;
	v11 =	vor.u32 v4, v11;
	v17 =	vor.u32 v4, v17;
	[tilespmem:v21+s12+$0x0] =	vst.idx.msk $0xffff, v18  }
0x2c6: {  	v6 =	vld.idx.msk [tilespmem:v6+s1+$0x0], $0xffff;
	v8 =	vor.u32 v25, v8;
	v21 =	vshll.u32 v22, $0x7;
	v12 =	vmul.f32 $8.000000000e+00, v12;
	[tilespmem:v33+s12+$0x0] =	vst.idx.msk $0xffff, v7  }
0x2c7: {  	v63 =	vmul.f32 $8.000000000e+00, v59;
	v15 =	vshll.u32 v29, $0x7;
	v13 =	vmul.f32 $8.000000000e+00, v57;
	v20 =	vld.idx.msk [tilespmem:v58+s1+$0x0], $0xffff  }
0x2c8: {  	v7 =	vmul.f32 $8.000000000e+00, v32;
	[tilespmem:v9+s12+$0x0] =	vst.idx.msk $0xffff, v12;
	v9 =	vor.u32 v4, v15;
	v12 =	vor.u32 v4, v26  }
0x2c9: {  	v16 =	vmul.f32 $8.000000000e+00, v16;
	v15 =	vor.u32 $0x30, v60;
	[tilespmem:v5+s12+$0x0] =	vst.idx.msk $0xffff, v13;
	v5 =	vor.u32 v1, v12;
	v60 =	vld.idx.msk [tilespmem:v14+s1+$0x0], $0xffff  }
0x2ca: {  	v14 =	vor.u32 v1, v17;
	v17 =	vor.u32 v25, v23;
	[tilespmem:v19+s12+$0x0] =	vst.idx.msk $0xffff, v7;
	v61 =	vld.idx.msk [tilespmem:v10+s1+$0x0], $0xffff  }
0x2cb: {  	v13 =	vor.u32 v1, v11;
	v12 =	vor.u32 v1, v9;
	v9 =	vor.u32 v25, v15;
	v18 =	vld.idx.msk [tilespmem:v8+s1+$0x0], $0xffff  }
0x2cc: {  	v11 =	vor.u32 v25, v22;
	v15 =	vshll.u32 v15, $0x7;
	v20 =	vmul.f32 $8.000000000e+00, v20  }
0x2cd: {  	v22 =	vshll.u32 v62, $0x7;
	v7 =	vor.u32 v4, v21;
	v10 =	vor.u32 v25, v62  }
0x2ce: {  	v19 =	vor.u32 v4, v15;
	v15 =	vmul.f32 $8.000000000e+00, v6;
	v6 =	vmul.f32 $8.000000000e+00, v60;
	[tilespmem:v5+s12+$0x0] =	vst.idx.msk $0xffff, v20  }
0x2cf: {  	[tilespmem:v55+s12+$0x0] =	vst.idx.msk $0xffff, v63;
	v21 =	vshll.u32 v23, $0x7;
	v20 =	vor.u32 v4, v22;
	v8 =	vmul.f32 $8.000000000e+00, v61;
	v17 =	vld.idx.msk [tilespmem:v17+s1+$0x0], $0xffff  }
.LBB2_12:
0x2d0: {  	s20 =	sadd.s32 $0x4, s20;
	v18 =	vmul.f32 $8.000000000e+00, v18;
	[tilespmem:v13+s12+$0x0] =	vst.idx.msk $0xffff, v6;
	v5 =	vor.u32 v1, v19;
	v4 =	vor.u32 v4, v21  }
0x2d1: {  	s7 =	sand.u32 $0xC, s20;
	p0 =	slt.u32 s20, $0x7C;
	v6 =	vld.idx.msk [tilespmem:v9+s1+$0x0], $0xffff;
	[tilespmem:v14+s12+$0x0] =	vst.idx.msk $0xffff, v8;
	v14 =	vor.u32 v1, v20;
	v4 =	vor.u32 v1, v4  }
0x2d2: {  	s21 =	sand.u32 $0x70, s20;
	v9 =	vadd.s32 s7, v0;
	s22 =	sor.u32 $0x1, s7;
	s28 =	sor.u32 $0x3, s7;
	[tilespmem:v12+s12+$0x0] =	vst.idx.msk $0xffff, v18;
	v18 =	vor.u32 v1, v7;
	v7 =	vld.idx.msk [tilespmem:v10+s1+$0x0], $0xffff  }
0x2d3: {  	v19 =	vor.u32 s21, v0;
	s7 =	sor.u32 $0x2, s7;
	v13 =	vadd.s32 s22, v0;
	v12 =	vadd.s32 s28, v0;
	v8 =	vld.idx.msk [tilespmem:v11+s1+$0x0], $0xffff  }
0x2d4: {  	v10 =	vshll.u32 v19, $0x6;
	v17 =	vmul.f32 $8.000000000e+00, v17;
	v20 =	vand.u32 $0xF, v12;
	[tilespmem:v2+s12+$0x0] =	vst.idx.msk $0xffff, v15;
	v2 =	vmovc v14  }
0x2d5: {  	v11 =	vadd.s32 s7, v0;
	v14 =	vand.u32 $0xF, v13;
	v15 =	vor.u32 v10, v20;
	[tilespmem:v3+s12+$0x0] =	vst.idx.msk $0xffff, v16;
	v3 =	vmovc v18  }
0x2d6: {  	v21 =	vand.u32 $0xF, v11;
	v16 =	vand.u32 $0xF, v9;
	v18 =	vor.u32 v10, v14;
	[tilespmem:v4+s12+$0x0] =	vst.idx.msk $0xffff, v17  }
0x2d7: {  	v22 =	vshll.u32 v14, $0x7;
	v23 =	vor.u32 v10, v21;
	v17 =	vor.u32 v16, v10  }
0x2d8: {  	v25 =	vshll.u32 v21, $0x7;
	v24 =	vshll.u32 v16, $0x7;
	v4 =	vor.u32 $0x10, v13  }
0x2d9: {  	v26 =	vor.u32 $0x10, v9;
	v28 =	vor.u32 $0x10, v11;
	v27 =	vor.u32 v10, v4  }
0x2da: {  	v29 =	vor.u32 v10, v26;
	v31 =	vor.u32 v10, v28;
	v30 =	vshll.u32 v4, $0x7;
	v15 =	vld.idx.msk [tilespmem:v15+s1+$0x0], $0xffff  }
0x2db: {  	v14 =	vor.u32 $0x20, v14;
	v4 =	vand.u32 $0x78, v19;
	v19 =	vshll.u32 v20, $0x7;
	v18 =	vld.idx.msk [tilespmem:v18+s1+$0x0], $0xffff  }
0x2dc: {  	v22 =	vor.u32 v4, v22;
	v25 =	vor.u32 v4, v25;
	v19 =	vor.u32 v4, v19;
	v23 =	vld.idx.msk [tilespmem:v23+s1+$0x0], $0xffff  }
0x2dd: {  	v32 =	vor.u32 $0x10, v12;
	v24 =	vor.u32 v4, v24;
	v19 =	vor.u32 v1, v19;
	v17 =	vld.idx.msk [tilespmem:v17+s1+$0x0], $0xffff  }
0x2de: {  	v33 =	vor.u32 v10, v32;
	v22 =	vor.u32 v1, v22;
	v25 =	vor.u32 v1, v25  }
0x2df: {  	v28 =	vshll.u32 v28, $0x7;
	v21 =	vor.u32 $0x20, v21;
	v24 =	vor.u32 v1, v24  }
0x2e0: {  	v26 =	vshll.u32 v26, $0x7;
	v16 =	vor.u32 $0x20, v16;
	v15 =	vmul.f32 $8.000000000e+00, v15  }
0x2e1: {  	v34 =	vand.u32 $0x28, v14;
	v30 =	vor.u32 v4, v30;
	v18 =	vmul.f32 $8.000000000e+00, v18  }
0x2e2: {  	v35 =	vand.u32 $0x28, v21;
	v28 =	vor.u32 v4, v28;
	v23 =	vmul.f32 $8.000000000e+00, v23;
	[tilespmem:v19+s12+$0x0] =	vst.idx.msk $0xffff, v15  }
0x2e3: {  	v15 =	vmul.f32 $8.000000000e+00, v17;
	v17 =	vor.u32 v4, v26;
	v19 =	vand.u32 $0x28, v16;
	[tilespmem:v22+s12+$0x0] =	vst.idx.msk $0xffff, v18;
	v18 =	vld.idx.msk [tilespmem:v33+s1+$0x0], $0xffff  }
0x2e4: {  	v20 =	vor.u32 $0x20, v20;
	v26 =	vand.u32 $0x7, v13;
	v22 =	vld.idx.msk [tilespmem:v27+s1+$0x0], $0xffff;
	[tilespmem:v25+s12+$0x0] =	vst.idx.msk $0xffff, v23;
	v23 =	vshll.u32 v32, $0x7  }
0x2e5: {  	v25 =	vand.u32 $0x7, v12;
	[tilespmem:v24+s12+$0x0] =	vst.idx.msk $0xffff, v15;
	v15 =	vld.idx.msk [tilespmem:v31+s1+$0x0], $0xffff;
	v23 =	vor.u32 v4, v23;
	v24 =	vand.u32 $0x28, v20  }
0x2e6: {  	v27 =	vld.idx.msk [tilespmem:v29+s1+$0x0], $0xffff;
	v29 =	vand.u32 $0x7, v11;
	v23 =	vor.u32 v1, v23;
	v24 =	vor.u32 v24, v25  }
0x2e7: {  	v30 =	vor.u32 v1, v30;
	v25 =	vand.u32 $0x7, v9;
	v24 =	vor.u32 v10, v24  }
0x2e8: {  	v28 =	vor.u32 v1, v28;
	v26 =	vor.u32 v34, v26;
	v29 =	vor.u32 v35, v29  }
0x2e9: {  	v17 =	vor.u32 v1, v17;
	v19 =	vor.u32 v19, v25;
	v18 =	vmul.f32 $8.000000000e+00, v18  }
0x2ea: {  	v25 =	vor.u32 v10, v26;
	v26 =	vor.u32 v10, v29;
	v22 =	vmul.f32 $8.000000000e+00, v22  }
0x2eb: {  	v14 =	vshll.u32 v14, $0x7;
	v19 =	vor.u32 v10, v19;
	v15 =	vmul.f32 $8.000000000e+00, v15;
	[tilespmem:v23+s12+$0x0] =	vst.idx.msk $0xffff, v18  }
0x2ec: {  	v21 =	vshll.u32 v21, $0x7;
	v16 =	vshll.u32 v16, $0x7;
	v18 =	vmul.f32 $8.000000000e+00, v27;
	[tilespmem:v30+s12+$0x0] =	vst.idx.msk $0xffff, v22;
	v22 =	vld.idx.msk [tilespmem:v24+s1+$0x0], $0xffff  }
0x2ed: {  	v14 =	vor.u32 v4, v14;
	v20 =	vshll.u32 v20, $0x7;
	[tilespmem:v28+s12+$0x0] =	vst.idx.msk $0xffff, v15;
	v15 =	vor.u32 v4, v21  }
0x2ee: {  	v16 =	vor.u32 v4, v16;
	[tilespmem:v17+s12+$0x0] =	vst.idx.msk $0xffff, v18;
	v17 =	vor.u32 $0x30, v13;
	v18 =	vor.u32 v4, v20  }
0x2ef: {  	v23 =	vor.u32 $0x30, v12;
	v13 =	vor.u32 v1, v14;
	v20 =	vld.idx.msk [tilespmem:v25+s1+$0x0], $0xffff;
	v21 =	vor.u32 v1, v18  }
0x2f0: {  	v12 =	vor.u32 v1, v16;
	v16 =	vor.u32 v10, v23;
	v14 =	vor.u32 v1, v15;
	v24 =	vld.idx.msk [tilespmem:v26+s1+$0x0], $0xffff  }
0x2f1: {  	v15 =	vor.u32 $0x30, v9;
	v9 =	vor.u32 v10, v17;
	v18 =	vld.idx.msk [tilespmem:v19+s1+$0x0], $0xffff;
	v19 =	vor.u32 $0x30, v11  }
.Ltmp5:
0x2f2: {  	v11 =	vor.u32 v10, v15;
	v22 =	vmul.f32 $8.000000000e+00, v22;
	v10 =	vor.u32 v10, v19;
	(pc) =	sbr.rel @p0 .LBB2_12-.Ltmp5, $4  }
0x2f3: {  	v25 =	vshll.u32 v15, $0x7;
	v15 =	vshll.u32 v17, $0x7;
	v17 =	vshll.u32 v19, $0x7  }
0x2f4: {  	v19 =	vor.u32 v4, v15;
	v15 =	vmul.f32 $8.000000000e+00, v7;
	[tilespmem:v21+s12+$0x0] =	vst.idx.msk $0xffff, v22;
	v22 =	vmul.f32 $8.000000000e+00, v6  }
0x2f5: {  	v6 =	vmul.f32 $8.000000000e+00, v20;
	v20 =	vor.u32 v4, v17;
	v17 =	vld.idx.msk [tilespmem:v16+s1+$0x0], $0xffff;
	v16 =	vmul.f32 $8.000000000e+00, v8  }
0x2f6: {  	v7 =	vor.u32 v4, v25;
	v21 =	vshll.u32 v23, $0x7;
	v8 =	vmul.f32 $8.000000000e+00, v24;
	[tilespmem:v5+s12+$0x0] =	vst.idx.msk $0xffff, v22  }
0x2f7: {  	_ =	sdelay $0x3  }
0x2f8: {  	v5 =	vmul.f32 $8.000000000e+00, v18;
	[tilespmem:v13+s12+$0x0] =	vst.idx.msk $0xffff, v6  }
0x2f9: {  	v4 =	vor.u32 v4, v21;
	v6 =	vld.idx.msk [tilespmem:v9+s1+$0x0], $0xffff;
	[tilespmem:v14+s12+$0x0] =	vst.idx.msk $0xffff, v8  }
0x2fa: {  	v4 =	vor.u32 v1, v4;
	[tilespmem:v12+s12+$0x0] =	vst.idx.msk $0xffff, v5;
	v5 =	vld.idx.msk [tilespmem:v10+s1+$0x0], $0xffff  }
0x2fb: {  	v8 =	vor.u32 v1, v19;
	v9 =	vld.idx.msk [tilespmem:v11+s1+$0x0], $0xffff  }
0x2fc: {  	v10 =	vor.u32 v1, v20  }
0x2fd: {  	v7 =	vor.u32 v1, v7;
	[tilespmem:v2+s12+$0x0] =	vst.idx.msk $0xffff, v15;
	v11 =	vmul.f32 $8.000000000e+00, v17  }
0x2fe: {  	[tilespmem:v3+s12+$0x0] =	vst.idx.msk $0xffff, v16;
	v2 =	vmul.f32 $8.000000000e+00, v6  }
0x2ff: {  	[tilespmem:v4+s12+$0x0] =	vst.idx.msk $0xffff, v11;
	v3 =	vmul.f32 $8.000000000e+00, v5  }
0x300: {  	v4 =	vmul.f32 $8.000000000e+00, v9;
	[tilespmem:v8+s12+$0x0] =	vst.idx.msk $0xffff, v2  }
0x301: {  	[tilespmem:v10+s12+$0x0] =	vst.idx.msk $0xffff, v3  }
0x302: {  	[tilespmem:v7+s12+$0x0] =	vst.idx.msk $0xffff, v4  }
0x303: {  	s7 =	rddreg [dreg:$0x15]  }
0x304: {  	[hbm4b:s7+s2] =	stream.linear.scatter [tilespmem:s12], [sflag:$0x3], $0x400, $0x38;
	[tilespmem:$0xE400] =	vst v63  }
0x305: {  	s20 =	simm.s32 $0xA800;
	s31 =	rddreg [dreg:$0x16]  }
0x306: {  	[hbm4b:s31+s2] =	stream.linear.scatter [tilespmem:s20], [sflag:$0x3], $0x400, $0x38;
	[tilespmem:$0xE400] =	vst v63  }
0x307: {  	s22 =	simm.s32 $0xAC00;
	s21 =	rddreg [dreg:$0x17]  }
0x308: {  	[hbm4b:s21+s2] =	stream.linear.scatter [tilespmem:s22], [sflag:$0x3], $0x400, $0x38;
	[tilespmem:$0xE400] =	vst v63  }
0x309: {  	s29 =	simm.s32 $0xB000;
	s28 =	rddreg [dreg:$0x18]  }
0x30a: {  	[hbm4b:s28+s2] =	stream.linear.scatter [tilespmem:s29], [sflag:$0x3], $0x400, $0x38;
	[tilespmem:$0xE400] =	vst v63  }
0x30b: {  	s30 =	rddreg [dreg:$0x19];
	s31 =	simm.s32 $0xB400  }
0x30c: {  	[hbm4b:s30+s2] =	stream.linear.scatter [tilespmem:s31], [sflag:$0x3], $0x400, $0x38;
	[tilespmem:$0xE400] =	vst v63  }
0x30d: {  	s21 =	rddreg [dreg:$0x1a];
	s22 =	simm.s32 $0xB800  }
0x30e: {  	[hbm4b:s21+s2] =	stream.linear.scatter [tilespmem:s22], [sflag:$0x3], $0x400, $0x38;
	[tilespmem:$0xE400] =	vst v63  }
0x30f: {  	s28 =	rddreg [dreg:$0x1b];
	s29 =	simm.s32 $0xBC00  }
0x310: {  	[hbm4b:s28+s2] =	stream.linear.scatter [tilespmem:s29], [sflag:$0x3], $0x400, $0x38;
	[tilespmem:$0xE400] =	vst v63  }
0x311: {  	s30 =	rddreg [dreg:$0x1c];
	s31 =	simm.s32 $0xC000  }
0x312: {  	[hbm4b:s30+s2] =	stream.linear.scatter [tilespmem:s31], [sflag:$0x3], $0x400, $0x38;
	[tilespmem:$0xE400] =	vst v63  }
0x313: {  	_ =	swait.ge [sflag:s25], $0x2000  }
0x314: {  	[sflag:s25] =	ssyncset.done $0x0  }
0x315: {  	[sflag:s25] =	ssyncadd.s32 $0xFFFFE000  }
0x316: {  	s20 =	simm.s32 $0x0;
	_ =	swait.ge [sflag:s19], $0x400  }
0x317: {  	s7 =	sand.u32 $0x70, s20;
	[sflag:s19] =	ssyncset.done $0x0  }
0x318: {  	v3 =	vor.u32 s7, v0;
	s21 =	sand.u32 $0xC, s20;
	s20 =	simm.s32 $0x4;
	[sflag:s19] =	ssyncadd.s32 $0xFFFFFC00  }
0x319: {  	v12 =	vshll.u32 v3, $0x6;
	v3 =	vand.u32 $0x78, v3;
	s22 =	sor.u32 $0x1, s21;
	v4 =	vadd.s32 s21, v0;
	s28 =	sor.u32 $0x3, s21;
	_ =	swait.ge [sflag:s19], $0x400  }
0x31a: {  	v9 =	vadd.s32 s22, v0;
	s22 =	sor.u32 $0x2, s21;
	s29 =	sand.u32 $0x70, s20;
	v16 =	vand.u32 $0xF, v4;
	v25 =	vor.u32 $0x10, v4;
	[sflag:s19] =	ssyncset.done $0x0  }
0x31b: {  	v10 =	vadd.s32 s28, v0;
	v11 =	vadd.s32 s22, v0;
	v2 =	vor.u32 s29, v0;
	[sflag:s19] =	ssyncadd.s32 $0xFFFFFC00  }
0x31c: {  	v14 =	vand.u32 $0xF, v9;
	v19 =	vor.u32 v16, v12;
	v22 =	vshll.u32 v16, $0x7;
	_ =	swait.ge [sflag:s19], $0x400  }
0x31d: {  	v23 =	vor.u32 $0x10, v9;
	v28 =	vor.u32 v12, v25;
	v25 =	vshll.u32 v25, $0x7;
	[sflag:s19] =	ssyncset.done $0x0  }
0x31e: {  	s28 =	sand.u32 $0xC, s20;
	v16 =	vor.u32 $0x20, v16;
	v52 =	vand.u32 $0x7, v9;
	v9 =	vor.u32 $0x30, v9;
	[sflag:s19] =	ssyncadd.s32 $0xFFFFFC00  }
0x31f: {  	v5 =	vadd.s32 s28, v0;
	v13 =	vand.u32 $0xF, v10;
	v17 =	vor.u32 v12, v14;
	_ =	swait.ge [sflag:s19], $0x400  }
0x320: {  	v18 =	vand.u32 $0xF, v11;
	v20 =	vshll.u32 v14, $0x7;
	v26 =	vor.u32 v12, v23;
	[sflag:s19] =	ssyncset.done $0x0  }
0x321: {  	v27 =	vor.u32 $0x10, v11;
	v23 =	vshll.u32 v23, $0x7;
	v14 =	vor.u32 $0x20, v14;
	[sflag:s19] =	ssyncadd.s32 $0xFFFFFC00  }
0x322: {  	s30 =	sor.u32 $0x1, s28;
	v22 =	vor.u32 v3, v22;
	v31 =	vor.u32 $0x10, v10;
	v51 =	vand.u32 $0x28, v16;
	_ =	swait.ge [sflag:s19], $0x400  }
0x323: {  	s31 =	sor.u32 $0x3, s28;
	s21 =	sor.u32 $0x2, s28;
	v53 =	vand.u32 $0x7, v11;
	v16 =	vshll.u32 v16, $0x7;
	v11 =	vor.u32 $0x30, v11;
	[sflag:s19] =	ssyncset.done $0x0  }
0x324: {  	v8 =	vadd.s32 s30, v0;
	v7 =	vadd.s32 s31, v0;
	v6 =	vadd.s32 s21, v0;
	[sflag:s19] =	ssyncadd.s32 $0xFFFFFC00  }
0x325: {  	v15 =	vor.u32 v12, v13;
	v21 =	vor.u32 v12, v18;
	v24 =	vshll.u32 v18, $0x7;
	_ =	swait.ge [sflag:s19], $0x400  }
0x326: {  	v29 =	vor.u32 v12, v27;
	v30 =	vshll.u32 v13, $0x7;
	v20 =	vor.u32 v3, v20;
	[sflag:s19] =	ssyncset.done $0x0  }
0x327: {  	v32 =	vor.u32 v12, v31;
	v22 =	vor.u32 v1, v22;
	v27 =	vshll.u32 v27, $0x7;
	[sflag:s19] =	ssyncadd.s32 $0xFFFFFC00  }
0x328: {  	v18 =	vor.u32 $0x20, v18;
	v23 =	vor.u32 v3, v23;
	v33 =	vand.u32 $0x28, v14;
	_ =	swait.ge [sflag:s19], $0x400  }
0x329: {  	v13 =	vor.u32 $0x20, v13;
	v14 =	vshll.u32 v14, $0x7;
	v16 =	vor.u32 v3, v16;
	[sflag:s19] =	ssyncset.done $0x0  }
0x32a: {  	v60 =	vand.u32 $0xF, v5;
	v38 =	vor.u32 $0x10, v5;
	v30 =	vor.u32 v3, v30;
	[sflag:s19] =	ssyncadd.s32 $0xFFFFFC00  }
0x32b: {  	v24 =	vor.u32 v3, v24;
	v20 =	vor.u32 v1, v20;
	v27 =	vor.u32 v3, v27;
	_ =	swait.ge [sflag:s19], $0x400  }
0x32c: {  	v34 =	vand.u32 $0x28, v18;
	v23 =	vor.u32 v1, v23;
	v54 =	vor.u32 v33, v52;
	[sflag:s19] =	ssyncset.done $0x0  }
0x32d: {  	v18 =	vshll.u32 v18, $0x7;
	v14 =	vor.u32 v3, v14;
	v16 =	vor.u32 v1, v16;
	[sflag:s19] =	ssyncadd.s32 $0xFFFFFC00  }
0x32e: {  	v58 =	vand.u32 $0xF, v7;
	v59 =	vand.u32 $0xF, v8;
	v62 =	vand.u32 $0xF, v6;
	v15 =	vld.idx.msk [tilespmem:v15+s5+$0x0], $0xffff  }
0x32f: {  	v35 =	vshll.u32 v60, $0x7;
	v36 =	vor.u32 $0x10, v8;
	v40 =	vor.u32 $0x10, v6;
	v17 =	vld.idx.msk [tilespmem:v17+s5+$0x0], $0xffff  }
0x330: {  	v43 =	vor.u32 $0x10, v7;
	v44 =	vand.u32 $0x7, v7;
	v30 =	vor.u32 v1, v30;
	v21 =	vld.idx.msk [tilespmem:v21+s5+$0x0], $0xffff  }
0x331: {  	v50 =	vand.u32 $0x7, v8;
	v52 =	vand.u32 $0x7, v6;
	v8 =	vor.u32 $0x30, v8;
	v19 =	vld.idx.msk [tilespmem:v19+s5+$0x0], $0xffff  }
0x332: {  	v6 =	vor.u32 $0x30, v6;
	v24 =	vor.u32 v1, v24;
	v27 =	vor.u32 v1, v27  }
0x333: {  	v56 =	vor.u32 v12, v54;
	v18 =	vor.u32 v3, v18;
	v15 =	vmul.f32 $8.000000000e+00, v15  }
0x334: {  	v14 =	vor.u32 v1, v14;
	v46 =	vshll.u32 v59, $0x7;
	v17 =	vmul.f32 $8.000000000e+00, v17  }
0x335: {  	v37 =	vshll.u32 v62, $0x7;
	v18 =	vor.u32 v1, v18;
	v21 =	vmul.f32 $8.000000000e+00, v21;
	[tilespmem:v30+s26+$0x0] =	vst.idx.msk $0xffff, v15  }
0x336: {  	v15 =	vmul.f32 $8.000000000e+00, v19;
	v19 =	vor.u32 v3, v25;
	[tilespmem:v20+s26+$0x0] =	vst.idx.msk $0xffff, v17;
	v20 =	vshll.u32 v31, $0x7  }
0x337: {  	[tilespmem:v24+s26+$0x0] =	vst.idx.msk $0xffff, v21;
	v21 =	vand.u32 $0x28, v13;
	v24 =	vor.u32 v34, v53;
	v13 =	vshll.u32 v13, $0x7  }
0x338: {  	v31 =	vor.u32 $0x20, v62;
	v53 =	vand.u32 $0x7, v5;
	v17 =	vld.idx.msk [tilespmem:v32+s5+$0x0], $0xffff;
	v20 =	vor.u32 v3, v20  }
0x339: {  	v26 =	vld.idx.msk [tilespmem:v26+s5+$0x0], $0xffff;
	v19 =	vor.u32 v1, v19;
	v24 =	vor.u32 v12, v24;
	v13 =	vor.u32 v3, v13  }
0x33a: {  	v5 =	vor.u32 $0x30, v5;
	[tilespmem:v22+s26+$0x0] =	vst.idx.msk $0xffff, v15;
	v15 =	vld.idx.msk [tilespmem:v29+s5+$0x0], $0xffff;
	v22 =	vand.u32 $0x7, v10;
	v20 =	vor.u32 v1, v20  }
0x33b: {  	v13 =	vor.u32 v1, v13;
	v10 =	vor.u32 $0x30, v10;
	v29 =	vor.u32 $0x20, v60;
	v28 =	vld.idx.msk [tilespmem:v28+s5+$0x0], $0xffff  }
0x33c: {  	v21 =	vor.u32 v21, v22;
	v22 =	vand.u32 $0x7, v4;
	v4 =	vor.u32 $0x30, v4  }
0x33d: {  	v21 =	vor.u32 v12, v21;
	v22 =	vor.u32 v51, v22;
	v17 =	vmul.f32 $8.000000000e+00, v17  }
0x33e: {  	v25 =	vor.u32 v12, v4;
	v4 =	vshll.u32 v4, $0x7;
	v55 =	vmul.f32 $8.000000000e+00, v26  }
0x33f: {  	v51 =	vand.u32 $0x28, v31;
	v22 =	vor.u32 v12, v22;
	v15 =	vmul.f32 $8.000000000e+00, v15;
	[tilespmem:v20+s26+$0x0] =	vst.idx.msk $0xffff, v17  }
0x340: {  	v57 =	vor.u32 v3, v4;
	v4 =	vshll.u32 v10, $0x7;
	v17 =	vmul.f32 $8.000000000e+00, v28;
	[tilespmem:v23+s26+$0x0] =	vst.idx.msk $0xffff, v55  }
0x341: {  	v23 =	vor.u32 v12, v10;
	v10 =	vshll.u32 v2, $0x6;
	v28 =	vor.u32 $0x20, v59;
	[tilespmem:v27+s26+$0x0] =	vst.idx.msk $0xffff, v15  }
0x342: {  	v15 =	vld.idx.msk [tilespmem:v21+s5+$0x0], $0xffff;
	v61 =	vor.u32 v10, v59;
	v63 =	vor.u32 v60, v10;
	v47 =	vor.u32 v10, v62  }
0x343: {  	v39 =	vor.u32 v10, v36;
	v21 =	vld.idx.msk [tilespmem:v24+s5+$0x0], $0xffff;
	v24 =	vor.u32 v12, v9;
	v9 =	vshll.u32 v9, $0x7  }
0x344: {  	v20 =	vld.idx.msk [tilespmem:v56+s5+$0x0], $0xffff;
	v12 =	vor.u32 v12, v11;
	v11 =	vshll.u32 v11, $0x7;
	v9 =	vor.u32 v3, v9  }
0x345: {  	v11 =	vor.u32 v3, v11;
	v3 =	vor.u32 v3, v4;
	v4 =	vor.u32 v10, v58  }
0x346: {  	v41 =	vor.u32 v10, v40;
	v27 =	vor.u32 $0x20, v58;
	v54 =	vor.u32 v10, v38  }
0x347: {  	v60 =	vshll.u32 v31, $0x7;
	[tilespmem:v19+s26+$0x0] =	vst.idx.msk $0xffff, v17;
	v17 =	vor.u32 v10, v43;
	v49 =	vand.u32 $0x28, v27  }
0x348: {  	v22 =	vld.idx.msk [tilespmem:v22+s5+$0x0], $0xffff;
	v55 =	vor.u32 v1, v9;
	v56 =	vor.u32 v1, v3;
	v3 =	vor.u32 v1, v57  }
0x349: {  	v57 =	vshll.u32 v43, $0x7;
	v15 =	vmul.f32 $8.000000000e+00, v15;
	v20 =	vmul.f32 $8.000000000e+00, v20;
	v30 =	vld.idx.msk [tilespmem:v61+s5+$0x0], $0xffff  }
0x34a: {  	v61 =	vor.u32 $0x30, v7;
	v42 =	vld.idx.msk [tilespmem:v4+s5+$0x0], $0xffff;
	v4 =	vand.u32 $0x78, v2;
	v2 =	vshll.u32 v58, $0x7  }
0x34b: {  	v21 =	vmul.f32 $8.000000000e+00, v21;
	v62 =	vor.u32 v10, v61;
	[tilespmem:v13+s26+$0x0] =	vst.idx.msk $0xffff, v15;
	v2 =	vor.u32 v4, v2  }
0x34c: {  	v34 =	vld.idx.msk [tilespmem:v47+s5+$0x0], $0xffff;
	v15 =	vand.u32 $0x28, v28;
	[tilespmem:v14+s26+$0x0] =	vst.idx.msk $0xffff, v20;
	v14 =	vand.u32 $0x28, v29;
	v2 =	vor.u32 v1, v2  }
0x34d: {  	v13 =	vld.idx.msk [tilespmem:v63+s5+$0x0], $0xffff;
	v20 =	vor.u32 v51, v52;
	v33 =	vor.u32 v4, v46;
	v37 =	vor.u32 v4, v37  }
0x34e: {  	v35 =	vor.u32 v4, v35;
	v15 =	vor.u32 v15, v50;
	v33 =	vor.u32 v1, v33  }
0x34f: {  	v23 =	vld.idx.msk [tilespmem:v23+s5+$0x0], $0xffff;
	v14 =	vor.u32 v14, v53;
	v37 =	vor.u32 v1, v37;
	v48 =	vmul.f32 $8.000000000e+00, v42  }
0x350: {  	v22 =	vmul.f32 $8.000000000e+00, v22;
	v26 =	vor.u32 v4, v57;
	[tilespmem:v18+s26+$0x0] =	vst.idx.msk $0xffff, v21;
	v19 =	vor.u32 v1, v35  }
0x351: {  	v20 =	vor.u32 v10, v20;
	v26 =	vor.u32 v1, v26;
	v30 =	vmul.f32 $8.000000000e+00, v30;
	[tilespmem:v2+s26+$0x0] =	vst.idx.msk $0xffff, v48  }
0x352: {  	[tilespmem:v16+s26+$0x0] =	vst.idx.msk $0xffff, v22;
	v9 =	vmul.f32 $8.000000000e+00, v34;
	v2 =	vor.u32 v1, v11;
	v11 =	vmul.f32 $8.000000000e+00, v13;
	v13 =	vld.idx.msk [tilespmem:v17+s5+$0x0], $0xffff  }
0x353: {  	v24 =	vld.idx.msk [tilespmem:v24+s5+$0x0], $0xffff;
	v15 =	vor.u32 v10, v15;
	v42 =	vor.u32 v49, v44;
	[tilespmem:v33+s26+$0x0] =	vst.idx.msk $0xffff, v30  }
0x354: {  	v59 =	vor.u32 v10, v42;
	[tilespmem:v37+s26+$0x0] =	vst.idx.msk $0xffff, v9;
	v9 =	vshll.u32 v36, $0x7;
	v17 =	vmul.f32 $8.000000000e+00, v23;
	v23 =	vld.idx.msk [tilespmem:v39+s5+$0x0], $0xffff  }
0x355: {  	v27 =	vshll.u32 v27, $0x7;
	v58 =	vld.idx.msk [tilespmem:v41+s5+$0x0], $0xffff;
	v9 =	vor.u32 v4, v9;
	[tilespmem:v19+s26+$0x0] =	vst.idx.msk $0xffff, v11;
	v11 =	vshll.u32 v40, $0x7  }
0x356: {  	v19 =	vshll.u32 v38, $0x7;
	v9 =	vor.u32 v1, v9;
	v11 =	vor.u32 v4, v11;
	v32 =	vld.idx.msk [tilespmem:v54+s5+$0x0], $0xffff  }
0x357: {  	v16 =	vld.idx.msk [tilespmem:v12+s5+$0x0], $0xffff;
	v19 =	vor.u32 v4, v19;
	v11 =	vor.u32 v1, v11;
	v13 =	vmul.f32 $8.000000000e+00, v13  }
0x358: {  	v21 =	vor.u32 v10, v14;
	v12 =	vshll.u32 v28, $0x7;
	v22 =	vld.idx.msk [tilespmem:v25+s5+$0x0], $0xffff;
	v19 =	vor.u32 v1, v19  }
0x359: {  	v12 =	vor.u32 v4, v12;
	v25 =	vor.u32 v4, v60;
	v18 =	vmul.f32 $8.000000000e+00, v23;
	[tilespmem:v26+s26+$0x0] =	vst.idx.msk $0xffff, v13  }
0x35a: {  	[tilespmem:v56+s26+$0x0] =	vst.idx.msk $0xffff, v17;
	v17 =	vshll.u32 v6, $0x7;
	v14 =	vmul.f32 $8.000000000e+00, v58;
	v13 =	vshll.u32 v29, $0x7;
	v26 =	vld.idx.msk [tilespmem:v59+s5+$0x0], $0xffff  }
0x35b: {  	v23 =	vmul.f32 $8.000000000e+00, v32;
	[tilespmem:v9+s26+$0x0] =	vst.idx.msk $0xffff, v18;
	v18 =	vor.u32 v4, v27;
	v9 =	vor.u32 v4, v13  }
0x35c: {  	[tilespmem:v11+s26+$0x0] =	vst.idx.msk $0xffff, v14;
	v13 =	vor.u32 v1, v12;
	v27 =	vor.u32 v1, v18;
	v7 =	vld.idx.msk [tilespmem:v15+s5+$0x0], $0xffff  }
0x35d: {  	v14 =	vor.u32 v1, v25;
	v11 =	vor.u32 v10, v5;
	v63 =	vld.idx.msk [tilespmem:v20+s5+$0x0], $0xffff;
	[tilespmem:v19+s26+$0x0] =	vst.idx.msk $0xffff, v23  }
0x35e: {  	v5 =	vshll.u32 v5, $0x7;
	v15 =	vmul.f32 $8.000000000e+00, v16;
	v23 =	vmul.f32 $8.000000000e+00, v24;
	v18 =	vld.idx.msk [tilespmem:v21+s5+$0x0], $0xffff  }
0x35f: {  	v12 =	vor.u32 v1, v9;
	v9 =	vor.u32 v10, v8;
	v20 =	vmul.f32 $8.000000000e+00, v26  }
0x360: {  	v16 =	vmul.f32 $8.000000000e+00, v22;
	v10 =	vor.u32 v10, v6;
	v8 =	vshll.u32 v8, $0x7;
	[tilespmem:v55+s26+$0x0] =	vst.idx.msk $0xffff, v23  }
0x361: {  	v19 =	vor.u32 v4, v8;
	v21 =	vshll.u32 v61, $0x7;
	v6 =	vmul.f32 $8.000000000e+00, v7;
	[tilespmem:v27+s26+$0x0] =	vst.idx.msk $0xffff, v20  }
0x362: {  	v7 =	vor.u32 v4, v5;
	v8 =	vmul.f32 $8.000000000e+00, v63;
	v20 =	vor.u32 v4, v17;
	v17 =	vld.idx.msk [tilespmem:v62+s5+$0x0], $0xffff  }
.LBB2_14:
0x363: {  	s20 =	sadd.s32 $0x4, s20;
	v18 =	vmul.f32 $8.000000000e+00, v18;
	[tilespmem:v13+s26+$0x0] =	vst.idx.msk $0xffff, v6;
	v5 =	vor.u32 v1, v19;
	v4 =	vor.u32 v4, v21  }
0x364: {  	s7 =	sand.u32 $0xC, s20;
	p0 =	slt.u32 s20, $0x7C;
	v6 =	vld.idx.msk [tilespmem:v9+s5+$0x0], $0xffff;
	[tilespmem:v14+s26+$0x0] =	vst.idx.msk $0xffff, v8;
	v14 =	vor.u32 v1, v20;
	v4 =	vor.u32 v1, v4  }
0x365: {  	s21 =	sand.u32 $0x70, s20;
	v9 =	vadd.s32 s7, v0;
	s22 =	sor.u32 $0x1, s7;
	s28 =	sor.u32 $0x3, s7;
	[tilespmem:v12+s26+$0x0] =	vst.idx.msk $0xffff, v18;
	v18 =	vor.u32 v1, v7;
	v7 =	vld.idx.msk [tilespmem:v10+s5+$0x0], $0xffff  }
0x366: {  	v19 =	vor.u32 s21, v0;
	s7 =	sor.u32 $0x2, s7;
	v13 =	vadd.s32 s22, v0;
	v12 =	vadd.s32 s28, v0;
	v8 =	vld.idx.msk [tilespmem:v11+s5+$0x0], $0xffff  }
0x367: {  	v10 =	vshll.u32 v19, $0x6;
	v17 =	vmul.f32 $8.000000000e+00, v17;
	v20 =	vand.u32 $0xF, v12;
	[tilespmem:v2+s26+$0x0] =	vst.idx.msk $0xffff, v15;
	v2 =	vmovc v14  }
0x368: {  	v11 =	vadd.s32 s7, v0;
	v14 =	vand.u32 $0xF, v13;
	v15 =	vor.u32 v10, v20;
	[tilespmem:v3+s26+$0x0] =	vst.idx.msk $0xffff, v16;
	v3 =	vmovc v18  }
0x369: {  	v21 =	vand.u32 $0xF, v11;
	v16 =	vand.u32 $0xF, v9;
	v18 =	vor.u32 v10, v14;
	[tilespmem:v4+s26+$0x0] =	vst.idx.msk $0xffff, v17  }
0x36a: {  	v22 =	vshll.u32 v14, $0x7;
	v23 =	vor.u32 v10, v21;
	v17 =	vor.u32 v16, v10  }
0x36b: {  	v25 =	vshll.u32 v21, $0x7;
	v24 =	vshll.u32 v16, $0x7;
	v4 =	vor.u32 $0x10, v13  }
0x36c: {  	v26 =	vor.u32 $0x10, v9;
	v28 =	vor.u32 $0x10, v11;
	v27 =	vor.u32 v10, v4  }
0x36d: {  	v29 =	vor.u32 v10, v26;
	v31 =	vor.u32 v10, v28;
	v30 =	vshll.u32 v4, $0x7;
	v15 =	vld.idx.msk [tilespmem:v15+s5+$0x0], $0xffff  }
0x36e: {  	v14 =	vor.u32 $0x20, v14;
	v4 =	vand.u32 $0x78, v19;
	v19 =	vshll.u32 v20, $0x7;
	v18 =	vld.idx.msk [tilespmem:v18+s5+$0x0], $0xffff  }
0x36f: {  	v22 =	vor.u32 v4, v22;
	v25 =	vor.u32 v4, v25;
	v19 =	vor.u32 v4, v19;
	v23 =	vld.idx.msk [tilespmem:v23+s5+$0x0], $0xffff  }
0x370: {  	v32 =	vor.u32 $0x10, v12;
	v24 =	vor.u32 v4, v24;
	v19 =	vor.u32 v1, v19;
	v17 =	vld.idx.msk [tilespmem:v17+s5+$0x0], $0xffff  }
0x371: {  	v33 =	vor.u32 v10, v32;
	v22 =	vor.u32 v1, v22;
	v25 =	vor.u32 v1, v25  }
0x372: {  	v28 =	vshll.u32 v28, $0x7;
	v21 =	vor.u32 $0x20, v21;
	v24 =	vor.u32 v1, v24  }
0x373: {  	v26 =	vshll.u32 v26, $0x7;
	v16 =	vor.u32 $0x20, v16;
	v15 =	vmul.f32 $8.000000000e+00, v15  }
0x374: {  	v34 =	vand.u32 $0x28, v14;
	v30 =	vor.u32 v4, v30;
	v18 =	vmul.f32 $8.000000000e+00, v18  }
0x375: {  	v35 =	vand.u32 $0x28, v21;
	v28 =	vor.u32 v4, v28;
	v23 =	vmul.f32 $8.000000000e+00, v23;
	[tilespmem:v19+s26+$0x0] =	vst.idx.msk $0xffff, v15  }
0x376: {  	v15 =	vmul.f32 $8.000000000e+00, v17;
	v17 =	vor.u32 v4, v26;
	v19 =	vand.u32 $0x28, v16;
	[tilespmem:v22+s26+$0x0] =	vst.idx.msk $0xffff, v18;
	v18 =	vld.idx.msk [tilespmem:v33+s5+$0x0], $0xffff  }
0x377: {  	v20 =	vor.u32 $0x20, v20;
	v26 =	vand.u32 $0x7, v13;
	v22 =	vld.idx.msk [tilespmem:v27+s5+$0x0], $0xffff;
	[tilespmem:v25+s26+$0x0] =	vst.idx.msk $0xffff, v23;
	v23 =	vshll.u32 v32, $0x7  }
0x378: {  	v25 =	vand.u32 $0x7, v12;
	[tilespmem:v24+s26+$0x0] =	vst.idx.msk $0xffff, v15;
	v15 =	vld.idx.msk [tilespmem:v31+s5+$0x0], $0xffff;
	v23 =	vor.u32 v4, v23;
	v24 =	vand.u32 $0x28, v20  }
0x379: {  	v27 =	vld.idx.msk [tilespmem:v29+s5+$0x0], $0xffff;
	v29 =	vand.u32 $0x7, v11;
	v23 =	vor.u32 v1, v23;
	v24 =	vor.u32 v24, v25  }
0x37a: {  	v30 =	vor.u32 v1, v30;
	v25 =	vand.u32 $0x7, v9;
	v24 =	vor.u32 v10, v24  }
0x37b: {  	v28 =	vor.u32 v1, v28;
	v26 =	vor.u32 v34, v26;
	v29 =	vor.u32 v35, v29  }
0x37c: {  	v17 =	vor.u32 v1, v17;
	v19 =	vor.u32 v19, v25;
	v18 =	vmul.f32 $8.000000000e+00, v18  }
0x37d: {  	v25 =	vor.u32 v10, v26;
	v26 =	vor.u32 v10, v29;
	v22 =	vmul.f32 $8.000000000e+00, v22  }
0x37e: {  	v14 =	vshll.u32 v14, $0x7;
	v19 =	vor.u32 v10, v19;
	v15 =	vmul.f32 $8.000000000e+00, v15;
	[tilespmem:v23+s26+$0x0] =	vst.idx.msk $0xffff, v18  }
0x37f: {  	v21 =	vshll.u32 v21, $0x7;
	v16 =	vshll.u32 v16, $0x7;
	v18 =	vmul.f32 $8.000000000e+00, v27;
	[tilespmem:v30+s26+$0x0] =	vst.idx.msk $0xffff, v22;
	v22 =	vld.idx.msk [tilespmem:v24+s5+$0x0], $0xffff  }
0x380: {  	v14 =	vor.u32 v4, v14;
	v20 =	vshll.u32 v20, $0x7;
	[tilespmem:v28+s26+$0x0] =	vst.idx.msk $0xffff, v15;
	v15 =	vor.u32 v4, v21  }
0x381: {  	v16 =	vor.u32 v4, v16;
	[tilespmem:v17+s26+$0x0] =	vst.idx.msk $0xffff, v18;
	v17 =	vor.u32 $0x30, v13;
	v18 =	vor.u32 v4, v20  }
0x382: {  	v23 =	vor.u32 $0x30, v12;
	v13 =	vor.u32 v1, v14;
	v20 =	vld.idx.msk [tilespmem:v25+s5+$0x0], $0xffff;
	v21 =	vor.u32 v1, v18  }
0x383: {  	v12 =	vor.u32 v1, v16;
	v16 =	vor.u32 v10, v23;
	v14 =	vor.u32 v1, v15;
	v24 =	vld.idx.msk [tilespmem:v26+s5+$0x0], $0xffff  }
0x384: {  	v15 =	vor.u32 $0x30, v9;
	v9 =	vor.u32 v10, v17;
	v18 =	vld.idx.msk [tilespmem:v19+s5+$0x0], $0xffff;
	v19 =	vor.u32 $0x30, v11  }
.Ltmp6:
0x385: {  	v11 =	vor.u32 v10, v15;
	v22 =	vmul.f32 $8.000000000e+00, v22;
	v10 =	vor.u32 v10, v19;
	(pc) =	sbr.rel @p0 .LBB2_14-.Ltmp6, $4  }
0x386: {  	v25 =	vshll.u32 v15, $0x7;
	v15 =	vshll.u32 v17, $0x7;
	v17 =	vshll.u32 v19, $0x7  }
0x387: {  	v19 =	vor.u32 v4, v15;
	v15 =	vmul.f32 $8.000000000e+00, v7;
	[tilespmem:v21+s26+$0x0] =	vst.idx.msk $0xffff, v22;
	v22 =	vmul.f32 $8.000000000e+00, v6  }
0x388: {  	v6 =	vmul.f32 $8.000000000e+00, v20;
	v20 =	vor.u32 v4, v17;
	v17 =	vld.idx.msk [tilespmem:v16+s5+$0x0], $0xffff;
	v16 =	vmul.f32 $8.000000000e+00, v8  }
0x389: {  	v7 =	vor.u32 v4, v25;
	v21 =	vshll.u32 v23, $0x7;
	v8 =	vmul.f32 $8.000000000e+00, v24;
	[tilespmem:v5+s26+$0x0] =	vst.idx.msk $0xffff, v22  }
0x38a: {  	_ =	sdelay $0x3  }
0x38b: {  	v5 =	vmul.f32 $8.000000000e+00, v18;
	[tilespmem:v13+s26+$0x0] =	vst.idx.msk $0xffff, v6  }
0x38c: {  	v4 =	vor.u32 v4, v21;
	v6 =	vld.idx.msk [tilespmem:v9+s5+$0x0], $0xffff;
	[tilespmem:v14+s26+$0x0] =	vst.idx.msk $0xffff, v8  }
0x38d: {  	v4 =	vor.u32 v1, v4;
	[tilespmem:v12+s26+$0x0] =	vst.idx.msk $0xffff, v5;
	v58 =	vld.idx.msk [tilespmem:v10+s5+$0x0], $0xffff  }
0x38e: {  	v59 =	vor.u32 v1, v19;
	v60 =	vld.idx.msk [tilespmem:v11+s5+$0x0], $0xffff  }
0x38f: {  	v61 =	vor.u32 v1, v20  }
0x390: {  	v7 =	vor.u32 v1, v7;
	[tilespmem:v2+s26+$0x0] =	vst.idx.msk $0xffff, v15;
	v62 =	vmul.f32 $8.000000000e+00, v17  }
0x391: {  	[tilespmem:v3+s26+$0x0] =	vst.idx.msk $0xffff, v16;
	v2 =	vmul.f32 $8.000000000e+00, v6  }
0x392: {  	[tilespmem:v4+s26+$0x0] =	vst.idx.msk $0xffff, v62;
	v3 =	vmul.f32 $8.000000000e+00, v58  }
0x393: {  	v63 =	vmul.f32 $8.000000000e+00, v60;
	[tilespmem:v59+s26+$0x0] =	vst.idx.msk $0xffff, v2  }
0x394: {  	[tilespmem:v61+s26+$0x0] =	vst.idx.msk $0xffff, v3  }
0x395: {  	[tilespmem:v7+s26+$0x0] =	vst.idx.msk $0xffff, v63  }
0x396: {  	s7 =	rddreg [dreg:$0x1d]  }
0x397: {  	s31 =	rddreg [dreg:$0x1e]  }
0x398: {  	[hbm4b:s7+s2] =	stream.linear.scatter [tilespmem:s26], [sflag:$0x4], $0x400, $0x38;
	[tilespmem:$0xE400] =	vst v63  }
0x399: {  	s20 =	simm.s32 $0xC800;
	s21 =	rddreg [dreg:$0x1f]  }
0x39a: {  	[hbm4b:s31+s2] =	stream.linear.scatter [tilespmem:s20], [sflag:$0x4], $0x400, $0x38;
	[tilespmem:$0xE400] =	vst v63  }
0x39b: {  	s22 =	simm.s32 $0xCC00;
	s28 =	sld [smem:$0x7F9]  }
0x39c: {  	[hbm4b:s21+s2] =	stream.linear.scatter [tilespmem:s22], [sflag:$0x4], $0x400, $0x38;
	[tilespmem:$0xE400] =	vst v63  }
0x39d: {  	s29 =	simm.s32 $0xD000;
	s30 =	sld [smem:$0x7FA]  }
0x39e: {  	[hbm4b:s28+s2] =	stream.linear.scatter [tilespmem:s29], [sflag:$0x4], $0x400, $0x38;
	[tilespmem:$0xE400] =	vst v63  }
0x39f: {  	s31 =	simm.s32 $0xD400;
	s21 =	sld [smem:$0x7FB]  }
0x3a0: {  	[hbm4b:s30+s2] =	stream.linear.scatter [tilespmem:s31], [sflag:$0x4], $0x400, $0x38;
	[tilespmem:$0xE400] =	vst v63  }
0x3a1: {  	s22 =	simm.s32 $0xD800;
	s28 =	sld [smem:$0x7FC]  }
0x3a2: {  	[hbm4b:s21+s2] =	stream.linear.scatter [tilespmem:s22], [sflag:$0x4], $0x400, $0x38;
	[tilespmem:$0xE400] =	vst v63  }
0x3a3: {  	s29 =	sld [smem:$0x7FD]  }
0x3a4: {  	[hbm4b:s28+s2] =	stream.linear.scatter [tilespmem:s13], [sflag:$0x4], $0x400, $0x38;
	[tilespmem:$0xE400] =	vst v63  }
0x3a5: {  	_ = 	snop  }
0x3a6: {  	[hbm4b:s29+s2] =	stream.linear.scatter [tilespmem:s14], [sflag:$0x4], $0x400, $0x38;
	[tilespmem:$0xE400] =	vst v63  }
0x3a7: {  	_ =	swait.ge [sflag:s18], $0x400  }
0x3a8: {  	[sflag:s18] =	ssyncset.done $0x0  }
0x3a9: {  	[sflag:s18] =	ssyncadd.s32 $0xFFFFFC00  }
0x3aa: {  	_ =	swait.ge [sflag:s18], $0x400  }
0x3ab: {  	[sflag:s18] =	ssyncset.done $0x0  }
0x3ac: {  	[sflag:s18] =	ssyncadd.s32 $0xFFFFFC00  }
0x3ad: {  	_ =	swait.ge [sflag:s18], $0x400  }
0x3ae: {  	[sflag:s18] =	ssyncset.done $0x0  }
0x3af: {  	[sflag:s18] =	ssyncadd.s32 $0xFFFFFC00  }
0x3b0: {  	_ =	swait.ge [sflag:s18], $0x400  }
0x3b1: {  	[sflag:s18] =	ssyncset.done $0x0  }
0x3b2: {  	[sflag:s18] =	ssyncadd.s32 $0xFFFFFC00  }
0x3b3: {  	_ =	swait.ge [sflag:s18], $0x400  }
0x3b4: {  	[sflag:s18] =	ssyncset.done $0x0  }
0x3b5: {  	[sflag:s18] =	ssyncadd.s32 $0xFFFFFC00  }
0x3b6: {  	_ =	swait.ge [sflag:s18], $0x400  }
0x3b7: {  	[sflag:s18] =	ssyncset.done $0x0  }
0x3b8: {  	[sflag:s18] =	ssyncadd.s32 $0xFFFFFC00  }
0x3b9: {  	_ =	swait.ge [sflag:s18], $0x400  }
0x3ba: {  	[sflag:s18] =	ssyncset.done $0x0  }
0x3bb: {  	[sflag:s18] =	ssyncadd.s32 $0xFFFFFC00  }
0x3bc: {  	_ =	swait.ge [sflag:s18], $0x400  }
0x3bd: {  	[sflag:s18] =	ssyncset.done $0x0  }
0x3be: {  	[sflag:s18] =	ssyncadd.s32 $0xFFFFFC00  }
0x3bf: {  	_ =	swait.ge [sflag:s19], $0x400  }
0x3c0: {  	[sflag:s19] =	ssyncset.done $0x0  }
0x3c1: {  	[sflag:s19] =	ssyncadd.s32 $0xFFFFFC00  }
0x3c2: {  	_ =	swait.ge [sflag:s19], $0x400  }
0x3c3: {  	[sflag:s19] =	ssyncset.done $0x0  }
0x3c4: {  	[sflag:s19] =	ssyncadd.s32 $0xFFFFFC00  }
0x3c5: {  	_ =	swait.ge [sflag:s19], $0x400  }
0x3c6: {  	[sflag:s19] =	ssyncset.done $0x0  }
0x3c7: {  	[sflag:s19] =	ssyncadd.s32 $0xFFFFFC00  }
0x3c8: {  	_ =	swait.ge [sflag:s19], $0x400  }
0x3c9: {  	[sflag:s19] =	ssyncset.done $0x0  }
0x3ca: {  	[sflag:s19] =	ssyncadd.s32 $0xFFFFFC00  }
0x3cb: {  	_ =	swait.ge [sflag:s19], $0x400  }
0x3cc: {  	[sflag:s19] =	ssyncset.done $0x0  }
0x3cd: {  	[sflag:s19] =	ssyncadd.s32 $0xFFFFFC00  }
0x3ce: {  	_ =	swait.ge [sflag:s19], $0x400  }
0x3cf: {  	[sflag:s19] =	ssyncset.done $0x0  }
0x3d0: {  	[sflag:s19] =	ssyncadd.s32 $0xFFFFFC00  }
0x3d1: {  	_ =	swait.ge [sflag:s19], $0x400  }
0x3d2: {  	[sflag:s19] =	ssyncset.done $0x0  }
0x3d3: {  	[sflag:s19] =	ssyncadd.s32 $0xFFFFFC00  }
0x3d4: {  	_ =	swait.ge [sflag:s19], $0x400  }
0x3d5: {  	s30 =	sld [smem:$0x7F8];
	_ =	sdelay $0x2  }
0x3d6: {  	s31 =	rddreg [dreg:$0xe];
	s20 =	sadd.s32 $0x1, s30  }
0x3d7: {  	p0 =	sne.s32 s20, s31  }
.Ltmp7:
0x3d8: {  	_ = 	snop;
	(pc) =	sbr.rel @p0 .LBB2_1-.Ltmp7, $3  }
0x3d9: {  	_ =	sdelay $0x1  }
0x3da: {  	[sflag:s19] =	ssyncset.done $0x0  }
0x3db: {  	[sflag:s19] =	ssyncadd.s32 $0xFFFFFC00  }
0x3dc: {  	_ =	sfence.sel $0x180000  }
0x3dd: {  	[bflag:$0x0] =	sbarrier.arrive $0xFFFF  }
0x3de: {  	_ =	strace $0x90000047  }
0x3df: {  	s0 =	stileid.u32;
	[bflag:$0x2] =	sbarrier.arrive $0xFFFF  }
0x3e0: {  	p0 =	sne.s32 s0, $0x0;
	s0 =	rddreg [dreg:$0x2]  }
0x3e1: {  	s0 =	sadd.s32 @!p0 $0x100000, s0  }
0x3e2: {  	[sflag:s0] =	ssyncadd.tile.s32 @!p0 $0x1;
	_ =	shalt  }
.Lfunc_end2:
_tile_overlayer_lowered:
.L_overlay_start_2:
0x3e3: {  	(tag) =	ssettag $0x2  }
0x3e4: {  	s0 =	rddreg [dreg:$0x0];
	s2 =	stileid.u32  }
0x3e5: {  	s1 =	rddreg [dreg:$0x1];
	p0 =	sne.s32 s2, $0x0  }
0x3e6: {  	s3 =	rddreg [dreg:$0x2];
	[bflag:$0x3] =	sbarrier.arrive $0xFFFF;
	s2 =	simm.s32 @!p0 $0x1C05  }
0x3e7: {  	[timem:s3], [sflag:s2] =	dma.local @!p0 [hbm:s0], s1  }
0x3e8: {  	s0 =	simm.s32 @!p0 $0x5  }
0x3e9: {  	_ =	swait.ge @!p0 [sflag:s0], s1  }
0x3ea: {  	s1 =	ssub.s32 @!p0 $0x0, s1;
	[sflag:s0] =	ssyncset.done @!p0 $0x0  }
0x3eb: {  	[sflag:s0] =	ssyncadd.s32 @!p0 s1  }
0x3ec: {  	[bflag:$0x3] =	sbarrier.arrive $0xFFFF  }
0x3ed: {  	_ =	shalt  }

</sc_bundles>
